<compile_context>
chip_gen: v7x
topology: tpu7x:2x2x1
jax: 0.10.2.dev20260603
libtpu: 0.0.44.dev20260713+nightly
codegen_flags: <defaults>
</compile_context>

<pallas_src>
import functools

import jax
import jax.numpy as jnp
from jax import lax
from jax.experimental import pallas as pl
from jax.experimental.pallas import tpu as pltpu
from jax.experimental.pallas import tpu_sc as plsc

N = 10000
E = 160000
D = 256
NCLS = 40
NC, NS = 2, 16
K = 125
ROWS = E // K
RPT_FS = ROWS // NS
RPT_ES = ROWS // (NC * NS)
NWR = 10
WPT = N // NWR

_MESH = plsc.VectorSubcoreMesh(
    core_axis_name="c", subcore_axis_name="s", num_cores=NC, num_subcores=NS)

F32 = jnp.float32


@functools.partial(
    pl.kernel,
    out_type=(jax.ShapeDtypeStruct((N, 16), F32),) * 2,
    mesh=_MESH,
    compiler_params=pltpu.CompilerParams(use_tc_tiling_on_sc=False),
    scratch_types=[
        pltpu.VMEM((RPT_ES, K), jnp.int32),
        pltpu.VMEM((K, 16), F32),
        pltpu.VMEM((WPT, 16), F32),
        pltpu.VMEM_SHARED((N, 16), F32),
    ],
)
def _sc_deg(dst2, ones8, zeros8, d0_out, d1_out, idx_d, ones_v, zbuf, degsh):
    c = lax.axis_index("c")
    s = lax.axis_index("s")
    w = s * NC + c
    pltpu.sync_copy(dst2.at[pl.ds(w * RPT_ES, RPT_ES)], idx_d)
    pltpu.sync_copy(ones8, ones_v)

    @pl.when(s < NWR)
    def _():
        pltpu.sync_copy(zeros8, zbuf)
        pltpu.sync_copy(zbuf, degsh.at[pl.ds(s * WPT, WPT)])

    plsc.subcore_barrier()

    def it(j, carry):
        pltpu.sync_copy(ones_v, degsh.at[idx_d.at[j]], add=True)
        return carry

    lax.fori_loop(0, RPT_ES, it, 0)
    plsc.subcore_barrier()

    @pl.when((c == 0) & (s < NWR))
    def _():
        pltpu.sync_copy(degsh.at[pl.ds(s * WPT, WPT)],
                        d0_out.at[pl.ds(s * WPT, WPT)])

    @pl.when((c == 1) & (s < NWR))
    def _():
        pltpu.sync_copy(degsh.at[pl.ds(s * WPT, WPT)],
                        d1_out.at[pl.ds(s * WPT, WPT)])


@functools.partial(
    pl.kernel,
    out_type=(jax.ShapeDtypeStruct((N, 128), jnp.bfloat16),) * 2,
    mesh=_MESH,
    compiler_params=pltpu.CompilerParams(use_tc_tiling_on_sc=False),
    scratch_types=[
        pltpu.VMEM((RPT_FS // 2, K), jnp.int32),
        pltpu.VMEM((RPT_FS // 2, K), jnp.int32),
        pltpu.VMEM((K, 128), jnp.bfloat16),
        pltpu.VMEM((K, 128), jnp.bfloat16),
        pltpu.VMEM_SHARED((N, 128), jnp.bfloat16),
        pltpu.SemaphoreType.DMA,
        pltpu.SemaphoreType.DMA,
        pltpu.SemaphoreType.DMA,
        pltpu.SemaphoreType.DMA,
    ],
)
def _sc_apply_fs(y0, y1, src2, dst2, zeros128, z0_out, z1_out,
                 idx_s, idx_d, buf_a, buf_b, acc, sem_a, sem_b,
                 ssem_a, ssem_b):
    c = lax.axis_index("c")
    s = lax.axis_index("s")
    half = RPT_FS // 2

    @pl.when(s < NWR)
    def _():
        pltpu.sync_copy(zeros128, buf_a)
        for k in range(WPT // K):
            pltpu.sync_copy(buf_a, acc.at[pl.ds(s * WPT + k * K, K)])

    plsc.subcore_barrier()

    def run(y):
        for p in range(2):
            pltpu.sync_copy(src2.at[pl.ds(s * RPT_FS + p * half, half)], idx_s)
            pltpu.sync_copy(dst2.at[pl.ds(s * RPT_FS + p * half, half)], idx_d)

            def it(j, carry):
                r = 2 * j

                @pl.when(j > 0)
                def _():
                    pltpu.make_async_copy(buf_a, acc.at[idx_d.at[0]],
                                          ssem_a).wait()

                ga = pltpu.async_copy(y.at[idx_s.at[r]], buf_a, sem_a)

                @pl.when(j > 0)
                def _():
                    pltpu.make_async_copy(buf_b, acc.at[idx_d.at[0]],
                                          ssem_b).wait()

                gb = pltpu.async_copy(y.at[idx_s.at[r + 1]], buf_b, sem_b)
                ga.wait()
                pltpu.async_copy(buf_a, acc.at[idx_d.at[r]], ssem_a, add=True)
                gb.wait()
                pltpu.async_copy(buf_b, acc.at[idx_d.at[r + 1]], ssem_b,
                                 add=True)
                return carry

            lax.fori_loop(0, half // 2, it, 0)
            pltpu.make_async_copy(buf_a, acc.at[idx_d.at[0]], ssem_a).wait()
            pltpu.make_async_copy(buf_b, acc.at[idx_d.at[0]], ssem_b).wait()

    @pl.when(c == 0)
    def _():
        run(y0)

    @pl.when(c == 1)
    def _():
        run(y1)

    plsc.subcore_barrier()

    @pl.when((c == 0) & (s < NWR))
    def _():
        pltpu.sync_copy(acc.at[pl.ds(s * WPT, WPT)],
                        z0_out.at[pl.ds(s * WPT, WPT)])

    @pl.when((c == 1) & (s < NWR))
    def _():
        pltpu.sync_copy(acc.at[pl.ds(s * WPT, WPT)],
                        z1_out.at[pl.ds(s * WPT, WPT)])


@functools.partial(
    pl.kernel,
    out_type=(jax.ShapeDtypeStruct((N, 64), jnp.bfloat16),) * 2,
    mesh=_MESH,
    compiler_params=pltpu.CompilerParams(use_tc_tiling_on_sc=False),
    scratch_types=[
        pltpu.VMEM((RPT_ES, K), jnp.int32),
        pltpu.VMEM((RPT_ES, K), jnp.int32),
        pltpu.VMEM((K, 64), jnp.bfloat16),
        pltpu.VMEM((K, 64), jnp.bfloat16),
        pltpu.VMEM_SHARED((N, 64), jnp.bfloat16),
        pltpu.SemaphoreType.DMA,
        pltpu.SemaphoreType.DMA,
        pltpu.SemaphoreType.DMA,
        pltpu.SemaphoreType.DMA,
    ],
)
def _sc_apply_es(y3, src2, dst2, zeros64, za_out, zb_out,
                 idx_s, idx_d, buf_a, buf_b, acc, sem_a, sem_b,
                 ssem_a, ssem_b):
    c = lax.axis_index("c")
    s = lax.axis_index("s")
    w = s * NC + c
    pltpu.sync_copy(src2.at[pl.ds(w * RPT_ES, RPT_ES)], idx_s)
    pltpu.sync_copy(dst2.at[pl.ds(w * RPT_ES, RPT_ES)], idx_d)

    @pl.when(s < NWR)
    def _():
        pltpu.sync_copy(zeros64, buf_a)
        for k in range(WPT // K):
            pltpu.sync_copy(buf_a, acc.at[pl.ds(s * WPT + k * K, K)])

    plsc.subcore_barrier()

    def it(j, carry):
        r = 2 * j

        @pl.when(j > 0)
        def _():
            pltpu.make_async_copy(buf_a, acc.at[idx_d.at[0]], ssem_a).wait()

        ga = pltpu.async_copy(y3.at[idx_s.at[r]], buf_a, sem_a)

        @pl.when(j > 0)
        def _():
            pltpu.make_async_copy(buf_b, acc.at[idx_d.at[0]], ssem_b).wait()

        gb = pltpu.async_copy(y3.at[idx_s.at[r + 1]], buf_b, sem_b)
        ga.wait()
        pltpu.async_copy(buf_a, acc.at[idx_d.at[r]], ssem_a, add=True)
        gb.wait()
        pltpu.async_copy(buf_b, acc.at[idx_d.at[r + 1]], ssem_b, add=True)
        return carry

    lax.fori_loop(0, RPT_ES // 2, it, 0)
    pltpu.make_async_copy(buf_a, acc.at[idx_d.at[0]], ssem_a).wait()
    pltpu.make_async_copy(buf_b, acc.at[idx_d.at[0]], ssem_b).wait()
    plsc.subcore_barrier()

    @pl.when((c == 0) & (s < NWR))
    def _():
        pltpu.sync_copy(acc.at[pl.ds(s * WPT, WPT)],
                        za_out.at[pl.ds(s * WPT, WPT)])

    @pl.when((c == 1) & (s < NWR))
    def _():
        pltpu.sync_copy(acc.at[pl.ds(s * WPT, WPT)],
                        zb_out.at[pl.ds(s * WPT, WPT)])


_GRID = 10
_RB = N // _GRID


def _norm_of(d0_ref, d1_ref):
    deg = d0_ref[:, :1] + d1_ref[:, :1]
    return lax.rsqrt(jnp.maximum(deg, 1.0))


def _tc_prescale_body(d0_ref, d1_ref, x_ref, y0_ref, y1_ref):
    norm = _norm_of(d0_ref, d1_ref)
    xs = (x_ref[...] * norm).astype(jnp.bfloat16)
    y0_ref[...] = xs[:, :128]
    y1_ref[...] = xs[:, 128:]


_tc_prescale = pl.pallas_call(
    _tc_prescale_body,
    grid=(_GRID,),
    in_specs=[
        pl.BlockSpec((_RB, 16), lambda i: (i, 0)),
        pl.BlockSpec((_RB, 16), lambda i: (i, 0)),
        pl.BlockSpec((_RB, D), lambda i: (i, 0)),
    ],
    out_specs=[
        pl.BlockSpec((_RB, 128), lambda i: (i, 0)),
        pl.BlockSpec((_RB, 128), lambda i: (i, 0)),
    ],
    out_shape=[jax.ShapeDtypeStruct((N, 128), jnp.bfloat16)] * 2,
)


def _tc_glue_body(z0_ref, z1_ref, d0_ref, d1_ref, w_ref, b_ref,
                  emb_ref, y0_ref, y1_ref):
    norm = _norm_of(d0_ref, d1_ref)
    z = jnp.concatenate([z0_ref[...], z1_ref[...]],
                        axis=1).astype(F32) * norm
    h = jnp.dot(z, w_ref[...], preferred_element_type=F32) + b_ref[...]
    emb_ref[...] = h
    y = ((jnp.maximum(h, 0.0) * norm)).astype(jnp.bfloat16)
    y0_ref[...] = y[:, :128]
    y1_ref[...] = y[:, 128:]


_tc_glue = pl.pallas_call(
    _tc_glue_body,
    grid=(_GRID,),
    in_specs=[
        pl.BlockSpec((_RB, 128), lambda i: (i, 0)),
        pl.BlockSpec((_RB, 128), lambda i: (i, 0)),
        pl.BlockSpec((_RB, 16), lambda i: (i, 0)),
        pl.BlockSpec((_RB, 16), lambda i: (i, 0)),
        pl.BlockSpec((D, D), lambda i: (0, 0)),
        pl.BlockSpec((1, D), lambda i: (0, 0)),
    ],
    out_specs=[
        pl.BlockSpec((_RB, D), lambda i: (i, 0)),
        pl.BlockSpec((_RB, 128), lambda i: (i, 0)),
        pl.BlockSpec((_RB, 128), lambda i: (i, 0)),
    ],
    out_shape=[
        jax.ShapeDtypeStruct((N, D), F32),
        jax.ShapeDtypeStruct((N, 128), jnp.bfloat16),
        jax.ShapeDtypeStruct((N, 128), jnp.bfloat16),
    ],
)


def _tc_glue3_body(z0_ref, z1_ref, d0_ref, d1_ref, w_ref, b_ref, w3_ref,
                   emb_ref, y3_ref):
    norm = _norm_of(d0_ref, d1_ref)
    z = jnp.concatenate([z0_ref[...], z1_ref[...]],
                        axis=1).astype(F32) * norm
    h = jnp.dot(z, w_ref[...], preferred_element_type=F32) + b_ref[...]
    emb_ref[...] = h
    y = jnp.maximum(h, 0.0) * norm
    y3_ref[...] = jnp.dot(y, w3_ref[...],
                          preferred_element_type=F32).astype(jnp.bfloat16)


_tc_glue3 = pl.pallas_call(
    _tc_glue3_body,
    grid=(_GRID,),
    in_specs=[
        pl.BlockSpec((_RB, 128), lambda i: (i, 0)),
        pl.BlockSpec((_RB, 128), lambda i: (i, 0)),
        pl.BlockSpec((_RB, 16), lambda i: (i, 0)),
        pl.BlockSpec((_RB, 16), lambda i: (i, 0)),
        pl.BlockSpec((D, D), lambda i: (0, 0)),
        pl.BlockSpec((1, D), lambda i: (0, 0)),
        pl.BlockSpec((D, 64), lambda i: (0, 0)),
    ],
    out_specs=[
        pl.BlockSpec((_RB, D), lambda i: (i, 0)),
        pl.BlockSpec((_RB, 64), lambda i: (i, 0)),
    ],
    out_shape=[
        jax.ShapeDtypeStruct((N, D), F32),
        jax.ShapeDtypeStruct((N, 64), jnp.bfloat16),
    ],
)


def _tc_final_body(za_ref, zb_ref, d0_ref, d1_ref, b3_ref, out_ref, emb_ref):
    norm = _norm_of(d0_ref, d1_ref)
    z = (za_ref[...].astype(F32) + zb_ref[...].astype(F32)) * norm
    h = z[:, :NCLS] + b3_ref[...]
    emb_ref[...] = h
    m = jnp.max(h, axis=1, keepdims=True)
    lse = jnp.log(jnp.sum(jnp.exp(h - m), axis=1, keepdims=True)) + m
    out_ref[...] = h - lse


_tc_final = pl.pallas_call(
    _tc_final_body,
    grid=(_GRID,),
    in_specs=[
        pl.BlockSpec((_RB, 64), lambda i: (i, 0)),
        pl.BlockSpec((_RB, 64), lambda i: (i, 0)),
        pl.BlockSpec((_RB, 16), lambda i: (i, 0)),
        pl.BlockSpec((_RB, 16), lambda i: (i, 0)),
        pl.BlockSpec((1, NCLS), lambda i: (0, 0)),
    ],
    out_specs=[
        pl.BlockSpec((_RB, NCLS), lambda i: (i, 0)),
        pl.BlockSpec((_RB, NCLS), lambda i: (i, 0)),
    ],
    out_shape=[
        jax.ShapeDtypeStruct((N, NCLS), F32),
        jax.ShapeDtypeStruct((N, NCLS), F32),
    ],
)


def kernel(x, edge_index, W1, b1, W2, b2, W3, b3):
    src2 = edge_index[0].reshape(ROWS, K)
    dst2 = edge_index[1].reshape(ROWS, K)
    ones8 = jnp.ones((K, 16), F32)
    zeros8 = jnp.zeros((WPT, 16), F32)
    zeros128 = jnp.zeros((K, 128), jnp.bfloat16)
    zeros64 = jnp.zeros((K, 64), jnp.bfloat16)
    W3p = jnp.zeros((D, 64), F32).at[:, :NCLS].set(W3)
    b1r = b1.reshape(1, D)
    b2r = b2.reshape(1, D)
    b3r = b3.reshape(1, NCLS)

    d0, d1 = _sc_deg(dst2, ones8, zeros8)
    y0, y1 = _tc_prescale(d0, d1, x)
    z0, z1 = _sc_apply_fs(y0, y1, src2, dst2, zeros128)
    emb1, y20, y21 = _tc_glue(z0, z1, d0, d1, W1, b1r)
    z20, z21 = _sc_apply_fs(y20, y21, src2, dst2, zeros128)
    emb2, y3 = _tc_glue3(z20, z21, d0, d1, W2, b2r, W3p)
    za, zb = _sc_apply_es(y3, src2, dst2, zeros64)
    out, emb3 = _tc_final(za, zb, d0, d1, b3r)
    return (out, emb1, emb2, emb3)

# --- scband reference (transcript-rebuilt; emitter-appended) ---
"""Pipeline reference for scband-gnn-37967510897039 (READ-ONLY COPY).

The authoritative reference and input builder live on the scoring server;
editing this copy changes nothing except your own understanding.
"""

import jax, jax.numpy as jnp
import numpy as np

N_NODES = 10000
N_EDGES = 160000
D_FEAT = 256
NUM_CLASSES = 40


def _glorot(key, shape):
    fan_in, fan_out = shape[0], shape[1]
    scale = jnp.sqrt(6.0 / (fan_in + fan_out))
    return jax.random.uniform(key, shape, jnp.float32, -scale, scale)


def gcn_layer(x, W, b, src, dst, n_nodes):
    # symmetric-normalized GCN message passing: D^{-1/2} A D^{-1/2} X W + b
    deg = jnp.zeros((n_nodes,), jnp.float32).at[dst].add(1.0)
    deg = jnp.maximum(deg, 1.0)
    norm = jax.lax.rsqrt(deg)
    coef = (norm[src] * norm[dst])[:, None]
    msg = jnp.take(x, src, axis=0) * coef
    agg = jax.ops.segment_sum(msg, dst, num_segments=n_nodes)
    return agg @ W + b


def setup_inputs(seed: int = 0) -> dict:
    key = jax.random.key(seed)
    ks = jax.random.split(key, 9)
    x = jax.random.normal(ks[0], (N_NODES, D_FEAT), jnp.float32)
    edge_index = jax.random.randint(ks[1], (2, N_EDGES), 0, N_NODES, dtype=jnp.int32)
    W1 = _glorot(ks[2], (D_FEAT, D_FEAT))
    b1 = jnp.zeros((D_FEAT,), jnp.float32)
    W2 = _glorot(ks[3], (D_FEAT, D_FEAT))
    b2 = jnp.zeros((D_FEAT,), jnp.float32)
    W3 = _glorot(ks[4], (D_FEAT, NUM_CLASSES))
    b3 = jnp.zeros((NUM_CLASSES,), jnp.float32)
    return {"x": x, "edge_index": edge_index, "W1": W1, "b1": b1, "W2": W2, "b2": b2, "W3": W3, "b3": b3}


def reference(x, edge_index, W1, b1, W2, b2, W3, b3):
    src = edge_index[0]
    dst = edge_index[1]
    n = x.shape[0]
    node_emb = []
    # layer 1 (gcn block, pre-activation stored in node_emb as in torch forward)
    h = gcn_layer(x, W1, b1, src, dst, n)
    node_emb.append(h)
    h = jax.nn.relu(h)
    # dropout (eval mode -> identity)
    # layer 2
    h = gcn_layer(h, W2, b2, src, dst, n)
    node_emb.append(h)
    h = jax.nn.relu(h)
    # dropout (eval mode -> identity)
    # layer 3 (output, no activation)
    h = gcn_layer(h, W3, b3, src, dst, n)
    node_emb.append(h)
    out = jax.nn.log_softmax(h, axis=1)
    return (out, node_emb[0], node_emb[1], node_emb[2])

if __name__ == "__main__":
    import jax
    _d = setup_inputs()
    print(jax.jit(kernel)(*tuple(_d.values())))

</pallas_src>

<mosaic_0001>
#map = affine_map<(d0, d1) -> (0, 0)>
module attributes {stable_mosaic.version = 14 : i64} {
  func.func @_sc_apply_fs(%arg0: i32, %arg1: i32, %arg2: memref<10000x128xbf16, #tpu.memory_space<hbm>>, %arg3: memref<10000x128xbf16, #tpu.memory_space<hbm>>, %arg4: memref<1280x125xi32, #tpu.memory_space<hbm>>, %arg5: memref<1280x125xi32, #tpu.memory_space<hbm>>, %arg6: memref<125x128xbf16, #tpu.memory_space<hbm>>, %arg7: memref<10000x128xbf16, #tpu.memory_space<hbm>>, %arg8: memref<10000x128xbf16, #tpu.memory_space<hbm>>, %arg9: memref<40x125xi32, #tpu.memory_space<vmem>>, %arg10: memref<40x125xi32, #tpu.memory_space<vmem>>, %arg11: memref<125x128xbf16, #tpu.memory_space<vmem>>, %arg12: memref<125x128xbf16, #tpu.memory_space<vmem>>, %arg13: memref<10000x128xbf16, #tpu.memory_space<vmem_shared>>, %arg14: memref<!tpu.dma_semaphore, #tpu.memory_space<semaphore_mem>>, %arg15: memref<!tpu.dma_semaphore, #tpu.memory_space<semaphore_mem>>, %arg16: memref<!tpu.dma_semaphore, #tpu.memory_space<semaphore_mem>>, %arg17: memref<!tpu.dma_semaphore, #tpu.memory_space<semaphore_mem>>) attributes {dimension_semantics = [#tpu.dimension_semantics<core_parallel>, #tpu.dimension_semantics<subcore_parallel>], iteration_bounds = array<i64: 2, 16>, scalar_prefetch = 0 : i64, scratch_operands = 9 : i64, tpu.core_type = #tpu.core_type<sc_vector_subcore>, window_params = [{transform_indices = #map}, {transform_indices = #map}, {transform_indices = #map}, {transform_indices = #map}, {transform_indices = #map}, {transform_indices = #map}, {transform_indices = #map}]} {
    %lt3A = arith.constant 10 : i32
    %lt3A_0 = arith.cmpi slt, %arg1, %lt3A : i32
    %convert_element_type3A = arith.extui %lt3A_0 : i1 to i32
    %cond3A = arith.constant 0 : i32
    %cond3A_1 = arith.cmpi ne, %convert_element_type3A, %cond3A : i32
    scf.if %cond3A_1 {
      "tpu.region"() ({
        %run_scoped3A = tpu.sem_alloc : memref<!tpu.dma_semaphore, #tpu.memory_space<semaphore_mem>>
        tpu.enqueue_dma source(%arg6 : memref<125x128xbf16, #tpu.memory_space<hbm>>) target(%arg11 : memref<125x128xbf16, #tpu.memory_space<vmem>>) target_semaphore(%run_scoped3A : memref<!tpu.dma_semaphore, #tpu.memory_space<semaphore_mem>>)
        tpu.wait_dma2 semaphore(%run_scoped3A : memref<!tpu.dma_semaphore, #tpu.memory_space<semaphore_mem>>) src(%arg6 : memref<125x128xbf16, #tpu.memory_space<hbm>>) dst(%arg11 : memref<125x128xbf16, #tpu.memory_space<vmem>>)
        tpu.yield
      }) : () -> ()
      %mul3A = arith.constant 1000 : i32
      %mul3A_27 = arith.muli %arg1, %mul3A : i32
      %add3A = arith.constant 0 : i32
      %add3A_28 = arith.addi %mul3A_27, %add3A : i32
      "tpu.region"() ({
        %run_scoped3A = tpu.sem_alloc : memref<!tpu.dma_semaphore, #tpu.memory_space<semaphore_mem>>
        %dma_start3A = arith.constant 0 : i32
        %dma_start3A_57 = tpu.memref_slice %arg13[%add3A_28, %dma_start3A] : memref<10000x128xbf16, #tpu.memory_space<vmem_shared>> -> memref<125x128xbf16, #tpu.memory_space<vmem_shared>>
        %dma_start3A_58 = arith.constant 0 : i32
        %dma_start3A_59 = tpu.memref_slice %arg13[%add3A_28, %dma_start3A_58] : memref<10000x128xbf16, #tpu.memory_space<vmem_shared>> -> memref<125x128xbf16, #tpu.memory_space<vmem_shared>>
        tpu.enqueue_dma source(%arg11 : memref<125x128xbf16, #tpu.memory_space<vmem>>) target(%dma_start3A_59 : memref<125x128xbf16, #tpu.memory_space<vmem_shared>>) target_semaphore(%run_scoped3A : memref<!tpu.dma_semaphore, #tpu.memory_space<semaphore_mem>>)
        %dma_wait3A = arith.constant 0 : i32
        %dma_wait3A_60 = tpu.memref_slice %arg13[%add3A_28, %dma_wait3A] : memref<10000x128xbf16, #tpu.memory_space<vmem_shared>> -> memref<125x128xbf16, #tpu.memory_space<vmem_shared>>
        %dma_wait3A_61 = arith.constant 0 : i32
        %dma_wait3A_62 = tpu.memref_slice %arg13[%add3A_28, %dma_wait3A_61] : memref<10000x128xbf16, #tpu.memory_space<vmem_shared>> -> memref<125x128xbf16, #tpu.memory_space<vmem_shared>>
        tpu.wait_dma2 semaphore(%run_scoped3A : memref<!tpu.dma_semaphore, #tpu.memory_space<semaphore_mem>>) src(%arg11 : memref<125x128xbf16, #tpu.memory_space<vmem>>) dst(%dma_wait3A_62 : memref<125x128xbf16, #tpu.memory_space<vmem_shared>>)
        tpu.yield
      }) : () -> ()
      %mul3A_29 = arith.constant 1000 : i32
      %mul3A_30 = arith.muli %arg1, %mul3A_29 : i32
      %add3A_31 = arith.constant 125 : i32
      %add3A_32 = arith.addi %mul3A_30, %add3A_31 : i32
      "tpu.region"() ({
        %run_scoped3A = tpu.sem_alloc : memref<!tpu.dma_semaphore, #tpu.memory_space<semaphore_mem>>
        %dma_start3A = arith.constant 0 : i32
        %dma_start3A_57 = tpu.memref_slice %arg13[%add3A_32, %dma_start3A] : memref<10000x128xbf16, #tpu.memory_space<vmem_shared>> -> memref<125x128xbf16, #tpu.memory_space<vmem_shared>>
        %dma_start3A_58 = arith.constant 0 : i32
        %dma_start3A_59 = tpu.memref_slice %arg13[%add3A_32, %dma_start3A_58] : memref<10000x128xbf16, #tpu.memory_space<vmem_shared>> -> memref<125x128xbf16, #tpu.memory_space<vmem_shared>>
        tpu.enqueue_dma source(%arg11 : memref<125x128xbf16, #tpu.memory_space<vmem>>) target(%dma_start3A_59 : memref<125x128xbf16, #tpu.memory_space<vmem_shared>>) target_semaphore(%run_scoped3A : memref<!tpu.dma_semaphore, #tpu.memory_space<semaphore_mem>>)
        %dma_wait3A = arith.constant 0 : i32
        %dma_wait3A_60 = tpu.memref_slice %arg13[%add3A_32, %dma_wait3A] : memref<10000x128xbf16, #tpu.memory_space<vmem_shared>> -> memref<125x128xbf16, #tpu.memory_space<vmem_shared>>
        %dma_wait3A_61 = arith.constant 0 : i32
        %dma_wait3A_62 = tpu.memref_slice %arg13[%add3A_32, %dma_wait3A_61] : memref<10000x128xbf16, #tpu.memory_space<vmem_shared>> -> memref<125x128xbf16, #tpu.memory_space<vmem_shared>>
        tpu.wait_dma2 semaphore(%run_scoped3A : memref<!tpu.dma_semaphore, #tpu.memory_space<semaphore_mem>>) src(%arg11 : memref<125x128xbf16, #tpu.memory_space<vmem>>) dst(%dma_wait3A_62 : memref<125x128xbf16, #tpu.memory_space<vmem_shared>>)
        tpu.yield
      }) : () -> ()
      %mul3A_33 = arith.constant 1000 : i32
      %mul3A_34 = arith.muli %arg1, %mul3A_33 : i32
      %add3A_35 = arith.constant 250 : i32
      %add3A_36 = arith.addi %mul3A_34, %add3A_35 : i32
      "tpu.region"() ({
        %run_scoped3A = tpu.sem_alloc : memref<!tpu.dma_semaphore, #tpu.memory_space<semaphore_mem>>
        %dma_start3A = arith.constant 0 : i32
        %dma_start3A_57 = tpu.memref_slice %arg13[%add3A_36, %dma_start3A] : memref<10000x128xbf16, #tpu.memory_space<vmem_shared>> -> memref<125x128xbf16, #tpu.memory_space<vmem_shared>>
        %dma_start3A_58 = arith.constant 0 : i32
        %dma_start3A_59 = tpu.memref_slice %arg13[%add3A_36, %dma_start3A_58] : memref<10000x128xbf16, #tpu.memory_space<vmem_shared>> -> memref<125x128xbf16, #tpu.memory_space<vmem_shared>>
        tpu.enqueue_dma source(%arg11 : memref<125x128xbf16, #tpu.memory_space<vmem>>) target(%dma_start3A_59 : memref<125x128xbf16, #tpu.memory_space<vmem_shared>>) target_semaphore(%run_scoped3A : memref<!tpu.dma_semaphore, #tpu.memory_space<semaphore_mem>>)
        %dma_wait3A = arith.constant 0 : i32
        %dma_wait3A_60 = tpu.memref_slice %arg13[%add3A_36, %dma_wait3A] : memref<10000x128xbf16, #tpu.memory_space<vmem_shared>> -> memref<125x128xbf16, #tpu.memory_space<vmem_shared>>
        %dma_wait3A_61 = arith.constant 0 : i32
        %dma_wait3A_62 = tpu.memref_slice %arg13[%add3A_36, %dma_wait3A_61] : memref<10000x128xbf16, #tpu.memory_space<vmem_shared>> -> memref<125x128xbf16, #tpu.memory_space<vmem_shared>>
        tpu.wait_dma2 semaphore(%run_scoped3A : memref<!tpu.dma_semaphore, #tpu.memory_space<semaphore_mem>>) src(%arg11 : memref<125x128xbf16, #tpu.memory_space<vmem>>) dst(%dma_wait3A_62 : memref<125x128xbf16, #tpu.memory_space<vmem_shared>>)
        tpu.yield
      }) : () -> ()
      %mul3A_37 = arith.constant 1000 : i32
      %mul3A_38 = arith.muli %arg1, %mul3A_37 : i32
      %add3A_39 = arith.constant 375 : i32
      %add3A_40 = arith.addi %mul3A_38, %add3A_39 : i32
      "tpu.region"() ({
        %run_scoped3A = tpu.sem_alloc : memref<!tpu.dma_semaphore, #tpu.memory_space<semaphore_mem>>
        %dma_start3A = arith.constant 0 : i32
        %dma_start3A_57 = tpu.memref_slice %arg13[%add3A_40, %dma_start3A] : memref<10000x128xbf16, #tpu.memory_space<vmem_shared>> -> memref<125x128xbf16, #tpu.memory_space<vmem_shared>>
        %dma_start3A_58 = arith.constant 0 : i32
        %dma_start3A_59 = tpu.memref_slice %arg13[%add3A_40, %dma_start3A_58] : memref<10000x128xbf16, #tpu.memory_space<vmem_shared>> -> memref<125x128xbf16, #tpu.memory_space<vmem_shared>>
        tpu.enqueue_dma source(%arg11 : memref<125x128xbf16, #tpu.memory_space<vmem>>) target(%dma_start3A_59 : memref<125x128xbf16, #tpu.memory_space<vmem_shared>>) target_semaphore(%run_scoped3A : memref<!tpu.dma_semaphore, #tpu.memory_space<semaphore_mem>>)
        %dma_wait3A = arith.constant 0 : i32
        %dma_wait3A_60 = tpu.memref_slice %arg13[%add3A_40, %dma_wait3A] : memref<10000x128xbf16, #tpu.memory_space<vmem_shared>> -> memref<125x128xbf16, #tpu.memory_space<vmem_shared>>
        %dma_wait3A_61 = arith.constant 0 : i32
        %dma_wait3A_62 = tpu.memref_slice %arg13[%add3A_40, %dma_wait3A_61] : memref<10000x128xbf16, #tpu.memory_space<vmem_shared>> -> memref<125x128xbf16, #tpu.memory_space<vmem_shared>>
        tpu.wait_dma2 semaphore(%run_scoped3A : memref<!tpu.dma_semaphore, #tpu.memory_space<semaphore_mem>>) src(%arg11 : memref<125x128xbf16, #tpu.memory_space<vmem>>) dst(%dma_wait3A_62 : memref<125x128xbf16, #tpu.memory_space<vmem_shared>>)
        tpu.yield
      }) : () -> ()
      %mul3A_41 = arith.constant 1000 : i32
      %mul3A_42 = arith.muli %arg1, %mul3A_41 : i32
      %add3A_43 = arith.constant 500 : i32
      %add3A_44 = arith.addi %mul3A_42, %add3A_43 : i32
      "tpu.region"() ({
        %run_scoped3A = tpu.sem_alloc : memref<!tpu.dma_semaphore, #tpu.memory_space<semaphore_mem>>
        %dma_start3A = arith.constant 0 : i32
        %dma_start3A_57 = tpu.memref_slice %arg13[%add3A_44, %dma_start3A] : memref<10000x128xbf16, #tpu.memory_space<vmem_shared>> -> memref<125x128xbf16, #tpu.memory_space<vmem_shared>>
        %dma_start3A_58 = arith.constant 0 : i32
        %dma_start3A_59 = tpu.memref_slice %arg13[%add3A_44, %dma_start3A_58] : memref<10000x128xbf16, #tpu.memory_space<vmem_shared>> -> memref<125x128xbf16, #tpu.memory_space<vmem_shared>>
        tpu.enqueue_dma source(%arg11 : memref<125x128xbf16, #tpu.memory_space<vmem>>) target(%dma_start3A_59 : memref<125x128xbf16, #tpu.memory_space<vmem_shared>>) target_semaphore(%run_scoped3A : memref<!tpu.dma_semaphore, #tpu.memory_space<semaphore_mem>>)
        %dma_wait3A = arith.constant 0 : i32
        %dma_wait3A_60 = tpu.memref_slice %arg13[%add3A_44, %dma_wait3A] : memref<10000x128xbf16, #tpu.memory_space<vmem_shared>> -> memref<125x128xbf16, #tpu.memory_space<vmem_shared>>
        %dma_wait3A_61 = arith.constant 0 : i32
        %dma_wait3A_62 = tpu.memref_slice %arg13[%add3A_44, %dma_wait3A_61] : memref<10000x128xbf16, #tpu.memory_space<vmem_shared>> -> memref<125x128xbf16, #tpu.memory_space<vmem_shared>>
        tpu.wait_dma2 semaphore(%run_scoped3A : memref<!tpu.dma_semaphore, #tpu.memory_space<semaphore_mem>>) src(%arg11 : memref<125x128xbf16, #tpu.memory_space<vmem>>) dst(%dma_wait3A_62 : memref<125x128xbf16, #tpu.memory_space<vmem_shared>>)
        tpu.yield
      }) : () -> ()
      %mul3A_45 = arith.constant 1000 : i32
      %mul3A_46 = arith.muli %arg1, %mul3A_45 : i32
      %add3A_47 = arith.constant 625 : i32
      %add3A_48 = arith.addi %mul3A_46, %add3A_47 : i32
      "tpu.region"() ({
        %run_scoped3A = tpu.sem_alloc : memref<!tpu.dma_semaphore, #tpu.memory_space<semaphore_mem>>
        %dma_start3A = arith.constant 0 : i32
        %dma_start3A_57 = tpu.memref_slice %arg13[%add3A_48, %dma_start3A] : memref<10000x128xbf16, #tpu.memory_space<vmem_shared>> -> memref<125x128xbf16, #tpu.memory_space<vmem_shared>>
        %dma_start3A_58 = arith.constant 0 : i32
        %dma_start3A_59 = tpu.memref_slice %arg13[%add3A_48, %dma_start3A_58] : memref<10000x128xbf16, #tpu.memory_space<vmem_shared>> -> memref<125x128xbf16, #tpu.memory_space<vmem_shared>>
        tpu.enqueue_dma source(%arg11 : memref<125x128xbf16, #tpu.memory_space<vmem>>) target(%dma_start3A_59 : memref<125x128xbf16, #tpu.memory_space<vmem_shared>>) target_semaphore(%run_scoped3A : memref<!tpu.dma_semaphore, #tpu.memory_space<semaphore_mem>>)
        %dma_wait3A = arith.constant 0 : i32
        %dma_wait3A_60 = tpu.memref_slice %arg13[%add3A_48, %dma_wait3A] : memref<10000x128xbf16, #tpu.memory_space<vmem_shared>> -> memref<125x128xbf16, #tpu.memory_space<vmem_shared>>
        %dma_wait3A_61 = arith.constant 0 : i32
        %dma_wait3A_62 = tpu.memref_slice %arg13[%add3A_48, %dma_wait3A_61] : memref<10000x128xbf16, #tpu.memory_space<vmem_shared>> -> memref<125x128xbf16, #tpu.memory_space<vmem_shared>>
        tpu.wait_dma2 semaphore(%run_scoped3A : memref<!tpu.dma_semaphore, #tpu.memory_space<semaphore_mem>>) src(%arg11 : memref<125x128xbf16, #tpu.memory_space<vmem>>) dst(%dma_wait3A_62 : memref<125x128xbf16, #tpu.memory_space<vmem_shared>>)
        tpu.yield
      }) : () -> ()
      %mul3A_49 = arith.constant 1000 : i32
      %mul3A_50 = arith.muli %arg1, %mul3A_49 : i32
      %add3A_51 = arith.constant 750 : i32
      %add3A_52 = arith.addi %mul3A_50, %add3A_51 : i32
      "tpu.region"() ({
        %run_scoped3A = tpu.sem_alloc : memref<!tpu.dma_semaphore, #tpu.memory_space<semaphore_mem>>
        %dma_start3A = arith.constant 0 : i32
        %dma_start3A_57 = tpu.memref_slice %arg13[%add3A_52, %dma_start3A] : memref<10000x128xbf16, #tpu.memory_space<vmem_shared>> -> memref<125x128xbf16, #tpu.memory_space<vmem_shared>>
        %dma_start3A_58 = arith.constant 0 : i32
        %dma_start3A_59 = tpu.memref_slice %arg13[%add3A_52, %dma_start3A_58] : memref<10000x128xbf16, #tpu.memory_space<vmem_shared>> -> memref<125x128xbf16, #tpu.memory_space<vmem_shared>>
        tpu.enqueue_dma source(%arg11 : memref<125x128xbf16, #tpu.memory_space<vmem>>) target(%dma_start3A_59 : memref<125x128xbf16, #tpu.memory_space<vmem_shared>>) target_semaphore(%run_scoped3A : memref<!tpu.dma_semaphore, #tpu.memory_space<semaphore_mem>>)
        %dma_wait3A = arith.constant 0 : i32
        %dma_wait3A_60 = tpu.memref_slice %arg13[%add3A_52, %dma_wait3A] : memref<10000x128xbf16, #tpu.memory_space<vmem_shared>> -> memref<125x128xbf16, #tpu.memory_space<vmem_shared>>
        %dma_wait3A_61 = arith.constant 0 : i32
        %dma_wait3A_62 = tpu.memref_slice %arg13[%add3A_52, %dma_wait3A_61] : memref<10000x128xbf16, #tpu.memory_space<vmem_shared>> -> memref<125x128xbf16, #tpu.memory_space<vmem_shared>>
        tpu.wait_dma2 semaphore(%run_scoped3A : memref<!tpu.dma_semaphore, #tpu.memory_space<semaphore_mem>>) src(%arg11 : memref<125x128xbf16, #tpu.memory_space<vmem>>) dst(%dma_wait3A_62 : memref<125x128xbf16, #tpu.memory_space<vmem_shared>>)
        tpu.yield
      }) : () -> ()
      %mul3A_53 = arith.constant 1000 : i32
      %mul3A_54 = arith.muli %arg1, %mul3A_53 : i32
      %add3A_55 = arith.constant 875 : i32
      %add3A_56 = arith.addi %mul3A_54, %add3A_55 : i32
      "tpu.region"() ({
        %run_scoped3A = tpu.sem_alloc : memref<!tpu.dma_semaphore, #tpu.memory_space<semaphore_mem>>
        %dma_start3A = arith.constant 0 : i32
        %dma_start3A_57 = tpu.memref_slice %arg13[%add3A_56, %dma_start3A] : memref<10000x128xbf16, #tpu.memory_space<vmem_shared>> -> memref<125x128xbf16, #tpu.memory_space<vmem_shared>>
        %dma_start3A_58 = arith.constant 0 : i32
        %dma_start3A_59 = tpu.memref_slice %arg13[%add3A_56, %dma_start3A_58] : memref<10000x128xbf16, #tpu.memory_space<vmem_shared>> -> memref<125x128xbf16, #tpu.memory_space<vmem_shared>>
        tpu.enqueue_dma source(%arg11 : memref<125x128xbf16, #tpu.memory_space<vmem>>) target(%dma_start3A_59 : memref<125x128xbf16, #tpu.memory_space<vmem_shared>>) target_semaphore(%run_scoped3A : memref<!tpu.dma_semaphore, #tpu.memory_space<semaphore_mem>>)
        %dma_wait3A = arith.constant 0 : i32
        %dma_wait3A_60 = tpu.memref_slice %arg13[%add3A_56, %dma_wait3A] : memref<10000x128xbf16, #tpu.memory_space<vmem_shared>> -> memref<125x128xbf16, #tpu.memory_space<vmem_shared>>
        %dma_wait3A_61 = arith.constant 0 : i32
        %dma_wait3A_62 = tpu.memref_slice %arg13[%add3A_56, %dma_wait3A_61] : memref<10000x128xbf16, #tpu.memory_space<vmem_shared>> -> memref<125x128xbf16, #tpu.memory_space<vmem_shared>>
        tpu.wait_dma2 semaphore(%run_scoped3A : memref<!tpu.dma_semaphore, #tpu.memory_space<semaphore_mem>>) src(%arg11 : memref<125x128xbf16, #tpu.memory_space<vmem>>) dst(%dma_wait3A_62 : memref<125x128xbf16, #tpu.memory_space<vmem_shared>>)
        tpu.yield
      }) : () -> ()
    } else {
    }
    %barrier3A = arith.constant 0 : index
    tpu.barrier barrier_id(%barrier3A)
    %eq3A = arith.constant 0 : i32
    %eq3A_2 = arith.cmpi eq, %arg0, %eq3A : i32
    %convert_element_type3A_3 = arith.extui %eq3A_2 : i1 to i32
    %cond3A_4 = arith.constant 0 : i32
    %cond3A_5 = arith.cmpi ne, %convert_element_type3A_3, %cond3A_4 : i32
    scf.if %cond3A_5 {
      %mul3A = arith.constant 80 : i32
      %mul3A_27 = arith.muli %arg1, %mul3A : i32
      %add3A = arith.constant 0 : i32
      %add3A_28 = arith.addi %mul3A_27, %add3A : i32
      "tpu.region"() ({
        %run_scoped3A = tpu.sem_alloc : memref<!tpu.dma_semaphore, #tpu.memory_space<semaphore_mem>>
        %dma_start3A = arith.constant 0 : i32
        %dma_start3A_79 = tpu.memref_slice %arg4[%add3A_28, %dma_start3A] : memref<1280x125xi32, #tpu.memory_space<hbm>> -> memref<40x125xi32, #tpu.memory_space<hbm>>
        %dma_start3A_80 = arith.constant 0 : i32
        %dma_start3A_81 = tpu.memref_slice %arg4[%add3A_28, %dma_start3A_80] : memref<1280x125xi32, #tpu.memory_space<hbm>> -> memref<40x125xi32, #tpu.memory_space<hbm>>
        tpu.enqueue_dma source(%dma_start3A_81 : memref<40x125xi32, #tpu.memory_space<hbm>>) target(%arg9 : memref<40x125xi32, #tpu.memory_space<vmem>>) target_semaphore(%run_scoped3A : memref<!tpu.dma_semaphore, #tpu.memory_space<semaphore_mem>>)
        %dma_wait3A_82 = arith.constant 0 : i32
        %dma_wait3A_83 = tpu.memref_slice %arg4[%add3A_28, %dma_wait3A_82] : memref<1280x125xi32, #tpu.memory_space<hbm>> -> memref<40x125xi32, #tpu.memory_space<hbm>>
        %dma_wait3A_84 = arith.constant 0 : i32
        %dma_wait3A_85 = tpu.memref_slice %arg4[%add3A_28, %dma_wait3A_84] : memref<1280x125xi32, #tpu.memory_space<hbm>> -> memref<40x125xi32, #tpu.memory_space<hbm>>
        tpu.wait_dma2 semaphore(%run_scoped3A : memref<!tpu.dma_semaphore, #tpu.memory_space<semaphore_mem>>) src(%dma_wait3A_85 : memref<40x125xi32, #tpu.memory_space<hbm>>) dst(%arg9 : memref<40x125xi32, #tpu.memory_space<vmem>>)
        tpu.yield
      }) : () -> ()
      %mul3A_29 = arith.constant 80 : i32
      %mul3A_30 = arith.muli %arg1, %mul3A_29 : i32
      %add3A_31 = arith.constant 0 : i32
      %add3A_32 = arith.addi %mul3A_30, %add3A_31 : i32
      "tpu.region"() ({
        %run_scoped3A = tpu.sem_alloc : memref<!tpu.dma_semaphore, #tpu.memory_space<semaphore_mem>>
        %dma_start3A = arith.constant 0 : i32
        %dma_start3A_79 = tpu.memref_slice %arg5[%add3A_32, %dma_start3A] : memref<1280x125xi32, #tpu.memory_space<hbm>> -> memref<40x125xi32, #tpu.memory_space<hbm>>
        %dma_start3A_80 = arith.constant 0 : i32
        %dma_start3A_81 = tpu.memref_slice %arg5[%add3A_32, %dma_start3A_80] : memref<1280x125xi32, #tpu.memory_space<hbm>> -> memref<40x125xi32, #tpu.memory_space<hbm>>
        tpu.enqueue_dma source(%dma_start3A_81 : memref<40x125xi32, #tpu.memory_space<hbm>>) target(%arg10 : memref<40x125xi32, #tpu.memory_space<vmem>>) target_semaphore(%run_scoped3A : memref<!tpu.dma_semaphore, #tpu.memory_space<semaphore_mem>>)
        %dma_wait3A_82 = arith.constant 0 : i32
        %dma_wait3A_83 = tpu.memref_slice %arg5[%add3A_32, %dma_wait3A_82] : memref<1280x125xi32, #tpu.memory_space<hbm>> -> memref<40x125xi32, #tpu.memory_space<hbm>>
        %dma_wait3A_84 = arith.constant 0 : i32
        %dma_wait3A_85 = tpu.memref_slice %arg5[%add3A_32, %dma_wait3A_84] : memref<1280x125xi32, #tpu.memory_space<hbm>> -> memref<40x125xi32, #tpu.memory_space<hbm>>
        tpu.wait_dma2 semaphore(%run_scoped3A : memref<!tpu.dma_semaphore, #tpu.memory_space<semaphore_mem>>) src(%dma_wait3A_85 : memref<40x125xi32, #tpu.memory_space<hbm>>) dst(%arg10 : memref<40x125xi32, #tpu.memory_space<vmem>>)
        tpu.yield
      }) : () -> ()
      %scan3A = arith.constant 0 : i32
      %scan3A_33 = arith.constant 0 : i32
      %scan3A_34 = arith.constant 20 : i32
      %scan3A_35 = arith.addi %scan3A_33, %scan3A_34 : i32
      %scan3A_36 = arith.constant 1 : i32
      scf.for %scan3A_79 = %scan3A_33 to %scan3A_35 step %scan3A_36  : i32 {
        %mul3A_80 = arith.constant 2 : i32
        %mul3A_81 = arith.muli %mul3A_80, %scan3A_79 : i32
        %gt3A = arith.constant 0 : i32
        %gt3A_82 = arith.cmpi sgt, %scan3A_79, %gt3A : i32
        %convert_element_type3A_83 = arith.extui %gt3A_82 : i1 to i32
        %cond3A_84 = arith.constant 0 : i32
        %cond3A_85 = arith.cmpi ne, %convert_element_type3A_83, %cond3A_84 : i32
        scf.if %cond3A_85 {
          %dma_wait3A_130 = arith.constant 0 : i32
          %dma_wait3A_131 = arith.constant 0 : i32
          %dma_wait3A_132 = tpu.memref_slice %arg10[%dma_wait3A_130, %dma_wait3A_131] : memref<40x125xi32, #tpu.memory_space<vmem>> -> memref<1x125xi32, #tpu.memory_space<vmem>>
          %dma_wait3A_133 = tpu.memref_squeeze %dma_wait3A_132 : memref<1x125xi32, #tpu.memory_space<vmem>> -> memref<125xi32, #tpu.memory_space<vmem>>
          %dma_wait3A_134 = arith.constant 0 : i32
          %dma_wait3A_135 = arith.constant 0 : i32
          %dma_wait3A_136 = tpu.memref_slice %arg13[%dma_wait3A_134, %dma_wait3A_135] : memref<10000x128xbf16, #tpu.memory_space<vmem_shared>> -> memref<10000x128xbf16, #tpu.memory_space<vmem_shared>>
          tpu.wait_indirect_dma semaphore(%arg16 : memref<!tpu.dma_semaphore, #tpu.memory_space<semaphore_mem>>) src(%arg11 : memref<125x128xbf16, #tpu.memory_space<vmem>>) dst(%dma_wait3A_136 : memref<10000x128xbf16, #tpu.memory_space<vmem_shared>>)
        } else {
        }
        %dma_start3A = arith.constant 0 : i32
        %dma_start3A_86 = tpu.memref_slice %arg9[%mul3A_81, %dma_start3A] : memref<40x125xi32, #tpu.memory_space<vmem>> -> memref<1x125xi32, #tpu.memory_space<vmem>>
        %dma_start3A_87 = tpu.memref_squeeze %dma_start3A_86 : memref<1x125xi32, #tpu.memory_space<vmem>> -> memref<125xi32, #tpu.memory_space<vmem>>
        %dma_start3A_88 = arith.constant 0 : i32
        %dma_start3A_89 = arith.constant 0 : i32
        %dma_start3A_90 = tpu.memref_slice %arg2[%dma_start3A_88, %dma_start3A_89] : memref<10000x128xbf16, #tpu.memory_space<hbm>> -> memref<10000x128xbf16, #tpu.memory_space<hbm>>
        tpu.enqueue_indirect_dma source(%dma_start3A_90 : memref<10000x128xbf16, #tpu.memory_space<hbm>>) target(%arg11 : memref<125x128xbf16, #tpu.memory_space<vmem>>) offsets(%dma_start3A_87 : memref<125xi32, #tpu.memory_space<vmem>>) semaphore(%arg14 : memref<!tpu.dma_semaphore, #tpu.memory_space<semaphore_mem>>)
        %gt3A_91 = arith.constant 0 : i32
        %gt3A_92 = arith.cmpi sgt, %scan3A_79, %gt3A_91 : i32
        %convert_element_type3A_93 = arith.extui %gt3A_92 : i1 to i32
        %cond3A_94 = arith.constant 0 : i32
        %cond3A_95 = arith.cmpi ne, %convert_element_type3A_93, %cond3A_94 : i32
        scf.if %cond3A_95 {
          %dma_wait3A_130 = arith.constant 0 : i32
          %dma_wait3A_131 = arith.constant 0 : i32
          %dma_wait3A_132 = tpu.memref_slice %arg10[%dma_wait3A_130, %dma_wait3A_131] : memref<40x125xi32, #tpu.memory_space<vmem>> -> memref<1x125xi32, #tpu.memory_space<vmem>>
          %dma_wait3A_133 = tpu.memref_squeeze %dma_wait3A_132 : memref<1x125xi32, #tpu.memory_space<vmem>> -> memref<125xi32, #tpu.memory_space<vmem>>
          %dma_wait3A_134 = arith.constant 0 : i32
          %dma_wait3A_135 = arith.constant 0 : i32
          %dma_wait3A_136 = tpu.memref_slice %arg13[%dma_wait3A_134, %dma_wait3A_135] : memref<10000x128xbf16, #tpu.memory_space<vmem_shared>> -> memref<10000x128xbf16, #tpu.memory_space<vmem_shared>>
          tpu.wait_indirect_dma semaphore(%arg17 : memref<!tpu.dma_semaphore, #tpu.memory_space<semaphore_mem>>) src(%arg12 : memref<125x128xbf16, #tpu.memory_space<vmem>>) dst(%dma_wait3A_136 : memref<10000x128xbf16, #tpu.memory_space<vmem_shared>>)
        } else {
        }
        %add3A_96 = arith.constant 1 : i32
        %add3A_97 = arith.addi %mul3A_81, %add3A_96 : i32
        %dma_start3A_98 = arith.constant 0 : i32
        %dma_start3A_99 = tpu.memref_slice %arg9[%add3A_97, %dma_start3A_98] : memref<40x125xi32, #tpu.memory_space<vmem>> -> memref<1x125xi32, #tpu.memory_space<vmem>>
        %dma_start3A_100 = tpu.memref_squeeze %dma_start3A_99 : memref<1x125xi32, #tpu.memory_space<vmem>> -> memref<125xi32, #tpu.memory_space<vmem>>
        %dma_start3A_101 = arith.constant 0 : i32
        %dma_start3A_102 = arith.constant 0 : i32
        %dma_start3A_103 = tpu.memref_slice %arg2[%dma_start3A_101, %dma_start3A_102] : memref<10000x128xbf16, #tpu.memory_space<hbm>> -> memref<10000x128xbf16, #tpu.memory_space<hbm>>
        tpu.enqueue_indirect_dma source(%dma_start3A_103 : memref<10000x128xbf16, #tpu.memory_space<hbm>>) target(%arg12 : memref<125x128xbf16, #tpu.memory_space<vmem>>) offsets(%dma_start3A_100 : memref<125xi32, #tpu.memory_space<vmem>>) semaphore(%arg15 : memref<!tpu.dma_semaphore, #tpu.memory_space<semaphore_mem>>)
        %dma_wait3A_104 = arith.constant 0 : i32
        %dma_wait3A_105 = tpu.memref_slice %arg9[%mul3A_81, %dma_wait3A_104] : memref<40x125xi32, #tpu.memory_space<vmem>> -> memref<1x125xi32, #tpu.memory_space<vmem>>
        %dma_wait3A_106 = tpu.memref_squeeze %dma_wait3A_105 : memref<1x125xi32, #tpu.memory_space<vmem>> -> memref<125xi32, #tpu.memory_space<vmem>>
        %dma_wait3A_107 = arith.constant 0 : i32
        %dma_wait3A_108 = arith.constant 0 : i32
        %dma_wait3A_109 = tpu.memref_slice %arg2[%dma_wait3A_107, %dma_wait3A_108] : memref<10000x128xbf16, #tpu.memory_space<hbm>> -> memref<10000x128xbf16, #tpu.memory_space<hbm>>
        tpu.wait_indirect_dma semaphore(%arg14 : memref<!tpu.dma_semaphore, #tpu.memory_space<semaphore_mem>>) src(%dma_wait3A_109 : memref<10000x128xbf16, #tpu.memory_space<hbm>>) dst(%arg11 : memref<125x128xbf16, #tpu.memory_space<vmem>>)
        %dma_start3A_110 = arith.constant 0 : i32
        %dma_start3A_111 = tpu.memref_slice %arg10[%mul3A_81, %dma_start3A_110] : memref<40x125xi32, #tpu.memory_space<vmem>> -> memref<1x125xi32, #tpu.memory_space<vmem>>
        %dma_start3A_112 = tpu.memref_squeeze %dma_start3A_111 : memref<1x125xi32, #tpu.memory_space<vmem>> -> memref<125xi32, #tpu.memory_space<vmem>>
        %dma_start3A_113 = arith.constant 0 : i32
        %dma_start3A_114 = arith.constant 0 : i32
        %dma_start3A_115 = tpu.memref_slice %arg13[%dma_start3A_113, %dma_start3A_114] : memref<10000x128xbf16, #tpu.memory_space<vmem_shared>> -> memref<10000x128xbf16, #tpu.memory_space<vmem_shared>>
        tpu.enqueue_indirect_dma source(%arg11 : memref<125x128xbf16, #tpu.memory_space<vmem>>) target(%dma_start3A_115 : memref<10000x128xbf16, #tpu.memory_space<vmem_shared>>) offsets(%dma_start3A_112 : memref<125xi32, #tpu.memory_space<vmem>>) semaphore(%arg16 : memref<!tpu.dma_semaphore, #tpu.memory_space<semaphore_mem>>) {add = true}
        %dma_wait3A_116 = arith.constant 0 : i32
        %dma_wait3A_117 = tpu.memref_slice %arg9[%add3A_97, %dma_wait3A_116] : memref<40x125xi32, #tpu.memory_space<vmem>> -> memref<1x125xi32, #tpu.memory_space<vmem>>
        %dma_wait3A_118 = tpu.memref_squeeze %dma_wait3A_117 : memref<1x125xi32, #tpu.memory_space<vmem>> -> memref<125xi32, #tpu.memory_space<vmem>>
        %dma_wait3A_119 = arith.constant 0 : i32
        %dma_wait3A_120 = arith.constant 0 : i32
        %dma_wait3A_121 = tpu.memref_slice %arg2[%dma_wait3A_119, %dma_wait3A_120] : memref<10000x128xbf16, #tpu.memory_space<hbm>> -> memref<10000x128xbf16, #tpu.memory_space<hbm>>
        tpu.wait_indirect_dma semaphore(%arg15 : memref<!tpu.dma_semaphore, #tpu.memory_space<semaphore_mem>>) src(%dma_wait3A_121 : memref<10000x128xbf16, #tpu.memory_space<hbm>>) dst(%arg12 : memref<125x128xbf16, #tpu.memory_space<vmem>>)
        %add3A_122 = arith.constant 1 : i32
        %add3A_123 = arith.addi %mul3A_81, %add3A_122 : i32
        %dma_start3A_124 = arith.constant 0 : i32
        %dma_start3A_125 = tpu.memref_slice %arg10[%add3A_123, %dma_start3A_124] : memref<40x125xi32, #tpu.memory_space<vmem>> -> memref<1x125xi32, #tpu.memory_space<vmem>>
        %dma_start3A_126 = tpu.memref_squeeze %dma_start3A_125 : memref<1x125xi32, #tpu.memory_space<vmem>> -> memref<125xi32, #tpu.memory_space<vmem>>
        %dma_start3A_127 = arith.constant 0 : i32
        %dma_start3A_128 = arith.constant 0 : i32
        %dma_start3A_129 = tpu.memref_slice %arg13[%dma_start3A_127, %dma_start3A_128] : memref<10000x128xbf16, #tpu.memory_space<vmem_shared>> -> memref<10000x128xbf16, #tpu.memory_space<vmem_shared>>
        tpu.enqueue_indirect_dma source(%arg12 : memref<125x128xbf16, #tpu.memory_space<vmem>>) target(%dma_start3A_129 : memref<10000x128xbf16, #tpu.memory_space<vmem_shared>>) offsets(%dma_start3A_126 : memref<125xi32, #tpu.memory_space<vmem>>) semaphore(%arg17 : memref<!tpu.dma_semaphore, #tpu.memory_space<semaphore_mem>>) {add = true}
      }
      %scan3A_37 = arith.constant 20 : i32
      %dma_wait3A = arith.constant 0 : i32
      %dma_wait3A_38 = arith.constant 0 : i32
      %dma_wait3A_39 = tpu.memref_slice %arg10[%dma_wait3A, %dma_wait3A_38] : memref<40x125xi32, #tpu.memory_space<vmem>> -> memref<1x125xi32, #tpu.memory_space<vmem>>
      %dma_wait3A_40 = tpu.memref_squeeze %dma_wait3A_39 : memref<1x125xi32, #tpu.memory_space<vmem>> -> memref<125xi32, #tpu.memory_space<vmem>>
      %dma_wait3A_41 = arith.constant 0 : i32
      %dma_wait3A_42 = arith.constant 0 : i32
      %dma_wait3A_43 = tpu.memref_slice %arg13[%dma_wait3A_41, %dma_wait3A_42] : memref<10000x128xbf16, #tpu.memory_space<vmem_shared>> -> memref<10000x128xbf16, #tpu.memory_space<vmem_shared>>
      tpu.wait_indirect_dma semaphore(%arg16 : memref<!tpu.dma_semaphore, #tpu.memory_space<semaphore_mem>>) src(%arg11 : memref<125x128xbf16, #tpu.memory_space<vmem>>) dst(%dma_wait3A_43 : memref<10000x128xbf16, #tpu.memory_space<vmem_shared>>)
      %dma_wait3A_44 = arith.constant 0 : i32
      %dma_wait3A_45 = arith.constant 0 : i32
      %dma_wait3A_46 = tpu.memref_slice %arg10[%dma_wait3A_44, %dma_wait3A_45] : memref<40x125xi32, #tpu.memory_space<vmem>> -> memref<1x125xi32, #tpu.memory_space<vmem>>
      %dma_wait3A_47 = tpu.memref_squeeze %dma_wait3A_46 : memref<1x125xi32, #tpu.memory_space<vmem>> -> memref<125xi32, #tpu.memory_space<vmem>>
      %dma_wait3A_48 = arith.constant 0 : i32
      %dma_wait3A_49 = arith.constant 0 : i32
      %dma_wait3A_50 = tpu.memref_slice %arg13[%dma_wait3A_48, %dma_wait3A_49] : memref<10000x128xbf16, #tpu.memory_space<vmem_shared>> -> memref<10000x128xbf16, #tpu.memory_space<vmem_shared>>
      tpu.wait_indirect_dma semaphore(%arg17 : memref<!tpu.dma_semaphore, #tpu.memory_space<semaphore_mem>>) src(%arg12 : memref<125x128xbf16, #tpu.memory_space<vmem>>) dst(%dma_wait3A_50 : memref<10000x128xbf16, #tpu.memory_space<vmem_shared>>)
      %mul3A_51 = arith.constant 80 : i32
      %mul3A_52 = arith.muli %arg1, %mul3A_51 : i32
      %add3A_53 = arith.constant 40 : i32
      %add3A_54 = arith.addi %mul3A_52, %add3A_53 : i32
      "tpu.region"() ({
        %run_scoped3A = tpu.sem_alloc : memref<!tpu.dma_semaphore, #tpu.memory_space<semaphore_mem>>
        %dma_start3A = arith.constant 0 : i32
        %dma_start3A_79 = tpu.memref_slice %arg4[%add3A_54, %dma_start3A] : memref<1280x125xi32, #tpu.memory_space<hbm>> -> memref<40x125xi32, #tpu.memory_space<hbm>>
        %dma_start3A_80 = arith.constant 0 : i32
        %dma_start3A_81 = tpu.memref_slice %arg4[%add3A_54, %dma_start3A_80] : memref<1280x125xi32, #tpu.memory_space<hbm>> -> memref<40x125xi32, #tpu.memory_space<hbm>>
        tpu.enqueue_dma source(%dma_start3A_81 : memref<40x125xi32, #tpu.memory_space<hbm>>) target(%arg9 : memref<40x125xi32, #tpu.memory_space<vmem>>) target_semaphore(%run_scoped3A : memref<!tpu.dma_semaphore, #tpu.memory_space<semaphore_mem>>)
        %dma_wait3A_82 = arith.constant 0 : i32
        %dma_wait3A_83 = tpu.memref_slice %arg4[%add3A_54, %dma_wait3A_82] : memref<1280x125xi32, #tpu.memory_space<hbm>> -> memref<40x125xi32, #tpu.memory_space<hbm>>
        %dma_wait3A_84 = arith.constant 0 : i32
        %dma_wait3A_85 = tpu.memref_slice %arg4[%add3A_54, %dma_wait3A_84] : memref<1280x125xi32, #tpu.memory_space<hbm>> -> memref<40x125xi32, #tpu.memory_space<hbm>>
        tpu.wait_dma2 semaphore(%run_scoped3A : memref<!tpu.dma_semaphore, #tpu.memory_space<semaphore_mem>>) src(%dma_wait3A_85 : memref<40x125xi32, #tpu.memory_space<hbm>>) dst(%arg9 : memref<40x125xi32, #tpu.memory_space<vmem>>)
        tpu.yield
      }) : () -> ()
      %mul3A_55 = arith.constant 80 : i32
      %mul3A_56 = arith.muli %arg1, %mul3A_55 : i32
      %add3A_57 = arith.constant 40 : i32
      %add3A_58 = arith.addi %mul3A_56, %add3A_57 : i32
      "tpu.region"() ({
        %run_scoped3A = tpu.sem_alloc : memref<!tpu.dma_semaphore, #tpu.memory_space<semaphore_mem>>
        %dma_start3A = arith.constant 0 : i32
        %dma_start3A_79 = tpu.memref_slice %arg5[%add3A_58, %dma_start3A] : memref<1280x125xi32, #tpu.memory_space<hbm>> -> memref<40x125xi32, #tpu.memory_space<hbm>>
        %dma_start3A_80 = arith.constant 0 : i32
        %dma_start3A_81 = tpu.memref_slice %arg5[%add3A_58, %dma_start3A_80] : memref<1280x125xi32, #tpu.memory_space<hbm>> -> memref<40x125xi32, #tpu.memory_space<hbm>>
        tpu.enqueue_dma source(%dma_start3A_81 : memref<40x125xi32, #tpu.memory_space<hbm>>) target(%arg10 : memref<40x125xi32, #tpu.memory_space<vmem>>) target_semaphore(%run_scoped3A : memref<!tpu.dma_semaphore, #tpu.memory_space<semaphore_mem>>)
        %dma_wait3A_82 = arith.constant 0 : i32
        %dma_wait3A_83 = tpu.memref_slice %arg5[%add3A_58, %dma_wait3A_82] : memref<1280x125xi32, #tpu.memory_space<hbm>> -> memref<40x125xi32, #tpu.memory_space<hbm>>
        %dma_wait3A_84 = arith.constant 0 : i32
        %dma_wait3A_85 = tpu.memref_slice %arg5[%add3A_58, %dma_wait3A_84] : memref<1280x125xi32, #tpu.memory_space<hbm>> -> memref<40x125xi32, #tpu.memory_space<hbm>>
        tpu.wait_dma2 semaphore(%run_scoped3A : memref<!tpu.dma_semaphore, #tpu.memory_space<semaphore_mem>>) src(%dma_wait3A_85 : memref<40x125xi32, #tpu.memory_space<hbm>>) dst(%arg10 : memref<40x125xi32, #tpu.memory_space<vmem>>)
        tpu.yield
      }) : () -> ()
      %scan3A_59 = arith.constant 0 : i32
      %scan3A_60 = arith.constant 0 : i32
      %scan3A_61 = arith.constant 20 : i32
      %scan3A_62 = arith.addi %scan3A_60, %scan3A_61 : i32
      %scan3A_63 = arith.constant 1 : i32
      scf.for %scan3A_79 = %scan3A_60 to %scan3A_62 step %scan3A_63  : i32 {
        %mul3A_80 = arith.constant 2 : i32
        %mul3A_81 = arith.muli %mul3A_80, %scan3A_79 : i32
        %gt3A = arith.constant 0 : i32
        %gt3A_82 = arith.cmpi sgt, %scan3A_79, %gt3A : i32
        %convert_element_type3A_83 = arith.extui %gt3A_82 : i1 to i32
        %cond3A_84 = arith.constant 0 : i32
        %cond3A_85 = arith.cmpi ne, %convert_element_type3A_83, %cond3A_84 : i32
        scf.if %cond3A_85 {
          %dma_wait3A_130 = arith.constant 0 : i32
          %dma_wait3A_131 = arith.constant 0 : i32
          %dma_wait3A_132 = tpu.memref_slice %arg10[%dma_wait3A_130, %dma_wait3A_131] : memref<40x125xi32, #tpu.memory_space<vmem>> -> memref<1x125xi32, #tpu.memory_space<vmem>>
          %dma_wait3A_133 = tpu.memref_squeeze %dma_wait3A_132 : memref<1x125xi32, #tpu.memory_space<vmem>> -> memref<125xi32, #tpu.memory_space<vmem>>
          %dma_wait3A_134 = arith.constant 0 : i32
          %dma_wait3A_135 = arith.constant 0 : i32
          %dma_wait3A_136 = tpu.memref_slice %arg13[%dma_wait3A_134, %dma_wait3A_135] : memref<10000x128xbf16, #tpu.memory_space<vmem_shared>> -> memref<10000x128xbf16, #tpu.memory_space<vmem_shared>>
          tpu.wait_indirect_dma semaphore(%arg16 : memref<!tpu.dma_semaphore, #tpu.memory_space<semaphore_mem>>) src(%arg11 : memref<125x128xbf16, #tpu.memory_space<vmem>>) dst(%dma_wait3A_136 : memref<10000x128xbf16, #tpu.memory_space<vmem_shared>>)
        } else {
        }
        %dma_start3A = arith.constant 0 : i32
        %dma_start3A_86 = tpu.memref_slice %arg9[%mul3A_81, %dma_start3A] : memref<40x125xi32, #tpu.memory_space<vmem>> -> memref<1x125xi32, #tpu.memory_space<vmem>>
        %dma_start3A_87 = tpu.memref_squeeze %dma_start3A_86 : memref<1x125xi32, #tpu.memory_space<vmem>> -> memref<125xi32, #tpu.memory_space<vmem>>
        %dma_start3A_88 = arith.constant 0 : i32
        %dma_start3A_89 = arith.constant 0 : i32
        %dma_start3A_90 = tpu.memref_slice %arg2[%dma_start3A_88, %dma_start3A_89] : memref<10000x128xbf16, #tpu.memory_space<hbm>> -> memref<10000x128xbf16, #tpu.memory_space<hbm>>
        tpu.enqueue_indirect_dma source(%dma_start3A_90 : memref<10000x128xbf16, #tpu.memory_space<hbm>>) target(%arg11 : memref<125x128xbf16, #tpu.memory_space<vmem>>) offsets(%dma_start3A_87 : memref<125xi32, #tpu.memory_space<vmem>>) semaphore(%arg14 : memref<!tpu.dma_semaphore, #tpu.memory_space<semaphore_mem>>)
        %gt3A_91 = arith.constant 0 : i32
        %gt3A_92 = arith.cmpi sgt, %scan3A_79, %gt3A_91 : i32
        %convert_element_type3A_93 = arith.extui %gt3A_92 : i1 to i32
        %cond3A_94 = arith.constant 0 : i32
        %cond3A_95 = arith.cmpi ne, %convert_element_type3A_93, %cond3A_94 : i32
        scf.if %cond3A_95 {
          %dma_wait3A_130 = arith.constant 0 : i32
          %dma_wait3A_131 = arith.constant 0 : i32
          %dma_wait3A_132 = tpu.memref_slice %arg10[%dma_wait3A_130, %dma_wait3A_131] : memref<40x125xi32, #tpu.memory_space<vmem>> -> memref<1x125xi32, #tpu.memory_space<vmem>>
          %dma_wait3A_133 = tpu.memref_squeeze %dma_wait3A_132 : memref<1x125xi32, #tpu.memory_space<vmem>> -> memref<125xi32, #tpu.memory_space<vmem>>
          %dma_wait3A_134 = arith.constant 0 : i32
          %dma_wait3A_135 = arith.constant 0 : i32
          %dma_wait3A_136 = tpu.memref_slice %arg13[%dma_wait3A_134, %dma_wait3A_135] : memref<10000x128xbf16, #tpu.memory_space<vmem_shared>> -> memref<10000x128xbf16, #tpu.memory_space<vmem_shared>>
          tpu.wait_indirect_dma semaphore(%arg17 : memref<!tpu.dma_semaphore, #tpu.memory_space<semaphore_mem>>) src(%arg12 : memref<125x128xbf16, #tpu.memory_space<vmem>>) dst(%dma_wait3A_136 : memref<10000x128xbf16, #tpu.memory_space<vmem_shared>>)
        } else {
        }
        %add3A_96 = arith.constant 1 : i32
        %add3A_97 = arith.addi %mul3A_81, %add3A_96 : i32
        %dma_start3A_98 = arith.constant 0 : i32
        %dma_start3A_99 = tpu.memref_slice %arg9[%add3A_97, %dma_start3A_98] : memref<40x125xi32, #tpu.memory_space<vmem>> -> memref<1x125xi32, #tpu.memory_space<vmem>>
        %dma_start3A_100 = tpu.memref_squeeze %dma_start3A_99 : memref<1x125xi32, #tpu.memory_space<vmem>> -> memref<125xi32, #tpu.memory_space<vmem>>
        %dma_start3A_101 = arith.constant 0 : i32
        %dma_start3A_102 = arith.constant 0 : i32
        %dma_start3A_103 = tpu.memref_slice %arg2[%dma_start3A_101, %dma_start3A_102] : memref<10000x128xbf16, #tpu.memory_space<hbm>> -> memref<10000x128xbf16, #tpu.memory_space<hbm>>
        tpu.enqueue_indirect_dma source(%dma_start3A_103 : memref<10000x128xbf16, #tpu.memory_space<hbm>>) target(%arg12 : memref<125x128xbf16, #tpu.memory_space<vmem>>) offsets(%dma_start3A_100 : memref<125xi32, #tpu.memory_space<vmem>>) semaphore(%arg15 : memref<!tpu.dma_semaphore, #tpu.memory_space<semaphore_mem>>)
        %dma_wait3A_104 = arith.constant 0 : i32
        %dma_wait3A_105 = tpu.memref_slice %arg9[%mul3A_81, %dma_wait3A_104] : memref<40x125xi32, #tpu.memory_space<vmem>> -> memref<1x125xi32, #tpu.memory_space<vmem>>
        %dma_wait3A_106 = tpu.memref_squeeze %dma_wait3A_105 : memref<1x125xi32, #tpu.memory_space<vmem>> -> memref<125xi32, #tpu.memory_space<vmem>>
        %dma_wait3A_107 = arith.constant 0 : i32
        %dma_wait3A_108 = arith.constant 0 : i32
        %dma_wait3A_109 = tpu.memref_slice %arg2[%dma_wait3A_107, %dma_wait3A_108] : memref<10000x128xbf16, #tpu.memory_space<hbm>> -> memref<10000x128xbf16, #tpu.memory_space<hbm>>
        tpu.wait_indirect_dma semaphore(%arg14 : memref<!tpu.dma_semaphore, #tpu.memory_space<semaphore_mem>>) src(%dma_wait3A_109 : memref<10000x128xbf16, #tpu.memory_space<hbm>>) dst(%arg11 : memref<125x128xbf16, #tpu.memory_space<vmem>>)
        %dma_start3A_110 = arith.constant 0 : i32
        %dma_start3A_111 = tpu.memref_slice %arg10[%mul3A_81, %dma_start3A_110] : memref<40x125xi32, #tpu.memory_space<vmem>> -> memref<1x125xi32, #tpu.memory_space<vmem>>
        %dma_start3A_112 = tpu.memref_squeeze %dma_start3A_111 : memref<1x125xi32, #tpu.memory_space<vmem>> -> memref<125xi32, #tpu.memory_space<vmem>>
        %dma_start3A_113 = arith.constant 0 : i32
        %dma_start3A_114 = arith.constant 0 : i32
        %dma_start3A_115 = tpu.memref_slice %arg13[%dma_start3A_113, %dma_start3A_114] : memref<10000x128xbf16, #tpu.memory_space<vmem_shared>> -> memref<10000x128xbf16, #tpu.memory_space<vmem_shared>>
        tpu.enqueue_indirect_dma source(%arg11 : memref<125x128xbf16, #tpu.memory_space<vmem>>) target(%dma_start3A_115 : memref<10000x128xbf16, #tpu.memory_space<vmem_shared>>) offsets(%dma_start3A_112 : memref<125xi32, #tpu.memory_space<vmem>>) semaphore(%arg16 : memref<!tpu.dma_semaphore, #tpu.memory_space<semaphore_mem>>) {add = true}
        %dma_wait3A_116 = arith.constant 0 : i32
        %dma_wait3A_117 = tpu.memref_slice %arg9[%add3A_97, %dma_wait3A_116] : memref<40x125xi32, #tpu.memory_space<vmem>> -> memref<1x125xi32, #tpu.memory_space<vmem>>
        %dma_wait3A_118 = tpu.memref_squeeze %dma_wait3A_117 : memref<1x125xi32, #tpu.memory_space<vmem>> -> memref<125xi32, #tpu.memory_space<vmem>>
        %dma_wait3A_119 = arith.constant 0 : i32
        %dma_wait3A_120 = arith.constant 0 : i32
        %dma_wait3A_121 = tpu.memref_slice %arg2[%dma_wait3A_119, %dma_wait3A_120] : memref<10000x128xbf16, #tpu.memory_space<hbm>> -> memref<10000x128xbf16, #tpu.memory_space<hbm>>
        tpu.wait_indirect_dma semaphore(%arg15 : memref<!tpu.dma_semaphore, #tpu.memory_space<semaphore_mem>>) src(%dma_wait3A_121 : memref<10000x128xbf16, #tpu.memory_space<hbm>>) dst(%arg12 : memref<125x128xbf16, #tpu.memory_space<vmem>>)
        %add3A_122 = arith.constant 1 : i32
        %add3A_123 = arith.addi %mul3A_81, %add3A_122 : i32
        %dma_start3A_124 = arith.constant 0 : i32
        %dma_start3A_125 = tpu.memref_slice %arg10[%add3A_123, %dma_start3A_124] : memref<40x125xi32, #tpu.memory_space<vmem>> -> memref<1x125xi32, #tpu.memory_space<vmem>>
        %dma_start3A_126 = tpu.memref_squeeze %dma_start3A_125 : memref<1x125xi32, #tpu.memory_space<vmem>> -> memref<125xi32, #tpu.memory_space<vmem>>
        %dma_start3A_127 = arith.constant 0 : i32
        %dma_start3A_128 = arith.constant 0 : i32
        %dma_start3A_129 = tpu.memref_slice %arg13[%dma_start3A_127, %dma_start3A_128] : memref<10000x128xbf16, #tpu.memory_space<vmem_shared>> -> memref<10000x128xbf16, #tpu.memory_space<vmem_shared>>
        tpu.enqueue_indirect_dma source(%arg12 : memref<125x128xbf16, #tpu.memory_space<vmem>>) target(%dma_start3A_129 : memref<10000x128xbf16, #tpu.memory_space<vmem_shared>>) offsets(%dma_start3A_126 : memref<125xi32, #tpu.memory_space<vmem>>) semaphore(%arg17 : memref<!tpu.dma_semaphore, #tpu.memory_space<semaphore_mem>>) {add = true}
      }
      %scan3A_64 = arith.constant 20 : i32
      %dma_wait3A_65 = arith.constant 0 : i32
      %dma_wait3A_66 = arith.constant 0 : i32
      %dma_wait3A_67 = tpu.memref_slice %arg10[%dma_wait3A_65, %dma_wait3A_66] : memref<40x125xi32, #tpu.memory_space<vmem>> -> memref<1x125xi32, #tpu.memory_space<vmem>>
      %dma_wait3A_68 = tpu.memref_squeeze %dma_wait3A_67 : memref<1x125xi32, #tpu.memory_space<vmem>> -> memref<125xi32, #tpu.memory_space<vmem>>
      %dma_wait3A_69 = arith.constant 0 : i32
      %dma_wait3A_70 = arith.constant 0 : i32
      %dma_wait3A_71 = tpu.memref_slice %arg13[%dma_wait3A_69, %dma_wait3A_70] : memref<10000x128xbf16, #tpu.memory_space<vmem_shared>> -> memref<10000x128xbf16, #tpu.memory_space<vmem_shared>>
      tpu.wait_indirect_dma semaphore(%arg16 : memref<!tpu.dma_semaphore, #tpu.memory_space<semaphore_mem>>) src(%arg11 : memref<125x128xbf16, #tpu.memory_space<vmem>>) dst(%dma_wait3A_71 : memref<10000x128xbf16, #tpu.memory_space<vmem_shared>>)
      %dma_wait3A_72 = arith.constant 0 : i32
      %dma_wait3A_73 = arith.constant 0 : i32
      %dma_wait3A_74 = tpu.memref_slice %arg10[%dma_wait3A_72, %dma_wait3A_73] : memref<40x125xi32, #tpu.memory_space<vmem>> -> memref<1x125xi32, #tpu.memory_space<vmem>>
      %dma_wait3A_75 = tpu.memref_squeeze %dma_wait3A_74 : memref<1x125xi32, #tpu.memory_space<vmem>> -> memref<125xi32, #tpu.memory_space<vmem>>
      %dma_wait3A_76 = arith.constant 0 : i32
      %dma_wait3A_77 = arith.constant 0 : i32
      %dma_wait3A_78 = tpu.memref_slice %arg13[%dma_wait3A_76, %dma_wait3A_77] : memref<10000x128xbf16, #tpu.memory_space<vmem_shared>> -> memref<10000x128xbf16, #tpu.memory_space<vmem_shared>>
      tpu.wait_indirect_dma semaphore(%arg17 : memref<!tpu.dma_semaphore, #tpu.memory_space<semaphore_mem>>) src(%arg12 : memref<125x128xbf16, #tpu.memory_space<vmem>>) dst(%dma_wait3A_78 : memref<10000x128xbf16, #tpu.memory_space<vmem_shared>>)
    } else {
    }
    %eq3A_6 = arith.constant 1 : i32
    %eq3A_7 = arith.cmpi eq, %arg0, %eq3A_6 : i32
    %convert_element_type3A_8 = arith.extui %eq3A_7 : i1 to i32
    %cond3A_9 = arith.constant 0 : i32
    %cond3A_10 = arith.cmpi ne, %convert_element_type3A_8, %cond3A_9 : i32
    scf.if %cond3A_10 {
      %mul3A = arith.constant 80 : i32
      %mul3A_27 = arith.muli %arg1, %mul3A : i32
      %add3A = arith.constant 0 : i32
      %add3A_28 = arith.addi %mul3A_27, %add3A : i32
      "tpu.region"() ({
        %run_scoped3A = tpu.sem_alloc : memref<!tpu.dma_semaphore, #tpu.memory_space<semaphore_mem>>
        %dma_start3A = arith.constant 0 : i32
        %dma_start3A_79 = tpu.memref_slice %arg4[%add3A_28, %dma_start3A] : memref<1280x125xi32, #tpu.memory_space<hbm>> -> memref<40x125xi32, #tpu.memory_space<hbm>>
        %dma_start3A_80 = arith.constant 0 : i32
        %dma_start3A_81 = tpu.memref_slice %arg4[%add3A_28, %dma_start3A_80] : memref<1280x125xi32, #tpu.memory_space<hbm>> -> memref<40x125xi32, #tpu.memory_space<hbm>>
        tpu.enqueue_dma source(%dma_start3A_81 : memref<40x125xi32, #tpu.memory_space<hbm>>) target(%arg9 : memref<40x125xi32, #tpu.memory_space<vmem>>) target_semaphore(%run_scoped3A : memref<!tpu.dma_semaphore, #tpu.memory_space<semaphore_mem>>)
        %dma_wait3A_82 = arith.constant 0 : i32
        %dma_wait3A_83 = tpu.memref_slice %arg4[%add3A_28, %dma_wait3A_82] : memref<1280x125xi32, #tpu.memory_space<hbm>> -> memref<40x125xi32, #tpu.memory_space<hbm>>
        %dma_wait3A_84 = arith.constant 0 : i32
        %dma_wait3A_85 = tpu.memref_slice %arg4[%add3A_28, %dma_wait3A_84] : memref<1280x125xi32, #tpu.memory_space<hbm>> -> memref<40x125xi32, #tpu.memory_space<hbm>>
        tpu.wait_dma2 semaphore(%run_scoped3A : memref<!tpu.dma_semaphore, #tpu.memory_space<semaphore_mem>>) src(%dma_wait3A_85 : memref<40x125xi32, #tpu.memory_space<hbm>>) dst(%arg9 : memref<40x125xi32, #tpu.memory_space<vmem>>)
        tpu.yield
      }) : () -> ()
      %mul3A_29 = arith.constant 80 : i32
      %mul3A_30 = arith.muli %arg1, %mul3A_29 : i32
      %add3A_31 = arith.constant 0 : i32
      %add3A_32 = arith.addi %mul3A_30, %add3A_31 : i32
      "tpu.region"() ({
        %run_scoped3A = tpu.sem_alloc : memref<!tpu.dma_semaphore, #tpu.memory_space<semaphore_mem>>
        %dma_start3A = arith.constant 0 : i32
        %dma_start3A_79 = tpu.memref_slice %arg5[%add3A_32, %dma_start3A] : memref<1280x125xi32, #tpu.memory_space<hbm>> -> memref<40x125xi32, #tpu.memory_space<hbm>>
        %dma_start3A_80 = arith.constant 0 : i32
        %dma_start3A_81 = tpu.memref_slice %arg5[%add3A_32, %dma_start3A_80] : memref<1280x125xi32, #tpu.memory_space<hbm>> -> memref<40x125xi32, #tpu.memory_space<hbm>>
        tpu.enqueue_dma source(%dma_start3A_81 : memref<40x125xi32, #tpu.memory_space<hbm>>) target(%arg10 : memref<40x125xi32, #tpu.memory_space<vmem>>) target_semaphore(%run_scoped3A : memref<!tpu.dma_semaphore, #tpu.memory_space<semaphore_mem>>)
        %dma_wait3A_82 = arith.constant 0 : i32
        %dma_wait3A_83 = tpu.memref_slice %arg5[%add3A_32, %dma_wait3A_82] : memref<1280x125xi32, #tpu.memory_space<hbm>> -> memref<40x125xi32, #tpu.memory_space<hbm>>
        %dma_wait3A_84 = arith.constant 0 : i32
        %dma_wait3A_85 = tpu.memref_slice %arg5[%add3A_32, %dma_wait3A_84] : memref<1280x125xi32, #tpu.memory_space<hbm>> -> memref<40x125xi32, #tpu.memory_space<hbm>>
        tpu.wait_dma2 semaphore(%run_scoped3A : memref<!tpu.dma_semaphore, #tpu.memory_space<semaphore_mem>>) src(%dma_wait3A_85 : memref<40x125xi32, #tpu.memory_space<hbm>>) dst(%arg10 : memref<40x125xi32, #tpu.memory_space<vmem>>)
        tpu.yield
      }) : () -> ()
      %scan3A = arith.constant 0 : i32
      %scan3A_33 = arith.constant 0 : i32
      %scan3A_34 = arith.constant 20 : i32
      %scan3A_35 = arith.addi %scan3A_33, %scan3A_34 : i32
      %scan3A_36 = arith.constant 1 : i32
      scf.for %scan3A_79 = %scan3A_33 to %scan3A_35 step %scan3A_36  : i32 {
        %mul3A_80 = arith.constant 2 : i32
        %mul3A_81 = arith.muli %mul3A_80, %scan3A_79 : i32
        %gt3A = arith.constant 0 : i32
        %gt3A_82 = arith.cmpi sgt, %scan3A_79, %gt3A : i32
        %convert_element_type3A_83 = arith.extui %gt3A_82 : i1 to i32
        %cond3A_84 = arith.constant 0 : i32
        %cond3A_85 = arith.cmpi ne, %convert_element_type3A_83, %cond3A_84 : i32
        scf.if %cond3A_85 {
          %dma_wait3A_130 = arith.constant 0 : i32
          %dma_wait3A_131 = arith.constant 0 : i32
          %dma_wait3A_132 = tpu.memref_slice %arg10[%dma_wait3A_130, %dma_wait3A_131] : memref<40x125xi32, #tpu.memory_space<vmem>> -> memref<1x125xi32, #tpu.memory_space<vmem>>
          %dma_wait3A_133 = tpu.memref_squeeze %dma_wait3A_132 : memref<1x125xi32, #tpu.memory_space<vmem>> -> memref<125xi32, #tpu.memory_space<vmem>>
          %dma_wait3A_134 = arith.constant 0 : i32
          %dma_wait3A_135 = arith.constant 0 : i32
          %dma_wait3A_136 = tpu.memref_slice %arg13[%dma_wait3A_134, %dma_wait3A_135] : memref<10000x128xbf16, #tpu.memory_space<vmem_shared>> -> memref<10000x128xbf16, #tpu.memory_space<vmem_shared>>
          tpu.wait_indirect_dma semaphore(%arg16 : memref<!tpu.dma_semaphore, #tpu.memory_space<semaphore_mem>>) src(%arg11 : memref<125x128xbf16, #tpu.memory_space<vmem>>) dst(%dma_wait3A_136 : memref<10000x128xbf16, #tpu.memory_space<vmem_shared>>)
        } else {
        }
        %dma_start3A = arith.constant 0 : i32
        %dma_start3A_86 = tpu.memref_slice %arg9[%mul3A_81, %dma_start3A] : memref<40x125xi32, #tpu.memory_space<vmem>> -> memref<1x125xi32, #tpu.memory_space<vmem>>
        %dma_start3A_87 = tpu.memref_squeeze %dma_start3A_86 : memref<1x125xi32, #tpu.memory_space<vmem>> -> memref<125xi32, #tpu.memory_space<vmem>>
        %dma_start3A_88 = arith.constant 0 : i32
        %dma_start3A_89 = arith.constant 0 : i32
        %dma_start3A_90 = tpu.memref_slice %arg3[%dma_start3A_88, %dma_start3A_89] : memref<10000x128xbf16, #tpu.memory_space<hbm>> -> memref<10000x128xbf16, #tpu.memory_space<hbm>>
        tpu.enqueue_indirect_dma source(%dma_start3A_90 : memref<10000x128xbf16, #tpu.memory_space<hbm>>) target(%arg11 : memref<125x128xbf16, #tpu.memory_space<vmem>>) offsets(%dma_start3A_87 : memref<125xi32, #tpu.memory_space<vmem>>) semaphore(%arg14 : memref<!tpu.dma_semaphore, #tpu.memory_space<semaphore_mem>>)
        %gt3A_91 = arith.constant 0 : i32
        %gt3A_92 = arith.cmpi sgt, %scan3A_79, %gt3A_91 : i32
        %convert_element_type3A_93 = arith.extui %gt3A_92 : i1 to i32
        %cond3A_94 = arith.constant 0 : i32
        %cond3A_95 = arith.cmpi ne, %convert_element_type3A_93, %cond3A_94 : i32
        scf.if %cond3A_95 {
          %dma_wait3A_130 = arith.constant 0 : i32
          %dma_wait3A_131 = arith.constant 0 : i32
          %dma_wait3A_132 = tpu.memref_slice %arg10[%dma_wait3A_130, %dma_wait3A_131] : memref<40x125xi32, #tpu.memory_space<vmem>> -> memref<1x125xi32, #tpu.memory_space<vmem>>
          %dma_wait3A_133 = tpu.memref_squeeze %dma_wait3A_132 : memref<1x125xi32, #tpu.memory_space<vmem>> -> memref<125xi32, #tpu.memory_space<vmem>>
          %dma_wait3A_134 = arith.constant 0 : i32
          %dma_wait3A_135 = arith.constant 0 : i32
          %dma_wait3A_136 = tpu.memref_slice %arg13[%dma_wait3A_134, %dma_wait3A_135] : memref<10000x128xbf16, #tpu.memory_space<vmem_shared>> -> memref<10000x128xbf16, #tpu.memory_space<vmem_shared>>
          tpu.wait_indirect_dma semaphore(%arg17 : memref<!tpu.dma_semaphore, #tpu.memory_space<semaphore_mem>>) src(%arg12 : memref<125x128xbf16, #tpu.memory_space<vmem>>) dst(%dma_wait3A_136 : memref<10000x128xbf16, #tpu.memory_space<vmem_shared>>)
        } else {
        }
        %add3A_96 = arith.constant 1 : i32
        %add3A_97 = arith.addi %mul3A_81, %add3A_96 : i32
        %dma_start3A_98 = arith.constant 0 : i32
        %dma_start3A_99 = tpu.memref_slice %arg9[%add3A_97, %dma_start3A_98] : memref<40x125xi32, #tpu.memory_space<vmem>> -> memref<1x125xi32, #tpu.memory_space<vmem>>
        %dma_start3A_100 = tpu.memref_squeeze %dma_start3A_99 : memref<1x125xi32, #tpu.memory_space<vmem>> -> memref<125xi32, #tpu.memory_space<vmem>>
        %dma_start3A_101 = arith.constant 0 : i32
        %dma_start3A_102 = arith.constant 0 : i32
        %dma_start3A_103 = tpu.memref_slice %arg3[%dma_start3A_101, %dma_start3A_102] : memref<10000x128xbf16, #tpu.memory_space<hbm>> -> memref<10000x128xbf16, #tpu.memory_space<hbm>>
        tpu.enqueue_indirect_dma source(%dma_start3A_103 : memref<10000x128xbf16, #tpu.memory_space<hbm>>) target(%arg12 : memref<125x128xbf16, #tpu.memory_space<vmem>>) offsets(%dma_start3A_100 : memref<125xi32, #tpu.memory_space<vmem>>) semaphore(%arg15 : memref<!tpu.dma_semaphore, #tpu.memory_space<semaphore_mem>>)
        %dma_wait3A_104 = arith.constant 0 : i32
        %dma_wait3A_105 = tpu.memref_slice %arg9[%mul3A_81, %dma_wait3A_104] : memref<40x125xi32, #tpu.memory_space<vmem>> -> memref<1x125xi32, #tpu.memory_space<vmem>>
        %dma_wait3A_106 = tpu.memref_squeeze %dma_wait3A_105 : memref<1x125xi32, #tpu.memory_space<vmem>> -> memref<125xi32, #tpu.memory_space<vmem>>
        %dma_wait3A_107 = arith.constant 0 : i32
        %dma_wait3A_108 = arith.constant 0 : i32
        %dma_wait3A_109 = tpu.memref_slice %arg3[%dma_wait3A_107, %dma_wait3A_108] : memref<10000x128xbf16, #tpu.memory_space<hbm>> -> memref<10000x128xbf16, #tpu.memory_space<hbm>>
        tpu.wait_indirect_dma semaphore(%arg14 : memref<!tpu.dma_semaphore, #tpu.memory_space<semaphore_mem>>) src(%dma_wait3A_109 : memref<10000x128xbf16, #tpu.memory_space<hbm>>) dst(%arg11 : memref<125x128xbf16, #tpu.memory_space<vmem>>)
        %dma_start3A_110 = arith.constant 0 : i32
        %dma_start3A_111 = tpu.memref_slice %arg10[%mul3A_81, %dma_start3A_110] : memref<40x125xi32, #tpu.memory_space<vmem>> -> memref<1x125xi32, #tpu.memory_space<vmem>>
        %dma_start3A_112 = tpu.memref_squeeze %dma_start3A_111 : memref<1x125xi32, #tpu.memory_space<vmem>> -> memref<125xi32, #tpu.memory_space<vmem>>
        %dma_start3A_113 = arith.constant 0 : i32
        %dma_start3A_114 = arith.constant 0 : i32
        %dma_start3A_115 = tpu.memref_slice %arg13[%dma_start3A_113, %dma_start3A_114] : memref<10000x128xbf16, #tpu.memory_space<vmem_shared>> -> memref<10000x128xbf16, #tpu.memory_space<vmem_shared>>
        tpu.enqueue_indirect_dma source(%arg11 : memref<125x128xbf16, #tpu.memory_space<vmem>>) target(%dma_start3A_115 : memref<10000x128xbf16, #tpu.memory_space<vmem_shared>>) offsets(%dma_start3A_112 : memref<125xi32, #tpu.memory_space<vmem>>) semaphore(%arg16 : memref<!tpu.dma_semaphore, #tpu.memory_space<semaphore_mem>>) {add = true}
        %dma_wait3A_116 = arith.constant 0 : i32
        %dma_wait3A_117 = tpu.memref_slice %arg9[%add3A_97, %dma_wait3A_116] : memref<40x125xi32, #tpu.memory_space<vmem>> -> memref<1x125xi32, #tpu.memory_space<vmem>>
        %dma_wait3A_118 = tpu.memref_squeeze %dma_wait3A_117 : memref<1x125xi32, #tpu.memory_space<vmem>> -> memref<125xi32, #tpu.memory_space<vmem>>
        %dma_wait3A_119 = arith.constant 0 : i32
        %dma_wait3A_120 = arith.constant 0 : i32
        %dma_wait3A_121 = tpu.memref_slice %arg3[%dma_wait3A_119, %dma_wait3A_120] : memref<10000x128xbf16, #tpu.memory_space<hbm>> -> memref<10000x128xbf16, #tpu.memory_space<hbm>>
        tpu.wait_indirect_dma semaphore(%arg15 : memref<!tpu.dma_semaphore, #tpu.memory_space<semaphore_mem>>) src(%dma_wait3A_121 : memref<10000x128xbf16, #tpu.memory_space<hbm>>) dst(%arg12 : memref<125x128xbf16, #tpu.memory_space<vmem>>)
        %add3A_122 = arith.constant 1 : i32
        %add3A_123 = arith.addi %mul3A_81, %add3A_122 : i32
        %dma_start3A_124 = arith.constant 0 : i32
        %dma_start3A_125 = tpu.memref_slice %arg10[%add3A_123, %dma_start3A_124] : memref<40x125xi32, #tpu.memory_space<vmem>> -> memref<1x125xi32, #tpu.memory_space<vmem>>
        %dma_start3A_126 = tpu.memref_squeeze %dma_start3A_125 : memref<1x125xi32, #tpu.memory_space<vmem>> -> memref<125xi32, #tpu.memory_space<vmem>>
        %dma_start3A_127 = arith.constant 0 : i32
        %dma_start3A_128 = arith.constant 0 : i32
        %dma_start3A_129 = tpu.memref_slice %arg13[%dma_start3A_127, %dma_start3A_128] : memref<10000x128xbf16, #tpu.memory_space<vmem_shared>> -> memref<10000x128xbf16, #tpu.memory_space<vmem_shared>>
        tpu.enqueue_indirect_dma source(%arg12 : memref<125x128xbf16, #tpu.memory_space<vmem>>) target(%dma_start3A_129 : memref<10000x128xbf16, #tpu.memory_space<vmem_shared>>) offsets(%dma_start3A_126 : memref<125xi32, #tpu.memory_space<vmem>>) semaphore(%arg17 : memref<!tpu.dma_semaphore, #tpu.memory_space<semaphore_mem>>) {add = true}
      }
      %scan3A_37 = arith.constant 20 : i32
      %dma_wait3A = arith.constant 0 : i32
      %dma_wait3A_38 = arith.constant 0 : i32
      %dma_wait3A_39 = tpu.memref_slice %arg10[%dma_wait3A, %dma_wait3A_38] : memref<40x125xi32, #tpu.memory_space<vmem>> -> memref<1x125xi32, #tpu.memory_space<vmem>>
      %dma_wait3A_40 = tpu.memref_squeeze %dma_wait3A_39 : memref<1x125xi32, #tpu.memory_space<vmem>> -> memref<125xi32, #tpu.memory_space<vmem>>
      %dma_wait3A_41 = arith.constant 0 : i32
      %dma_wait3A_42 = arith.constant 0 : i32
      %dma_wait3A_43 = tpu.memref_slice %arg13[%dma_wait3A_41, %dma_wait3A_42] : memref<10000x128xbf16, #tpu.memory_space<vmem_shared>> -> memref<10000x128xbf16, #tpu.memory_space<vmem_shared>>
      tpu.wait_indirect_dma semaphore(%arg16 : memref<!tpu.dma_semaphore, #tpu.memory_space<semaphore_mem>>) src(%arg11 : memref<125x128xbf16, #tpu.memory_space<vmem>>) dst(%dma_wait3A_43 : memref<10000x128xbf16, #tpu.memory_space<vmem_shared>>)
      %dma_wait3A_44 = arith.constant 0 : i32
      %dma_wait3A_45 = arith.constant 0 : i32
      %dma_wait3A_46 = tpu.memref_slice %arg10[%dma_wait3A_44, %dma_wait3A_45] : memref<40x125xi32, #tpu.memory_space<vmem>> -> memref<1x125xi32, #tpu.memory_space<vmem>>
      %dma_wait3A_47 = tpu.memref_squeeze %dma_wait3A_46 : memref<1x125xi32, #tpu.memory_space<vmem>> -> memref<125xi32, #tpu.memory_space<vmem>>
      %dma_wait3A_48 = arith.constant 0 : i32
      %dma_wait3A_49 = arith.constant 0 : i32
      %dma_wait3A_50 = tpu.memref_slice %arg13[%dma_wait3A_48, %dma_wait3A_49] : memref<10000x128xbf16, #tpu.memory_space<vmem_shared>> -> memref<10000x128xbf16, #tpu.memory_space<vmem_shared>>
      tpu.wait_indirect_dma semaphore(%arg17 : memref<!tpu.dma_semaphore, #tpu.memory_space<semaphore_mem>>) src(%arg12 : memref<125x128xbf16, #tpu.memory_space<vmem>>) dst(%dma_wait3A_50 : memref<10000x128xbf16, #tpu.memory_space<vmem_shared>>)
      %mul3A_51 = arith.constant 80 : i32
      %mul3A_52 = arith.muli %arg1, %mul3A_51 : i32
      %add3A_53 = arith.constant 40 : i32
      %add3A_54 = arith.addi %mul3A_52, %add3A_53 : i32
      "tpu.region"() ({
        %run_scoped3A = tpu.sem_alloc : memref<!tpu.dma_semaphore, #tpu.memory_space<semaphore_mem>>
        %dma_start3A = arith.constant 0 : i32
        %dma_start3A_79 = tpu.memref_slice %arg4[%add3A_54, %dma_start3A] : memref<1280x125xi32, #tpu.memory_space<hbm>> -> memref<40x125xi32, #tpu.memory_space<hbm>>
        %dma_start3A_80 = arith.constant 0 : i32
        %dma_start3A_81 = tpu.memref_slice %arg4[%add3A_54, %dma_start3A_80] : memref<1280x125xi32, #tpu.memory_space<hbm>> -> memref<40x125xi32, #tpu.memory_space<hbm>>
        tpu.enqueue_dma source(%dma_start3A_81 : memref<40x125xi32, #tpu.memory_space<hbm>>) target(%arg9 : memref<40x125xi32, #tpu.memory_space<vmem>>) target_semaphore(%run_scoped3A : memref<!tpu.dma_semaphore, #tpu.memory_space<semaphore_mem>>)
        %dma_wait3A_82 = arith.constant 0 : i32
        %dma_wait3A_83 = tpu.memref_slice %arg4[%add3A_54, %dma_wait3A_82] : memref<1280x125xi32, #tpu.memory_space<hbm>> -> memref<40x125xi32, #tpu.memory_space<hbm>>
        %dma_wait3A_84 = arith.constant 0 : i32
        %dma_wait3A_85 = tpu.memref_slice %arg4[%add3A_54, %dma_wait3A_84] : memref<1280x125xi32, #tpu.memory_space<hbm>> -> memref<40x125xi32, #tpu.memory_space<hbm>>
        tpu.wait_dma2 semaphore(%run_scoped3A : memref<!tpu.dma_semaphore, #tpu.memory_space<semaphore_mem>>) src(%dma_wait3A_85 : memref<40x125xi32, #tpu.memory_space<hbm>>) dst(%arg9 : memref<40x125xi32, #tpu.memory_space<vmem>>)
        tpu.yield
      }) : () -> ()
      %mul3A_55 = arith.constant 80 : i32
      %mul3A_56 = arith.muli %arg1, %mul3A_55 : i32
      %add3A_57 = arith.constant 40 : i32
      %add3A_58 = arith.addi %mul3A_56, %add3A_57 : i32
      "tpu.region"() ({
        %run_scoped3A = tpu.sem_alloc : memref<!tpu.dma_semaphore, #tpu.memory_space<semaphore_mem>>
        %dma_start3A = arith.constant 0 : i32
        %dma_start3A_79 = tpu.memref_slice %arg5[%add3A_58, %dma_start3A] : memref<1280x125xi32, #tpu.memory_space<hbm>> -> memref<40x125xi32, #tpu.memory_space<hbm>>
        %dma_start3A_80 = arith.constant 0 : i32
        %dma_start3A_81 = tpu.memref_slice %arg5[%add3A_58, %dma_start3A_80] : memref<1280x125xi32, #tpu.memory_space<hbm>> -> memref<40x125xi32, #tpu.memory_space<hbm>>
        tpu.enqueue_dma source(%dma_start3A_81 : memref<40x125xi32, #tpu.memory_space<hbm>>) target(%arg10 : memref<40x125xi32, #tpu.memory_space<vmem>>) target_semaphore(%run_scoped3A : memref<!tpu.dma_semaphore, #tpu.memory_space<semaphore_mem>>)
        %dma_wait3A_82 = arith.constant 0 : i32
        %dma_wait3A_83 = tpu.memref_slice %arg5[%add3A_58, %dma_wait3A_82] : memref<1280x125xi32, #tpu.memory_space<hbm>> -> memref<40x125xi32, #tpu.memory_space<hbm>>
        %dma_wait3A_84 = arith.constant 0 : i32
        %dma_wait3A_85 = tpu.memref_slice %arg5[%add3A_58, %dma_wait3A_84] : memref<1280x125xi32, #tpu.memory_space<hbm>> -> memref<40x125xi32, #tpu.memory_space<hbm>>
        tpu.wait_dma2 semaphore(%run_scoped3A : memref<!tpu.dma_semaphore, #tpu.memory_space<semaphore_mem>>) src(%dma_wait3A_85 : memref<40x125xi32, #tpu.memory_space<hbm>>) dst(%arg10 : memref<40x125xi32, #tpu.memory_space<vmem>>)
        tpu.yield
      }) : () -> ()
      %scan3A_59 = arith.constant 0 : i32
      %scan3A_60 = arith.constant 0 : i32
      %scan3A_61 = arith.constant 20 : i32
      %scan3A_62 = arith.addi %scan3A_60, %scan3A_61 : i32
      %scan3A_63 = arith.constant 1 : i32
      scf.for %scan3A_79 = %scan3A_60 to %scan3A_62 step %scan3A_63  : i32 {
        %mul3A_80 = arith.constant 2 : i32
        %mul3A_81 = arith.muli %mul3A_80, %scan3A_79 : i32
        %gt3A = arith.constant 0 : i32
        %gt3A_82 = arith.cmpi sgt, %scan3A_79, %gt3A : i32
        %convert_element_type3A_83 = arith.extui %gt3A_82 : i1 to i32
        %cond3A_84 = arith.constant 0 : i32
        %cond3A_85 = arith.cmpi ne, %convert_element_type3A_83, %cond3A_84 : i32
        scf.if %cond3A_85 {
          %dma_wait3A_130 = arith.constant 0 : i32
          %dma_wait3A_131 = arith.constant 0 : i32
          %dma_wait3A_132 = tpu.memref_slice %arg10[%dma_wait3A_130, %dma_wait3A_131] : memref<40x125xi32, #tpu.memory_space<vmem>> -> memref<1x125xi32, #tpu.memory_space<vmem>>
          %dma_wait3A_133 = tpu.memref_squeeze %dma_wait3A_132 : memref<1x125xi32, #tpu.memory_space<vmem>> -> memref<125xi32, #tpu.memory_space<vmem>>
          %dma_wait3A_134 = arith.constant 0 : i32
          %dma_wait3A_135 = arith.constant 0 : i32
          %dma_wait3A_136 = tpu.memref_slice %arg13[%dma_wait3A_134, %dma_wait3A_135] : memref<10000x128xbf16, #tpu.memory_space<vmem_shared>> -> memref<10000x128xbf16, #tpu.memory_space<vmem_shared>>
          tpu.wait_indirect_dma semaphore(%arg16 : memref<!tpu.dma_semaphore, #tpu.memory_space<semaphore_mem>>) src(%arg11 : memref<125x128xbf16, #tpu.memory_space<vmem>>) dst(%dma_wait3A_136 : memref<10000x128xbf16, #tpu.memory_space<vmem_shared>>)
        } else {
        }
        %dma_start3A = arith.constant 0 : i32
        %dma_start3A_86 = tpu.memref_slice %arg9[%mul3A_81, %dma_start3A] : memref<40x125xi32, #tpu.memory_space<vmem>> -> memref<1x125xi32, #tpu.memory_space<vmem>>
        %dma_start3A_87 = tpu.memref_squeeze %dma_start3A_86 : memref<1x125xi32, #tpu.memory_space<vmem>> -> memref<125xi32, #tpu.memory_space<vmem>>
        %dma_start3A_88 = arith.constant 0 : i32
        %dma_start3A_89 = arith.constant 0 : i32
        %dma_start3A_90 = tpu.memref_slice %arg3[%dma_start3A_88, %dma_start3A_89] : memref<10000x128xbf16, #tpu.memory_space<hbm>> -> memref<10000x128xbf16, #tpu.memory_space<hbm>>
        tpu.enqueue_indirect_dma source(%dma_start3A_90 : memref<10000x128xbf16, #tpu.memory_space<hbm>>) target(%arg11 : memref<125x128xbf16, #tpu.memory_space<vmem>>) offsets(%dma_start3A_87 : memref<125xi32, #tpu.memory_space<vmem>>) semaphore(%arg14 : memref<!tpu.dma_semaphore, #tpu.memory_space<semaphore_mem>>)
        %gt3A_91 = arith.constant 0 : i32
        %gt3A_92 = arith.cmpi sgt, %scan3A_79, %gt3A_91 : i32
        %convert_element_type3A_93 = arith.extui %gt3A_92 : i1 to i32
        %cond3A_94 = arith.constant 0 : i32
        %cond3A_95 = arith.cmpi ne, %convert_element_type3A_93, %cond3A_94 : i32
        scf.if %cond3A_95 {
          %dma_wait3A_130 = arith.constant 0 : i32
          %dma_wait3A_131 = arith.constant 0 : i32
          %dma_wait3A_132 = tpu.memref_slice %arg10[%dma_wait3A_130, %dma_wait3A_131] : memref<40x125xi32, #tpu.memory_space<vmem>> -> memref<1x125xi32, #tpu.memory_space<vmem>>
          %dma_wait3A_133 = tpu.memref_squeeze %dma_wait3A_132 : memref<1x125xi32, #tpu.memory_space<vmem>> -> memref<125xi32, #tpu.memory_space<vmem>>
          %dma_wait3A_134 = arith.constant 0 : i32
          %dma_wait3A_135 = arith.constant 0 : i32
          %dma_wait3A_136 = tpu.memref_slice %arg13[%dma_wait3A_134, %dma_wait3A_135] : memref<10000x128xbf16, #tpu.memory_space<vmem_shared>> -> memref<10000x128xbf16, #tpu.memory_space<vmem_shared>>
          tpu.wait_indirect_dma semaphore(%arg17 : memref<!tpu.dma_semaphore, #tpu.memory_space<semaphore_mem>>) src(%arg12 : memref<125x128xbf16, #tpu.memory_space<vmem>>) dst(%dma_wait3A_136 : memref<10000x128xbf16, #tpu.memory_space<vmem_shared>>)
        } else {
        }
        %add3A_96 = arith.constant 1 : i32
        %add3A_97 = arith.addi %mul3A_81, %add3A_96 : i32
        %dma_start3A_98 = arith.constant 0 : i32
        %dma_start3A_99 = tpu.memref_slice %arg9[%add3A_97, %dma_start3A_98] : memref<40x125xi32, #tpu.memory_space<vmem>> -> memref<1x125xi32, #tpu.memory_space<vmem>>
        %dma_start3A_100 = tpu.memref_squeeze %dma_start3A_99 : memref<1x125xi32, #tpu.memory_space<vmem>> -> memref<125xi32, #tpu.memory_space<vmem>>
        %dma_start3A_101 = arith.constant 0 : i32
        %dma_start3A_102 = arith.constant 0 : i32
        %dma_start3A_103 = tpu.memref_slice %arg3[%dma_start3A_101, %dma_start3A_102] : memref<10000x128xbf16, #tpu.memory_space<hbm>> -> memref<10000x128xbf16, #tpu.memory_space<hbm>>
        tpu.enqueue_indirect_dma source(%dma_start3A_103 : memref<10000x128xbf16, #tpu.memory_space<hbm>>) target(%arg12 : memref<125x128xbf16, #tpu.memory_space<vmem>>) offsets(%dma_start3A_100 : memref<125xi32, #tpu.memory_space<vmem>>) semaphore(%arg15 : memref<!tpu.dma_semaphore, #tpu.memory_space<semaphore_mem>>)
        %dma_wait3A_104 = arith.constant 0 : i32
        %dma_wait3A_105 = tpu.memref_slice %arg9[%mul3A_81, %dma_wait3A_104] : memref<40x125xi32, #tpu.memory_space<vmem>> -> memref<1x125xi32, #tpu.memory_space<vmem>>
        %dma_wait3A_106 = tpu.memref_squeeze %dma_wait3A_105 : memref<1x125xi32, #tpu.memory_space<vmem>> -> memref<125xi32, #tpu.memory_space<vmem>>
        %dma_wait3A_107 = arith.constant 0 : i32
        %dma_wait3A_108 = arith.constant 0 : i32
        %dma_wait3A_109 = tpu.memref_slice %arg3[%dma_wait3A_107, %dma_wait3A_108] : memref<10000x128xbf16, #tpu.memory_space<hbm>> -> memref<10000x128xbf16, #tpu.memory_space<hbm>>
        tpu.wait_indirect_dma semaphore(%arg14 : memref<!tpu.dma_semaphore, #tpu.memory_space<semaphore_mem>>) src(%dma_wait3A_109 : memref<10000x128xbf16, #tpu.memory_space<hbm>>) dst(%arg11 : memref<125x128xbf16, #tpu.memory_space<vmem>>)
        %dma_start3A_110 = arith.constant 0 : i32
        %dma_start3A_111 = tpu.memref_slice %arg10[%mul3A_81, %dma_start3A_110] : memref<40x125xi32, #tpu.memory_space<vmem>> -> memref<1x125xi32, #tpu.memory_space<vmem>>
        %dma_start3A_112 = tpu.memref_squeeze %dma_start3A_111 : memref<1x125xi32, #tpu.memory_space<vmem>> -> memref<125xi32, #tpu.memory_space<vmem>>
        %dma_start3A_113 = arith.constant 0 : i32
        %dma_start3A_114 = arith.constant 0 : i32
        %dma_start3A_115 = tpu.memref_slice %arg13[%dma_start3A_113, %dma_start3A_114] : memref<10000x128xbf16, #tpu.memory_space<vmem_shared>> -> memref<10000x128xbf16, #tpu.memory_space<vmem_shared>>
        tpu.enqueue_indirect_dma source(%arg11 : memref<125x128xbf16, #tpu.memory_space<vmem>>) target(%dma_start3A_115 : memref<10000x128xbf16, #tpu.memory_space<vmem_shared>>) offsets(%dma_start3A_112 : memref<125xi32, #tpu.memory_space<vmem>>) semaphore(%arg16 : memref<!tpu.dma_semaphore, #tpu.memory_space<semaphore_mem>>) {add = true}
        %dma_wait3A_116 = arith.constant 0 : i32
        %dma_wait3A_117 = tpu.memref_slice %arg9[%add3A_97, %dma_wait3A_116] : memref<40x125xi32, #tpu.memory_space<vmem>> -> memref<1x125xi32, #tpu.memory_space<vmem>>
        %dma_wait3A_118 = tpu.memref_squeeze %dma_wait3A_117 : memref<1x125xi32, #tpu.memory_space<vmem>> -> memref<125xi32, #tpu.memory_space<vmem>>
        %dma_wait3A_119 = arith.constant 0 : i32
        %dma_wait3A_120 = arith.constant 0 : i32
        %dma_wait3A_121 = tpu.memref_slice %arg3[%dma_wait3A_119, %dma_wait3A_120] : memref<10000x128xbf16, #tpu.memory_space<hbm>> -> memref<10000x128xbf16, #tpu.memory_space<hbm>>
        tpu.wait_indirect_dma semaphore(%arg15 : memref<!tpu.dma_semaphore, #tpu.memory_space<semaphore_mem>>) src(%dma_wait3A_121 : memref<10000x128xbf16, #tpu.memory_space<hbm>>) dst(%arg12 : memref<125x128xbf16, #tpu.memory_space<vmem>>)
        %add3A_122 = arith.constant 1 : i32
        %add3A_123 = arith.addi %mul3A_81, %add3A_122 : i32
        %dma_start3A_124 = arith.constant 0 : i32
        %dma_start3A_125 = tpu.memref_slice %arg10[%add3A_123, %dma_start3A_124] : memref<40x125xi32, #tpu.memory_space<vmem>> -> memref<1x125xi32, #tpu.memory_space<vmem>>
        %dma_start3A_126 = tpu.memref_squeeze %dma_start3A_125 : memref<1x125xi32, #tpu.memory_space<vmem>> -> memref<125xi32, #tpu.memory_space<vmem>>
        %dma_start3A_127 = arith.constant 0 : i32
        %dma_start3A_128 = arith.constant 0 : i32
        %dma_start3A_129 = tpu.memref_slice %arg13[%dma_start3A_127, %dma_start3A_128] : memref<10000x128xbf16, #tpu.memory_space<vmem_shared>> -> memref<10000x128xbf16, #tpu.memory_space<vmem_shared>>
        tpu.enqueue_indirect_dma source(%arg12 : memref<125x128xbf16, #tpu.memory_space<vmem>>) target(%dma_start3A_129 : memref<10000x128xbf16, #tpu.memory_space<vmem_shared>>) offsets(%dma_start3A_126 : memref<125xi32, #tpu.memory_space<vmem>>) semaphore(%arg17 : memref<!tpu.dma_semaphore, #tpu.memory_space<semaphore_mem>>) {add = true}
      }
      %scan3A_64 = arith.constant 20 : i32
      %dma_wait3A_65 = arith.constant 0 : i32
      %dma_wait3A_66 = arith.constant 0 : i32
      %dma_wait3A_67 = tpu.memref_slice %arg10[%dma_wait3A_65, %dma_wait3A_66] : memref<40x125xi32, #tpu.memory_space<vmem>> -> memref<1x125xi32, #tpu.memory_space<vmem>>
      %dma_wait3A_68 = tpu.memref_squeeze %dma_wait3A_67 : memref<1x125xi32, #tpu.memory_space<vmem>> -> memref<125xi32, #tpu.memory_space<vmem>>
      %dma_wait3A_69 = arith.constant 0 : i32
      %dma_wait3A_70 = arith.constant 0 : i32
      %dma_wait3A_71 = tpu.memref_slice %arg13[%dma_wait3A_69, %dma_wait3A_70] : memref<10000x128xbf16, #tpu.memory_space<vmem_shared>> -> memref<10000x128xbf16, #tpu.memory_space<vmem_shared>>
      tpu.wait_indirect_dma semaphore(%arg16 : memref<!tpu.dma_semaphore, #tpu.memory_space<semaphore_mem>>) src(%arg11 : memref<125x128xbf16, #tpu.memory_space<vmem>>) dst(%dma_wait3A_71 : memref<10000x128xbf16, #tpu.memory_space<vmem_shared>>)
      %dma_wait3A_72 = arith.constant 0 : i32
      %dma_wait3A_73 = arith.constant 0 : i32
      %dma_wait3A_74 = tpu.memref_slice %arg10[%dma_wait3A_72, %dma_wait3A_73] : memref<40x125xi32, #tpu.memory_space<vmem>> -> memref<1x125xi32, #tpu.memory_space<vmem>>
      %dma_wait3A_75 = tpu.memref_squeeze %dma_wait3A_74 : memref<1x125xi32, #tpu.memory_space<vmem>> -> memref<125xi32, #tpu.memory_space<vmem>>
      %dma_wait3A_76 = arith.constant 0 : i32
      %dma_wait3A_77 = arith.constant 0 : i32
      %dma_wait3A_78 = tpu.memref_slice %arg13[%dma_wait3A_76, %dma_wait3A_77] : memref<10000x128xbf16, #tpu.memory_space<vmem_shared>> -> memref<10000x128xbf16, #tpu.memory_space<vmem_shared>>
      tpu.wait_indirect_dma semaphore(%arg17 : memref<!tpu.dma_semaphore, #tpu.memory_space<semaphore_mem>>) src(%arg12 : memref<125x128xbf16, #tpu.memory_space<vmem>>) dst(%dma_wait3A_78 : memref<10000x128xbf16, #tpu.memory_space<vmem_shared>>)
    } else {
    }
    %barrier3A_11 = arith.constant 0 : index
    tpu.barrier barrier_id(%barrier3A_11)
    %eq3A_12 = arith.constant 0 : i32
    %eq3A_13 = arith.cmpi eq, %arg0, %eq3A_12 : i32
    %lt3A_14 = arith.constant 10 : i32
    %lt3A_15 = arith.cmpi slt, %arg1, %lt3A_14 : i32
    %and3A = arith.andi %eq3A_13, %lt3A_15 : i1
    %convert_element_type3A_16 = arith.extui %and3A : i1 to i32
    %cond3A_17 = arith.constant 0 : i32
    %cond3A_18 = arith.cmpi ne, %convert_element_type3A_16, %cond3A_17 : i32
    scf.if %cond3A_18 {
      %mul3A = arith.constant 1000 : i32
      %mul3A_27 = arith.muli %arg1, %mul3A : i32
      %mul3A_28 = arith.constant 1000 : i32
      %mul3A_29 = arith.muli %arg1, %mul3A_28 : i32
      "tpu.region"() ({
        %run_scoped3A = tpu.sem_alloc : memref<!tpu.dma_semaphore, #tpu.memory_space<semaphore_mem>>
        %dma_start3A = arith.constant 0 : i32
        %dma_start3A_30 = tpu.memref_slice %arg7[%mul3A_29, %dma_start3A] : memref<10000x128xbf16, #tpu.memory_space<hbm>> -> memref<1000x128xbf16, #tpu.memory_space<hbm>>
        %dma_start3A_31 = arith.constant 0 : i32
        %dma_start3A_32 = tpu.memref_slice %arg13[%mul3A_27, %dma_start3A_31] : memref<10000x128xbf16, #tpu.memory_space<vmem_shared>> -> memref<1000x128xbf16, #tpu.memory_space<vmem_shared>>
        tpu.enqueue_dma source(%dma_start3A_32 : memref<1000x128xbf16, #tpu.memory_space<vmem_shared>>) target(%dma_start3A_30 : memref<1000x128xbf16, #tpu.memory_space<hbm>>) target_semaphore(%run_scoped3A : memref<!tpu.dma_semaphore, #tpu.memory_space<semaphore_mem>>)
        %dma_wait3A = arith.constant 0 : i32
        %dma_wait3A_33 = tpu.memref_slice %arg7[%mul3A_29, %dma_wait3A] : memref<10000x128xbf16, #tpu.memory_space<hbm>> -> memref<1000x128xbf16, #tpu.memory_space<hbm>>
        %dma_wait3A_34 = arith.constant 0 : i32
        %dma_wait3A_35 = tpu.memref_slice %arg13[%mul3A_27, %dma_wait3A_34] : memref<10000x128xbf16, #tpu.memory_space<vmem_shared>> -> memref<1000x128xbf16, #tpu.memory_space<vmem_shared>>
        tpu.wait_dma2 semaphore(%run_scoped3A : memref<!tpu.dma_semaphore, #tpu.memory_space<semaphore_mem>>) src(%dma_wait3A_35 : memref<1000x128xbf16, #tpu.memory_space<vmem_shared>>) dst(%dma_wait3A_33 : memref<1000x128xbf16, #tpu.memory_space<hbm>>)
        tpu.yield
      }) : () -> ()
    } else {
    }
    %eq3A_19 = arith.constant 1 : i32
    %eq3A_20 = arith.cmpi eq, %arg0, %eq3A_19 : i32
    %lt3A_21 = arith.constant 10 : i32
    %lt3A_22 = arith.cmpi slt, %arg1, %lt3A_21 : i32
    %and3A_23 = arith.andi %eq3A_20, %lt3A_22 : i1
    %convert_element_type3A_24 = arith.extui %and3A_23 : i1 to i32
    %cond3A_25 = arith.constant 0 : i32
    %cond3A_26 = arith.cmpi ne, %convert_element_type3A_24, %cond3A_25 : i32
    scf.if %cond3A_26 {
      %mul3A = arith.constant 1000 : i32
      %mul3A_27 = arith.muli %arg1, %mul3A : i32
      %mul3A_28 = arith.constant 1000 : i32
      %mul3A_29 = arith.muli %arg1, %mul3A_28 : i32
      "tpu.region"() ({
        %run_scoped3A = tpu.sem_alloc : memref<!tpu.dma_semaphore, #tpu.memory_space<semaphore_mem>>
        %dma_start3A = arith.constant 0 : i32
        %dma_start3A_30 = tpu.memref_slice %arg8[%mul3A_29, %dma_start3A] : memref<10000x128xbf16, #tpu.memory_space<hbm>> -> memref<1000x128xbf16, #tpu.memory_space<hbm>>
        %dma_start3A_31 = arith.constant 0 : i32
        %dma_start3A_32 = tpu.memref_slice %arg13[%mul3A_27, %dma_start3A_31] : memref<10000x128xbf16, #tpu.memory_space<vmem_shared>> -> memref<1000x128xbf16, #tpu.memory_space<vmem_shared>>
        tpu.enqueue_dma source(%dma_start3A_32 : memref<1000x128xbf16, #tpu.memory_space<vmem_shared>>) target(%dma_start3A_30 : memref<1000x128xbf16, #tpu.memory_space<hbm>>) target_semaphore(%run_scoped3A : memref<!tpu.dma_semaphore, #tpu.memory_space<semaphore_mem>>)
        %dma_wait3A = arith.constant 0 : i32
        %dma_wait3A_33 = tpu.memref_slice %arg8[%mul3A_29, %dma_wait3A] : memref<10000x128xbf16, #tpu.memory_space<hbm>> -> memref<1000x128xbf16, #tpu.memory_space<hbm>>
        %dma_wait3A_34 = arith.constant 0 : i32
        %dma_wait3A_35 = tpu.memref_slice %arg13[%mul3A_27, %dma_wait3A_34] : memref<10000x128xbf16, #tpu.memory_space<vmem_shared>> -> memref<1000x128xbf16, #tpu.memory_space<vmem_shared>>
        tpu.wait_dma2 semaphore(%run_scoped3A : memref<!tpu.dma_semaphore, #tpu.memory_space<semaphore_mem>>) src(%dma_wait3A_35 : memref<1000x128xbf16, #tpu.memory_space<vmem_shared>>) dst(%dma_wait3A_33 : memref<1000x128xbf16, #tpu.memory_space<hbm>>)
        tpu.yield
      }) : () -> ()
    } else {
    }
    return
  }
}

#map = affine_map<(d0, d1) -> (0, 0)>
module attributes {stable_mosaic.version = 14 : i64} {
  func.func @_sc_deg(%arg0: i32, %arg1: i32, %arg2: memref<1280x125xi32, #tpu.memory_space<hbm>>, %arg3: memref<125x16xf32, #tpu.memory_space<hbm>>, %arg4: memref<1000x16xf32, #tpu.memory_space<hbm>>, %arg5: memref<10000x16xf32, #tpu.memory_space<hbm>>, %arg6: memref<10000x16xf32, #tpu.memory_space<hbm>>, %arg7: memref<40x125xi32, #tpu.memory_space<vmem>>, %arg8: memref<125x16xf32, #tpu.memory_space<vmem>>, %arg9: memref<1000x16xf32, #tpu.memory_space<vmem>>, %arg10: memref<10000x16xf32, #tpu.memory_space<vmem_shared>>) attributes {dimension_semantics = [#tpu.dimension_semantics<core_parallel>, #tpu.dimension_semantics<subcore_parallel>], iteration_bounds = array<i64: 2, 16>, scalar_prefetch = 0 : i64, scratch_operands = 4 : i64, tpu.core_type = #tpu.core_type<sc_vector_subcore>, window_params = [{transform_indices = #map}, {transform_indices = #map}, {transform_indices = #map}, {transform_indices = #map}, {transform_indices = #map}]} {
    %mul3A = arith.constant 2 : i32
    %mul3A_0 = arith.muli %arg1, %mul3A : i32
    %add3A = arith.addi %mul3A_0, %arg0 : i32
    %mul3A_1 = arith.constant 40 : i32
    %mul3A_2 = arith.muli %add3A, %mul3A_1 : i32
    "tpu.region"() ({
      %run_scoped3A = tpu.sem_alloc : memref<!tpu.dma_semaphore, #tpu.memory_space<semaphore_mem>>
      %dma_start3A = arith.constant 0 : i32
      %dma_start3A_25 = tpu.memref_slice %arg2[%mul3A_2, %dma_start3A] : memref<1280x125xi32, #tpu.memory_space<hbm>> -> memref<40x125xi32, #tpu.memory_space<hbm>>
      %dma_start3A_26 = arith.constant 0 : i32
      %dma_start3A_27 = tpu.memref_slice %arg2[%mul3A_2, %dma_start3A_26] : memref<1280x125xi32, #tpu.memory_space<hbm>> -> memref<40x125xi32, #tpu.memory_space<hbm>>
      tpu.enqueue_dma source(%dma_start3A_27 : memref<40x125xi32, #tpu.memory_space<hbm>>) target(%arg7 : memref<40x125xi32, #tpu.memory_space<vmem>>) target_semaphore(%run_scoped3A : memref<!tpu.dma_semaphore, #tpu.memory_space<semaphore_mem>>)
      %dma_wait3A = arith.constant 0 : i32
      %dma_wait3A_28 = tpu.memref_slice %arg2[%mul3A_2, %dma_wait3A] : memref<1280x125xi32, #tpu.memory_space<hbm>> -> memref<40x125xi32, #tpu.memory_space<hbm>>
      %dma_wait3A_29 = arith.constant 0 : i32
      %dma_wait3A_30 = tpu.memref_slice %arg2[%mul3A_2, %dma_wait3A_29] : memref<1280x125xi32, #tpu.memory_space<hbm>> -> memref<40x125xi32, #tpu.memory_space<hbm>>
      tpu.wait_dma2 semaphore(%run_scoped3A : memref<!tpu.dma_semaphore, #tpu.memory_space<semaphore_mem>>) src(%dma_wait3A_30 : memref<40x125xi32, #tpu.memory_space<hbm>>) dst(%arg7 : memref<40x125xi32, #tpu.memory_space<vmem>>)
      tpu.yield
    }) : () -> ()
    "tpu.region"() ({
      %run_scoped3A = tpu.sem_alloc : memref<!tpu.dma_semaphore, #tpu.memory_space<semaphore_mem>>
      tpu.enqueue_dma source(%arg3 : memref<125x16xf32, #tpu.memory_space<hbm>>) target(%arg8 : memref<125x16xf32, #tpu.memory_space<vmem>>) target_semaphore(%run_scoped3A : memref<!tpu.dma_semaphore, #tpu.memory_space<semaphore_mem>>)
      tpu.wait_dma2 semaphore(%run_scoped3A : memref<!tpu.dma_semaphore, #tpu.memory_space<semaphore_mem>>) src(%arg3 : memref<125x16xf32, #tpu.memory_space<hbm>>) dst(%arg8 : memref<125x16xf32, #tpu.memory_space<vmem>>)
      tpu.yield
    }) : () -> ()
    %lt3A = arith.constant 10 : i32
    %lt3A_3 = arith.cmpi slt, %arg1, %lt3A : i32
    %convert_element_type3A = arith.extui %lt3A_3 : i1 to i32
    %cond3A = arith.constant 0 : i32
    %cond3A_4 = arith.cmpi ne, %convert_element_type3A, %cond3A : i32
    scf.if %cond3A_4 {
      "tpu.region"() ({
        %run_scoped3A = tpu.sem_alloc : memref<!tpu.dma_semaphore, #tpu.memory_space<semaphore_mem>>
        tpu.enqueue_dma source(%arg4 : memref<1000x16xf32, #tpu.memory_space<hbm>>) target(%arg9 : memref<1000x16xf32, #tpu.memory_space<vmem>>) target_semaphore(%run_scoped3A : memref<!tpu.dma_semaphore, #tpu.memory_space<semaphore_mem>>)
        tpu.wait_dma2 semaphore(%run_scoped3A : memref<!tpu.dma_semaphore, #tpu.memory_space<semaphore_mem>>) src(%arg4 : memref<1000x16xf32, #tpu.memory_space<hbm>>) dst(%arg9 : memref<1000x16xf32, #tpu.memory_space<vmem>>)
        tpu.yield
      }) : () -> ()
      %mul3A_25 = arith.constant 1000 : i32
      %mul3A_26 = arith.muli %arg1, %mul3A_25 : i32
      "tpu.region"() ({
        %run_scoped3A = tpu.sem_alloc : memref<!tpu.dma_semaphore, #tpu.memory_space<semaphore_mem>>
        %dma_start3A = arith.constant 0 : i32
        %dma_start3A_27 = tpu.memref_slice %arg10[%mul3A_26, %dma_start3A] : memref<10000x16xf32, #tpu.memory_space<vmem_shared>> -> memref<1000x16xf32, #tpu.memory_space<vmem_shared>>
        %dma_start3A_28 = arith.constant 0 : i32
        %dma_start3A_29 = tpu.memref_slice %arg10[%mul3A_26, %dma_start3A_28] : memref<10000x16xf32, #tpu.memory_space<vmem_shared>> -> memref<1000x16xf32, #tpu.memory_space<vmem_shared>>
        tpu.enqueue_dma source(%arg9 : memref<1000x16xf32, #tpu.memory_space<vmem>>) target(%dma_start3A_29 : memref<1000x16xf32, #tpu.memory_space<vmem_shared>>) target_semaphore(%run_scoped3A : memref<!tpu.dma_semaphore, #tpu.memory_space<semaphore_mem>>)
        %dma_wait3A = arith.constant 0 : i32
        %dma_wait3A_30 = tpu.memref_slice %arg10[%mul3A_26, %dma_wait3A] : memref<10000x16xf32, #tpu.memory_space<vmem_shared>> -> memref<1000x16xf32, #tpu.memory_space<vmem_shared>>
        %dma_wait3A_31 = arith.constant 0 : i32
        %dma_wait3A_32 = tpu.memref_slice %arg10[%mul3A_26, %dma_wait3A_31] : memref<10000x16xf32, #tpu.memory_space<vmem_shared>> -> memref<1000x16xf32, #tpu.memory_space<vmem_shared>>
        tpu.wait_dma2 semaphore(%run_scoped3A : memref<!tpu.dma_semaphore, #tpu.memory_space<semaphore_mem>>) src(%arg9 : memref<1000x16xf32, #tpu.memory_space<vmem>>) dst(%dma_wait3A_32 : memref<1000x16xf32, #tpu.memory_space<vmem_shared>>)
        tpu.yield
      }) : () -> ()
    } else {
    }
    %barrier3A = arith.constant 0 : index
    tpu.barrier barrier_id(%barrier3A)
    %scan3A = arith.constant 0 : i32
    %scan3A_5 = arith.constant 0 : i32
    %scan3A_6 = arith.constant 40 : i32
    %scan3A_7 = arith.addi %scan3A_5, %scan3A_6 : i32
    %scan3A_8 = arith.constant 1 : i32
    scf.for %scan3A_25 = %scan3A_5 to %scan3A_7 step %scan3A_8  : i32 {
      "tpu.region"() ({
        %run_scoped3A = tpu.sem_alloc : memref<!tpu.dma_semaphore, #tpu.memory_space<semaphore_mem>>
        %dma_start3A = arith.constant 0 : i32
        %dma_start3A_26 = tpu.memref_slice %arg7[%scan3A_25, %dma_start3A] : memref<40x125xi32, #tpu.memory_space<vmem>> -> memref<1x125xi32, #tpu.memory_space<vmem>>
        %dma_start3A_27 = tpu.memref_squeeze %dma_start3A_26 : memref<1x125xi32, #tpu.memory_space<vmem>> -> memref<125xi32, #tpu.memory_space<vmem>>
        %dma_start3A_28 = arith.constant 0 : i32
        %dma_start3A_29 = arith.constant 0 : i32
        %dma_start3A_30 = tpu.memref_slice %arg10[%dma_start3A_28, %dma_start3A_29] : memref<10000x16xf32, #tpu.memory_space<vmem_shared>> -> memref<10000x16xf32, #tpu.memory_space<vmem_shared>>
        tpu.enqueue_indirect_dma source(%arg8 : memref<125x16xf32, #tpu.memory_space<vmem>>) target(%dma_start3A_30 : memref<10000x16xf32, #tpu.memory_space<vmem_shared>>) offsets(%dma_start3A_27 : memref<125xi32, #tpu.memory_space<vmem>>) semaphore(%run_scoped3A : memref<!tpu.dma_semaphore, #tpu.memory_space<semaphore_mem>>) {add = true}
        %dma_wait3A = arith.constant 0 : i32
        %dma_wait3A_31 = tpu.memref_slice %arg7[%scan3A_25, %dma_wait3A] : memref<40x125xi32, #tpu.memory_space<vmem>> -> memref<1x125xi32, #tpu.memory_space<vmem>>
        %dma_wait3A_32 = tpu.memref_squeeze %dma_wait3A_31 : memref<1x125xi32, #tpu.memory_space<vmem>> -> memref<125xi32, #tpu.memory_space<vmem>>
        %dma_wait3A_33 = arith.constant 0 : i32
        %dma_wait3A_34 = arith.constant 0 : i32
        %dma_wait3A_35 = tpu.memref_slice %arg10[%dma_wait3A_33, %dma_wait3A_34] : memref<10000x16xf32, #tpu.memory_space<vmem_shared>> -> memref<10000x16xf32, #tpu.memory_space<vmem_shared>>
        tpu.wait_indirect_dma semaphore(%run_scoped3A : memref<!tpu.dma_semaphore, #tpu.memory_space<semaphore_mem>>) src(%arg8 : memref<125x16xf32, #tpu.memory_space<vmem>>) dst(%dma_wait3A_35 : memref<10000x16xf32, #tpu.memory_space<vmem_shared>>)
        tpu.yield
      }) : () -> ()
    }
    %scan3A_9 = arith.constant 40 : i32
    %barrier3A_10 = arith.constant 0 : index
    tpu.barrier barrier_id(%barrier3A_10)
    %eq3A = arith.constant 0 : i32
    %eq3A_11 = arith.cmpi eq, %arg0, %eq3A : i32
    %lt3A_12 = arith.constant 10 : i32
    %lt3A_13 = arith.cmpi slt, %arg1, %lt3A_12 : i32
    %and3A = arith.andi %eq3A_11, %lt3A_13 : i1
    %convert_element_type3A_14 = arith.extui %and3A : i1 to i32
    %cond3A_15 = arith.constant 0 : i32
    %cond3A_16 = arith.cmpi ne, %convert_element_type3A_14, %cond3A_15 : i32
    scf.if %cond3A_16 {
      %mul3A_25 = arith.constant 1000 : i32
      %mul3A_26 = arith.muli %arg1, %mul3A_25 : i32
      %mul3A_27 = arith.constant 1000 : i32
      %mul3A_28 = arith.muli %arg1, %mul3A_27 : i32
      "tpu.region"() ({
        %run_scoped3A = tpu.sem_alloc : memref<!tpu.dma_semaphore, #tpu.memory_space<semaphore_mem>>
        %dma_start3A = arith.constant 0 : i32
        %dma_start3A_29 = tpu.memref_slice %arg5[%mul3A_28, %dma_start3A] : memref<10000x16xf32, #tpu.memory_space<hbm>> -> memref<1000x16xf32, #tpu.memory_space<hbm>>
        %dma_start3A_30 = arith.constant 0 : i32
        %dma_start3A_31 = tpu.memref_slice %arg10[%mul3A_26, %dma_start3A_30] : memref<10000x16xf32, #tpu.memory_space<vmem_shared>> -> memref<1000x16xf32, #tpu.memory_space<vmem_shared>>
        tpu.enqueue_dma source(%dma_start3A_31 : memref<1000x16xf32, #tpu.memory_space<vmem_shared>>) target(%dma_start3A_29 : memref<1000x16xf32, #tpu.memory_space<hbm>>) target_semaphore(%run_scoped3A : memref<!tpu.dma_semaphore, #tpu.memory_space<semaphore_mem>>)
        %dma_wait3A = arith.constant 0 : i32
        %dma_wait3A_32 = tpu.memref_slice %arg5[%mul3A_28, %dma_wait3A] : memref<10000x16xf32, #tpu.memory_space<hbm>> -> memref<1000x16xf32, #tpu.memory_space<hbm>>
        %dma_wait3A_33 = arith.constant 0 : i32
        %dma_wait3A_34 = tpu.memref_slice %arg10[%mul3A_26, %dma_wait3A_33] : memref<10000x16xf32, #tpu.memory_space<vmem_shared>> -> memref<1000x16xf32, #tpu.memory_space<vmem_shared>>
        tpu.wait_dma2 semaphore(%run_scoped3A : memref<!tpu.dma_semaphore, #tpu.memory_space<semaphore_mem>>) src(%dma_wait3A_34 : memref<1000x16xf32, #tpu.memory_space<vmem_shared>>) dst(%dma_wait3A_32 : memref<1000x16xf32, #tpu.memory_space<hbm>>)
        tpu.yield
      }) : () -> ()
    } else {
    }
    %eq3A_17 = arith.constant 1 : i32
    %eq3A_18 = arith.cmpi eq, %arg0, %eq3A_17 : i32
    %lt3A_19 = arith.constant 10 : i32
    %lt3A_20 = arith.cmpi slt, %arg1, %lt3A_19 : i32
    %and3A_21 = arith.andi %eq3A_18, %lt3A_20 : i1
    %convert_element_type3A_22 = arith.extui %and3A_21 : i1 to i32
    %cond3A_23 = arith.constant 0 : i32
    %cond3A_24 = arith.cmpi ne, %convert_element_type3A_22, %cond3A_23 : i32
    scf.if %cond3A_24 {
      %mul3A_25 = arith.constant 1000 : i32
      %mul3A_26 = arith.muli %arg1, %mul3A_25 : i32
      %mul3A_27 = arith.constant 1000 : i32
      %mul3A_28 = arith.muli %arg1, %mul3A_27 : i32
      "tpu.region"() ({
        %run_scoped3A = tpu.sem_alloc : memref<!tpu.dma_semaphore, #tpu.memory_space<semaphore_mem>>
        %dma_start3A = arith.constant 0 : i32
        %dma_start3A_29 = tpu.memref_slice %arg6[%mul3A_28, %dma_start3A] : memref<10000x16xf32, #tpu.memory_space<hbm>> -> memref<1000x16xf32, #tpu.memory_space<hbm>>
        %dma_start3A_30 = arith.constant 0 : i32
        %dma_start3A_31 = tpu.memref_slice %arg10[%mul3A_26, %dma_start3A_30] : memref<10000x16xf32, #tpu.memory_space<vmem_shared>> -> memref<1000x16xf32, #tpu.memory_space<vmem_shared>>
        tpu.enqueue_dma source(%dma_start3A_31 : memref<1000x16xf32, #tpu.memory_space<vmem_shared>>) target(%dma_start3A_29 : memref<1000x16xf32, #tpu.memory_space<hbm>>) target_semaphore(%run_scoped3A : memref<!tpu.dma_semaphore, #tpu.memory_space<semaphore_mem>>)
        %dma_wait3A = arith.constant 0 : i32
        %dma_wait3A_32 = tpu.memref_slice %arg6[%mul3A_28, %dma_wait3A] : memref<10000x16xf32, #tpu.memory_space<hbm>> -> memref<1000x16xf32, #tpu.memory_space<hbm>>
        %dma_wait3A_33 = arith.constant 0 : i32
        %dma_wait3A_34 = tpu.memref_slice %arg10[%mul3A_26, %dma_wait3A_33] : memref<10000x16xf32, #tpu.memory_space<vmem_shared>> -> memref<1000x16xf32, #tpu.memory_space<vmem_shared>>
        tpu.wait_dma2 semaphore(%run_scoped3A : memref<!tpu.dma_semaphore, #tpu.memory_space<semaphore_mem>>) src(%dma_wait3A_34 : memref<1000x16xf32, #tpu.memory_space<vmem_shared>>) dst(%dma_wait3A_32 : memref<1000x16xf32, #tpu.memory_space<hbm>>)
        tpu.yield
      }) : () -> ()
    } else {
    }
    return
  }
}

#map = affine_map<(d0, d1) -> (0, 0)>
module attributes {stable_mosaic.version = 14 : i64} {
  func.func @_sc_apply_fs(%arg0: i32, %arg1: i32, %arg2: memref<10000x128xbf16, #tpu.memory_space<hbm>>, %arg3: memref<10000x128xbf16, #tpu.memory_space<hbm>>, %arg4: memref<1280x125xi32, #tpu.memory_space<hbm>>, %arg5: memref<1280x125xi32, #tpu.memory_space<hbm>>, %arg6: memref<125x128xbf16, #tpu.memory_space<hbm>>, %arg7: memref<10000x128xbf16, #tpu.memory_space<hbm>>, %arg8: memref<10000x128xbf16, #tpu.memory_space<hbm>>, %arg9: memref<40x125xi32, #tpu.memory_space<vmem>>, %arg10: memref<40x125xi32, #tpu.memory_space<vmem>>, %arg11: memref<125x128xbf16, #tpu.memory_space<vmem>>, %arg12: memref<125x128xbf16, #tpu.memory_space<vmem>>, %arg13: memref<10000x128xbf16, #tpu.memory_space<vmem_shared>>, %arg14: memref<!tpu.dma_semaphore, #tpu.memory_space<semaphore_mem>>, %arg15: memref<!tpu.dma_semaphore, #tpu.memory_space<semaphore_mem>>, %arg16: memref<!tpu.dma_semaphore, #tpu.memory_space<semaphore_mem>>, %arg17: memref<!tpu.dma_semaphore, #tpu.memory_space<semaphore_mem>>) attributes {dimension_semantics = [#tpu.dimension_semantics<core_parallel>, #tpu.dimension_semantics<subcore_parallel>], iteration_bounds = array<i64: 2, 16>, scalar_prefetch = 0 : i64, scratch_operands = 9 : i64, tpu.core_type = #tpu.core_type<sc_vector_subcore>, window_params = [{transform_indices = #map}, {transform_indices = #map}, {transform_indices = #map}, {transform_indices = #map}, {transform_indices = #map}, {transform_indices = #map}, {transform_indices = #map}]} {
    %lt3A = arith.constant 10 : i32
    %lt3A_0 = arith.cmpi slt, %arg1, %lt3A : i32
    %convert_element_type3A = arith.extui %lt3A_0 : i1 to i32
    %cond3A = arith.constant 0 : i32
    %cond3A_1 = arith.cmpi ne, %convert_element_type3A, %cond3A : i32
    scf.if %cond3A_1 {
      "tpu.region"() ({
        %run_scoped3A = tpu.sem_alloc : memref<!tpu.dma_semaphore, #tpu.memory_space<semaphore_mem>>
        tpu.enqueue_dma source(%arg6 : memref<125x128xbf16, #tpu.memory_space<hbm>>) target(%arg11 : memref<125x128xbf16, #tpu.memory_space<vmem>>) target_semaphore(%run_scoped3A : memref<!tpu.dma_semaphore, #tpu.memory_space<semaphore_mem>>)
        tpu.wait_dma2 semaphore(%run_scoped3A : memref<!tpu.dma_semaphore, #tpu.memory_space<semaphore_mem>>) src(%arg6 : memref<125x128xbf16, #tpu.memory_space<hbm>>) dst(%arg11 : memref<125x128xbf16, #tpu.memory_space<vmem>>)
        tpu.yield
      }) : () -> ()
      %mul3A = arith.constant 1000 : i32
      %mul3A_27 = arith.muli %arg1, %mul3A : i32
      %add3A = arith.constant 0 : i32
      %add3A_28 = arith.addi %mul3A_27, %add3A : i32
      "tpu.region"() ({
        %run_scoped3A = tpu.sem_alloc : memref<!tpu.dma_semaphore, #tpu.memory_space<semaphore_mem>>
        %dma_start3A = arith.constant 0 : i32
        %dma_start3A_57 = tpu.memref_slice %arg13[%add3A_28, %dma_start3A] : memref<10000x128xbf16, #tpu.memory_space<vmem_shared>> -> memref<125x128xbf16, #tpu.memory_space<vmem_shared>>
        %dma_start3A_58 = arith.constant 0 : i32
        %dma_start3A_59 = tpu.memref_slice %arg13[%add3A_28, %dma_start3A_58] : memref<10000x128xbf16, #tpu.memory_space<vmem_shared>> -> memref<125x128xbf16, #tpu.memory_space<vmem_shared>>
        tpu.enqueue_dma source(%arg11 : memref<125x128xbf16, #tpu.memory_space<vmem>>) target(%dma_start3A_59 : memref<125x128xbf16, #tpu.memory_space<vmem_shared>>) target_semaphore(%run_scoped3A : memref<!tpu.dma_semaphore, #tpu.memory_space<semaphore_mem>>)
        %dma_wait3A = arith.constant 0 : i32
        %dma_wait3A_60 = tpu.memref_slice %arg13[%add3A_28, %dma_wait3A] : memref<10000x128xbf16, #tpu.memory_space<vmem_shared>> -> memref<125x128xbf16, #tpu.memory_space<vmem_shared>>
        %dma_wait3A_61 = arith.constant 0 : i32
        %dma_wait3A_62 = tpu.memref_slice %arg13[%add3A_28, %dma_wait3A_61] : memref<10000x128xbf16, #tpu.memory_space<vmem_shared>> -> memref<125x128xbf16, #tpu.memory_space<vmem_shared>>
        tpu.wait_dma2 semaphore(%run_scoped3A : memref<!tpu.dma_semaphore, #tpu.memory_space<semaphore_mem>>) src(%arg11 : memref<125x128xbf16, #tpu.memory_space<vmem>>) dst(%dma_wait3A_62 : memref<125x128xbf16, #tpu.memory_space<vmem_shared>>)
        tpu.yield
      }) : () -> ()
      %mul3A_29 = arith.constant 1000 : i32
      %mul3A_30 = arith.muli %arg1, %mul3A_29 : i32
      %add3A_31 = arith.constant 125 : i32
      %add3A_32 = arith.addi %mul3A_30, %add3A_31 : i32
      "tpu.region"() ({
        %run_scoped3A = tpu.sem_alloc : memref<!tpu.dma_semaphore, #tpu.memory_space<semaphore_mem>>
        %dma_start3A = arith.constant 0 : i32
        %dma_start3A_57 = tpu.memref_slice %arg13[%add3A_32, %dma_start3A] : memref<10000x128xbf16, #tpu.memory_space<vmem_shared>> -> memref<125x128xbf16, #tpu.memory_space<vmem_shared>>
        %dma_start3A_58 = arith.constant 0 : i32
        %dma_start3A_59 = tpu.memref_slice %arg13[%add3A_32, %dma_start3A_58] : memref<10000x128xbf16, #tpu.memory_space<vmem_shared>> -> memref<125x128xbf16, #tpu.memory_space<vmem_shared>>
        tpu.enqueue_dma source(%arg11 : memref<125x128xbf16, #tpu.memory_space<vmem>>) target(%dma_start3A_59 : memref<125x128xbf16, #tpu.memory_space<vmem_shared>>) target_semaphore(%run_scoped3A : memref<!tpu.dma_semaphore, #tpu.memory_space<semaphore_mem>>)
        %dma_wait3A = arith.constant 0 : i32
        %dma_wait3A_60 = tpu.memref_slice %arg13[%add3A_32, %dma_wait3A] : memref<10000x128xbf16, #tpu.memory_space<vmem_shared>> -> memref<125x128xbf16, #tpu.memory_space<vmem_shared>>
        %dma_wait3A_61 = arith.constant 0 : i32
        %dma_wait3A_62 = tpu.memref_slice %arg13[%add3A_32, %dma_wait3A_61] : memref<10000x128xbf16, #tpu.memory_space<vmem_shared>> -> memref<125x128xbf16, #tpu.memory_space<vmem_shared>>
        tpu.wait_dma2 semaphore(%run_scoped3A : memref<!tpu.dma_semaphore, #tpu.memory_space<semaphore_mem>>) src(%arg11 : memref<125x128xbf16, #tpu.memory_space<vmem>>) dst(%dma_wait3A_62 : memref<125x128xbf16, #tpu.memory_space<vmem_shared>>)
        tpu.yield
      }) : () -> ()
      %mul3A_33 = arith.constant 1000 : i32
      %mul3A_34 = arith.muli %arg1, %mul3A_33 : i32
      %add3A_35 = arith.constant 250 : i32
      %add3A_36 = arith.addi %mul3A_34, %add3A_35 : i32
      "tpu.region"() ({
        %run_scoped3A = tpu.sem_alloc : memref<!tpu.dma_semaphore, #tpu.memory_space<semaphore_mem>>
        %dma_start3A = arith.constant 0 : i32
        %dma_start3A_57 = tpu.memref_slice %arg13[%add3A_36, %dma_start3A] : memref<10000x128xbf16, #tpu.memory_space<vmem_shared>> -> memref<125x128xbf16, #tpu.memory_space<vmem_shared>>
        %dma_start3A_58 = arith.constant 0 : i32
        %dma_start3A_59 = tpu.memref_slice %arg13[%add3A_36, %dma_start3A_58] : memref<10000x128xbf16, #tpu.memory_space<vmem_shared>> -> memref<125x128xbf16, #tpu.memory_space<vmem_shared>>
        tpu.enqueue_dma source(%arg11 : memref<125x128xbf16, #tpu.memory_space<vmem>>) target(%dma_start3A_59 : memref<125x128xbf16, #tpu.memory_space<vmem_shared>>) target_semaphore(%run_scoped3A : memref<!tpu.dma_semaphore, #tpu.memory_space<semaphore_mem>>)
        %dma_wait3A = arith.constant 0 : i32
        %dma_wait3A_60 = tpu.memref_slice %arg13[%add3A_36, %dma_wait3A] : memref<10000x128xbf16, #tpu.memory_space<vmem_shared>> -> memref<125x128xbf16, #tpu.memory_space<vmem_shared>>
        %dma_wait3A_61 = arith.constant 0 : i32
        %dma_wait3A_62 = tpu.memref_slice %arg13[%add3A_36, %dma_wait3A_61] : memref<10000x128xbf16, #tpu.memory_space<vmem_shared>> -> memref<125x128xbf16, #tpu.memory_space<vmem_shared>>
        tpu.wait_dma2 semaphore(%run_scoped3A : memref<!tpu.dma_semaphore, #tpu.memory_space<semaphore_mem>>) src(%arg11 : memref<125x128xbf16, #tpu.memory_space<vmem>>) dst(%dma_wait3A_62 : memref<125x128xbf16, #tpu.memory_space<vmem_shared>>)
        tpu.yield
      }) : () -> ()
      %mul3A_37 = arith.constant 1000 : i32
      %mul3A_38 = arith.muli %arg1, %mul3A_37 : i32
      %add3A_39 = arith.constant 375 : i32
      %add3A_40 = arith.addi %mul3A_38, %add3A_39 : i32
      "tpu.region"() ({
        %run_scoped3A = tpu.sem_alloc : memref<!tpu.dma_semaphore, #tpu.memory_space<semaphore_mem>>
        %dma_start3A = arith.constant 0 : i32
        %dma_start3A_57 = tpu.memref_slice %arg13[%add3A_40, %dma_start3A] : memref<10000x128xbf16, #tpu.memory_space<vmem_shared>> -> memref<125x128xbf16, #tpu.memory_space<vmem_shared>>
        %dma_start3A_58 = arith.constant 0 : i32
        %dma_start3A_59 = tpu.memref_slice %arg13[%add3A_40, %dma_start3A_58] : memref<10000x128xbf16, #tpu.memory_space<vmem_shared>> -> memref<125x128xbf16, #tpu.memory_space<vmem_shared>>
        tpu.enqueue_dma source(%arg11 : memref<125x128xbf16, #tpu.memory_space<vmem>>) target(%dma_start3A_59 : memref<125x128xbf16, #tpu.memory_space<vmem_shared>>) target_semaphore(%run_scoped3A : memref<!tpu.dma_semaphore, #tpu.memory_space<semaphore_mem>>)
        %dma_wait3A = arith.constant 0 : i32
        %dma_wait3A_60 = tpu.memref_slice %arg13[%add3A_40, %dma_wait3A] : memref<10000x128xbf16, #tpu.memory_space<vmem_shared>> -> memref<125x128xbf16, #tpu.memory_space<vmem_shared>>
        %dma_wait3A_61 = arith.constant 0 : i32
        %dma_wait3A_62 = tpu.memref_slice %arg13[%add3A_40, %dma_wait3A_61] : memref<10000x128xbf16, #tpu.memory_space<vmem_shared>> -> memref<125x128xbf16, #tpu.memory_space<vmem_shared>>
        tpu.wait_dma2 semaphore(%run_scoped3A : memref<!tpu.dma_semaphore, #tpu.memory_space<semaphore_mem>>) src(%arg11 : memref<125x128xbf16, #tpu.memory_space<vmem>>) dst(%dma_wait3A_62 : memref<125x128xbf16, #tpu.memory_space<vmem_shared>>)
        tpu.yield
      }) : () -> ()
      %mul3A_41 = arith.constant 1000 : i32
      %mul3A_42 = arith.muli %arg1, %mul3A_41 : i32
      %add3A_43 = arith.constant 500 : i32
      %add3A_44 = arith.addi %mul3A_42, %add3A_43 : i32
      "tpu.region"() ({
        %run_scoped3A = tpu.sem_alloc : memref<!tpu.dma_semaphore, #tpu.memory_space<semaphore_mem>>
        %dma_start3A = arith.constant 0 : i32
        %dma_start3A_57 = tpu.memref_slice %arg13[%add3A_44, %dma_start3A] : memref<10000x128xbf16, #tpu.memory_space<vmem_shared>> -> memref<125x128xbf16, #tpu.memory_space<vmem_shared>>
        %dma_start3A_58 = arith.constant 0 : i32
        %dma_start3A_59 = tpu.memref_slice %arg13[%add3A_44, %dma_start3A_58] : memref<10000x128xbf16, #tpu.memory_space<vmem_shared>> -> memref<125x128xbf16, #tpu.memory_space<vmem_shared>>
        tpu.enqueue_dma source(%arg11 : memref<125x128xbf16, #tpu.memory_space<vmem>>) target(%dma_start3A_59 : memref<125x128xbf16, #tpu.memory_space<vmem_shared>>) target_semaphore(%run_scoped3A : memref<!tpu.dma_semaphore, #tpu.memory_space<semaphore_mem>>)
        %dma_wait3A = arith.constant 0 : i32
        %dma_wait3A_60 = tpu.memref_slice %arg13[%add3A_44, %dma_wait3A] : memref<10000x128xbf16, #tpu.memory_space<vmem_shared>> -> memref<125x128xbf16, #tpu.memory_space<vmem_shared>>
        %dma_wait3A_61 = arith.constant 0 : i32
        %dma_wait3A_62 = tpu.memref_slice %arg13[%add3A_44, %dma_wait3A_61] : memref<10000x128xbf16, #tpu.memory_space<vmem_shared>> -> memref<125x128xbf16, #tpu.memory_space<vmem_shared>>
        tpu.wait_dma2 semaphore(%run_scoped3A : memref<!tpu.dma_semaphore, #tpu.memory_space<semaphore_mem>>) src(%arg11 : memref<125x128xbf16, #tpu.memory_space<vmem>>) dst(%dma_wait3A_62 : memref<125x128xbf16, #tpu.memory_space<vmem_shared>>)
        tpu.yield
      }) : () -> ()
      %mul3A_45 = arith.constant 1000 : i32
      %mul3A_46 = arith.muli %arg1, %mul3A_45 : i32
      %add3A_47 = arith.constant 625 : i32
      %add3A_48 = arith.addi %mul3A_46, %add3A_47 : i32
      "tpu.region"() ({
        %run_scoped3A = tpu.sem_alloc : memref<!tpu.dma_semaphore, #tpu.memory_space<semaphore_mem>>
        %dma_start3A = arith.constant 0 : i32
        %dma_start3A_57 = tpu.memref_slice %arg13[%add3A_48, %dma_start3A] : memref<10000x128xbf16, #tpu.memory_space<vmem_shared>> -> memref<125x128xbf16, #tpu.memory_space<vmem_shared>>
        %dma_start3A_58 = arith.constant 0 : i32
        %dma_start3A_59 = tpu.memref_slice %arg13[%add3A_48, %dma_start3A_58] : memref<10000x128xbf16, #tpu.memory_space<vmem_shared>> -> memref<125x128xbf16, #tpu.memory_space<vmem_shared>>
        tpu.enqueue_dma source(%arg11 : memref<125x128xbf16, #tpu.memory_space<vmem>>) target(%dma_start3A_59 : memref<125x128xbf16, #tpu.memory_space<vmem_shared>>) target_semaphore(%run_scoped3A : memref<!tpu.dma_semaphore, #tpu.memory_space<semaphore_mem>>)
        %dma_wait3A = arith.constant 0 : i32
        %dma_wait3A_60 = tpu.memref_slice %arg13[%add3A_48, %dma_wait3A] : memref<10000x128xbf16, #tpu.memory_space<vmem_shared>> -> memref<125x128xbf16, #tpu.memory_space<vmem_shared>>
        %dma_wait3A_61 = arith.constant 0 : i32
        %dma_wait3A_62 = tpu.memref_slice %arg13[%add3A_48, %dma_wait3A_61] : memref<10000x128xbf16, #tpu.memory_space<vmem_shared>> -> memref<125x128xbf16, #tpu.memory_space<vmem_shared>>
        tpu.wait_dma2 semaphore(%run_scoped3A : memref<!tpu.dma_semaphore, #tpu.memory_space<semaphore_mem>>) src(%arg11 : memref<125x128xbf16, #tpu.memory_space<vmem>>) dst(%dma_wait3A_62 : memref<125x128xbf16, #tpu.memory_space<vmem_shared>>)
        tpu.yield
      }) : () -> ()
      %mul3A_49 = arith.constant 1000 : i32
      %mul3A_50 = arith.muli %arg1, %mul3A_49 : i32
      %add3A_51 = arith.constant 750 : i32
      %add3A_52 = arith.addi %mul3A_50, %add3A_51 : i32
      "tpu.region"() ({
        %run_scoped3A = tpu.sem_alloc : memref<!tpu.dma_semaphore, #tpu.memory_space<semaphore_mem>>
        %dma_start3A = arith.constant 0 : i32
        %dma_start3A_57 = tpu.memref_slice %arg13[%add3A_52, %dma_start3A] : memref<10000x128xbf16, #tpu.memory_space<vmem_shared>> -> memref<125x128xbf16, #tpu.memory_space<vmem_shared>>
        %dma_start3A_58 = arith.constant 0 : i32
        %dma_start3A_59 = tpu.memref_slice %arg13[%add3A_52, %dma_start3A_58] : memref<10000x128xbf16, #tpu.memory_space<vmem_shared>> -> memref<125x128xbf16, #tpu.memory_space<vmem_shared>>
        tpu.enqueue_dma source(%arg11 : memref<125x128xbf16, #tpu.memory_space<vmem>>) target(%dma_start3A_59 : memref<125x128xbf16, #tpu.memory_space<vmem_shared>>) target_semaphore(%run_scoped3A : memref<!tpu.dma_semaphore, #tpu.memory_space<semaphore_mem>>)
        %dma_wait3A = arith.constant 0 : i32
        %dma_wait3A_60 = tpu.memref_slice %arg13[%add3A_52, %dma_wait3A] : memref<10000x128xbf16, #tpu.memory_space<vmem_shared>> -> memref<125x128xbf16, #tpu.memory_space<vmem_shared>>
        %dma_wait3A_61 = arith.constant 0 : i32
        %dma_wait3A_62 = tpu.memref_slice %arg13[%add3A_52, %dma_wait3A_61] : memref<10000x128xbf16, #tpu.memory_space<vmem_shared>> -> memref<125x128xbf16, #tpu.memory_space<vmem_shared>>
        tpu.wait_dma2 semaphore(%run_scoped3A : memref<!tpu.dma_semaphore, #tpu.memory_space<semaphore_mem>>) src(%arg11 : memref<125x128xbf16, #tpu.memory_space<vmem>>) dst(%dma_wait3A_62 : memref<125x128xbf16, #tpu.memory_space<vmem_shared>>)
        tpu.yield
      }) : () -> ()
      %mul3A_53 = arith.constant 1000 : i32
      %mul3A_54 = arith.muli %arg1, %mul3A_53 : i32
      %add3A_55 = arith.constant 875 : i32
      %add3A_56 = arith.addi %mul3A_54, %add3A_55 : i32
      "tpu.region"() ({
        %run_scoped3A = tpu.sem_alloc : memref<!tpu.dma_semaphore, #tpu.memory_space<semaphore_mem>>
        %dma_start3A = arith.constant 0 : i32
        %dma_start3A_57 = tpu.memref_slice %arg13[%add3A_56, %dma_start3A] : memref<10000x128xbf16, #tpu.memory_space<vmem_shared>> -> memref<125x128xbf16, #tpu.memory_space<vmem_shared>>
        %dma_start3A_58 = arith.constant 0 : i32
        %dma_start3A_59 = tpu.memref_slice %arg13[%add3A_56, %dma_start3A_58] : memref<10000x128xbf16, #tpu.memory_space<vmem_shared>> -> memref<125x128xbf16, #tpu.memory_space<vmem_shared>>
        tpu.enqueue_dma source(%arg11 : memref<125x128xbf16, #tpu.memory_space<vmem>>) target(%dma_start3A_59 : memref<125x128xbf16, #tpu.memory_space<vmem_shared>>) target_semaphore(%run_scoped3A : memref<!tpu.dma_semaphore, #tpu.memory_space<semaphore_mem>>)
        %dma_wait3A = arith.constant 0 : i32
        %dma_wait3A_60 = tpu.memref_slice %arg13[%add3A_56, %dma_wait3A] : memref<10000x128xbf16, #tpu.memory_space<vmem_shared>> -> memref<125x128xbf16, #tpu.memory_space<vmem_shared>>
        %dma_wait3A_61 = arith.constant 0 : i32
        %dma_wait3A_62 = tpu.memref_slice %arg13[%add3A_56, %dma_wait3A_61] : memref<10000x128xbf16, #tpu.memory_space<vmem_shared>> -> memref<125x128xbf16, #tpu.memory_space<vmem_shared>>
        tpu.wait_dma2 semaphore(%run_scoped3A : memref<!tpu.dma_semaphore, #tpu.memory_space<semaphore_mem>>) src(%arg11 : memref<125x128xbf16, #tpu.memory_space<vmem>>) dst(%dma_wait3A_62 : memref<125x128xbf16, #tpu.memory_space<vmem_shared>>)
        tpu.yield
      }) : () -> ()
    } else {
    }
    %barrier3A = arith.constant 0 : index
    tpu.barrier barrier_id(%barrier3A)
    %eq3A = arith.constant 0 : i32
    %eq3A_2 = arith.cmpi eq, %arg0, %eq3A : i32
    %convert_element_type3A_3 = arith.extui %eq3A_2 : i1 to i32
    %cond3A_4 = arith.constant 0 : i32
    %cond3A_5 = arith.cmpi ne, %convert_element_type3A_3, %cond3A_4 : i32
    scf.if %cond3A_5 {
      %mul3A = arith.constant 80 : i32
      %mul3A_27 = arith.muli %arg1, %mul3A : i32
      %add3A = arith.constant 0 : i32
      %add3A_28 = arith.addi %mul3A_27, %add3A : i32
      "tpu.region"() ({
        %run_scoped3A = tpu.sem_alloc : memref<!tpu.dma_semaphore, #tpu.memory_space<semaphore_mem>>
        %dma_start3A = arith.constant 0 : i32
        %dma_start3A_79 = tpu.memref_slice %arg4[%add3A_28, %dma_start3A] : memref<1280x125xi32, #tpu.memory_space<hbm>> -> memref<40x125xi32, #tpu.memory_space<hbm>>
        %dma_start3A_80 = arith.constant 0 : i32
        %dma_start3A_81 = tpu.memref_slice %arg4[%add3A_28, %dma_start3A_80] : memref<1280x125xi32, #tpu.memory_space<hbm>> -> memref<40x125xi32, #tpu.memory_space<hbm>>
        tpu.enqueue_dma source(%dma_start3A_81 : memref<40x125xi32, #tpu.memory_space<hbm>>) target(%arg9 : memref<40x125xi32, #tpu.memory_space<vmem>>) target_semaphore(%run_scoped3A : memref<!tpu.dma_semaphore, #tpu.memory_space<semaphore_mem>>)
        %dma_wait3A_82 = arith.constant 0 : i32
        %dma_wait3A_83 = tpu.memref_slice %arg4[%add3A_28, %dma_wait3A_82] : memref<1280x125xi32, #tpu.memory_space<hbm>> -> memref<40x125xi32, #tpu.memory_space<hbm>>
        %dma_wait3A_84 = arith.constant 0 : i32
        %dma_wait3A_85 = tpu.memref_slice %arg4[%add3A_28, %dma_wait3A_84] : memref<1280x125xi32, #tpu.memory_space<hbm>> -> memref<40x125xi32, #tpu.memory_space<hbm>>
        tpu.wait_dma2 semaphore(%run_scoped3A : memref<!tpu.dma_semaphore, #tpu.memory_space<semaphore_mem>>) src(%dma_wait3A_85 : memref<40x125xi32, #tpu.memory_space<hbm>>) dst(%arg9 : memref<40x125xi32, #tpu.memory_space<vmem>>)
        tpu.yield
      }) : () -> ()
      %mul3A_29 = arith.constant 80 : i32
      %mul3A_30 = arith.muli %arg1, %mul3A_29 : i32
      %add3A_31 = arith.constant 0 : i32
      %add3A_32 = arith.addi %mul3A_30, %add3A_31 : i32
      "tpu.region"() ({
        %run_scoped3A = tpu.sem_alloc : memref<!tpu.dma_semaphore, #tpu.memory_space<semaphore_mem>>
        %dma_start3A = arith.constant 0 : i32
        %dma_start3A_79 = tpu.memref_slice %arg5[%add3A_32, %dma_start3A] : memref<1280x125xi32, #tpu.memory_space<hbm>> -> memref<40x125xi32, #tpu.memory_space<hbm>>
        %dma_start3A_80 = arith.constant 0 : i32
        %dma_start3A_81 = tpu.memref_slice %arg5[%add3A_32, %dma_start3A_80] : memref<1280x125xi32, #tpu.memory_space<hbm>> -> memref<40x125xi32, #tpu.memory_space<hbm>>
        tpu.enqueue_dma source(%dma_start3A_81 : memref<40x125xi32, #tpu.memory_space<hbm>>) target(%arg10 : memref<40x125xi32, #tpu.memory_space<vmem>>) target_semaphore(%run_scoped3A : memref<!tpu.dma_semaphore, #tpu.memory_space<semaphore_mem>>)
        %dma_wait3A_82 = arith.constant 0 : i32
        %dma_wait3A_83 = tpu.memref_slice %arg5[%add3A_32, %dma_wait3A_82] : memref<1280x125xi32, #tpu.memory_space<hbm>> -> memref<40x125xi32, #tpu.memory_space<hbm>>
        %dma_wait3A_84 = arith.constant 0 : i32
        %dma_wait3A_85 = tpu.memref_slice %arg5[%add3A_32, %dma_wait3A_84] : memref<1280x125xi32, #tpu.memory_space<hbm>> -> memref<40x125xi32, #tpu.memory_space<hbm>>
        tpu.wait_dma2 semaphore(%run_scoped3A : memref<!tpu.dma_semaphore, #tpu.memory_space<semaphore_mem>>) src(%dma_wait3A_85 : memref<40x125xi32, #tpu.memory_space<hbm>>) dst(%arg10 : memref<40x125xi32, #tpu.memory_space<vmem>>)
        tpu.yield
      }) : () -> ()
      %scan3A = arith.constant 0 : i32
      %scan3A_33 = arith.constant 0 : i32
      %scan3A_34 = arith.constant 20 : i32
      %scan3A_35 = arith.addi %scan3A_33, %scan3A_34 : i32
      %scan3A_36 = arith.constant 1 : i32
      scf.for %scan3A_79 = %scan3A_33 to %scan3A_35 step %scan3A_36  : i32 {
        %mul3A_80 = arith.constant 2 : i32
        %mul3A_81 = arith.muli %mul3A_80, %scan3A_79 : i32
        %gt3A = arith.constant 0 : i32
        %gt3A_82 = arith.cmpi sgt, %scan3A_79, %gt3A : i32
        %convert_element_type3A_83 = arith.extui %gt3A_82 : i1 to i32
        %cond3A_84 = arith.constant 0 : i32
        %cond3A_85 = arith.cmpi ne, %convert_element_type3A_83, %cond3A_84 : i32
        scf.if %cond3A_85 {
          %dma_wait3A_130 = arith.constant 0 : i32
          %dma_wait3A_131 = arith.constant 0 : i32
          %dma_wait3A_132 = tpu.memref_slice %arg10[%dma_wait3A_130, %dma_wait3A_131] : memref<40x125xi32, #tpu.memory_space<vmem>> -> memref<1x125xi32, #tpu.memory_space<vmem>>
          %dma_wait3A_133 = tpu.memref_squeeze %dma_wait3A_132 : memref<1x125xi32, #tpu.memory_space<vmem>> -> memref<125xi32, #tpu.memory_space<vmem>>
          %dma_wait3A_134 = arith.constant 0 : i32
          %dma_wait3A_135 = arith.constant 0 : i32
          %dma_wait3A_136 = tpu.memref_slice %arg13[%dma_wait3A_134, %dma_wait3A_135] : memref<10000x128xbf16, #tpu.memory_space<vmem_shared>> -> memref<10000x128xbf16, #tpu.memory_space<vmem_shared>>
          tpu.wait_indirect_dma semaphore(%arg16 : memref<!tpu.dma_semaphore, #tpu.memory_space<semaphore_mem>>) src(%arg11 : memref<125x128xbf16, #tpu.memory_space<vmem>>) dst(%dma_wait3A_136 : memref<10000x128xbf16, #tpu.memory_space<vmem_shared>>)
        } else {
        }
        %dma_start3A = arith.constant 0 : i32
        %dma_start3A_86 = tpu.memref_slice %arg9[%mul3A_81, %dma_start3A] : memref<40x125xi32, #tpu.memory_space<vmem>> -> memref<1x125xi32, #tpu.memory_space<vmem>>
        %dma_start3A_87 = tpu.memref_squeeze %dma_start3A_86 : memref<1x125xi32, #tpu.memory_space<vmem>> -> memref<125xi32, #tpu.memory_space<vmem>>
        %dma_start3A_88 = arith.constant 0 : i32
        %dma_start3A_89 = arith.constant 0 : i32
        %dma_start3A_90 = tpu.memref_slice %arg2[%dma_start3A_88, %dma_start3A_89] : memref<10000x128xbf16, #tpu.memory_space<hbm>> -> memref<10000x128xbf16, #tpu.memory_space<hbm>>
        tpu.enqueue_indirect_dma source(%dma_start3A_90 : memref<10000x128xbf16, #tpu.memory_space<hbm>>) target(%arg11 : memref<125x128xbf16, #tpu.memory_space<vmem>>) offsets(%dma_start3A_87 : memref<125xi32, #tpu.memory_space<vmem>>) semaphore(%arg14 : memref<!tpu.dma_semaphore, #tpu.memory_space<semaphore_mem>>)
        %gt3A_91 = arith.constant 0 : i32
        %gt3A_92 = arith.cmpi sgt, %scan3A_79, %gt3A_91 : i32
        %convert_element_type3A_93 = arith.extui %gt3A_92 : i1 to i32
        %cond3A_94 = arith.constant 0 : i32
        %cond3A_95 = arith.cmpi ne, %convert_element_type3A_93, %cond3A_94 : i32
        scf.if %cond3A_95 {
          %dma_wait3A_130 = arith.constant 0 : i32
          %dma_wait3A_131 = arith.constant 0 : i32
          %dma_wait3A_132 = tpu.memref_slice %arg10[%dma_wait3A_130, %dma_wait3A_131] : memref<40x125xi32, #tpu.memory_space<vmem>> -> memref<1x125xi32, #tpu.memory_space<vmem>>
          %dma_wait3A_133 = tpu.memref_squeeze %dma_wait3A_132 : memref<1x125xi32, #tpu.memory_space<vmem>> -> memref<125xi32, #tpu.memory_space<vmem>>
          %dma_wait3A_134 = arith.constant 0 : i32
          %dma_wait3A_135 = arith.constant 0 : i32
          %dma_wait3A_136 = tpu.memref_slice %arg13[%dma_wait3A_134, %dma_wait3A_135] : memref<10000x128xbf16, #tpu.memory_space<vmem_shared>> -> memref<10000x128xbf16, #tpu.memory_space<vmem_shared>>
          tpu.wait_indirect_dma semaphore(%arg17 : memref<!tpu.dma_semaphore, #tpu.memory_space<semaphore_mem>>) src(%arg12 : memref<125x128xbf16, #tpu.memory_space<vmem>>) dst(%dma_wait3A_136 : memref<10000x128xbf16, #tpu.memory_space<vmem_shared>>)
        } else {
        }
        %add3A_96 = arith.constant 1 : i32
        %add3A_97 = arith.addi %mul3A_81, %add3A_96 : i32
        %dma_start3A_98 = arith.constant 0 : i32
        %dma_start3A_99 = tpu.memref_slice %arg9[%add3A_97, %dma_start3A_98] : memref<40x125xi32, #tpu.memory_space<vmem>> -> memref<1x125xi32, #tpu.memory_space<vmem>>
        %dma_start3A_100 = tpu.memref_squeeze %dma_start3A_99 : memref<1x125xi32, #tpu.memory_space<vmem>> -> memref<125xi32, #tpu.memory_space<vmem>>
        %dma_start3A_101 = arith.constant 0 : i32
        %dma_start3A_102 = arith.constant 0 : i32
        %dma_start3A_103 = tpu.memref_slice %arg2[%dma_start3A_101, %dma_start3A_102] : memref<10000x128xbf16, #tpu.memory_space<hbm>> -> memref<10000x128xbf16, #tpu.memory_space<hbm>>
        tpu.enqueue_indirect_dma source(%dma_start3A_103 : memref<10000x128xbf16, #tpu.memory_space<hbm>>) target(%arg12 : memref<125x128xbf16, #tpu.memory_space<vmem>>) offsets(%dma_start3A_100 : memref<125xi32, #tpu.memory_space<vmem>>) semaphore(%arg15 : memref<!tpu.dma_semaphore, #tpu.memory_space<semaphore_mem>>)
        %dma_wait3A_104 = arith.constant 0 : i32
        %dma_wait3A_105 = tpu.memref_slice %arg9[%mul3A_81, %dma_wait3A_104] : memref<40x125xi32, #tpu.memory_space<vmem>> -> memref<1x125xi32, #tpu.memory_space<vmem>>
        %dma_wait3A_106 = tpu.memref_squeeze %dma_wait3A_105 : memref<1x125xi32, #tpu.memory_space<vmem>> -> memref<125xi32, #tpu.memory_space<vmem>>
        %dma_wait3A_107 = arith.constant 0 : i32
        %dma_wait3A_108 = arith.constant 0 : i32
        %dma_wait3A_109 = tpu.memref_slice %arg2[%dma_wait3A_107, %dma_wait3A_108] : memref<10000x128xbf16, #tpu.memory_space<hbm>> -> memref<10000x128xbf16, #tpu.memory_space<hbm>>
        tpu.wait_indirect_dma semaphore(%arg14 : memref<!tpu.dma_semaphore, #tpu.memory_space<semaphore_mem>>) src(%dma_wait3A_109 : memref<10000x128xbf16, #tpu.memory_space<hbm>>) dst(%arg11 : memref<125x128xbf16, #tpu.memory_space<vmem>>)
        %dma_start3A_110 = arith.constant 0 : i32
        %dma_start3A_111 = tpu.memref_slice %arg10[%mul3A_81, %dma_start3A_110] : memref<40x125xi32, #tpu.memory_space<vmem>> -> memref<1x125xi32, #tpu.memory_space<vmem>>
        %dma_start3A_112 = tpu.memref_squeeze %dma_start3A_111 : memref<1x125xi32, #tpu.memory_space<vmem>> -> memref<125xi32, #tpu.memory_space<vmem>>
        %dma_start3A_113 = arith.constant 0 : i32
        %dma_start3A_114 = arith.constant 0 : i32
        %dma_start3A_115 = tpu.memref_slice %arg13[%dma_start3A_113, %dma_start3A_114] : memref<10000x128xbf16, #tpu.memory_space<vmem_shared>> -> memref<10000x128xbf16, #tpu.memory_space<vmem_shared>>
        tpu.enqueue_indirect_dma source(%arg11 : memref<125x128xbf16, #tpu.memory_space<vmem>>) target(%dma_start3A_115 : memref<10000x128xbf16, #tpu.memory_space<vmem_shared>>) offsets(%dma_start3A_112 : memref<125xi32, #tpu.memory_space<vmem>>) semaphore(%arg16 : memref<!tpu.dma_semaphore, #tpu.memory_space<semaphore_mem>>) {add = true}
        %dma_wait3A_116 = arith.constant 0 : i32
        %dma_wait3A_117 = tpu.memref_slice %arg9[%add3A_97, %dma_wait3A_116] : memref<40x125xi32, #tpu.memory_space<vmem>> -> memref<1x125xi32, #tpu.memory_space<vmem>>
        %dma_wait3A_118 = tpu.memref_squeeze %dma_wait3A_117 : memref<1x125xi32, #tpu.memory_space<vmem>> -> memref<125xi32, #tpu.memory_space<vmem>>
        %dma_wait3A_119 = arith.constant 0 : i32
        %dma_wait3A_120 = arith.constant 0 : i32
        %dma_wait3A_121 = tpu.memref_slice %arg2[%dma_wait3A_119, %dma_wait3A_120] : memref<10000x128xbf16, #tpu.memory_space<hbm>> -> memref<10000x128xbf16, #tpu.memory_space<hbm>>
        tpu.wait_indirect_dma semaphore(%arg15 : memref<!tpu.dma_semaphore, #tpu.memory_space<semaphore_mem>>) src(%dma_wait3A_121 : memref<10000x128xbf16, #tpu.memory_space<hbm>>) dst(%arg12 : memref<125x128xbf16, #tpu.memory_space<vmem>>)
        %add3A_122 = arith.constant 1 : i32
        %add3A_123 = arith.addi %mul3A_81, %add3A_122 : i32
        %dma_start3A_124 = arith.constant 0 : i32
        %dma_start3A_125 = tpu.memref_slice %arg10[%add3A_123, %dma_start3A_124] : memref<40x125xi32, #tpu.memory_space<vmem>> -> memref<1x125xi32, #tpu.memory_space<vmem>>
        %dma_start3A_126 = tpu.memref_squeeze %dma_start3A_125 : memref<1x125xi32, #tpu.memory_space<vmem>> -> memref<125xi32, #tpu.memory_space<vmem>>
        %dma_start3A_127 = arith.constant 0 : i32
        %dma_start3A_128 = arith.constant 0 : i32
        %dma_start3A_129 = tpu.memref_slice %arg13[%dma_start3A_127, %dma_start3A_128] : memref<10000x128xbf16, #tpu.memory_space<vmem_shared>> -> memref<10000x128xbf16, #tpu.memory_space<vmem_shared>>
        tpu.enqueue_indirect_dma source(%arg12 : memref<125x128xbf16, #tpu.memory_space<vmem>>) target(%dma_start3A_129 : memref<10000x128xbf16, #tpu.memory_space<vmem_shared>>) offsets(%dma_start3A_126 : memref<125xi32, #tpu.memory_space<vmem>>) semaphore(%arg17 : memref<!tpu.dma_semaphore, #tpu.memory_space<semaphore_mem>>) {add = true}
      }
      %scan3A_37 = arith.constant 20 : i32
      %dma_wait3A = arith.constant 0 : i32
      %dma_wait3A_38 = arith.constant 0 : i32
      %dma_wait3A_39 = tpu.memref_slice %arg10[%dma_wait3A, %dma_wait3A_38] : memref<40x125xi32, #tpu.memory_space<vmem>> -> memref<1x125xi32, #tpu.memory_space<vmem>>
      %dma_wait3A_40 = tpu.memref_squeeze %dma_wait3A_39 : memref<1x125xi32, #tpu.memory_space<vmem>> -> memref<125xi32, #tpu.memory_space<vmem>>
      %dma_wait3A_41 = arith.constant 0 : i32
      %dma_wait3A_42 = arith.constant 0 : i32
      %dma_wait3A_43 = tpu.memref_slice %arg13[%dma_wait3A_41, %dma_wait3A_42] : memref<10000x128xbf16, #tpu.memory_space<vmem_shared>> -> memref<10000x128xbf16, #tpu.memory_space<vmem_shared>>
      tpu.wait_indirect_dma semaphore(%arg16 : memref<!tpu.dma_semaphore, #tpu.memory_space<semaphore_mem>>) src(%arg11 : memref<125x128xbf16, #tpu.memory_space<vmem>>) dst(%dma_wait3A_43 : memref<10000x128xbf16, #tpu.memory_space<vmem_shared>>)
      %dma_wait3A_44 = arith.constant 0 : i32
      %dma_wait3A_45 = arith.constant 0 : i32
      %dma_wait3A_46 = tpu.memref_slice %arg10[%dma_wait3A_44, %dma_wait3A_45] : memref<40x125xi32, #tpu.memory_space<vmem>> -> memref<1x125xi32, #tpu.memory_space<vmem>>
      %dma_wait3A_47 = tpu.memref_squeeze %dma_wait3A_46 : memref<1x125xi32, #tpu.memory_space<vmem>> -> memref<125xi32, #tpu.memory_space<vmem>>
      %dma_wait3A_48 = arith.constant 0 : i32
      %dma_wait3A_49 = arith.constant 0 : i32
      %dma_wait3A_50 = tpu.memref_slice %arg13[%dma_wait3A_48, %dma_wait3A_49] : memref<10000x128xbf16, #tpu.memory_space<vmem_shared>> -> memref<10000x128xbf16, #tpu.memory_space<vmem_shared>>
      tpu.wait_indirect_dma semaphore(%arg17 : memref<!tpu.dma_semaphore, #tpu.memory_space<semaphore_mem>>) src(%arg12 : memref<125x128xbf16, #tpu.memory_space<vmem>>) dst(%dma_wait3A_50 : memref<10000x128xbf16, #tpu.memory_space<vmem_shared>>)
      %mul3A_51 = arith.constant 80 : i32
      %mul3A_52 = arith.muli %arg1, %mul3A_51 : i32
      %add3A_53 = arith.constant 40 : i32
      %add3A_54 = arith.addi %mul3A_52, %add3A_53 : i32
      "tpu.region"() ({
        %run_scoped3A = tpu.sem_alloc : memref<!tpu.dma_semaphore, #tpu.memory_space<semaphore_mem>>
        %dma_start3A = arith.constant 0 : i32
        %dma_start3A_79 = tpu.memref_slice %arg4[%add3A_54, %dma_start3A] : memref<1280x125xi32, #tpu.memory_space<hbm>> -> memref<40x125xi32, #tpu.memory_space<hbm>>
        %dma_start3A_80 = arith.constant 0 : i32
        %dma_start3A_81 = tpu.memref_slice %arg4[%add3A_54, %dma_start3A_80] : memref<1280x125xi32, #tpu.memory_space<hbm>> -> memref<40x125xi32, #tpu.memory_space<hbm>>
        tpu.enqueue_dma source(%dma_start3A_81 : memref<40x125xi32, #tpu.memory_space<hbm>>) target(%arg9 : memref<40x125xi32, #tpu.memory_space<vmem>>) target_semaphore(%run_scoped3A : memref<!tpu.dma_semaphore, #tpu.memory_space<semaphore_mem>>)
        %dma_wait3A_82 = arith.constant 0 : i32
        %dma_wait3A_83 = tpu.memref_slice %arg4[%add3A_54, %dma_wait3A_82] : memref<1280x125xi32, #tpu.memory_space<hbm>> -> memref<40x125xi32, #tpu.memory_space<hbm>>
        %dma_wait3A_84 = arith.constant 0 : i32
        %dma_wait3A_85 = tpu.memref_slice %arg4[%add3A_54, %dma_wait3A_84] : memref<1280x125xi32, #tpu.memory_space<hbm>> -> memref<40x125xi32, #tpu.memory_space<hbm>>
        tpu.wait_dma2 semaphore(%run_scoped3A : memref<!tpu.dma_semaphore, #tpu.memory_space<semaphore_mem>>) src(%dma_wait3A_85 : memref<40x125xi32, #tpu.memory_space<hbm>>) dst(%arg9 : memref<40x125xi32, #tpu.memory_space<vmem>>)
        tpu.yield
      }) : () -> ()
      %mul3A_55 = arith.constant 80 : i32
      %mul3A_56 = arith.muli %arg1, %mul3A_55 : i32
      %add3A_57 = arith.constant 40 : i32
      %add3A_58 = arith.addi %mul3A_56, %add3A_57 : i32
      "tpu.region"() ({
        %run_scoped3A = tpu.sem_alloc : memref<!tpu.dma_semaphore, #tpu.memory_space<semaphore_mem>>
        %dma_start3A = arith.constant 0 : i32
        %dma_start3A_79 = tpu.memref_slice %arg5[%add3A_58, %dma_start3A] : memref<1280x125xi32, #tpu.memory_space<hbm>> -> memref<40x125xi32, #tpu.memory_space<hbm>>
        %dma_start3A_80 = arith.constant 0 : i32
        %dma_start3A_81 = tpu.memref_slice %arg5[%add3A_58, %dma_start3A_80] : memref<1280x125xi32, #tpu.memory_space<hbm>> -> memref<40x125xi32, #tpu.memory_space<hbm>>
        tpu.enqueue_dma source(%dma_start3A_81 : memref<40x125xi32, #tpu.memory_space<hbm>>) target(%arg10 : memref<40x125xi32, #tpu.memory_space<vmem>>) target_semaphore(%run_scoped3A : memref<!tpu.dma_semaphore, #tpu.memory_space<semaphore_mem>>)
        %dma_wait3A_82 = arith.constant 0 : i32
        %dma_wait3A_83 = tpu.memref_slice %arg5[%add3A_58, %dma_wait3A_82] : memref<1280x125xi32, #tpu.memory_space<hbm>> -> memref<40x125xi32, #tpu.memory_space<hbm>>
        %dma_wait3A_84 = arith.constant 0 : i32
        %dma_wait3A_85 = tpu.memref_slice %arg5[%add3A_58, %dma_wait3A_84] : memref<1280x125xi32, #tpu.memory_space<hbm>> -> memref<40x125xi32, #tpu.memory_space<hbm>>
        tpu.wait_dma2 semaphore(%run_scoped3A : memref<!tpu.dma_semaphore, #tpu.memory_space<semaphore_mem>>) src(%dma_wait3A_85 : memref<40x125xi32, #tpu.memory_space<hbm>>) dst(%arg10 : memref<40x125xi32, #tpu.memory_space<vmem>>)
        tpu.yield
      }) : () -> ()
      %scan3A_59 = arith.constant 0 : i32
      %scan3A_60 = arith.constant 0 : i32
      %scan3A_61 = arith.constant 20 : i32
      %scan3A_62 = arith.addi %scan3A_60, %scan3A_61 : i32
      %scan3A_63 = arith.constant 1 : i32
      scf.for %scan3A_79 = %scan3A_60 to %scan3A_62 step %scan3A_63  : i32 {
        %mul3A_80 = arith.constant 2 : i32
        %mul3A_81 = arith.muli %mul3A_80, %scan3A_79 : i32
        %gt3A = arith.constant 0 : i32
        %gt3A_82 = arith.cmpi sgt, %scan3A_79, %gt3A : i32
        %convert_element_type3A_83 = arith.extui %gt3A_82 : i1 to i32
        %cond3A_84 = arith.constant 0 : i32
        %cond3A_85 = arith.cmpi ne, %convert_element_type3A_83, %cond3A_84 : i32
        scf.if %cond3A_85 {
          %dma_wait3A_130 = arith.constant 0 : i32
          %dma_wait3A_131 = arith.constant 0 : i32
          %dma_wait3A_132 = tpu.memref_slice %arg10[%dma_wait3A_130, %dma_wait3A_131] : memref<40x125xi32, #tpu.memory_space<vmem>> -> memref<1x125xi32, #tpu.memory_space<vmem>>
          %dma_wait3A_133 = tpu.memref_squeeze %dma_wait3A_132 : memref<1x125xi32, #tpu.memory_space<vmem>> -> memref<125xi32, #tpu.memory_space<vmem>>
          %dma_wait3A_134 = arith.constant 0 : i32
          %dma_wait3A_135 = arith.constant 0 : i32
          %dma_wait3A_136 = tpu.memref_slice %arg13[%dma_wait3A_134, %dma_wait3A_135] : memref<10000x128xbf16, #tpu.memory_space<vmem_shared>> -> memref<10000x128xbf16, #tpu.memory_space<vmem_shared>>
          tpu.wait_indirect_dma semaphore(%arg16 : memref<!tpu.dma_semaphore, #tpu.memory_space<semaphore_mem>>) src(%arg11 : memref<125x128xbf16, #tpu.memory_space<vmem>>) dst(%dma_wait3A_136 : memref<10000x128xbf16, #tpu.memory_space<vmem_shared>>)
        } else {
        }
        %dma_start3A = arith.constant 0 : i32
        %dma_start3A_86 = tpu.memref_slice %arg9[%mul3A_81, %dma_start3A] : memref<40x125xi32, #tpu.memory_space<vmem>> -> memref<1x125xi32, #tpu.memory_space<vmem>>
        %dma_start3A_87 = tpu.memref_squeeze %dma_start3A_86 : memref<1x125xi32, #tpu.memory_space<vmem>> -> memref<125xi32, #tpu.memory_space<vmem>>
        %dma_start3A_88 = arith.constant 0 : i32
        %dma_start3A_89 = arith.constant 0 : i32
        %dma_start3A_90 = tpu.memref_slice %arg2[%dma_start3A_88, %dma_start3A_89] : memref<10000x128xbf16, #tpu.memory_space<hbm>> -> memref<10000x128xbf16, #tpu.memory_space<hbm>>
        tpu.enqueue_indirect_dma source(%dma_start3A_90 : memref<10000x128xbf16, #tpu.memory_space<hbm>>) target(%arg11 : memref<125x128xbf16, #tpu.memory_space<vmem>>) offsets(%dma_start3A_87 : memref<125xi32, #tpu.memory_space<vmem>>) semaphore(%arg14 : memref<!tpu.dma_semaphore, #tpu.memory_space<semaphore_mem>>)
        %gt3A_91 = arith.constant 0 : i32
        %gt3A_92 = arith.cmpi sgt, %scan3A_79, %gt3A_91 : i32
        %convert_element_type3A_93 = arith.extui %gt3A_92 : i1 to i32
        %cond3A_94 = arith.constant 0 : i32
        %cond3A_95 = arith.cmpi ne, %convert_element_type3A_93, %cond3A_94 : i32
        scf.if %cond3A_95 {
          %dma_wait3A_130 = arith.constant 0 : i32
          %dma_wait3A_131 = arith.constant 0 : i32
          %dma_wait3A_132 = tpu.memref_slice %arg10[%dma_wait3A_130, %dma_wait3A_131] : memref<40x125xi32, #tpu.memory_space<vmem>> -> memref<1x125xi32, #tpu.memory_space<vmem>>
          %dma_wait3A_133 = tpu.memref_squeeze %dma_wait3A_132 : memref<1x125xi32, #tpu.memory_space<vmem>> -> memref<125xi32, #tpu.memory_space<vmem>>
          %dma_wait3A_134 = arith.constant 0 : i32
          %dma_wait3A_135 = arith.constant 0 : i32
          %dma_wait3A_136 = tpu.memref_slice %arg13[%dma_wait3A_134, %dma_wait3A_135] : memref<10000x128xbf16, #tpu.memory_space<vmem_shared>> -> memref<10000x128xbf16, #tpu.memory_space<vmem_shared>>
          tpu.wait_indirect_dma semaphore(%arg17 : memref<!tpu.dma_semaphore, #tpu.memory_space<semaphore_mem>>) src(%arg12 : memref<125x128xbf16, #tpu.memory_space<vmem>>) dst(%dma_wait3A_136 : memref<10000x128xbf16, #tpu.memory_space<vmem_shared>>)
        } else {
        }
        %add3A_96 = arith.constant 1 : i32
        %add3A_97 = arith.addi %mul3A_81, %add3A_96 : i32
        %dma_start3A_98 = arith.constant 0 : i32
        %dma_start3A_99 = tpu.memref_slice %arg9[%add3A_97, %dma_start3A_98] : memref<40x125xi32, #tpu.memory_space<vmem>> -> memref<1x125xi32, #tpu.memory_space<vmem>>
        %dma_start3A_100 = tpu.memref_squeeze %dma_start3A_99 : memref<1x125xi32, #tpu.memory_space<vmem>> -> memref<125xi32, #tpu.memory_space<vmem>>
        %dma_start3A_101 = arith.constant 0 : i32
        %dma_start3A_102 = arith.constant 0 : i32
        %dma_start3A_103 = tpu.memref_slice %arg2[%dma_start3A_101, %dma_start3A_102] : memref<10000x128xbf16, #tpu.memory_space<hbm>> -> memref<10000x128xbf16, #tpu.memory_space<hbm>>
        tpu.enqueue_indirect_dma source(%dma_start3A_103 : memref<10000x128xbf16, #tpu.memory_space<hbm>>) target(%arg12 : memref<125x128xbf16, #tpu.memory_space<vmem>>) offsets(%dma_start3A_100 : memref<125xi32, #tpu.memory_space<vmem>>) semaphore(%arg15 : memref<!tpu.dma_semaphore, #tpu.memory_space<semaphore_mem>>)
        %dma_wait3A_104 = arith.constant 0 : i32
        %dma_wait3A_105 = tpu.memref_slice %arg9[%mul3A_81, %dma_wait3A_104] : memref<40x125xi32, #tpu.memory_space<vmem>> -> memref<1x125xi32, #tpu.memory_space<vmem>>
        %dma_wait3A_106 = tpu.memref_squeeze %dma_wait3A_105 : memref<1x125xi32, #tpu.memory_space<vmem>> -> memref<125xi32, #tpu.memory_space<vmem>>
        %dma_wait3A_107 = arith.constant 0 : i32
        %dma_wait3A_108 = arith.constant 0 : i32
        %dma_wait3A_109 = tpu.memref_slice %arg2[%dma_wait3A_107, %dma_wait3A_108] : memref<10000x128xbf16, #tpu.memory_space<hbm>> -> memref<10000x128xbf16, #tpu.memory_space<hbm>>
        tpu.wait_indirect_dma semaphore(%arg14 : memref<!tpu.dma_semaphore, #tpu.memory_space<semaphore_mem>>) src(%dma_wait3A_109 : memref<10000x128xbf16, #tpu.memory_space<hbm>>) dst(%arg11 : memref<125x128xbf16, #tpu.memory_space<vmem>>)
        %dma_start3A_110 = arith.constant 0 : i32
        %dma_start3A_111 = tpu.memref_slice %arg10[%mul3A_81, %dma_start3A_110] : memref<40x125xi32, #tpu.memory_space<vmem>> -> memref<1x125xi32, #tpu.memory_space<vmem>>
        %dma_start3A_112 = tpu.memref_squeeze %dma_start3A_111 : memref<1x125xi32, #tpu.memory_space<vmem>> -> memref<125xi32, #tpu.memory_space<vmem>>
        %dma_start3A_113 = arith.constant 0 : i32
        %dma_start3A_114 = arith.constant 0 : i32
        %dma_start3A_115 = tpu.memref_slice %arg13[%dma_start3A_113, %dma_start3A_114] : memref<10000x128xbf16, #tpu.memory_space<vmem_shared>> -> memref<10000x128xbf16, #tpu.memory_space<vmem_shared>>
        tpu.enqueue_indirect_dma source(%arg11 : memref<125x128xbf16, #tpu.memory_space<vmem>>) target(%dma_start3A_115 : memref<10000x128xbf16, #tpu.memory_space<vmem_shared>>) offsets(%dma_start3A_112 : memref<125xi32, #tpu.memory_space<vmem>>) semaphore(%arg16 : memref<!tpu.dma_semaphore, #tpu.memory_space<semaphore_mem>>) {add = true}
        %dma_wait3A_116 = arith.constant 0 : i32
        %dma_wait3A_117 = tpu.memref_slice %arg9[%add3A_97, %dma_wait3A_116] : memref<40x125xi32, #tpu.memory_space<vmem>> -> memref<1x125xi32, #tpu.memory_space<vmem>>
        %dma_wait3A_118 = tpu.memref_squeeze %dma_wait3A_117 : memref<1x125xi32, #tpu.memory_space<vmem>> -> memref<125xi32, #tpu.memory_space<vmem>>
        %dma_wait3A_119 = arith.constant 0 : i32
        %dma_wait3A_120 = arith.constant 0 : i32
        %dma_wait3A_121 = tpu.memref_slice %arg2[%dma_wait3A_119, %dma_wait3A_120] : memref<10000x128xbf16, #tpu.memory_space<hbm>> -> memref<10000x128xbf16, #tpu.memory_space<hbm>>
        tpu.wait_indirect_dma semaphore(%arg15 : memref<!tpu.dma_semaphore, #tpu.memory_space<semaphore_mem>>) src(%dma_wait3A_121 : memref<10000x128xbf16, #tpu.memory_space<hbm>>) dst(%arg12 : memref<125x128xbf16, #tpu.memory_space<vmem>>)
        %add3A_122 = arith.constant 1 : i32
        %add3A_123 = arith.addi %mul3A_81, %add3A_122 : i32
        %dma_start3A_124 = arith.constant 0 : i32
        %dma_start3A_125 = tpu.memref_slice %arg10[%add3A_123, %dma_start3A_124] : memref<40x125xi32, #tpu.memory_space<vmem>> -> memref<1x125xi32, #tpu.memory_space<vmem>>
        %dma_start3A_126 = tpu.memref_squeeze %dma_start3A_125 : memref<1x125xi32, #tpu.memory_space<vmem>> -> memref<125xi32, #tpu.memory_space<vmem>>
        %dma_start3A_127 = arith.constant 0 : i32
        %dma_start3A_128 = arith.constant 0 : i32
        %dma_start3A_129 = tpu.memref_slice %arg13[%dma_start3A_127, %dma_start3A_128] : memref<10000x128xbf16, #tpu.memory_space<vmem_shared>> -> memref<10000x128xbf16, #tpu.memory_space<vmem_shared>>
        tpu.enqueue_indirect_dma source(%arg12 : memref<125x128xbf16, #tpu.memory_space<vmem>>) target(%dma_start3A_129 : memref<10000x128xbf16, #tpu.memory_space<vmem_shared>>) offsets(%dma_start3A_126 : memref<125xi32, #tpu.memory_space<vmem>>) semaphore(%arg17 : memref<!tpu.dma_semaphore, #tpu.memory_space<semaphore_mem>>) {add = true}
      }
      %scan3A_64 = arith.constant 20 : i32
      %dma_wait3A_65 = arith.constant 0 : i32
      %dma_wait3A_66 = arith.constant 0 : i32
      %dma_wait3A_67 = tpu.memref_slice %arg10[%dma_wait3A_65, %dma_wait3A_66] : memref<40x125xi32, #tpu.memory_space<vmem>> -> memref<1x125xi32, #tpu.memory_space<vmem>>
      %dma_wait3A_68 = tpu.memref_squeeze %dma_wait3A_67 : memref<1x125xi32, #tpu.memory_space<vmem>> -> memref<125xi32, #tpu.memory_space<vmem>>
      %dma_wait3A_69 = arith.constant 0 : i32
      %dma_wait3A_70 = arith.constant 0 : i32
      %dma_wait3A_71 = tpu.memref_slice %arg13[%dma_wait3A_69, %dma_wait3A_70] : memref<10000x128xbf16, #tpu.memory_space<vmem_shared>> -> memref<10000x128xbf16, #tpu.memory_space<vmem_shared>>
      tpu.wait_indirect_dma semaphore(%arg16 : memref<!tpu.dma_semaphore, #tpu.memory_space<semaphore_mem>>) src(%arg11 : memref<125x128xbf16, #tpu.memory_space<vmem>>) dst(%dma_wait3A_71 : memref<10000x128xbf16, #tpu.memory_space<vmem_shared>>)
      %dma_wait3A_72 = arith.constant 0 : i32
      %dma_wait3A_73 = arith.constant 0 : i32
      %dma_wait3A_74 = tpu.memref_slice %arg10[%dma_wait3A_72, %dma_wait3A_73] : memref<40x125xi32, #tpu.memory_space<vmem>> -> memref<1x125xi32, #tpu.memory_space<vmem>>
      %dma_wait3A_75 = tpu.memref_squeeze %dma_wait3A_74 : memref<1x125xi32, #tpu.memory_space<vmem>> -> memref<125xi32, #tpu.memory_space<vmem>>
      %dma_wait3A_76 = arith.constant 0 : i32
      %dma_wait3A_77 = arith.constant 0 : i32
      %dma_wait3A_78 = tpu.memref_slice %arg13[%dma_wait3A_76, %dma_wait3A_77] : memref<10000x128xbf16, #tpu.memory_space<vmem_shared>> -> memref<10000x128xbf16, #tpu.memory_space<vmem_shared>>
      tpu.wait_indirect_dma semaphore(%arg17 : memref<!tpu.dma_semaphore, #tpu.memory_space<semaphore_mem>>) src(%arg12 : memref<125x128xbf16, #tpu.memory_space<vmem>>) dst(%dma_wait3A_78 : memref<10000x128xbf16, #tpu.memory_space<vmem_shared>>)
    } else {
    }
    %eq3A_6 = arith.constant 1 : i32
    %eq3A_7 = arith.cmpi eq, %arg0, %eq3A_6 : i32
    %convert_element_type3A_8 = arith.extui %eq3A_7 : i1 to i32
    %cond3A_9 = arith.constant 0 : i32
    %cond3A_10 = arith.cmpi ne, %convert_element_type3A_8, %cond3A_9 : i32
    scf.if %cond3A_10 {
      %mul3A = arith.constant 80 : i32
      %mul3A_27 = arith.muli %arg1, %mul3A : i32
      %add3A = arith.constant 0 : i32
      %add3A_28 = arith.addi %mul3A_27, %add3A : i32
      "tpu.region"() ({
        %run_scoped3A = tpu.sem_alloc : memref<!tpu.dma_semaphore, #tpu.memory_space<semaphore_mem>>
        %dma_start3A = arith.constant 0 : i32
        %dma_start3A_79 = tpu.memref_slice %arg4[%add3A_28, %dma_start3A] : memref<1280x125xi32, #tpu.memory_space<hbm>> -> memref<40x125xi32, #tpu.memory_space<hbm>>
        %dma_start3A_80 = arith.constant 0 : i32
        %dma_start3A_81 = tpu.memref_slice %arg4[%add3A_28, %dma_start3A_80] : memref<1280x125xi32, #tpu.memory_space<hbm>> -> memref<40x125xi32, #tpu.memory_space<hbm>>
        tpu.enqueue_dma source(%dma_start3A_81 : memref<40x125xi32, #tpu.memory_space<hbm>>) target(%arg9 : memref<40x125xi32, #tpu.memory_space<vmem>>) target_semaphore(%run_scoped3A : memref<!tpu.dma_semaphore, #tpu.memory_space<semaphore_mem>>)
        %dma_wait3A_82 = arith.constant 0 : i32
        %dma_wait3A_83 = tpu.memref_slice %arg4[%add3A_28, %dma_wait3A_82] : memref<1280x125xi32, #tpu.memory_space<hbm>> -> memref<40x125xi32, #tpu.memory_space<hbm>>
        %dma_wait3A_84 = arith.constant 0 : i32
        %dma_wait3A_85 = tpu.memref_slice %arg4[%add3A_28, %dma_wait3A_84] : memref<1280x125xi32, #tpu.memory_space<hbm>> -> memref<40x125xi32, #tpu.memory_space<hbm>>
        tpu.wait_dma2 semaphore(%run_scoped3A : memref<!tpu.dma_semaphore, #tpu.memory_space<semaphore_mem>>) src(%dma_wait3A_85 : memref<40x125xi32, #tpu.memory_space<hbm>>) dst(%arg9 : memref<40x125xi32, #tpu.memory_space<vmem>>)
        tpu.yield
      }) : () -> ()
      %mul3A_29 = arith.constant 80 : i32
      %mul3A_30 = arith.muli %arg1, %mul3A_29 : i32
      %add3A_31 = arith.constant 0 : i32
      %add3A_32 = arith.addi %mul3A_30, %add3A_31 : i32
      "tpu.region"() ({
        %run_scoped3A = tpu.sem_alloc : memref<!tpu.dma_semaphore, #tpu.memory_space<semaphore_mem>>
        %dma_start3A = arith.constant 0 : i32
        %dma_start3A_79 = tpu.memref_slice %arg5[%add3A_32, %dma_start3A] : memref<1280x125xi32, #tpu.memory_space<hbm>> -> memref<40x125xi32, #tpu.memory_space<hbm>>
        %dma_start3A_80 = arith.constant 0 : i32
        %dma_start3A_81 = tpu.memref_slice %arg5[%add3A_32, %dma_start3A_80] : memref<1280x125xi32, #tpu.memory_space<hbm>> -> memref<40x125xi32, #tpu.memory_space<hbm>>
        tpu.enqueue_dma source(%dma_start3A_81 : memref<40x125xi32, #tpu.memory_space<hbm>>) target(%arg10 : memref<40x125xi32, #tpu.memory_space<vmem>>) target_semaphore(%run_scoped3A : memref<!tpu.dma_semaphore, #tpu.memory_space<semaphore_mem>>)
        %dma_wait3A_82 = arith.constant 0 : i32
        %dma_wait3A_83 = tpu.memref_slice %arg5[%add3A_32, %dma_wait3A_82] : memref<1280x125xi32, #tpu.memory_space<hbm>> -> memref<40x125xi32, #tpu.memory_space<hbm>>
        %dma_wait3A_84 = arith.constant 0 : i32
        %dma_wait3A_85 = tpu.memref_slice %arg5[%add3A_32, %dma_wait3A_84] : memref<1280x125xi32, #tpu.memory_space<hbm>> -> memref<40x125xi32, #tpu.memory_space<hbm>>
        tpu.wait_dma2 semaphore(%run_scoped3A : memref<!tpu.dma_semaphore, #tpu.memory_space<semaphore_mem>>) src(%dma_wait3A_85 : memref<40x125xi32, #tpu.memory_space<hbm>>) dst(%arg10 : memref<40x125xi32, #tpu.memory_space<vmem>>)
        tpu.yield
      }) : () -> ()
      %scan3A = arith.constant 0 : i32
      %scan3A_33 = arith.constant 0 : i32
      %scan3A_34 = arith.constant 20 : i32
      %scan3A_35 = arith.addi %scan3A_33, %scan3A_34 : i32
      %scan3A_36 = arith.constant 1 : i32
      scf.for %scan3A_79 = %scan3A_33 to %scan3A_35 step %scan3A_36  : i32 {
        %mul3A_80 = arith.constant 2 : i32
        %mul3A_81 = arith.muli %mul3A_80, %scan3A_79 : i32
        %gt3A = arith.constant 0 : i32
        %gt3A_82 = arith.cmpi sgt, %scan3A_79, %gt3A : i32
        %convert_element_type3A_83 = arith.extui %gt3A_82 : i1 to i32
        %cond3A_84 = arith.constant 0 : i32
        %cond3A_85 = arith.cmpi ne, %convert_element_type3A_83, %cond3A_84 : i32
        scf.if %cond3A_85 {
          %dma_wait3A_130 = arith.constant 0 : i32
          %dma_wait3A_131 = arith.constant 0 : i32
          %dma_wait3A_132 = tpu.memref_slice %arg10[%dma_wait3A_130, %dma_wait3A_131] : memref<40x125xi32, #tpu.memory_space<vmem>> -> memref<1x125xi32, #tpu.memory_space<vmem>>
          %dma_wait3A_133 = tpu.memref_squeeze %dma_wait3A_132 : memref<1x125xi32, #tpu.memory_space<vmem>> -> memref<125xi32, #tpu.memory_space<vmem>>
          %dma_wait3A_134 = arith.constant 0 : i32
          %dma_wait3A_135 = arith.constant 0 : i32
          %dma_wait3A_136 = tpu.memref_slice %arg13[%dma_wait3A_134, %dma_wait3A_135] : memref<10000x128xbf16, #tpu.memory_space<vmem_shared>> -> memref<10000x128xbf16, #tpu.memory_space<vmem_shared>>
          tpu.wait_indirect_dma semaphore(%arg16 : memref<!tpu.dma_semaphore, #tpu.memory_space<semaphore_mem>>) src(%arg11 : memref<125x128xbf16, #tpu.memory_space<vmem>>) dst(%dma_wait3A_136 : memref<10000x128xbf16, #tpu.memory_space<vmem_shared>>)
        } else {
        }
        %dma_start3A = arith.constant 0 : i32
        %dma_start3A_86 = tpu.memref_slice %arg9[%mul3A_81, %dma_start3A] : memref<40x125xi32, #tpu.memory_space<vmem>> -> memref<1x125xi32, #tpu.memory_space<vmem>>
        %dma_start3A_87 = tpu.memref_squeeze %dma_start3A_86 : memref<1x125xi32, #tpu.memory_space<vmem>> -> memref<125xi32, #tpu.memory_space<vmem>>
        %dma_start3A_88 = arith.constant 0 : i32
        %dma_start3A_89 = arith.constant 0 : i32
        %dma_start3A_90 = tpu.memref_slice %arg3[%dma_start3A_88, %dma_start3A_89] : memref<10000x128xbf16, #tpu.memory_space<hbm>> -> memref<10000x128xbf16, #tpu.memory_space<hbm>>
        tpu.enqueue_indirect_dma source(%dma_start3A_90 : memref<10000x128xbf16, #tpu.memory_space<hbm>>) target(%arg11 : memref<125x128xbf16, #tpu.memory_space<vmem>>) offsets(%dma_start3A_87 : memref<125xi32, #tpu.memory_space<vmem>>) semaphore(%arg14 : memref<!tpu.dma_semaphore, #tpu.memory_space<semaphore_mem>>)
        %gt3A_91 = arith.constant 0 : i32
        %gt3A_92 = arith.cmpi sgt, %scan3A_79, %gt3A_91 : i32
        %convert_element_type3A_93 = arith.extui %gt3A_92 : i1 to i32
        %cond3A_94 = arith.constant 0 : i32
        %cond3A_95 = arith.cmpi ne, %convert_element_type3A_93, %cond3A_94 : i32
        scf.if %cond3A_95 {
          %dma_wait3A_130 = arith.constant 0 : i32
          %dma_wait3A_131 = arith.constant 0 : i32
          %dma_wait3A_132 = tpu.memref_slice %arg10[%dma_wait3A_130, %dma_wait3A_131] : memref<40x125xi32, #tpu.memory_space<vmem>> -> memref<1x125xi32, #tpu.memory_space<vmem>>
          %dma_wait3A_133 = tpu.memref_squeeze %dma_wait3A_132 : memref<1x125xi32, #tpu.memory_space<vmem>> -> memref<125xi32, #tpu.memory_space<vmem>>
          %dma_wait3A_134 = arith.constant 0 : i32
          %dma_wait3A_135 = arith.constant 0 : i32
          %dma_wait3A_136 = tpu.memref_slice %arg13[%dma_wait3A_134, %dma_wait3A_135] : memref<10000x128xbf16, #tpu.memory_space<vmem_shared>> -> memref<10000x128xbf16, #tpu.memory_space<vmem_shared>>
          tpu.wait_indirect_dma semaphore(%arg17 : memref<!tpu.dma_semaphore, #tpu.memory_space<semaphore_mem>>) src(%arg12 : memref<125x128xbf16, #tpu.memory_space<vmem>>) dst(%dma_wait3A_136 : memref<10000x128xbf16, #tpu.memory_space<vmem_shared>>)
        } else {
        }
        %add3A_96 = arith.constant 1 : i32
        %add3A_97 = arith.addi %mul3A_81, %add3A_96 : i32
        %dma_start3A_98 = arith.constant 0 : i32
        %dma_start3A_99 = tpu.memref_slice %arg9[%add3A_97, %dma_start3A_98] : memref<40x125xi32, #tpu.memory_space<vmem>> -> memref<1x125xi32, #tpu.memory_space<vmem>>
        %dma_start3A_100 = tpu.memref_squeeze %dma_start3A_99 : memref<1x125xi32, #tpu.memory_space<vmem>> -> memref<125xi32, #tpu.memory_space<vmem>>
        %dma_start3A_101 = arith.constant 0 : i32
        %dma_start3A_102 = arith.constant 0 : i32
        %dma_start3A_103 = tpu.memref_slice %arg3[%dma_start3A_101, %dma_start3A_102] : memref<10000x128xbf16, #tpu.memory_space<hbm>> -> memref<10000x128xbf16, #tpu.memory_space<hbm>>
        tpu.enqueue_indirect_dma source(%dma_start3A_103 : memref<10000x128xbf16, #tpu.memory_space<hbm>>) target(%arg12 : memref<125x128xbf16, #tpu.memory_space<vmem>>) offsets(%dma_start3A_100 : memref<125xi32, #tpu.memory_space<vmem>>) semaphore(%arg15 : memref<!tpu.dma_semaphore, #tpu.memory_space<semaphore_mem>>)
        %dma_wait3A_104 = arith.constant 0 : i32
        %dma_wait3A_105 = tpu.memref_slice %arg9[%mul3A_81, %dma_wait3A_104] : memref<40x125xi32, #tpu.memory_space<vmem>> -> memref<1x125xi32, #tpu.memory_space<vmem>>
        %dma_wait3A_106 = tpu.memref_squeeze %dma_wait3A_105 : memref<1x125xi32, #tpu.memory_space<vmem>> -> memref<125xi32, #tpu.memory_space<vmem>>
        %dma_wait3A_107 = arith.constant 0 : i32
        %dma_wait3A_108 = arith.constant 0 : i32
        %dma_wait3A_109 = tpu.memref_slice %arg3[%dma_wait3A_107, %dma_wait3A_108] : memref<10000x128xbf16, #tpu.memory_space<hbm>> -> memref<10000x128xbf16, #tpu.memory_space<hbm>>
        tpu.wait_indirect_dma semaphore(%arg14 : memref<!tpu.dma_semaphore, #tpu.memory_space<semaphore_mem>>) src(%dma_wait3A_109 : memref<10000x128xbf16, #tpu.memory_space<hbm>>) dst(%arg11 : memref<125x128xbf16, #tpu.memory_space<vmem>>)
        %dma_start3A_110 = arith.constant 0 : i32
        %dma_start3A_111 = tpu.memref_slice %arg10[%mul3A_81, %dma_start3A_110] : memref<40x125xi32, #tpu.memory_space<vmem>> -> memref<1x125xi32, #tpu.memory_space<vmem>>
        %dma_start3A_112 = tpu.memref_squeeze %dma_start3A_111 : memref<1x125xi32, #tpu.memory_space<vmem>> -> memref<125xi32, #tpu.memory_space<vmem>>
        %dma_start3A_113 = arith.constant 0 : i32
        %dma_start3A_114 = arith.constant 0 : i32
        %dma_start3A_115 = tpu.memref_slice %arg13[%dma_start3A_113, %dma_start3A_114] : memref<10000x128xbf16, #tpu.memory_space<vmem_shared>> -> memref<10000x128xbf16, #tpu.memory_space<vmem_shared>>
        tpu.enqueue_indirect_dma source(%arg11 : memref<125x128xbf16, #tpu.memory_space<vmem>>) target(%dma_start3A_115 : memref<10000x128xbf16, #tpu.memory_space<vmem_shared>>) offsets(%dma_start3A_112 : memref<125xi32, #tpu.memory_space<vmem>>) semaphore(%arg16 : memref<!tpu.dma_semaphore, #tpu.memory_space<semaphore_mem>>) {add = true}
        %dma_wait3A_116 = arith.constant 0 : i32
        %dma_wait3A_117 = tpu.memref_slice %arg9[%add3A_97, %dma_wait3A_116] : memref<40x125xi32, #tpu.memory_space<vmem>> -> memref<1x125xi32, #tpu.memory_space<vmem>>
        %dma_wait3A_118 = tpu.memref_squeeze %dma_wait3A_117 : memref<1x125xi32, #tpu.memory_space<vmem>> -> memref<125xi32, #tpu.memory_space<vmem>>
        %dma_wait3A_119 = arith.constant 0 : i32
        %dma_wait3A_120 = arith.constant 0 : i32
        %dma_wait3A_121 = tpu.memref_slice %arg3[%dma_wait3A_119, %dma_wait3A_120] : memref<10000x128xbf16, #tpu.memory_space<hbm>> -> memref<10000x128xbf16, #tpu.memory_space<hbm>>
        tpu.wait_indirect_dma semaphore(%arg15 : memref<!tpu.dma_semaphore, #tpu.memory_space<semaphore_mem>>) src(%dma_wait3A_121 : memref<10000x128xbf16, #tpu.memory_space<hbm>>) dst(%arg12 : memref<125x128xbf16, #tpu.memory_space<vmem>>)
        %add3A_122 = arith.constant 1 : i32
        %add3A_123 = arith.addi %mul3A_81, %add3A_122 : i32
        %dma_start3A_124 = arith.constant 0 : i32
        %dma_start3A_125 = tpu.memref_slice %arg10[%add3A_123, %dma_start3A_124] : memref<40x125xi32, #tpu.memory_space<vmem>> -> memref<1x125xi32, #tpu.memory_space<vmem>>
        %dma_start3A_126 = tpu.memref_squeeze %dma_start3A_125 : memref<1x125xi32, #tpu.memory_space<vmem>> -> memref<125xi32, #tpu.memory_space<vmem>>
        %dma_start3A_127 = arith.constant 0 : i32
        %dma_start3A_128 = arith.constant 0 : i32
        %dma_start3A_129 = tpu.memref_slice %arg13[%dma_start3A_127, %dma_start3A_128] : memref<10000x128xbf16, #tpu.memory_space<vmem_shared>> -> memref<10000x128xbf16, #tpu.memory_space<vmem_shared>>
        tpu.enqueue_indirect_dma source(%arg12 : memref<125x128xbf16, #tpu.memory_space<vmem>>) target(%dma_start3A_129 : memref<10000x128xbf16, #tpu.memory_space<vmem_shared>>) offsets(%dma_start3A_126 : memref<125xi32, #tpu.memory_space<vmem>>) semaphore(%arg17 : memref<!tpu.dma_semaphore, #tpu.memory_space<semaphore_mem>>) {add = true}
      }
      %scan3A_37 = arith.constant 20 : i32
      %dma_wait3A = arith.constant 0 : i32
      %dma_wait3A_38 = arith.constant 0 : i32
      %dma_wait3A_39 = tpu.memref_slice %arg10[%dma_wait3A, %dma_wait3A_38] : memref<40x125xi32, #tpu.memory_space<vmem>> -> memref<1x125xi32, #tpu.memory_space<vmem>>
      %dma_wait3A_40 = tpu.memref_squeeze %dma_wait3A_39 : memref<1x125xi32, #tpu.memory_space<vmem>> -> memref<125xi32, #tpu.memory_space<vmem>>
      %dma_wait3A_41 = arith.constant 0 : i32
      %dma_wait3A_42 = arith.constant 0 : i32
      %dma_wait3A_43 = tpu.memref_slice %arg13[%dma_wait3A_41, %dma_wait3A_42] : memref<10000x128xbf16, #tpu.memory_space<vmem_shared>> -> memref<10000x128xbf16, #tpu.memory_space<vmem_shared>>
      tpu.wait_indirect_dma semaphore(%arg16 : memref<!tpu.dma_semaphore, #tpu.memory_space<semaphore_mem>>) src(%arg11 : memref<125x128xbf16, #tpu.memory_space<vmem>>) dst(%dma_wait3A_43 : memref<10000x128xbf16, #tpu.memory_space<vmem_shared>>)
      %dma_wait3A_44 = arith.constant 0 : i32
      %dma_wait3A_45 = arith.constant 0 : i32
      %dma_wait3A_46 = tpu.memref_slice %arg10[%dma_wait3A_44, %dma_wait3A_45] : memref<40x125xi32, #tpu.memory_space<vmem>> -> memref<1x125xi32, #tpu.memory_space<vmem>>
      %dma_wait3A_47 = tpu.memref_squeeze %dma_wait3A_46 : memref<1x125xi32, #tpu.memory_space<vmem>> -> memref<125xi32, #tpu.memory_space<vmem>>
      %dma_wait3A_48 = arith.constant 0 : i32
      %dma_wait3A_49 = arith.constant 0 : i32
      %dma_wait3A_50 = tpu.memref_slice %arg13[%dma_wait3A_48, %dma_wait3A_49] : memref<10000x128xbf16, #tpu.memory_space<vmem_shared>> -> memref<10000x128xbf16, #tpu.memory_space<vmem_shared>>
      tpu.wait_indirect_dma semaphore(%arg17 : memref<!tpu.dma_semaphore, #tpu.memory_space<semaphore_mem>>) src(%arg12 : memref<125x128xbf16, #tpu.memory_space<vmem>>) dst(%dma_wait3A_50 : memref<10000x128xbf16, #tpu.memory_space<vmem_shared>>)
      %mul3A_51 = arith.constant 80 : i32
      %mul3A_52 = arith.muli %arg1, %mul3A_51 : i32
      %add3A_53 = arith.constant 40 : i32
      %add3A_54 = arith.addi %mul3A_52, %add3A_53 : i32
      "tpu.region"() ({
        %run_scoped3A = tpu.sem_alloc : memref<!tpu.dma_semaphore, #tpu.memory_space<semaphore_mem>>
        %dma_start3A = arith.constant 0 : i32
        %dma_start3A_79 = tpu.memref_slice %arg4[%add3A_54, %dma_start3A] : memref<1280x125xi32, #tpu.memory_space<hbm>> -> memref<40x125xi32, #tpu.memory_space<hbm>>
        %dma_start3A_80 = arith.constant 0 : i32
        %dma_start3A_81 = tpu.memref_slice %arg4[%add3A_54, %dma_start3A_80] : memref<1280x125xi32, #tpu.memory_space<hbm>> -> memref<40x125xi32, #tpu.memory_space<hbm>>
        tpu.enqueue_dma source(%dma_start3A_81 : memref<40x125xi32, #tpu.memory_space<hbm>>) target(%arg9 : memref<40x125xi32, #tpu.memory_space<vmem>>) target_semaphore(%run_scoped3A : memref<!tpu.dma_semaphore, #tpu.memory_space<semaphore_mem>>)
        %dma_wait3A_82 = arith.constant 0 : i32
        %dma_wait3A_83 = tpu.memref_slice %arg4[%add3A_54, %dma_wait3A_82] : memref<1280x125xi32, #tpu.memory_space<hbm>> -> memref<40x125xi32, #tpu.memory_space<hbm>>
        %dma_wait3A_84 = arith.constant 0 : i32
        %dma_wait3A_85 = tpu.memref_slice %arg4[%add3A_54, %dma_wait3A_84] : memref<1280x125xi32, #tpu.memory_space<hbm>> -> memref<40x125xi32, #tpu.memory_space<hbm>>
        tpu.wait_dma2 semaphore(%run_scoped3A : memref<!tpu.dma_semaphore, #tpu.memory_space<semaphore_mem>>) src(%dma_wait3A_85 : memref<40x125xi32, #tpu.memory_space<hbm>>) dst(%arg9 : memref<40x125xi32, #tpu.memory_space<vmem>>)
        tpu.yield
      }) : () -> ()
      %mul3A_55 = arith.constant 80 : i32
      %mul3A_56 = arith.muli %arg1, %mul3A_55 : i32
      %add3A_57 = arith.constant 40 : i32
      %add3A_58 = arith.addi %mul3A_56, %add3A_57 : i32
      "tpu.region"() ({
        %run_scoped3A = tpu.sem_alloc : memref<!tpu.dma_semaphore, #tpu.memory_space<semaphore_mem>>
        %dma_start3A = arith.constant 0 : i32
        %dma_start3A_79 = tpu.memref_slice %arg5[%add3A_58, %dma_start3A] : memref<1280x125xi32, #tpu.memory_space<hbm>> -> memref<40x125xi32, #tpu.memory_space<hbm>>
        %dma_start3A_80 = arith.constant 0 : i32
        %dma_start3A_81 = tpu.memref_slice %arg5[%add3A_58, %dma_start3A_80] : memref<1280x125xi32, #tpu.memory_space<hbm>> -> memref<40x125xi32, #tpu.memory_space<hbm>>
        tpu.enqueue_dma source(%dma_start3A_81 : memref<40x125xi32, #tpu.memory_space<hbm>>) target(%arg10 : memref<40x125xi32, #tpu.memory_space<vmem>>) target_semaphore(%run_scoped3A : memref<!tpu.dma_semaphore, #tpu.memory_space<semaphore_mem>>)
        %dma_wait3A_82 = arith.constant 0 : i32
        %dma_wait3A_83 = tpu.memref_slice %arg5[%add3A_58, %dma_wait3A_82] : memref<1280x125xi32, #tpu.memory_space<hbm>> -> memref<40x125xi32, #tpu.memory_space<hbm>>
        %dma_wait3A_84 = arith.constant 0 : i32
        %dma_wait3A_85 = tpu.memref_slice %arg5[%add3A_58, %dma_wait3A_84] : memref<1280x125xi32, #tpu.memory_space<hbm>> -> memref<40x125xi32, #tpu.memory_space<hbm>>
        tpu.wait_dma2 semaphore(%run_scoped3A : memref<!tpu.dma_semaphore, #tpu.memory_space<semaphore_mem>>) src(%dma_wait3A_85 : memref<40x125xi32, #tpu.memory_space<hbm>>) dst(%arg10 : memref<40x125xi32, #tpu.memory_space<vmem>>)
        tpu.yield
      }) : () -> ()
      %scan3A_59 = arith.constant 0 : i32
      %scan3A_60 = arith.constant 0 : i32
      %scan3A_61 = arith.constant 20 : i32
      %scan3A_62 = arith.addi %scan3A_60, %scan3A_61 : i32
      %scan3A_63 = arith.constant 1 : i32
      scf.for %scan3A_79 = %scan3A_60 to %scan3A_62 step %scan3A_63  : i32 {
        %mul3A_80 = arith.constant 2 : i32
        %mul3A_81 = arith.muli %mul3A_80, %scan3A_79 : i32
        %gt3A = arith.constant 0 : i32
        %gt3A_82 = arith.cmpi sgt, %scan3A_79, %gt3A : i32
        %convert_element_type3A_83 = arith.extui %gt3A_82 : i1 to i32
        %cond3A_84 = arith.constant 0 : i32
        %cond3A_85 = arith.cmpi ne, %convert_element_type3A_83, %cond3A_84 : i32
        scf.if %cond3A_85 {
          %dma_wait3A_130 = arith.constant 0 : i32
          %dma_wait3A_131 = arith.constant 0 : i32
          %dma_wait3A_132 = tpu.memref_slice %arg10[%dma_wait3A_130, %dma_wait3A_131] : memref<40x125xi32, #tpu.memory_space<vmem>> -> memref<1x125xi32, #tpu.memory_space<vmem>>
          %dma_wait3A_133 = tpu.memref_squeeze %dma_wait3A_132 : memref<1x125xi32, #tpu.memory_space<vmem>> -> memref<125xi32, #tpu.memory_space<vmem>>
          %dma_wait3A_134 = arith.constant 0 : i32
          %dma_wait3A_135 = arith.constant 0 : i32
          %dma_wait3A_136 = tpu.memref_slice %arg13[%dma_wait3A_134, %dma_wait3A_135] : memref<10000x128xbf16, #tpu.memory_space<vmem_shared>> -> memref<10000x128xbf16, #tpu.memory_space<vmem_shared>>
          tpu.wait_indirect_dma semaphore(%arg16 : memref<!tpu.dma_semaphore, #tpu.memory_space<semaphore_mem>>) src(%arg11 : memref<125x128xbf16, #tpu.memory_space<vmem>>) dst(%dma_wait3A_136 : memref<10000x128xbf16, #tpu.memory_space<vmem_shared>>)
        } else {
        }
        %dma_start3A = arith.constant 0 : i32
        %dma_start3A_86 = tpu.memref_slice %arg9[%mul3A_81, %dma_start3A] : memref<40x125xi32, #tpu.memory_space<vmem>> -> memref<1x125xi32, #tpu.memory_space<vmem>>
        %dma_start3A_87 = tpu.memref_squeeze %dma_start3A_86 : memref<1x125xi32, #tpu.memory_space<vmem>> -> memref<125xi32, #tpu.memory_space<vmem>>
        %dma_start3A_88 = arith.constant 0 : i32
        %dma_start3A_89 = arith.constant 0 : i32
        %dma_start3A_90 = tpu.memref_slice %arg3[%dma_start3A_88, %dma_start3A_89] : memref<10000x128xbf16, #tpu.memory_space<hbm>> -> memref<10000x128xbf16, #tpu.memory_space<hbm>>
        tpu.enqueue_indirect_dma source(%dma_start3A_90 : memref<10000x128xbf16, #tpu.memory_space<hbm>>) target(%arg11 : memref<125x128xbf16, #tpu.memory_space<vmem>>) offsets(%dma_start3A_87 : memref<125xi32, #tpu.memory_space<vmem>>) semaphore(%arg14 : memref<!tpu.dma_semaphore, #tpu.memory_space<semaphore_mem>>)
        %gt3A_91 = arith.constant 0 : i32
        %gt3A_92 = arith.cmpi sgt, %scan3A_79, %gt3A_91 : i32
        %convert_element_type3A_93 = arith.extui %gt3A_92 : i1 to i32
        %cond3A_94 = arith.constant 0 : i32
        %cond3A_95 = arith.cmpi ne, %convert_element_type3A_93, %cond3A_94 : i32
        scf.if %cond3A_95 {
          %dma_wait3A_130 = arith.constant 0 : i32
          %dma_wait3A_131 = arith.constant 0 : i32
          %dma_wait3A_132 = tpu.memref_slice %arg10[%dma_wait3A_130, %dma_wait3A_131] : memref<40x125xi32, #tpu.memory_space<vmem>> -> memref<1x125xi32, #tpu.memory_space<vmem>>
          %dma_wait3A_133 = tpu.memref_squeeze %dma_wait3A_132 : memref<1x125xi32, #tpu.memory_space<vmem>> -> memref<125xi32, #tpu.memory_space<vmem>>
          %dma_wait3A_134 = arith.constant 0 : i32
          %dma_wait3A_135 = arith.constant 0 : i32
          %dma_wait3A_136 = tpu.memref_slice %arg13[%dma_wait3A_134, %dma_wait3A_135] : memref<10000x128xbf16, #tpu.memory_space<vmem_shared>> -> memref<10000x128xbf16, #tpu.memory_space<vmem_shared>>
          tpu.wait_indirect_dma semaphore(%arg17 : memref<!tpu.dma_semaphore, #tpu.memory_space<semaphore_mem>>) src(%arg12 : memref<125x128xbf16, #tpu.memory_space<vmem>>) dst(%dma_wait3A_136 : memref<10000x128xbf16, #tpu.memory_space<vmem_shared>>)
        } else {
        }
        %add3A_96 = arith.constant 1 : i32
        %add3A_97 = arith.addi %mul3A_81, %add3A_96 : i32
        %dma_start3A_98 = arith.constant 0 : i32
        %dma_start3A_99 = tpu.memref_slice %arg9[%add3A_97, %dma_start3A_98] : memref<40x125xi32, #tpu.memory_space<vmem>> -> memref<1x125xi32, #tpu.memory_space<vmem>>
        %dma_start3A_100 = tpu.memref_squeeze %dma_start3A_99 : memref<1x125xi32, #tpu.memory_space<vmem>> -> memref<125xi32, #tpu.memory_space<vmem>>
        %dma_start3A_101 = arith.constant 0 : i32
        %dma_start3A_102 = arith.constant 0 : i32
        %dma_start3A_103 = tpu.memref_slice %arg3[%dma_start3A_101, %dma_start3A_102] : memref<10000x128xbf16, #tpu.memory_space<hbm>> -> memref<10000x128xbf16, #tpu.memory_space<hbm>>
        tpu.enqueue_indirect_dma source(%dma_start3A_103 : memref<10000x128xbf16, #tpu.memory_space<hbm>>) target(%arg12 : memref<125x128xbf16, #tpu.memory_space<vmem>>) offsets(%dma_start3A_100 : memref<125xi32, #tpu.memory_space<vmem>>) semaphore(%arg15 : memref<!tpu.dma_semaphore, #tpu.memory_space<semaphore_mem>>)
        %dma_wait3A_104 = arith.constant 0 : i32
        %dma_wait3A_105 = tpu.memref_slice %arg9[%mul3A_81, %dma_wait3A_104] : memref<40x125xi32, #tpu.memory_space<vmem>> -> memref<1x125xi32, #tpu.memory_space<vmem>>
        %dma_wait3A_106 = tpu.memref_squeeze %dma_wait3A_105 : memref<1x125xi32, #tpu.memory_space<vmem>> -> memref<125xi32, #tpu.memory_space<vmem>>
        %dma_wait3A_107 = arith.constant 0 : i32
        %dma_wait3A_108 = arith.constant 0 : i32
        %dma_wait3A_109 = tpu.memref_slice %arg3[%dma_wait3A_107, %dma_wait3A_108] : memref<10000x128xbf16, #tpu.memory_space<hbm>> -> memref<10000x128xbf16, #tpu.memory_space<hbm>>
        tpu.wait_indirect_dma semaphore(%arg14 : memref<!tpu.dma_semaphore, #tpu.memory_space<semaphore_mem>>) src(%dma_wait3A_109 : memref<10000x128xbf16, #tpu.memory_space<hbm>>) dst(%arg11 : memref<125x128xbf16, #tpu.memory_space<vmem>>)
        %dma_start3A_110 = arith.constant 0 : i32
        %dma_start3A_111 = tpu.memref_slice %arg10[%mul3A_81, %dma_start3A_110] : memref<40x125xi32, #tpu.memory_space<vmem>> -> memref<1x125xi32, #tpu.memory_space<vmem>>
        %dma_start3A_112 = tpu.memref_squeeze %dma_start3A_111 : memref<1x125xi32, #tpu.memory_space<vmem>> -> memref<125xi32, #tpu.memory_space<vmem>>
        %dma_start3A_113 = arith.constant 0 : i32
        %dma_start3A_114 = arith.constant 0 : i32
        %dma_start3A_115 = tpu.memref_slice %arg13[%dma_start3A_113, %dma_start3A_114] : memref<10000x128xbf16, #tpu.memory_space<vmem_shared>> -> memref<10000x128xbf16, #tpu.memory_space<vmem_shared>>
        tpu.enqueue_indirect_dma source(%arg11 : memref<125x128xbf16, #tpu.memory_space<vmem>>) target(%dma_start3A_115 : memref<10000x128xbf16, #tpu.memory_space<vmem_shared>>) offsets(%dma_start3A_112 : memref<125xi32, #tpu.memory_space<vmem>>) semaphore(%arg16 : memref<!tpu.dma_semaphore, #tpu.memory_space<semaphore_mem>>) {add = true}
        %dma_wait3A_116 = arith.constant 0 : i32
        %dma_wait3A_117 = tpu.memref_slice %arg9[%add3A_97, %dma_wait3A_116] : memref<40x125xi32, #tpu.memory_space<vmem>> -> memref<1x125xi32, #tpu.memory_space<vmem>>
        %dma_wait3A_118 = tpu.memref_squeeze %dma_wait3A_117 : memref<1x125xi32, #tpu.memory_space<vmem>> -> memref<125xi32, #tpu.memory_space<vmem>>
        %dma_wait3A_119 = arith.constant 0 : i32
        %dma_wait3A_120 = arith.constant 0 : i32
        %dma_wait3A_121 = tpu.memref_slice %arg3[%dma_wait3A_119, %dma_wait3A_120] : memref<10000x128xbf16, #tpu.memory_space<hbm>> -> memref<10000x128xbf16, #tpu.memory_space<hbm>>
        tpu.wait_indirect_dma semaphore(%arg15 : memref<!tpu.dma_semaphore, #tpu.memory_space<semaphore_mem>>) src(%dma_wait3A_121 : memref<10000x128xbf16, #tpu.memory_space<hbm>>) dst(%arg12 : memref<125x128xbf16, #tpu.memory_space<vmem>>)
        %add3A_122 = arith.constant 1 : i32
        %add3A_123 = arith.addi %mul3A_81, %add3A_122 : i32
        %dma_start3A_124 = arith.constant 0 : i32
        %dma_start3A_125 = tpu.memref_slice %arg10[%add3A_123, %dma_start3A_124] : memref<40x125xi32, #tpu.memory_space<vmem>> -> memref<1x125xi32, #tpu.memory_space<vmem>>
        %dma_start3A_126 = tpu.memref_squeeze %dma_start3A_125 : memref<1x125xi32, #tpu.memory_space<vmem>> -> memref<125xi32, #tpu.memory_space<vmem>>
        %dma_start3A_127 = arith.constant 0 : i32
        %dma_start3A_128 = arith.constant 0 : i32
        %dma_start3A_129 = tpu.memref_slice %arg13[%dma_start3A_127, %dma_start3A_128] : memref<10000x128xbf16, #tpu.memory_space<vmem_shared>> -> memref<10000x128xbf16, #tpu.memory_space<vmem_shared>>
        tpu.enqueue_indirect_dma source(%arg12 : memref<125x128xbf16, #tpu.memory_space<vmem>>) target(%dma_start3A_129 : memref<10000x128xbf16, #tpu.memory_space<vmem_shared>>) offsets(%dma_start3A_126 : memref<125xi32, #tpu.memory_space<vmem>>) semaphore(%arg17 : memref<!tpu.dma_semaphore, #tpu.memory_space<semaphore_mem>>) {add = true}
      }
      %scan3A_64 = arith.constant 20 : i32
      %dma_wait3A_65 = arith.constant 0 : i32
      %dma_wait3A_66 = arith.constant 0 : i32
      %dma_wait3A_67 = tpu.memref_slice %arg10[%dma_wait3A_65, %dma_wait3A_66] : memref<40x125xi32, #tpu.memory_space<vmem>> -> memref<1x125xi32, #tpu.memory_space<vmem>>
      %dma_wait3A_68 = tpu.memref_squeeze %dma_wait3A_67 : memref<1x125xi32, #tpu.memory_space<vmem>> -> memref<125xi32, #tpu.memory_space<vmem>>
      %dma_wait3A_69 = arith.constant 0 : i32
      %dma_wait3A_70 = arith.constant 0 : i32
      %dma_wait3A_71 = tpu.memref_slice %arg13[%dma_wait3A_69, %dma_wait3A_70] : memref<10000x128xbf16, #tpu.memory_space<vmem_shared>> -> memref<10000x128xbf16, #tpu.memory_space<vmem_shared>>
      tpu.wait_indirect_dma semaphore(%arg16 : memref<!tpu.dma_semaphore, #tpu.memory_space<semaphore_mem>>) src(%arg11 : memref<125x128xbf16, #tpu.memory_space<vmem>>) dst(%dma_wait3A_71 : memref<10000x128xbf16, #tpu.memory_space<vmem_shared>>)
      %dma_wait3A_72 = arith.constant 0 : i32
      %dma_wait3A_73 = arith.constant 0 : i32
      %dma_wait3A_74 = tpu.memref_slice %arg10[%dma_wait3A_72, %dma_wait3A_73] : memref<40x125xi32, #tpu.memory_space<vmem>> -> memref<1x125xi32, #tpu.memory_space<vmem>>
      %dma_wait3A_75 = tpu.memref_squeeze %dma_wait3A_74 : memref<1x125xi32, #tpu.memory_space<vmem>> -> memref<125xi32, #tpu.memory_space<vmem>>
      %dma_wait3A_76 = arith.constant 0 : i32
      %dma_wait3A_77 = arith.constant 0 : i32
      %dma_wait3A_78 = tpu.memref_slice %arg13[%dma_wait3A_76, %dma_wait3A_77] : memref<10000x128xbf16, #tpu.memory_space<vmem_shared>> -> memref<10000x128xbf16, #tpu.memory_space<vmem_shared>>
      tpu.wait_indirect_dma semaphore(%arg17 : memref<!tpu.dma_semaphore, #tpu.memory_space<semaphore_mem>>) src(%arg12 : memref<125x128xbf16, #tpu.memory_space<vmem>>) dst(%dma_wait3A_78 : memref<10000x128xbf16, #tpu.memory_space<vmem_shared>>)
    } else {
    }
    %barrier3A_11 = arith.constant 0 : index
    tpu.barrier barrier_id(%barrier3A_11)
    %eq3A_12 = arith.constant 0 : i32
    %eq3A_13 = arith.cmpi eq, %arg0, %eq3A_12 : i32
    %lt3A_14 = arith.constant 10 : i32
    %lt3A_15 = arith.cmpi slt, %arg1, %lt3A_14 : i32
    %and3A = arith.andi %eq3A_13, %lt3A_15 : i1
    %convert_element_type3A_16 = arith.extui %and3A : i1 to i32
    %cond3A_17 = arith.constant 0 : i32
    %cond3A_18 = arith.cmpi ne, %convert_element_type3A_16, %cond3A_17 : i32
    scf.if %cond3A_18 {
      %mul3A = arith.constant 1000 : i32
      %mul3A_27 = arith.muli %arg1, %mul3A : i32
      %mul3A_28 = arith.constant 1000 : i32
      %mul3A_29 = arith.muli %arg1, %mul3A_28 : i32
      "tpu.region"() ({
        %run_scoped3A = tpu.sem_alloc : memref<!tpu.dma_semaphore, #tpu.memory_space<semaphore_mem>>
        %dma_start3A = arith.constant 0 : i32
        %dma_start3A_30 = tpu.memref_slice %arg7[%mul3A_29, %dma_start3A] : memref<10000x128xbf16, #tpu.memory_space<hbm>> -> memref<1000x128xbf16, #tpu.memory_space<hbm>>
        %dma_start3A_31 = arith.constant 0 : i32
        %dma_start3A_32 = tpu.memref_slice %arg13[%mul3A_27, %dma_start3A_31] : memref<10000x128xbf16, #tpu.memory_space<vmem_shared>> -> memref<1000x128xbf16, #tpu.memory_space<vmem_shared>>
        tpu.enqueue_dma source(%dma_start3A_32 : memref<1000x128xbf16, #tpu.memory_space<vmem_shared>>) target(%dma_start3A_30 : memref<1000x128xbf16, #tpu.memory_space<hbm>>) target_semaphore(%run_scoped3A : memref<!tpu.dma_semaphore, #tpu.memory_space<semaphore_mem>>)
        %dma_wait3A = arith.constant 0 : i32
        %dma_wait3A_33 = tpu.memref_slice %arg7[%mul3A_29, %dma_wait3A] : memref<10000x128xbf16, #tpu.memory_space<hbm>> -> memref<1000x128xbf16, #tpu.memory_space<hbm>>
        %dma_wait3A_34 = arith.constant 0 : i32
        %dma_wait3A_35 = tpu.memref_slice %arg13[%mul3A_27, %dma_wait3A_34] : memref<10000x128xbf16, #tpu.memory_space<vmem_shared>> -> memref<1000x128xbf16, #tpu.memory_space<vmem_shared>>
        tpu.wait_dma2 semaphore(%run_scoped3A : memref<!tpu.dma_semaphore, #tpu.memory_space<semaphore_mem>>) src(%dma_wait3A_35 : memref<1000x128xbf16, #tpu.memory_space<vmem_shared>>) dst(%dma_wait3A_33 : memref<1000x128xbf16, #tpu.memory_space<hbm>>)
        tpu.yield
      }) : () -> ()
    } else {
    }
    %eq3A_19 = arith.constant 1 : i32
    %eq3A_20 = arith.cmpi eq, %arg0, %eq3A_19 : i32
    %lt3A_21 = arith.constant 10 : i32
    %lt3A_22 = arith.cmpi slt, %arg1, %lt3A_21 : i32
    %and3A_23 = arith.andi %eq3A_20, %lt3A_22 : i1
    %convert_element_type3A_24 = arith.extui %and3A_23 : i1 to i32
    %cond3A_25 = arith.constant 0 : i32
    %cond3A_26 = arith.cmpi ne, %convert_element_type3A_24, %cond3A_25 : i32
    scf.if %cond3A_26 {
      %mul3A = arith.constant 1000 : i32
      %mul3A_27 = arith.muli %arg1, %mul3A : i32
      %mul3A_28 = arith.constant 1000 : i32
      %mul3A_29 = arith.muli %arg1, %mul3A_28 : i32
      "tpu.region"() ({
        %run_scoped3A = tpu.sem_alloc : memref<!tpu.dma_semaphore, #tpu.memory_space<semaphore_mem>>
        %dma_start3A = arith.constant 0 : i32
        %dma_start3A_30 = tpu.memref_slice %arg8[%mul3A_29, %dma_start3A] : memref<10000x128xbf16, #tpu.memory_space<hbm>> -> memref<1000x128xbf16, #tpu.memory_space<hbm>>
        %dma_start3A_31 = arith.constant 0 : i32
        %dma_start3A_32 = tpu.memref_slice %arg13[%mul3A_27, %dma_start3A_31] : memref<10000x128xbf16, #tpu.memory_space<vmem_shared>> -> memref<1000x128xbf16, #tpu.memory_space<vmem_shared>>
        tpu.enqueue_dma source(%dma_start3A_32 : memref<1000x128xbf16, #tpu.memory_space<vmem_shared>>) target(%dma_start3A_30 : memref<1000x128xbf16, #tpu.memory_space<hbm>>) target_semaphore(%run_scoped3A : memref<!tpu.dma_semaphore, #tpu.memory_space<semaphore_mem>>)
        %dma_wait3A = arith.constant 0 : i32
        %dma_wait3A_33 = tpu.memref_slice %arg8[%mul3A_29, %dma_wait3A] : memref<10000x128xbf16, #tpu.memory_space<hbm>> -> memref<1000x128xbf16, #tpu.memory_space<hbm>>
        %dma_wait3A_34 = arith.constant 0 : i32
        %dma_wait3A_35 = tpu.memref_slice %arg13[%mul3A_27, %dma_wait3A_34] : memref<10000x128xbf16, #tpu.memory_space<vmem_shared>> -> memref<1000x128xbf16, #tpu.memory_space<vmem_shared>>
        tpu.wait_dma2 semaphore(%run_scoped3A : memref<!tpu.dma_semaphore, #tpu.memory_space<semaphore_mem>>) src(%dma_wait3A_35 : memref<1000x128xbf16, #tpu.memory_space<vmem_shared>>) dst(%dma_wait3A_33 : memref<1000x128xbf16, #tpu.memory_space<hbm>>)
        tpu.yield
      }) : () -> ()
    } else {
    }
    return
  }
}

#map = affine_map<(d0, d1) -> (0, 0)>
module attributes {stable_mosaic.version = 14 : i64} {
  func.func @_sc_apply_es(%arg0: i32, %arg1: i32, %arg2: memref<10000x64xbf16, #tpu.memory_space<hbm>>, %arg3: memref<1280x125xi32, #tpu.memory_space<hbm>>, %arg4: memref<1280x125xi32, #tpu.memory_space<hbm>>, %arg5: memref<125x64xbf16, #tpu.memory_space<hbm>>, %arg6: memref<10000x64xbf16, #tpu.memory_space<hbm>>, %arg7: memref<10000x64xbf16, #tpu.memory_space<hbm>>, %arg8: memref<40x125xi32, #tpu.memory_space<vmem>>, %arg9: memref<40x125xi32, #tpu.memory_space<vmem>>, %arg10: memref<125x64xbf16, #tpu.memory_space<vmem>>, %arg11: memref<125x64xbf16, #tpu.memory_space<vmem>>, %arg12: memref<10000x64xbf16, #tpu.memory_space<vmem_shared>>, %arg13: memref<!tpu.dma_semaphore, #tpu.memory_space<semaphore_mem>>, %arg14: memref<!tpu.dma_semaphore, #tpu.memory_space<semaphore_mem>>, %arg15: memref<!tpu.dma_semaphore, #tpu.memory_space<semaphore_mem>>, %arg16: memref<!tpu.dma_semaphore, #tpu.memory_space<semaphore_mem>>) attributes {dimension_semantics = [#tpu.dimension_semantics<core_parallel>, #tpu.dimension_semantics<subcore_parallel>], iteration_bounds = array<i64: 2, 16>, scalar_prefetch = 0 : i64, scratch_operands = 9 : i64, tpu.core_type = #tpu.core_type<sc_vector_subcore>, window_params = [{transform_indices = #map}, {transform_indices = #map}, {transform_indices = #map}, {transform_indices = #map}, {transform_indices = #map}, {transform_indices = #map}]} {
    %mul3A = arith.constant 2 : i32
    %mul3A_0 = arith.muli %arg1, %mul3A : i32
    %add3A = arith.addi %mul3A_0, %arg0 : i32
    %mul3A_1 = arith.constant 40 : i32
    %mul3A_2 = arith.muli %add3A, %mul3A_1 : i32
    "tpu.region"() ({
      %run_scoped3A = tpu.sem_alloc : memref<!tpu.dma_semaphore, #tpu.memory_space<semaphore_mem>>
      %dma_start3A = arith.constant 0 : i32
      %dma_start3A_40 = tpu.memref_slice %arg3[%mul3A_2, %dma_start3A] : memref<1280x125xi32, #tpu.memory_space<hbm>> -> memref<40x125xi32, #tpu.memory_space<hbm>>
      %dma_start3A_41 = arith.constant 0 : i32
      %dma_start3A_42 = tpu.memref_slice %arg3[%mul3A_2, %dma_start3A_41] : memref<1280x125xi32, #tpu.memory_space<hbm>> -> memref<40x125xi32, #tpu.memory_space<hbm>>
      tpu.enqueue_dma source(%dma_start3A_42 : memref<40x125xi32, #tpu.memory_space<hbm>>) target(%arg8 : memref<40x125xi32, #tpu.memory_space<vmem>>) target_semaphore(%run_scoped3A : memref<!tpu.dma_semaphore, #tpu.memory_space<semaphore_mem>>)
      %dma_wait3A_43 = arith.constant 0 : i32
      %dma_wait3A_44 = tpu.memref_slice %arg3[%mul3A_2, %dma_wait3A_43] : memref<1280x125xi32, #tpu.memory_space<hbm>> -> memref<40x125xi32, #tpu.memory_space<hbm>>
      %dma_wait3A_45 = arith.constant 0 : i32
      %dma_wait3A_46 = tpu.memref_slice %arg3[%mul3A_2, %dma_wait3A_45] : memref<1280x125xi32, #tpu.memory_space<hbm>> -> memref<40x125xi32, #tpu.memory_space<hbm>>
      tpu.wait_dma2 semaphore(%run_scoped3A : memref<!tpu.dma_semaphore, #tpu.memory_space<semaphore_mem>>) src(%dma_wait3A_46 : memref<40x125xi32, #tpu.memory_space<hbm>>) dst(%arg8 : memref<40x125xi32, #tpu.memory_space<vmem>>)
      tpu.yield
    }) : () -> ()
    %mul3A_3 = arith.constant 40 : i32
    %mul3A_4 = arith.muli %add3A, %mul3A_3 : i32
    "tpu.region"() ({
      %run_scoped3A = tpu.sem_alloc : memref<!tpu.dma_semaphore, #tpu.memory_space<semaphore_mem>>
      %dma_start3A = arith.constant 0 : i32
      %dma_start3A_40 = tpu.memref_slice %arg4[%mul3A_4, %dma_start3A] : memref<1280x125xi32, #tpu.memory_space<hbm>> -> memref<40x125xi32, #tpu.memory_space<hbm>>
      %dma_start3A_41 = arith.constant 0 : i32
      %dma_start3A_42 = tpu.memref_slice %arg4[%mul3A_4, %dma_start3A_41] : memref<1280x125xi32, #tpu.memory_space<hbm>> -> memref<40x125xi32, #tpu.memory_space<hbm>>
      tpu.enqueue_dma source(%dma_start3A_42 : memref<40x125xi32, #tpu.memory_space<hbm>>) target(%arg9 : memref<40x125xi32, #tpu.memory_space<vmem>>) target_semaphore(%run_scoped3A : memref<!tpu.dma_semaphore, #tpu.memory_space<semaphore_mem>>)
      %dma_wait3A_43 = arith.constant 0 : i32
      %dma_wait3A_44 = tpu.memref_slice %arg4[%mul3A_4, %dma_wait3A_43] : memref<1280x125xi32, #tpu.memory_space<hbm>> -> memref<40x125xi32, #tpu.memory_space<hbm>>
      %dma_wait3A_45 = arith.constant 0 : i32
      %dma_wait3A_46 = tpu.memref_slice %arg4[%mul3A_4, %dma_wait3A_45] : memref<1280x125xi32, #tpu.memory_space<hbm>> -> memref<40x125xi32, #tpu.memory_space<hbm>>
      tpu.wait_dma2 semaphore(%run_scoped3A : memref<!tpu.dma_semaphore, #tpu.memory_space<semaphore_mem>>) src(%dma_wait3A_46 : memref<40x125xi32, #tpu.memory_space<hbm>>) dst(%arg9 : memref<40x125xi32, #tpu.memory_space<vmem>>)
      tpu.yield
    }) : () -> ()
    %lt3A = arith.constant 10 : i32
    %lt3A_5 = arith.cmpi slt, %arg1, %lt3A : i32
    %convert_element_type3A = arith.extui %lt3A_5 : i1 to i32
    %cond3A = arith.constant 0 : i32
    %cond3A_6 = arith.cmpi ne, %convert_element_type3A, %cond3A : i32
    scf.if %cond3A_6 {
      "tpu.region"() ({
        %run_scoped3A = tpu.sem_alloc : memref<!tpu.dma_semaphore, #tpu.memory_space<semaphore_mem>>
        tpu.enqueue_dma source(%arg5 : memref<125x64xbf16, #tpu.memory_space<hbm>>) target(%arg10 : memref<125x64xbf16, #tpu.memory_space<vmem>>) target_semaphore(%run_scoped3A : memref<!tpu.dma_semaphore, #tpu.memory_space<semaphore_mem>>)
        tpu.wait_dma2 semaphore(%run_scoped3A : memref<!tpu.dma_semaphore, #tpu.memory_space<semaphore_mem>>) src(%arg5 : memref<125x64xbf16, #tpu.memory_space<hbm>>) dst(%arg10 : memref<125x64xbf16, #tpu.memory_space<vmem>>)
        tpu.yield
      }) : () -> ()
      %mul3A_40 = arith.constant 1000 : i32
      %mul3A_41 = arith.muli %arg1, %mul3A_40 : i32
      %add3A_42 = arith.constant 0 : i32
      %add3A_43 = arith.addi %mul3A_41, %add3A_42 : i32
      "tpu.region"() ({
        %run_scoped3A = tpu.sem_alloc : memref<!tpu.dma_semaphore, #tpu.memory_space<semaphore_mem>>
        %dma_start3A = arith.constant 0 : i32
        %dma_start3A_72 = tpu.memref_slice %arg12[%add3A_43, %dma_start3A] : memref<10000x64xbf16, #tpu.memory_space<vmem_shared>> -> memref<125x64xbf16, #tpu.memory_space<vmem_shared>>
        %dma_start3A_73 = arith.constant 0 : i32
        %dma_start3A_74 = tpu.memref_slice %arg12[%add3A_43, %dma_start3A_73] : memref<10000x64xbf16, #tpu.memory_space<vmem_shared>> -> memref<125x64xbf16, #tpu.memory_space<vmem_shared>>
        tpu.enqueue_dma source(%arg10 : memref<125x64xbf16, #tpu.memory_space<vmem>>) target(%dma_start3A_74 : memref<125x64xbf16, #tpu.memory_space<vmem_shared>>) target_semaphore(%run_scoped3A : memref<!tpu.dma_semaphore, #tpu.memory_space<semaphore_mem>>)
        %dma_wait3A_75 = arith.constant 0 : i32
        %dma_wait3A_76 = tpu.memref_slice %arg12[%add3A_43, %dma_wait3A_75] : memref<10000x64xbf16, #tpu.memory_space<vmem_shared>> -> memref<125x64xbf16, #tpu.memory_space<vmem_shared>>
        %dma_wait3A_77 = arith.constant 0 : i32
        %dma_wait3A_78 = tpu.memref_slice %arg12[%add3A_43, %dma_wait3A_77] : memref<10000x64xbf16, #tpu.memory_space<vmem_shared>> -> memref<125x64xbf16, #tpu.memory_space<vmem_shared>>
        tpu.wait_dma2 semaphore(%run_scoped3A : memref<!tpu.dma_semaphore, #tpu.memory_space<semaphore_mem>>) src(%arg10 : memref<125x64xbf16, #tpu.memory_space<vmem>>) dst(%dma_wait3A_78 : memref<125x64xbf16, #tpu.memory_space<vmem_shared>>)
        tpu.yield
      }) : () -> ()
      %mul3A_44 = arith.constant 1000 : i32
      %mul3A_45 = arith.muli %arg1, %mul3A_44 : i32
      %add3A_46 = arith.constant 125 : i32
      %add3A_47 = arith.addi %mul3A_45, %add3A_46 : i32
      "tpu.region"() ({
        %run_scoped3A = tpu.sem_alloc : memref<!tpu.dma_semaphore, #tpu.memory_space<semaphore_mem>>
        %dma_start3A = arith.constant 0 : i32
        %dma_start3A_72 = tpu.memref_slice %arg12[%add3A_47, %dma_start3A] : memref<10000x64xbf16, #tpu.memory_space<vmem_shared>> -> memref<125x64xbf16, #tpu.memory_space<vmem_shared>>
        %dma_start3A_73 = arith.constant 0 : i32
        %dma_start3A_74 = tpu.memref_slice %arg12[%add3A_47, %dma_start3A_73] : memref<10000x64xbf16, #tpu.memory_space<vmem_shared>> -> memref<125x64xbf16, #tpu.memory_space<vmem_shared>>
        tpu.enqueue_dma source(%arg10 : memref<125x64xbf16, #tpu.memory_space<vmem>>) target(%dma_start3A_74 : memref<125x64xbf16, #tpu.memory_space<vmem_shared>>) target_semaphore(%run_scoped3A : memref<!tpu.dma_semaphore, #tpu.memory_space<semaphore_mem>>)
        %dma_wait3A_75 = arith.constant 0 : i32
        %dma_wait3A_76 = tpu.memref_slice %arg12[%add3A_47, %dma_wait3A_75] : memref<10000x64xbf16, #tpu.memory_space<vmem_shared>> -> memref<125x64xbf16, #tpu.memory_space<vmem_shared>>
        %dma_wait3A_77 = arith.constant 0 : i32
        %dma_wait3A_78 = tpu.memref_slice %arg12[%add3A_47, %dma_wait3A_77] : memref<10000x64xbf16, #tpu.memory_space<vmem_shared>> -> memref<125x64xbf16, #tpu.memory_space<vmem_shared>>
        tpu.wait_dma2 semaphore(%run_scoped3A : memref<!tpu.dma_semaphore, #tpu.memory_space<semaphore_mem>>) src(%arg10 : memref<125x64xbf16, #tpu.memory_space<vmem>>) dst(%dma_wait3A_78 : memref<125x64xbf16, #tpu.memory_space<vmem_shared>>)
        tpu.yield
      }) : () -> ()
      %mul3A_48 = arith.constant 1000 : i32
      %mul3A_49 = arith.muli %arg1, %mul3A_48 : i32
      %add3A_50 = arith.constant 250 : i32
      %add3A_51 = arith.addi %mul3A_49, %add3A_50 : i32
      "tpu.region"() ({
        %run_scoped3A = tpu.sem_alloc : memref<!tpu.dma_semaphore, #tpu.memory_space<semaphore_mem>>
        %dma_start3A = arith.constant 0 : i32
        %dma_start3A_72 = tpu.memref_slice %arg12[%add3A_51, %dma_start3A] : memref<10000x64xbf16, #tpu.memory_space<vmem_shared>> -> memref<125x64xbf16, #tpu.memory_space<vmem_shared>>
        %dma_start3A_73 = arith.constant 0 : i32
        %dma_start3A_74 = tpu.memref_slice %arg12[%add3A_51, %dma_start3A_73] : memref<10000x64xbf16, #tpu.memory_space<vmem_shared>> -> memref<125x64xbf16, #tpu.memory_space<vmem_shared>>
        tpu.enqueue_dma source(%arg10 : memref<125x64xbf16, #tpu.memory_space<vmem>>) target(%dma_start3A_74 : memref<125x64xbf16, #tpu.memory_space<vmem_shared>>) target_semaphore(%run_scoped3A : memref<!tpu.dma_semaphore, #tpu.memory_space<semaphore_mem>>)
        %dma_wait3A_75 = arith.constant 0 : i32
        %dma_wait3A_76 = tpu.memref_slice %arg12[%add3A_51, %dma_wait3A_75] : memref<10000x64xbf16, #tpu.memory_space<vmem_shared>> -> memref<125x64xbf16, #tpu.memory_space<vmem_shared>>
        %dma_wait3A_77 = arith.constant 0 : i32
        %dma_wait3A_78 = tpu.memref_slice %arg12[%add3A_51, %dma_wait3A_77] : memref<10000x64xbf16, #tpu.memory_space<vmem_shared>> -> memref<125x64xbf16, #tpu.memory_space<vmem_shared>>
        tpu.wait_dma2 semaphore(%run_scoped3A : memref<!tpu.dma_semaphore, #tpu.memory_space<semaphore_mem>>) src(%arg10 : memref<125x64xbf16, #tpu.memory_space<vmem>>) dst(%dma_wait3A_78 : memref<125x64xbf16, #tpu.memory_space<vmem_shared>>)
        tpu.yield
      }) : () -> ()
      %mul3A_52 = arith.constant 1000 : i32
      %mul3A_53 = arith.muli %arg1, %mul3A_52 : i32
      %add3A_54 = arith.constant 375 : i32
      %add3A_55 = arith.addi %mul3A_53, %add3A_54 : i32
      "tpu.region"() ({
        %run_scoped3A = tpu.sem_alloc : memref<!tpu.dma_semaphore, #tpu.memory_space<semaphore_mem>>
        %dma_start3A = arith.constant 0 : i32
        %dma_start3A_72 = tpu.memref_slice %arg12[%add3A_55, %dma_start3A] : memref<10000x64xbf16, #tpu.memory_space<vmem_shared>> -> memref<125x64xbf16, #tpu.memory_space<vmem_shared>>
        %dma_start3A_73 = arith.constant 0 : i32
        %dma_start3A_74 = tpu.memref_slice %arg12[%add3A_55, %dma_start3A_73] : memref<10000x64xbf16, #tpu.memory_space<vmem_shared>> -> memref<125x64xbf16, #tpu.memory_space<vmem_shared>>
        tpu.enqueue_dma source(%arg10 : memref<125x64xbf16, #tpu.memory_space<vmem>>) target(%dma_start3A_74 : memref<125x64xbf16, #tpu.memory_space<vmem_shared>>) target_semaphore(%run_scoped3A : memref<!tpu.dma_semaphore, #tpu.memory_space<semaphore_mem>>)
        %dma_wait3A_75 = arith.constant 0 : i32
        %dma_wait3A_76 = tpu.memref_slice %arg12[%add3A_55, %dma_wait3A_75] : memref<10000x64xbf16, #tpu.memory_space<vmem_shared>> -> memref<125x64xbf16, #tpu.memory_space<vmem_shared>>
        %dma_wait3A_77 = arith.constant 0 : i32
        %dma_wait3A_78 = tpu.memref_slice %arg12[%add3A_55, %dma_wait3A_77] : memref<10000x64xbf16, #tpu.memory_space<vmem_shared>> -> memref<125x64xbf16, #tpu.memory_space<vmem_shared>>
        tpu.wait_dma2 semaphore(%run_scoped3A : memref<!tpu.dma_semaphore, #tpu.memory_space<semaphore_mem>>) src(%arg10 : memref<125x64xbf16, #tpu.memory_space<vmem>>) dst(%dma_wait3A_78 : memref<125x64xbf16, #tpu.memory_space<vmem_shared>>)
        tpu.yield
      }) : () -> ()
      %mul3A_56 = arith.constant 1000 : i32
      %mul3A_57 = arith.muli %arg1, %mul3A_56 : i32
      %add3A_58 = arith.constant 500 : i32
      %add3A_59 = arith.addi %mul3A_57, %add3A_58 : i32
      "tpu.region"() ({
        %run_scoped3A = tpu.sem_alloc : memref<!tpu.dma_semaphore, #tpu.memory_space<semaphore_mem>>
        %dma_start3A = arith.constant 0 : i32
        %dma_start3A_72 = tpu.memref_slice %arg12[%add3A_59, %dma_start3A] : memref<10000x64xbf16, #tpu.memory_space<vmem_shared>> -> memref<125x64xbf16, #tpu.memory_space<vmem_shared>>
        %dma_start3A_73 = arith.constant 0 : i32
        %dma_start3A_74 = tpu.memref_slice %arg12[%add3A_59, %dma_start3A_73] : memref<10000x64xbf16, #tpu.memory_space<vmem_shared>> -> memref<125x64xbf16, #tpu.memory_space<vmem_shared>>
        tpu.enqueue_dma source(%arg10 : memref<125x64xbf16, #tpu.memory_space<vmem>>) target(%dma_start3A_74 : memref<125x64xbf16, #tpu.memory_space<vmem_shared>>) target_semaphore(%run_scoped3A : memref<!tpu.dma_semaphore, #tpu.memory_space<semaphore_mem>>)
        %dma_wait3A_75 = arith.constant 0 : i32
        %dma_wait3A_76 = tpu.memref_slice %arg12[%add3A_59, %dma_wait3A_75] : memref<10000x64xbf16, #tpu.memory_space<vmem_shared>> -> memref<125x64xbf16, #tpu.memory_space<vmem_shared>>
        %dma_wait3A_77 = arith.constant 0 : i32
        %dma_wait3A_78 = tpu.memref_slice %arg12[%add3A_59, %dma_wait3A_77] : memref<10000x64xbf16, #tpu.memory_space<vmem_shared>> -> memref<125x64xbf16, #tpu.memory_space<vmem_shared>>
        tpu.wait_dma2 semaphore(%run_scoped3A : memref<!tpu.dma_semaphore, #tpu.memory_space<semaphore_mem>>) src(%arg10 : memref<125x64xbf16, #tpu.memory_space<vmem>>) dst(%dma_wait3A_78 : memref<125x64xbf16, #tpu.memory_space<vmem_shared>>)
        tpu.yield
      }) : () -> ()
      %mul3A_60 = arith.constant 1000 : i32
      %mul3A_61 = arith.muli %arg1, %mul3A_60 : i32
      %add3A_62 = arith.constant 625 : i32
      %add3A_63 = arith.addi %mul3A_61, %add3A_62 : i32
      "tpu.region"() ({
        %run_scoped3A = tpu.sem_alloc : memref<!tpu.dma_semaphore, #tpu.memory_space<semaphore_mem>>
        %dma_start3A = arith.constant 0 : i32
        %dma_start3A_72 = tpu.memref_slice %arg12[%add3A_63, %dma_start3A] : memref<10000x64xbf16, #tpu.memory_space<vmem_shared>> -> memref<125x64xbf16, #tpu.memory_space<vmem_shared>>
        %dma_start3A_73 = arith.constant 0 : i32
        %dma_start3A_74 = tpu.memref_slice %arg12[%add3A_63, %dma_start3A_73] : memref<10000x64xbf16, #tpu.memory_space<vmem_shared>> -> memref<125x64xbf16, #tpu.memory_space<vmem_shared>>
        tpu.enqueue_dma source(%arg10 : memref<125x64xbf16, #tpu.memory_space<vmem>>) target(%dma_start3A_74 : memref<125x64xbf16, #tpu.memory_space<vmem_shared>>) target_semaphore(%run_scoped3A : memref<!tpu.dma_semaphore, #tpu.memory_space<semaphore_mem>>)
        %dma_wait3A_75 = arith.constant 0 : i32
        %dma_wait3A_76 = tpu.memref_slice %arg12[%add3A_63, %dma_wait3A_75] : memref<10000x64xbf16, #tpu.memory_space<vmem_shared>> -> memref<125x64xbf16, #tpu.memory_space<vmem_shared>>
        %dma_wait3A_77 = arith.constant 0 : i32
        %dma_wait3A_78 = tpu.memref_slice %arg12[%add3A_63, %dma_wait3A_77] : memref<10000x64xbf16, #tpu.memory_space<vmem_shared>> -> memref<125x64xbf16, #tpu.memory_space<vmem_shared>>
        tpu.wait_dma2 semaphore(%run_scoped3A : memref<!tpu.dma_semaphore, #tpu.memory_space<semaphore_mem>>) src(%arg10 : memref<125x64xbf16, #tpu.memory_space<vmem>>) dst(%dma_wait3A_78 : memref<125x64xbf16, #tpu.memory_space<vmem_shared>>)
        tpu.yield
      }) : () -> ()
      %mul3A_64 = arith.constant 1000 : i32
      %mul3A_65 = arith.muli %arg1, %mul3A_64 : i32
      %add3A_66 = arith.constant 750 : i32
      %add3A_67 = arith.addi %mul3A_65, %add3A_66 : i32
      "tpu.region"() ({
        %run_scoped3A = tpu.sem_alloc : memref<!tpu.dma_semaphore, #tpu.memory_space<semaphore_mem>>
        %dma_start3A = arith.constant 0 : i32
        %dma_start3A_72 = tpu.memref_slice %arg12[%add3A_67, %dma_start3A] : memref<10000x64xbf16, #tpu.memory_space<vmem_shared>> -> memref<125x64xbf16, #tpu.memory_space<vmem_shared>>
        %dma_start3A_73 = arith.constant 0 : i32
        %dma_start3A_74 = tpu.memref_slice %arg12[%add3A_67, %dma_start3A_73] : memref<10000x64xbf16, #tpu.memory_space<vmem_shared>> -> memref<125x64xbf16, #tpu.memory_space<vmem_shared>>
        tpu.enqueue_dma source(%arg10 : memref<125x64xbf16, #tpu.memory_space<vmem>>) target(%dma_start3A_74 : memref<125x64xbf16, #tpu.memory_space<vmem_shared>>) target_semaphore(%run_scoped3A : memref<!tpu.dma_semaphore, #tpu.memory_space<semaphore_mem>>)
        %dma_wait3A_75 = arith.constant 0 : i32
        %dma_wait3A_76 = tpu.memref_slice %arg12[%add3A_67, %dma_wait3A_75] : memref<10000x64xbf16, #tpu.memory_space<vmem_shared>> -> memref<125x64xbf16, #tpu.memory_space<vmem_shared>>
        %dma_wait3A_77 = arith.constant 0 : i32
        %dma_wait3A_78 = tpu.memref_slice %arg12[%add3A_67, %dma_wait3A_77] : memref<10000x64xbf16, #tpu.memory_space<vmem_shared>> -> memref<125x64xbf16, #tpu.memory_space<vmem_shared>>
        tpu.wait_dma2 semaphore(%run_scoped3A : memref<!tpu.dma_semaphore, #tpu.memory_space<semaphore_mem>>) src(%arg10 : memref<125x64xbf16, #tpu.memory_space<vmem>>) dst(%dma_wait3A_78 : memref<125x64xbf16, #tpu.memory_space<vmem_shared>>)
        tpu.yield
      }) : () -> ()
      %mul3A_68 = arith.constant 1000 : i32
      %mul3A_69 = arith.muli %arg1, %mul3A_68 : i32
      %add3A_70 = arith.constant 875 : i32
      %add3A_71 = arith.addi %mul3A_69, %add3A_70 : i32
      "tpu.region"() ({
        %run_scoped3A = tpu.sem_alloc : memref<!tpu.dma_semaphore, #tpu.memory_space<semaphore_mem>>
        %dma_start3A = arith.constant 0 : i32
        %dma_start3A_72 = tpu.memref_slice %arg12[%add3A_71, %dma_start3A] : memref<10000x64xbf16, #tpu.memory_space<vmem_shared>> -> memref<125x64xbf16, #tpu.memory_space<vmem_shared>>
        %dma_start3A_73 = arith.constant 0 : i32
        %dma_start3A_74 = tpu.memref_slice %arg12[%add3A_71, %dma_start3A_73] : memref<10000x64xbf16, #tpu.memory_space<vmem_shared>> -> memref<125x64xbf16, #tpu.memory_space<vmem_shared>>
        tpu.enqueue_dma source(%arg10 : memref<125x64xbf16, #tpu.memory_space<vmem>>) target(%dma_start3A_74 : memref<125x64xbf16, #tpu.memory_space<vmem_shared>>) target_semaphore(%run_scoped3A : memref<!tpu.dma_semaphore, #tpu.memory_space<semaphore_mem>>)
        %dma_wait3A_75 = arith.constant 0 : i32
        %dma_wait3A_76 = tpu.memref_slice %arg12[%add3A_71, %dma_wait3A_75] : memref<10000x64xbf16, #tpu.memory_space<vmem_shared>> -> memref<125x64xbf16, #tpu.memory_space<vmem_shared>>
        %dma_wait3A_77 = arith.constant 0 : i32
        %dma_wait3A_78 = tpu.memref_slice %arg12[%add3A_71, %dma_wait3A_77] : memref<10000x64xbf16, #tpu.memory_space<vmem_shared>> -> memref<125x64xbf16, #tpu.memory_space<vmem_shared>>
        tpu.wait_dma2 semaphore(%run_scoped3A : memref<!tpu.dma_semaphore, #tpu.memory_space<semaphore_mem>>) src(%arg10 : memref<125x64xbf16, #tpu.memory_space<vmem>>) dst(%dma_wait3A_78 : memref<125x64xbf16, #tpu.memory_space<vmem_shared>>)
        tpu.yield
      }) : () -> ()
    } else {
    }
    %barrier3A = arith.constant 0 : index
    tpu.barrier barrier_id(%barrier3A)
    %scan3A = arith.constant 0 : i32
    %scan3A_7 = arith.constant 0 : i32
    %scan3A_8 = arith.constant 20 : i32
    %scan3A_9 = arith.addi %scan3A_7, %scan3A_8 : i32
    %scan3A_10 = arith.constant 1 : i32
    scf.for %scan3A_40 = %scan3A_7 to %scan3A_9 step %scan3A_10  : i32 {
      %mul3A_41 = arith.constant 2 : i32
      %mul3A_42 = arith.muli %mul3A_41, %scan3A_40 : i32
      %gt3A = arith.constant 0 : i32
      %gt3A_43 = arith.cmpi sgt, %scan3A_40, %gt3A : i32
      %convert_element_type3A_44 = arith.extui %gt3A_43 : i1 to i32
      %cond3A_45 = arith.constant 0 : i32
      %cond3A_46 = arith.cmpi ne, %convert_element_type3A_44, %cond3A_45 : i32
      scf.if %cond3A_46 {
        %dma_wait3A_91 = arith.constant 0 : i32
        %dma_wait3A_92 = arith.constant 0 : i32
        %dma_wait3A_93 = tpu.memref_slice %arg9[%dma_wait3A_91, %dma_wait3A_92] : memref<40x125xi32, #tpu.memory_space<vmem>> -> memref<1x125xi32, #tpu.memory_space<vmem>>
        %dma_wait3A_94 = tpu.memref_squeeze %dma_wait3A_93 : memref<1x125xi32, #tpu.memory_space<vmem>> -> memref<125xi32, #tpu.memory_space<vmem>>
        %dma_wait3A_95 = arith.constant 0 : i32
        %dma_wait3A_96 = arith.constant 0 : i32
        %dma_wait3A_97 = tpu.memref_slice %arg12[%dma_wait3A_95, %dma_wait3A_96] : memref<10000x64xbf16, #tpu.memory_space<vmem_shared>> -> memref<10000x64xbf16, #tpu.memory_space<vmem_shared>>
        tpu.wait_indirect_dma semaphore(%arg15 : memref<!tpu.dma_semaphore, #tpu.memory_space<semaphore_mem>>) src(%arg10 : memref<125x64xbf16, #tpu.memory_space<vmem>>) dst(%dma_wait3A_97 : memref<10000x64xbf16, #tpu.memory_space<vmem_shared>>)
      } else {
      }
      %dma_start3A = arith.constant 0 : i32
      %dma_start3A_47 = tpu.memref_slice %arg8[%mul3A_42, %dma_start3A] : memref<40x125xi32, #tpu.memory_space<vmem>> -> memref<1x125xi32, #tpu.memory_space<vmem>>
      %dma_start3A_48 = tpu.memref_squeeze %dma_start3A_47 : memref<1x125xi32, #tpu.memory_space<vmem>> -> memref<125xi32, #tpu.memory_space<vmem>>
      %dma_start3A_49 = arith.constant 0 : i32
      %dma_start3A_50 = arith.constant 0 : i32
      %dma_start3A_51 = tpu.memref_slice %arg2[%dma_start3A_49, %dma_start3A_50] : memref<10000x64xbf16, #tpu.memory_space<hbm>> -> memref<10000x64xbf16, #tpu.memory_space<hbm>>
      tpu.enqueue_indirect_dma source(%dma_start3A_51 : memref<10000x64xbf16, #tpu.memory_space<hbm>>) target(%arg10 : memref<125x64xbf16, #tpu.memory_space<vmem>>) offsets(%dma_start3A_48 : memref<125xi32, #tpu.memory_space<vmem>>) semaphore(%arg13 : memref<!tpu.dma_semaphore, #tpu.memory_space<semaphore_mem>>)
      %gt3A_52 = arith.constant 0 : i32
      %gt3A_53 = arith.cmpi sgt, %scan3A_40, %gt3A_52 : i32
      %convert_element_type3A_54 = arith.extui %gt3A_53 : i1 to i32
      %cond3A_55 = arith.constant 0 : i32
      %cond3A_56 = arith.cmpi ne, %convert_element_type3A_54, %cond3A_55 : i32
      scf.if %cond3A_56 {
        %dma_wait3A_91 = arith.constant 0 : i32
        %dma_wait3A_92 = arith.constant 0 : i32
        %dma_wait3A_93 = tpu.memref_slice %arg9[%dma_wait3A_91, %dma_wait3A_92] : memref<40x125xi32, #tpu.memory_space<vmem>> -> memref<1x125xi32, #tpu.memory_space<vmem>>
        %dma_wait3A_94 = tpu.memref_squeeze %dma_wait3A_93 : memref<1x125xi32, #tpu.memory_space<vmem>> -> memref<125xi32, #tpu.memory_space<vmem>>
        %dma_wait3A_95 = arith.constant 0 : i32
        %dma_wait3A_96 = arith.constant 0 : i32
        %dma_wait3A_97 = tpu.memref_slice %arg12[%dma_wait3A_95, %dma_wait3A_96] : memref<10000x64xbf16, #tpu.memory_space<vmem_shared>> -> memref<10000x64xbf16, #tpu.memory_space<vmem_shared>>
        tpu.wait_indirect_dma semaphore(%arg16 : memref<!tpu.dma_semaphore, #tpu.memory_space<semaphore_mem>>) src(%arg11 : memref<125x64xbf16, #tpu.memory_space<vmem>>) dst(%dma_wait3A_97 : memref<10000x64xbf16, #tpu.memory_space<vmem_shared>>)
      } else {
      }
      %add3A_57 = arith.constant 1 : i32
      %add3A_58 = arith.addi %mul3A_42, %add3A_57 : i32
      %dma_start3A_59 = arith.constant 0 : i32
      %dma_start3A_60 = tpu.memref_slice %arg8[%add3A_58, %dma_start3A_59] : memref<40x125xi32, #tpu.memory_space<vmem>> -> memref<1x125xi32, #tpu.memory_space<vmem>>
      %dma_start3A_61 = tpu.memref_squeeze %dma_start3A_60 : memref<1x125xi32, #tpu.memory_space<vmem>> -> memref<125xi32, #tpu.memory_space<vmem>>
      %dma_start3A_62 = arith.constant 0 : i32
      %dma_start3A_63 = arith.constant 0 : i32
      %dma_start3A_64 = tpu.memref_slice %arg2[%dma_start3A_62, %dma_start3A_63] : memref<10000x64xbf16, #tpu.memory_space<hbm>> -> memref<10000x64xbf16, #tpu.memory_space<hbm>>
      tpu.enqueue_indirect_dma source(%dma_start3A_64 : memref<10000x64xbf16, #tpu.memory_space<hbm>>) target(%arg11 : memref<125x64xbf16, #tpu.memory_space<vmem>>) offsets(%dma_start3A_61 : memref<125xi32, #tpu.memory_space<vmem>>) semaphore(%arg14 : memref<!tpu.dma_semaphore, #tpu.memory_space<semaphore_mem>>)
      %dma_wait3A_65 = arith.constant 0 : i32
      %dma_wait3A_66 = tpu.memref_slice %arg8[%mul3A_42, %dma_wait3A_65] : memref<40x125xi32, #tpu.memory_space<vmem>> -> memref<1x125xi32, #tpu.memory_space<vmem>>
      %dma_wait3A_67 = tpu.memref_squeeze %dma_wait3A_66 : memref<1x125xi32, #tpu.memory_space<vmem>> -> memref<125xi32, #tpu.memory_space<vmem>>
      %dma_wait3A_68 = arith.constant 0 : i32
      %dma_wait3A_69 = arith.constant 0 : i32
      %dma_wait3A_70 = tpu.memref_slice %arg2[%dma_wait3A_68, %dma_wait3A_69] : memref<10000x64xbf16, #tpu.memory_space<hbm>> -> memref<10000x64xbf16, #tpu.memory_space<hbm>>
      tpu.wait_indirect_dma semaphore(%arg13 : memref<!tpu.dma_semaphore, #tpu.memory_space<semaphore_mem>>) src(%dma_wait3A_70 : memref<10000x64xbf16, #tpu.memory_space<hbm>>) dst(%arg10 : memref<125x64xbf16, #tpu.memory_space<vmem>>)
      %dma_start3A_71 = arith.constant 0 : i32
      %dma_start3A_72 = tpu.memref_slice %arg9[%mul3A_42, %dma_start3A_71] : memref<40x125xi32, #tpu.memory_space<vmem>> -> memref<1x125xi32, #tpu.memory_space<vmem>>
      %dma_start3A_73 = tpu.memref_squeeze %dma_start3A_72 : memref<1x125xi32, #tpu.memory_space<vmem>> -> memref<125xi32, #tpu.memory_space<vmem>>
      %dma_start3A_74 = arith.constant 0 : i32
      %dma_start3A_75 = arith.constant 0 : i32
      %dma_start3A_76 = tpu.memref_slice %arg12[%dma_start3A_74, %dma_start3A_75] : memref<10000x64xbf16, #tpu.memory_space<vmem_shared>> -> memref<10000x64xbf16, #tpu.memory_space<vmem_shared>>
      tpu.enqueue_indirect_dma source(%arg10 : memref<125x64xbf16, #tpu.memory_space<vmem>>) target(%dma_start3A_76 : memref<10000x64xbf16, #tpu.memory_space<vmem_shared>>) offsets(%dma_start3A_73 : memref<125xi32, #tpu.memory_space<vmem>>) semaphore(%arg15 : memref<!tpu.dma_semaphore, #tpu.memory_space<semaphore_mem>>) {add = true}
      %dma_wait3A_77 = arith.constant 0 : i32
      %dma_wait3A_78 = tpu.memref_slice %arg8[%add3A_58, %dma_wait3A_77] : memref<40x125xi32, #tpu.memory_space<vmem>> -> memref<1x125xi32, #tpu.memory_space<vmem>>
      %dma_wait3A_79 = tpu.memref_squeeze %dma_wait3A_78 : memref<1x125xi32, #tpu.memory_space<vmem>> -> memref<125xi32, #tpu.memory_space<vmem>>
      %dma_wait3A_80 = arith.constant 0 : i32
      %dma_wait3A_81 = arith.constant 0 : i32
      %dma_wait3A_82 = tpu.memref_slice %arg2[%dma_wait3A_80, %dma_wait3A_81] : memref<10000x64xbf16, #tpu.memory_space<hbm>> -> memref<10000x64xbf16, #tpu.memory_space<hbm>>
      tpu.wait_indirect_dma semaphore(%arg14 : memref<!tpu.dma_semaphore, #tpu.memory_space<semaphore_mem>>) src(%dma_wait3A_82 : memref<10000x64xbf16, #tpu.memory_space<hbm>>) dst(%arg11 : memref<125x64xbf16, #tpu.memory_space<vmem>>)
      %add3A_83 = arith.constant 1 : i32
      %add3A_84 = arith.addi %mul3A_42, %add3A_83 : i32
      %dma_start3A_85 = arith.constant 0 : i32
      %dma_start3A_86 = tpu.memref_slice %arg9[%add3A_84, %dma_start3A_85] : memref<40x125xi32, #tpu.memory_space<vmem>> -> memref<1x125xi32, #tpu.memory_space<vmem>>
      %dma_start3A_87 = tpu.memref_squeeze %dma_start3A_86 : memref<1x125xi32, #tpu.memory_space<vmem>> -> memref<125xi32, #tpu.memory_space<vmem>>
      %dma_start3A_88 = arith.constant 0 : i32
      %dma_start3A_89 = arith.constant 0 : i32
      %dma_start3A_90 = tpu.memref_slice %arg12[%dma_start3A_88, %dma_start3A_89] : memref<10000x64xbf16, #tpu.memory_space<vmem_shared>> -> memref<10000x64xbf16, #tpu.memory_space<vmem_shared>>
      tpu.enqueue_indirect_dma source(%arg11 : memref<125x64xbf16, #tpu.memory_space<vmem>>) target(%dma_start3A_90 : memref<10000x64xbf16, #tpu.memory_space<vmem_shared>>) offsets(%dma_start3A_87 : memref<125xi32, #tpu.memory_space<vmem>>) semaphore(%arg16 : memref<!tpu.dma_semaphore, #tpu.memory_space<semaphore_mem>>) {add = true}
    }
    %scan3A_11 = arith.constant 20 : i32
    %dma_wait3A = arith.constant 0 : i32
    %dma_wait3A_12 = arith.constant 0 : i32
    %dma_wait3A_13 = tpu.memref_slice %arg9[%dma_wait3A, %dma_wait3A_12] : memref<40x125xi32, #tpu.memory_space<vmem>> -> memref<1x125xi32, #tpu.memory_space<vmem>>
    %dma_wait3A_14 = tpu.memref_squeeze %dma_wait3A_13 : memref<1x125xi32, #tpu.memory_space<vmem>> -> memref<125xi32, #tpu.memory_space<vmem>>
    %dma_wait3A_15 = arith.constant 0 : i32
    %dma_wait3A_16 = arith.constant 0 : i32
    %dma_wait3A_17 = tpu.memref_slice %arg12[%dma_wait3A_15, %dma_wait3A_16] : memref<10000x64xbf16, #tpu.memory_space<vmem_shared>> -> memref<10000x64xbf16, #tpu.memory_space<vmem_shared>>
    tpu.wait_indirect_dma semaphore(%arg15 : memref<!tpu.dma_semaphore, #tpu.memory_space<semaphore_mem>>) src(%arg10 : memref<125x64xbf16, #tpu.memory_space<vmem>>) dst(%dma_wait3A_17 : memref<10000x64xbf16, #tpu.memory_space<vmem_shared>>)
    %dma_wait3A_18 = arith.constant 0 : i32
    %dma_wait3A_19 = arith.constant 0 : i32
    %dma_wait3A_20 = tpu.memref_slice %arg9[%dma_wait3A_18, %dma_wait3A_19] : memref<40x125xi32, #tpu.memory_space<vmem>> -> memref<1x125xi32, #tpu.memory_space<vmem>>
    %dma_wait3A_21 = tpu.memref_squeeze %dma_wait3A_20 : memref<1x125xi32, #tpu.memory_space<vmem>> -> memref<125xi32, #tpu.memory_space<vmem>>
    %dma_wait3A_22 = arith.constant 0 : i32
    %dma_wait3A_23 = arith.constant 0 : i32
    %dma_wait3A_24 = tpu.memref_slice %arg12[%dma_wait3A_22, %dma_wait3A_23] : memref<10000x64xbf16, #tpu.memory_space<vmem_shared>> -> memref<10000x64xbf16, #tpu.memory_space<vmem_shared>>
    tpu.wait_indirect_dma semaphore(%arg16 : memref<!tpu.dma_semaphore, #tpu.memory_space<semaphore_mem>>) src(%arg11 : memref<125x64xbf16, #tpu.memory_space<vmem>>) dst(%dma_wait3A_24 : memref<10000x64xbf16, #tpu.memory_space<vmem_shared>>)
    %barrier3A_25 = arith.constant 0 : index
    tpu.barrier barrier_id(%barrier3A_25)
    %eq3A = arith.constant 0 : i32
    %eq3A_26 = arith.cmpi eq, %arg0, %eq3A : i32
    %lt3A_27 = arith.constant 10 : i32
    %lt3A_28 = arith.cmpi slt, %arg1, %lt3A_27 : i32
    %and3A = arith.andi %eq3A_26, %lt3A_28 : i1
    %convert_element_type3A_29 = arith.extui %and3A : i1 to i32
    %cond3A_30 = arith.constant 0 : i32
    %cond3A_31 = arith.cmpi ne, %convert_element_type3A_29, %cond3A_30 : i32
    scf.if %cond3A_31 {
      %mul3A_40 = arith.constant 1000 : i32
      %mul3A_41 = arith.muli %arg1, %mul3A_40 : i32
      %mul3A_42 = arith.constant 1000 : i32
      %mul3A_43 = arith.muli %arg1, %mul3A_42 : i32
      "tpu.region"() ({
        %run_scoped3A = tpu.sem_alloc : memref<!tpu.dma_semaphore, #tpu.memory_space<semaphore_mem>>
        %dma_start3A = arith.constant 0 : i32
        %dma_start3A_44 = tpu.memref_slice %arg6[%mul3A_43, %dma_start3A] : memref<10000x64xbf16, #tpu.memory_space<hbm>> -> memref<1000x64xbf16, #tpu.memory_space<hbm>>
        %dma_start3A_45 = arith.constant 0 : i32
        %dma_start3A_46 = tpu.memref_slice %arg12[%mul3A_41, %dma_start3A_45] : memref<10000x64xbf16, #tpu.memory_space<vmem_shared>> -> memref<1000x64xbf16, #tpu.memory_space<vmem_shared>>
        tpu.enqueue_dma source(%dma_start3A_46 : memref<1000x64xbf16, #tpu.memory_space<vmem_shared>>) target(%dma_start3A_44 : memref<1000x64xbf16, #tpu.memory_space<hbm>>) target_semaphore(%run_scoped3A : memref<!tpu.dma_semaphore, #tpu.memory_space<semaphore_mem>>)
        %dma_wait3A_47 = arith.constant 0 : i32
        %dma_wait3A_48 = tpu.memref_slice %arg6[%mul3A_43, %dma_wait3A_47] : memref<10000x64xbf16, #tpu.memory_space<hbm>> -> memref<1000x64xbf16, #tpu.memory_space<hbm>>
        %dma_wait3A_49 = arith.constant 0 : i32
        %dma_wait3A_50 = tpu.memref_slice %arg12[%mul3A_41, %dma_wait3A_49] : memref<10000x64xbf16, #tpu.memory_space<vmem_shared>> -> memref<1000x64xbf16, #tpu.memory_space<vmem_shared>>
        tpu.wait_dma2 semaphore(%run_scoped3A : memref<!tpu.dma_semaphore, #tpu.memory_space<semaphore_mem>>) src(%dma_wait3A_50 : memref<1000x64xbf16, #tpu.memory_space<vmem_shared>>) dst(%dma_wait3A_48 : memref<1000x64xbf16, #tpu.memory_space<hbm>>)
        tpu.yield
      }) : () -> ()
    } else {
    }
    %eq3A_32 = arith.constant 1 : i32
    %eq3A_33 = arith.cmpi eq, %arg0, %eq3A_32 : i32
    %lt3A_34 = arith.constant 10 : i32
    %lt3A_35 = arith.cmpi slt, %arg1, %lt3A_34 : i32
    %and3A_36 = arith.andi %eq3A_33, %lt3A_35 : i1
    %convert_element_type3A_37 = arith.extui %and3A_36 : i1 to i32
    %cond3A_38 = arith.constant 0 : i32
    %cond3A_39 = arith.cmpi ne, %convert_element_type3A_37, %cond3A_38 : i32
    scf.if %cond3A_39 {
      %mul3A_40 = arith.constant 1000 : i32
      %mul3A_41 = arith.muli %arg1, %mul3A_40 : i32
      %mul3A_42 = arith.constant 1000 : i32
      %mul3A_43 = arith.muli %arg1, %mul3A_42 : i32
      "tpu.region"() ({
        %run_scoped3A = tpu.sem_alloc : memref<!tpu.dma_semaphore, #tpu.memory_space<semaphore_mem>>
        %dma_start3A = arith.constant 0 : i32
        %dma_start3A_44 = tpu.memref_slice %arg7[%mul3A_43, %dma_start3A] : memref<10000x64xbf16, #tpu.memory_space<hbm>> -> memref<1000x64xbf16, #tpu.memory_space<hbm>>
        %dma_start3A_45 = arith.constant 0 : i32
        %dma_start3A_46 = tpu.memref_slice %arg12[%mul3A_41, %dma_start3A_45] : memref<10000x64xbf16, #tpu.memory_space<vmem_shared>> -> memref<1000x64xbf16, #tpu.memory_space<vmem_shared>>
        tpu.enqueue_dma source(%dma_start3A_46 : memref<1000x64xbf16, #tpu.memory_space<vmem_shared>>) target(%dma_start3A_44 : memref<1000x64xbf16, #tpu.memory_space<hbm>>) target_semaphore(%run_scoped3A : memref<!tpu.dma_semaphore, #tpu.memory_space<semaphore_mem>>)
        %dma_wait3A_47 = arith.constant 0 : i32
        %dma_wait3A_48 = tpu.memref_slice %arg7[%mul3A_43, %dma_wait3A_47] : memref<10000x64xbf16, #tpu.memory_space<hbm>> -> memref<1000x64xbf16, #tpu.memory_space<hbm>>
        %dma_wait3A_49 = arith.constant 0 : i32
        %dma_wait3A_50 = tpu.memref_slice %arg12[%mul3A_41, %dma_wait3A_49] : memref<10000x64xbf16, #tpu.memory_space<vmem_shared>> -> memref<1000x64xbf16, #tpu.memory_space<vmem_shared>>
        tpu.wait_dma2 semaphore(%run_scoped3A : memref<!tpu.dma_semaphore, #tpu.memory_space<semaphore_mem>>) src(%dma_wait3A_50 : memref<1000x64xbf16, #tpu.memory_space<vmem_shared>>) dst(%dma_wait3A_48 : memref<1000x64xbf16, #tpu.memory_space<hbm>>)
        tpu.yield
      }) : () -> ()
    } else {
    }
    return
  }
}

module attributes {stable_mosaic.version = 14 : i64} {
  func.func @_tc_prescale_body(%arg0: i32, %arg1: memref<1000x16xf32, #tpu.memory_space<vmem>>, %arg2: memref<1000x16xf32, #tpu.memory_space<vmem>>, %arg3: memref<1000x256xf32, #tpu.memory_space<vmem>>, %arg4: memref<1000x128xbf16, #tpu.memory_space<vmem>>, %arg5: memref<1000x128xbf16, #tpu.memory_space<vmem>>) attributes {dimension_semantics = [#tpu.dimension_semantics<arbitrary>], iteration_bounds = array<i64: 10>, scalar_prefetch = 0 : i64, scratch_operands = 0 : i64, tpu.core_type = #tpu.core_type<tc>, window_params = [{transform_indices = @transform_0, window_bounds = array<i64: 1000, 16>}, {transform_indices = @transform_1, window_bounds = array<i64: 1000, 16>}, {transform_indices = @transform_2, window_bounds = array<i64: 1000, 256>}, {transform_indices = @transform_3, window_bounds = array<i64: 1000, 128>}, {transform_indices = @transform_4, window_bounds = array<i64: 1000, 128>}]} {
    %get3A = arith.constant 0 : index
    %get3A_0 = arith.constant 0 : index
    %get3A_1 = vector.load %arg1[%get3A, %get3A_0] : memref<1000x16xf32, #tpu.memory_space<vmem>>, vector<1000x1xf32>
    %get3A_2 = arith.constant 0 : index
    %get3A_3 = arith.constant 0 : index
    %get3A_4 = vector.load %arg2[%get3A_2, %get3A_3] : memref<1000x16xf32, #tpu.memory_space<vmem>>, vector<1000x1xf32>
    %add3A = arith.addf %get3A_1, %get3A_4 : vector<1000x1xf32>
    %max3A = arith.constant 1.000000e+00 : f32
    %max3A_5 = vector.broadcast %max3A : f32 to vector<1000x1xf32>
    %max3A_6 = arith.maximumf %add3A, %max3A_5 : vector<1000x1xf32>
    %rsqrt3A = math.rsqrt %max3A_6 : vector<1000x1xf32>
    %get3A_7 = arith.constant 0 : index
    %get3A_8 = arith.constant 0 : index
    %get3A_9 = vector.load %arg3[%get3A_7, %get3A_8] : memref<1000x256xf32, #tpu.memory_space<vmem>>, vector<1000x256xf32>
    %mul3A = vector.broadcast %rsqrt3A : vector<1000x1xf32> to vector<1000x256xf32>
    %mul3A_10 = arith.mulf %get3A_9, %mul3A : vector<1000x256xf32>
    %convert_element_type3A = arith.truncf %mul3A_10 : vector<1000x256xf32> to vector<1000x256xbf16>
    %slice3A = vector.extract_strided_slice %convert_element_type3A {offsets = [0, 0], sizes = [1000, 128], strides = [1, 1]} : vector<1000x256xbf16> to vector<1000x128xbf16>
    %swap3A = arith.constant 0 : index
    %swap3A_11 = arith.constant 0 : index
    %swap3A_12 = vector.load %arg4[%swap3A, %swap3A_11] : memref<1000x128xbf16, #tpu.memory_space<vmem>>, vector<1000x128xbf16>
    tpu.vector_store %arg4[%swap3A, %swap3A_11], %slice3A {strides = array<i32>} : memref<1000x128xbf16, #tpu.memory_space<vmem>>, vector<1000x128xbf16>,
    %slice3A_13 = vector.extract_strided_slice %convert_element_type3A {offsets = [0, 128], sizes = [1000, 128], strides = [1, 1]} : vector<1000x256xbf16> to vector<1000x128xbf16>
    %swap3A_14 = arith.constant 0 : index
    %swap3A_15 = arith.constant 0 : index
    %swap3A_16 = vector.load %arg5[%swap3A_14, %swap3A_15] : memref<1000x128xbf16, #tpu.memory_space<vmem>>, vector<1000x128xbf16>
    tpu.vector_store %arg5[%swap3A_14, %swap3A_15], %slice3A_13 {strides = array<i32>} : memref<1000x128xbf16, #tpu.memory_space<vmem>>, vector<1000x128xbf16>,
    return
  }
  func.func @transform_0(%arg0: i32) -> (i32, i32) {
    %c0_i32 = arith.constant 0 : i32
    %c0_i32_0 = arith.constant 0 : i32
    return %arg0, %c0_i32 : i32, i32
  }
  func.func @transform_1(%arg0: i32) -> (i32, i32) {
    %c0_i32 = arith.constant 0 : i32
    %c0_i32_0 = arith.constant 0 : i32
    return %arg0, %c0_i32 : i32, i32
  }
  func.func @transform_2(%arg0: i32) -> (i32, i32) {
    %c0_i32 = arith.constant 0 : i32
    %c0_i32_0 = arith.constant 0 : i32
    return %arg0, %c0_i32 : i32, i32
  }
  func.func @transform_3(%arg0: i32) -> (i32, i32) {
    %c0_i32 = arith.constant 0 : i32
    %c0_i32_0 = arith.constant 0 : i32
    return %arg0, %c0_i32 : i32, i32
  }
  func.func @transform_4(%arg0: i32) -> (i32, i32) {
    %c0_i32 = arith.constant 0 : i32
    %c0_i32_0 = arith.constant 0 : i32
    return %arg0, %c0_i32 : i32, i32
  }
}

module attributes {stable_mosaic.version = 14 : i64} {
  func.func @_tc_glue_body(%arg0: i32, %arg1: memref<1000x128xbf16, #tpu.memory_space<vmem>>, %arg2: memref<1000x128xbf16, #tpu.memory_space<vmem>>, %arg3: memref<1000x16xf32, #tpu.memory_space<vmem>>, %arg4: memref<1000x16xf32, #tpu.memory_space<vmem>>, %arg5: memref<256x256xf32, #tpu.memory_space<vmem>>, %arg6: memref<1x256xf32, #tpu.memory_space<vmem>>, %arg7: memref<1000x256xf32, #tpu.memory_space<vmem>>, %arg8: memref<1000x128xbf16, #tpu.memory_space<vmem>>, %arg9: memref<1000x128xbf16, #tpu.memory_space<vmem>>) attributes {dimension_semantics = [#tpu.dimension_semantics<arbitrary>], iteration_bounds = array<i64: 10>, scalar_prefetch = 0 : i64, scratch_operands = 0 : i64, tpu.core_type = #tpu.core_type<tc>, window_params = [{transform_indices = @transform_0, window_bounds = array<i64: 1000, 128>}, {transform_indices = @transform_1, window_bounds = array<i64: 1000, 128>}, {transform_indices = @transform_2, window_bounds = array<i64: 1000, 16>}, {transform_indices = @transform_3, window_bounds = array<i64: 1000, 16>}, {pipeline_mode = #tpu.pipeline_mode<synchronous>, transform_indices = @transform_4, window_bounds = array<i64: 256, 256>}, {pipeline_mode = #tpu.pipeline_mode<synchronous>, transform_indices = @transform_5, window_bounds = array<i64: 1, 256>}, {transform_indices = @transform_6, window_bounds = array<i64: 1000, 256>}, {transform_indices = @transform_7, window_bounds = array<i64: 1000, 128>}, {transform_indices = @transform_8, window_bounds = array<i64: 1000, 128>}]} {
    %get3A = arith.constant 0 : index
    %get3A_0 = arith.constant 0 : index
    %get3A_1 = vector.load %arg3[%get3A, %get3A_0] : memref<1000x16xf32, #tpu.memory_space<vmem>>, vector<1000x1xf32>
    %get3A_2 = arith.constant 0 : index
    %get3A_3 = arith.constant 0 : index
    %get3A_4 = vector.load %arg4[%get3A_2, %get3A_3] : memref<1000x16xf32, #tpu.memory_space<vmem>>, vector<1000x1xf32>
    %add3A = arith.addf %get3A_1, %get3A_4 : vector<1000x1xf32>
    %max3A = arith.constant 1.000000e+00 : f32
    %max3A_5 = vector.broadcast %max3A : f32 to vector<1000x1xf32>
    %max3A_6 = arith.maximumf %add3A, %max3A_5 : vector<1000x1xf32>
    %rsqrt3A = math.rsqrt %max3A_6 : vector<1000x1xf32>
    %get3A_7 = arith.constant 0 : index
    %get3A_8 = arith.constant 0 : index
    %get3A_9 = vector.load %arg1[%get3A_7, %get3A_8] : memref<1000x128xbf16, #tpu.memory_space<vmem>>, vector<1000x128xbf16>
    %get3A_10 = arith.constant 0 : index
    %get3A_11 = arith.constant 0 : index
    %get3A_12 = vector.load %arg2[%get3A_10, %get3A_11] : memref<1000x128xbf16, #tpu.memory_space<vmem>>, vector<1000x128xbf16>
    %concatenate3A = tpu.concatenate %get3A_9, %get3A_12 in 1 : vector<1000x128xbf16>, vector<1000x128xbf16> -> vector<1000x256xbf16>
    %convert_element_type3A = arith.extf %concatenate3A : vector<1000x256xbf16> to vector<1000x256xf32>
    %mul3A = vector.broadcast %rsqrt3A : vector<1000x1xf32> to vector<1000x256xf32>
    %mul3A_13 = arith.mulf %convert_element_type3A, %mul3A : vector<1000x256xf32>
    %get3A_14 = arith.constant 0 : index
    %get3A_15 = arith.constant 0 : index
    %get3A_16 = vector.load %arg5[%get3A_14, %get3A_15] : memref<256x256xf32, #tpu.memory_space<vmem>>, vector<256x256xf32>
    %dot_general3A = arith.constant dense<0.000000e+00> : vector<1000x256xf32>
    %dot_general3A_17 = tpu.matmul %mul3A_13, %get3A_16, %dot_general3A {dimension_numbers = #tpu.dot_dimension_numbers<[1], [0], [0], [1], [0, 0, 1, 1], [], []>, transpose_lhs_hint = false} : vector<1000x256xf32>, vector<256x256xf32>, vector<1000x256xf32> -> vector<1000x256xf32>
    %get3A_18 = arith.constant 0 : index
    %get3A_19 = arith.constant 0 : index
    %get3A_20 = vector.load %arg6[%get3A_18, %get3A_19] : memref<1x256xf32, #tpu.memory_space<vmem>>, vector<1x256xf32>
    %add3A_21 = vector.broadcast %get3A_20 : vector<1x256xf32> to vector<1000x256xf32>
    %add3A_22 = arith.addf %dot_general3A_17, %add3A_21 : vector<1000x256xf32>
    %swap3A = arith.constant 0 : index
    %swap3A_23 = arith.constant 0 : index
    %swap3A_24 = vector.load %arg7[%swap3A, %swap3A_23] : memref<1000x256xf32, #tpu.memory_space<vmem>>, vector<1000x256xf32>
    tpu.vector_store %arg7[%swap3A, %swap3A_23], %add3A_22 {strides = array<i32>} : memref<1000x256xf32, #tpu.memory_space<vmem>>, vector<1000x256xf32>,
    %max3A_25 = arith.constant 0.000000e+00 : f32
    %max3A_26 = vector.broadcast %max3A_25 : f32 to vector<1000x256xf32>
    %max3A_27 = arith.maximumf %add3A_22, %max3A_26 : vector<1000x256xf32>
    %mul3A_28 = vector.broadcast %rsqrt3A : vector<1000x1xf32> to vector<1000x256xf32>
    %mul3A_29 = arith.mulf %max3A_27, %mul3A_28 : vector<1000x256xf32>
    %convert_element_type3A_30 = arith.truncf %mul3A_29 : vector<1000x256xf32> to vector<1000x256xbf16>
    %slice3A = vector.extract_strided_slice %convert_element_type3A_30 {offsets = [0, 0], sizes = [1000, 128], strides = [1, 1]} : vector<1000x256xbf16> to vector<1000x128xbf16>
    %swap3A_31 = arith.constant 0 : index
    %swap3A_32 = arith.constant 0 : index
    %swap3A_33 = vector.load %arg8[%swap3A_31, %swap3A_32] : memref<1000x128xbf16, #tpu.memory_space<vmem>>, vector<1000x128xbf16>
    tpu.vector_store %arg8[%swap3A_31, %swap3A_32], %slice3A {strides = array<i32>} : memref<1000x128xbf16, #tpu.memory_space<vmem>>, vector<1000x128xbf16>,
    %slice3A_34 = vector.extract_strided_slice %convert_element_type3A_30 {offsets = [0, 128], sizes = [1000, 128], strides = [1, 1]} : vector<1000x256xbf16> to vector<1000x128xbf16>
    %swap3A_35 = arith.constant 0 : index
    %swap3A_36 = arith.constant 0 : index
    %swap3A_37 = vector.load %arg9[%swap3A_35, %swap3A_36] : memref<1000x128xbf16, #tpu.memory_space<vmem>>, vector<1000x128xbf16>
    tpu.vector_store %arg9[%swap3A_35, %swap3A_36], %slice3A_34 {strides = array<i32>} : memref<1000x128xbf16, #tpu.memory_space<vmem>>, vector<1000x128xbf16>,
    return
  }
  func.func @transform_0(%arg0: i32) -> (i32, i32) {
    %c0_i32 = arith.constant 0 : i32
    %c0_i32_0 = arith.constant 0 : i32
    return %arg0, %c0_i32 : i32, i32
  }
  func.func @transform_1(%arg0: i32) -> (i32, i32) {
    %c0_i32 = arith.constant 0 : i32
    %c0_i32_0 = arith.constant 0 : i32
    return %arg0, %c0_i32 : i32, i32
  }
  func.func @transform_2(%arg0: i32) -> (i32, i32) {
    %c0_i32 = arith.constant 0 : i32
    %c0_i32_0 = arith.constant 0 : i32
    return %arg0, %c0_i32 : i32, i32
  }
  func.func @transform_3(%arg0: i32) -> (i32, i32) {
    %c0_i32 = arith.constant 0 : i32
    %c0_i32_0 = arith.constant 0 : i32
    return %arg0, %c0_i32 : i32, i32
  }
  func.func @transform_4(%arg0: i32) -> (i32, i32) {
    %c0_i32 = arith.constant 0 : i32
    %c0_i32_0 = arith.constant 0 : i32
    %c0_i32_1 = arith.constant 0 : i32
    return %c0_i32, %c0_i32_0 : i32, i32
  }
  func.func @transform_5(%arg0: i32) -> (i32, i32) {
    %c0_i32 = arith.constant 0 : i32
    %c0_i32_0 = arith.constant 0 : i32
    %c0_i32_1 = arith.constant 0 : i32
    return %c0_i32, %c0_i32_0 : i32, i32
  }
  func.func @transform_6(%arg0: i32) -> (i32, i32) {
    %c0_i32 = arith.constant 0 : i32
    %c0_i32_0 = arith.constant 0 : i32
    return %arg0, %c0_i32 : i32, i32
  }
  func.func @transform_7(%arg0: i32) -> (i32, i32) {
    %c0_i32 = arith.constant 0 : i32
    %c0_i32_0 = arith.constant 0 : i32
    return %arg0, %c0_i32 : i32, i32
  }
  func.func @transform_8(%arg0: i32) -> (i32, i32) {
    %c0_i32 = arith.constant 0 : i32
    %c0_i32_0 = arith.constant 0 : i32
    return %arg0, %c0_i32 : i32, i32
  }
}

module attributes {stable_mosaic.version = 14 : i64} {
  func.func @_tc_glue3_body(%arg0: i32, %arg1: memref<1000x128xbf16, #tpu.memory_space<vmem>>, %arg2: memref<1000x128xbf16, #tpu.memory_space<vmem>>, %arg3: memref<1000x16xf32, #tpu.memory_space<vmem>>, %arg4: memref<1000x16xf32, #tpu.memory_space<vmem>>, %arg5: memref<256x256xf32, #tpu.memory_space<vmem>>, %arg6: memref<1x256xf32, #tpu.memory_space<vmem>>, %arg7: memref<256x64xf32, #tpu.memory_space<vmem>>, %arg8: memref<1000x256xf32, #tpu.memory_space<vmem>>, %arg9: memref<1000x64xbf16, #tpu.memory_space<vmem>>) attributes {dimension_semantics = [#tpu.dimension_semantics<arbitrary>], iteration_bounds = array<i64: 10>, scalar_prefetch = 0 : i64, scratch_operands = 0 : i64, tpu.core_type = #tpu.core_type<tc>, window_params = [{transform_indices = @transform_0, window_bounds = array<i64: 1000, 128>}, {transform_indices = @transform_1, window_bounds = array<i64: 1000, 128>}, {transform_indices = @transform_2, window_bounds = array<i64: 1000, 16>}, {transform_indices = @transform_3, window_bounds = array<i64: 1000, 16>}, {pipeline_mode = #tpu.pipeline_mode<synchronous>, transform_indices = @transform_4, window_bounds = array<i64: 256, 256>}, {pipeline_mode = #tpu.pipeline_mode<synchronous>, transform_indices = @transform_5, window_bounds = array<i64: 1, 256>}, {pipeline_mode = #tpu.pipeline_mode<synchronous>, transform_indices = @transform_6, window_bounds = array<i64: 256, 64>}, {transform_indices = @transform_7, window_bounds = array<i64: 1000, 256>}, {transform_indices = @transform_8, window_bounds = array<i64: 1000, 64>}]} {
    %get3A = arith.constant 0 : index
    %get3A_0 = arith.constant 0 : index
    %get3A_1 = vector.load %arg3[%get3A, %get3A_0] : memref<1000x16xf32, #tpu.memory_space<vmem>>, vector<1000x1xf32>
    %get3A_2 = arith.constant 0 : index
    %get3A_3 = arith.constant 0 : index
    %get3A_4 = vector.load %arg4[%get3A_2, %get3A_3] : memref<1000x16xf32, #tpu.memory_space<vmem>>, vector<1000x1xf32>
    %add3A = arith.addf %get3A_1, %get3A_4 : vector<1000x1xf32>
    %max3A = arith.constant 1.000000e+00 : f32
    %max3A_5 = vector.broadcast %max3A : f32 to vector<1000x1xf32>
    %max3A_6 = arith.maximumf %add3A, %max3A_5 : vector<1000x1xf32>
    %rsqrt3A = math.rsqrt %max3A_6 : vector<1000x1xf32>
    %get3A_7 = arith.constant 0 : index
    %get3A_8 = arith.constant 0 : index
    %get3A_9 = vector.load %arg1[%get3A_7, %get3A_8] : memref<1000x128xbf16, #tpu.memory_space<vmem>>, vector<1000x128xbf16>
    %get3A_10 = arith.constant 0 : index
    %get3A_11 = arith.constant 0 : index
    %get3A_12 = vector.load %arg2[%get3A_10, %get3A_11] : memref<1000x128xbf16, #tpu.memory_space<vmem>>, vector<1000x128xbf16>
    %concatenate3A = tpu.concatenate %get3A_9, %get3A_12 in 1 : vector<1000x128xbf16>, vector<1000x128xbf16> -> vector<1000x256xbf16>
    %convert_element_type3A = arith.extf %concatenate3A : vector<1000x256xbf16> to vector<1000x256xf32>
    %mul3A = vector.broadcast %rsqrt3A : vector<1000x1xf32> to vector<1000x256xf32>
    %mul3A_13 = arith.mulf %convert_element_type3A, %mul3A : vector<1000x256xf32>
    %get3A_14 = arith.constant 0 : index
    %get3A_15 = arith.constant 0 : index
    %get3A_16 = vector.load %arg5[%get3A_14, %get3A_15] : memref<256x256xf32, #tpu.memory_space<vmem>>, vector<256x256xf32>
    %dot_general3A = arith.constant dense<0.000000e+00> : vector<1000x256xf32>
    %dot_general3A_17 = tpu.matmul %mul3A_13, %get3A_16, %dot_general3A {dimension_numbers = #tpu.dot_dimension_numbers<[1], [0], [0], [1], [0, 0, 1, 1], [], []>, transpose_lhs_hint = false} : vector<1000x256xf32>, vector<256x256xf32>, vector<1000x256xf32> -> vector<1000x256xf32>
    %get3A_18 = arith.constant 0 : index
    %get3A_19 = arith.constant 0 : index
    %get3A_20 = vector.load %arg6[%get3A_18, %get3A_19] : memref<1x256xf32, #tpu.memory_space<vmem>>, vector<1x256xf32>
    %add3A_21 = vector.broadcast %get3A_20 : vector<1x256xf32> to vector<1000x256xf32>
    %add3A_22 = arith.addf %dot_general3A_17, %add3A_21 : vector<1000x256xf32>
    %swap3A = arith.constant 0 : index
    %swap3A_23 = arith.constant 0 : index
    %swap3A_24 = vector.load %arg8[%swap3A, %swap3A_23] : memref<1000x256xf32, #tpu.memory_space<vmem>>, vector<1000x256xf32>
    tpu.vector_store %arg8[%swap3A, %swap3A_23], %add3A_22 {strides = array<i32>} : memref<1000x256xf32, #tpu.memory_space<vmem>>, vector<1000x256xf32>,
    %max3A_25 = arith.constant 0.000000e+00 : f32
    %max3A_26 = vector.broadcast %max3A_25 : f32 to vector<1000x256xf32>
    %max3A_27 = arith.maximumf %add3A_22, %max3A_26 : vector<1000x256xf32>
    %mul3A_28 = vector.broadcast %rsqrt3A : vector<1000x1xf32> to vector<1000x256xf32>
    %mul3A_29 = arith.mulf %max3A_27, %mul3A_28 : vector<1000x256xf32>
    %get3A_30 = arith.constant 0 : index
    %get3A_31 = arith.constant 0 : index
    %get3A_32 = vector.load %arg7[%get3A_30, %get3A_31] : memref<256x64xf32, #tpu.memory_space<vmem>>, vector<256x64xf32>
    %dot_general3A_33 = arith.constant dense<0.000000e+00> : vector<1000x64xf32>
    %dot_general3A_34 = tpu.matmul %mul3A_29, %get3A_32, %dot_general3A_33 {dimension_numbers = #tpu.dot_dimension_numbers<[1], [0], [0], [1], [0, 0, 1, 1], [], []>, transpose_lhs_hint = false} : vector<1000x256xf32>, vector<256x64xf32>, vector<1000x64xf32> -> vector<1000x64xf32>
    %convert_element_type3A_35 = arith.truncf %dot_general3A_34 : vector<1000x64xf32> to vector<1000x64xbf16>
    %swap3A_36 = arith.constant 0 : index
    %swap3A_37 = arith.constant 0 : index
    %swap3A_38 = vector.load %arg9[%swap3A_36, %swap3A_37] : memref<1000x64xbf16, #tpu.memory_space<vmem>>, vector<1000x64xbf16>
    tpu.vector_store %arg9[%swap3A_36, %swap3A_37], %convert_element_type3A_35 {strides = array<i32>} : memref<1000x64xbf16, #tpu.memory_space<vmem>>, vector<1000x64xbf16>,
    return
  }
  func.func @transform_0(%arg0: i32) -> (i32, i32) {
    %c0_i32 = arith.constant 0 : i32
    %c0_i32_0 = arith.constant 0 : i32
    return %arg0, %c0_i32 : i32, i32
  }
  func.func @transform_1(%arg0: i32) -> (i32, i32) {
    %c0_i32 = arith.constant 0 : i32
    %c0_i32_0 = arith.constant 0 : i32
    return %arg0, %c0_i32 : i32, i32
  }
  func.func @transform_2(%arg0: i32) -> (i32, i32) {
    %c0_i32 = arith.constant 0 : i32
    %c0_i32_0 = arith.constant 0 : i32
    return %arg0, %c0_i32 : i32, i32
  }
  func.func @transform_3(%arg0: i32) -> (i32, i32) {
    %c0_i32 = arith.constant 0 : i32
    %c0_i32_0 = arith.constant 0 : i32
    return %arg0, %c0_i32 : i32, i32
  }
  func.func @transform_4(%arg0: i32) -> (i32, i32) {
    %c0_i32 = arith.constant 0 : i32
    %c0_i32_0 = arith.constant 0 : i32
    %c0_i32_1 = arith.constant 0 : i32
    return %c0_i32, %c0_i32_0 : i32, i32
  }
  func.func @transform_5(%arg0: i32) -> (i32, i32) {
    %c0_i32 = arith.constant 0 : i32
    %c0_i32_0 = arith.constant 0 : i32
    %c0_i32_1 = arith.constant 0 : i32
    return %c0_i32, %c0_i32_0 : i32, i32
  }
  func.func @transform_6(%arg0: i32) -> (i32, i32) {
    %c0_i32 = arith.constant 0 : i32
    %c0_i32_0 = arith.constant 0 : i32
    %c0_i32_1 = arith.constant 0 : i32
    return %c0_i32, %c0_i32_0 : i32, i32
  }
  func.func @transform_7(%arg0: i32) -> (i32, i32) {
    %c0_i32 = arith.constant 0 : i32
    %c0_i32_0 = arith.constant 0 : i32
    return %arg0, %c0_i32 : i32, i32
  }
  func.func @transform_8(%arg0: i32) -> (i32, i32) {
    %c0_i32 = arith.constant 0 : i32
    %c0_i32_0 = arith.constant 0 : i32
    return %arg0, %c0_i32 : i32, i32
  }
}

module attributes {stable_mosaic.version = 14 : i64} {
  func.func @_tc_final_body(%arg0: i32, %arg1: memref<1000x64xbf16, #tpu.memory_space<vmem>>, %arg2: memref<1000x64xbf16, #tpu.memory_space<vmem>>, %arg3: memref<1000x16xf32, #tpu.memory_space<vmem>>, %arg4: memref<1000x16xf32, #tpu.memory_space<vmem>>, %arg5: memref<1x40xf32, #tpu.memory_space<vmem>>, %arg6: memref<1000x40xf32, #tpu.memory_space<vmem>>, %arg7: memref<1000x40xf32, #tpu.memory_space<vmem>>) attributes {dimension_semantics = [#tpu.dimension_semantics<arbitrary>], iteration_bounds = array<i64: 10>, scalar_prefetch = 0 : i64, scratch_operands = 0 : i64, tpu.core_type = #tpu.core_type<tc>, window_params = [{transform_indices = @transform_0, window_bounds = array<i64: 1000, 64>}, {transform_indices = @transform_1, window_bounds = array<i64: 1000, 64>}, {transform_indices = @transform_2, window_bounds = array<i64: 1000, 16>}, {transform_indices = @transform_3, window_bounds = array<i64: 1000, 16>}, {pipeline_mode = #tpu.pipeline_mode<synchronous>, transform_indices = @transform_4, window_bounds = array<i64: 1, 40>}, {transform_indices = @transform_5, window_bounds = array<i64: 1000, 40>}, {transform_indices = @transform_6, window_bounds = array<i64: 1000, 40>}]} {
    %get3A = arith.constant 0 : index
    %get3A_0 = arith.constant 0 : index
    %get3A_1 = vector.load %arg3[%get3A, %get3A_0] : memref<1000x16xf32, #tpu.memory_space<vmem>>, vector<1000x1xf32>
    %get3A_2 = arith.constant 0 : index
    %get3A_3 = arith.constant 0 : index
    %get3A_4 = vector.load %arg4[%get3A_2, %get3A_3] : memref<1000x16xf32, #tpu.memory_space<vmem>>, vector<1000x1xf32>
    %add3A = arith.addf %get3A_1, %get3A_4 : vector<1000x1xf32>
    %max3A = arith.constant 1.000000e+00 : f32
    %max3A_5 = vector.broadcast %max3A : f32 to vector<1000x1xf32>
    %max3A_6 = arith.maximumf %add3A, %max3A_5 : vector<1000x1xf32>
    %rsqrt3A = math.rsqrt %max3A_6 : vector<1000x1xf32>
    %get3A_7 = arith.constant 0 : index
    %get3A_8 = arith.constant 0 : index
    %get3A_9 = vector.load %arg1[%get3A_7, %get3A_8] : memref<1000x64xbf16, #tpu.memory_space<vmem>>, vector<1000x64xbf16>
    %convert_element_type3A = arith.extf %get3A_9 : vector<1000x64xbf16> to vector<1000x64xf32>
    %get3A_10 = arith.constant 0 : index
    %get3A_11 = arith.constant 0 : index
    %get3A_12 = vector.load %arg2[%get3A_10, %get3A_11] : memref<1000x64xbf16, #tpu.memory_space<vmem>>, vector<1000x64xbf16>
    %convert_element_type3A_13 = arith.extf %get3A_12 : vector<1000x64xbf16> to vector<1000x64xf32>
    %add3A_14 = arith.addf %convert_element_type3A, %convert_element_type3A_13 : vector<1000x64xf32>
    %mul3A = vector.broadcast %rsqrt3A : vector<1000x1xf32> to vector<1000x64xf32>
    %mul3A_15 = arith.mulf %add3A_14, %mul3A : vector<1000x64xf32>
    %slice3A = vector.extract_strided_slice %mul3A_15 {offsets = [0, 0], sizes = [1000, 40], strides = [1, 1]} : vector<1000x64xf32> to vector<1000x40xf32>
    %get3A_16 = arith.constant 0 : index
    %get3A_17 = arith.constant 0 : index
    %get3A_18 = vector.load %arg5[%get3A_16, %get3A_17] : memref<1x40xf32, #tpu.memory_space<vmem>>, vector<1x40xf32>
    %add3A_19 = vector.broadcast %get3A_18 : vector<1x40xf32> to vector<1000x40xf32>
    %add3A_20 = arith.addf %slice3A, %add3A_19 : vector<1000x40xf32>
    %swap3A = arith.constant 0 : index
    %swap3A_21 = arith.constant 0 : index
    %swap3A_22 = vector.load %arg7[%swap3A, %swap3A_21] : memref<1000x40xf32, #tpu.memory_space<vmem>>, vector<1000x40xf32>
    tpu.vector_store %arg7[%swap3A, %swap3A_21], %add3A_20 {strides = array<i32>} : memref<1000x40xf32, #tpu.memory_space<vmem>>, vector<1000x40xf32>,
    %reduce_max3A = arith.constant dense<0xFF800000> : vector<1000xf32>
    %reduce_max3A_23 = vector.multi_reduction <maximumf>, %add3A_20, %reduce_max3A [1] : vector<1000x40xf32> to vector<1000xf32>
    %broadcast_in_dim3A = vector.shape_cast %reduce_max3A_23 : vector<1000xf32> to vector<1000x1xf32>
    %sub3A = vector.broadcast %broadcast_in_dim3A : vector<1000x1xf32> to vector<1000x40xf32>
    %sub3A_24 = arith.subf %add3A_20, %sub3A : vector<1000x40xf32>
    %exp3A = math.exp %sub3A_24 : vector<1000x40xf32>
    %reduce_sum3A = arith.constant dense<0.000000e+00> : vector<1000xf32>
    %reduce_sum3A_25 = vector.multi_reduction <add>, %exp3A, %reduce_sum3A [1] : vector<1000x40xf32> to vector<1000xf32>
    %broadcast_in_dim3A_26 = vector.shape_cast %reduce_sum3A_25 : vector<1000xf32> to vector<1000x1xf32>
    %log3A = math.log %broadcast_in_dim3A_26 : vector<1000x1xf32>
    %add3A_27 = arith.addf %log3A, %broadcast_in_dim3A : vector<1000x1xf32>
    %sub3A_28 = vector.broadcast %add3A_27 : vector<1000x1xf32> to vector<1000x40xf32>
    %sub3A_29 = arith.subf %add3A_20, %sub3A_28 : vector<1000x40xf32>
    %swap3A_30 = arith.constant 0 : index
    %swap3A_31 = arith.constant 0 : index
    %swap3A_32 = vector.load %arg6[%swap3A_30, %swap3A_31] : memref<1000x40xf32, #tpu.memory_space<vmem>>, vector<1000x40xf32>
    tpu.vector_store %arg6[%swap3A_30, %swap3A_31], %sub3A_29 {strides = array<i32>} : memref<1000x40xf32, #tpu.memory_space<vmem>>, vector<1000x40xf32>,
    return
  }
  func.func @transform_0(%arg0: i32) -> (i32, i32) {
    %c0_i32 = arith.constant 0 : i32
    %c0_i32_0 = arith.constant 0 : i32
    return %arg0, %c0_i32 : i32, i32
  }
  func.func @transform_1(%arg0: i32) -> (i32, i32) {
    %c0_i32 = arith.constant 0 : i32
    %c0_i32_0 = arith.constant 0 : i32
    return %arg0, %c0_i32 : i32, i32
  }
  func.func @transform_2(%arg0: i32) -> (i32, i32) {
    %c0_i32 = arith.constant 0 : i32
    %c0_i32_0 = arith.constant 0 : i32
    return %arg0, %c0_i32 : i32, i32
  }
  func.func @transform_3(%arg0: i32) -> (i32, i32) {
    %c0_i32 = arith.constant 0 : i32
    %c0_i32_0 = arith.constant 0 : i32
    return %arg0, %c0_i32 : i32, i32
  }
  func.func @transform_4(%arg0: i32) -> (i32, i32) {
    %c0_i32 = arith.constant 0 : i32
    %c0_i32_0 = arith.constant 0 : i32
    %c0_i32_1 = arith.constant 0 : i32
    return %c0_i32, %c0_i32_0 : i32, i32
  }
  func.func @transform_5(%arg0: i32) -> (i32, i32) {
    %c0_i32 = arith.constant 0 : i32
    %c0_i32_0 = arith.constant 0 : i32
    return %arg0, %c0_i32 : i32, i32
  }
  func.func @transform_6(%arg0: i32) -> (i32, i32) {
    %c0_i32 = arith.constant 0 : i32
    %c0_i32_0 = arith.constant 0 : i32
    return %arg0, %c0_i32 : i32, i32
  }
}

</mosaic_0001>

<sc_bundles>
// kernel: kernel.10.cloned.1.call-start
scs
__scs_entry_jumppad:
0x0: {  	(pc) =	sbr.rel $0x88, $3  }
0x1: {  	(tag) =	ssettag $0x0;
	lr =	simm.s32 $0x1  }
0x2: {  	[smem:$0x3F99] =	sst lr;
	_ =	strace $0xD0000000  }
0x3: {  	_ = 	snop  }
0x4: {  	_ = 	snop  }
0x5: {  	_ = 	snop  }
0x6: {  	_ = 	snop  }
0x7: {  	_ = 	snop  }
__scs_overlays_trampoline_lowered:
0x8: {  	[smem:$0x3FA8] =	sst s0  }
0x9: {  	[smem:$0x3FA9] =	sst s1  }
0xa: {  	[smem:$0x3FAA] =	sst s2  }
0xb: {  	[smem:$0x3FAB] =	sst s3  }
0xc: {  	[smem:$0x3FAC] =	sst s4  }
0xd: {  	[smem:$0x3FAD] =	sst s5  }
0xe: {  	[smem:$0x3FAE] =	sst s6  }
0xf: {  	[smem:$0x3FAF] =	sst s7  }
0x10: {  	[smem:$0x3FB0] =	sst s8  }
0x11: {  	[smem:$0x3FB1] =	sst s9;
	s0 =	simm.s32 @!p0 $0x0  }
0x12: {  	s1 =	sld [smem:$0x3F97];
	s0 =	simm.s32 @p0 $0x1  }
0x13: {  	[smem:$0x3FB2] =	sst s0;
	s0 =	simm.s32 @!p1 $0x0  }
0x14: {  	s2 =	sld [smem:$0x3F96];
	s0 =	simm.s32 @p1 $0x1  }
0x15: {  	[smem:$0x3FB3] =	sst s0;
	s0 =	simm.s32 @!p2 $0x0  }
0x16: {  	s3 =	sld [smem:$0x3FDB];
	s0 =	simm.s32 @p2 $0x1  }
0x17: {  	s4 =	simm.s32 $0x1BF5;
	[smem:$0x3FB5] =	sst s0  }
0x18: {  	s0 =	sld [smem:$0x3F98];
	_ =	swait.ge [sflag:s4], $0x0  }
0x19: {  	s7 =	sld [smem:$0x3F99]  }
0x1a: {  	s8 =	sadd.s32 $0xFFFFE003, lr  }
0x1b: {  	s9 =	sadd.s32 $0xFFFFFEF7, lr;
	s5 =	simm.s32 $0xFFFFFFFF;
	p2 =	slt.u32 s8, $0xFFFFF086  }
0x1c: {  	p1 =	slt.u32 s9, $0xF7A;
	s5 =	simm.s32 @!p2 $0x0  }
0x1d: {  	s5 =	simm.s32 @p1 $0x1;
	p0 =	seq.s32 s7, s2  }
0x1e: {  	s7 =	smul.u32 @!p0 $0xF7A, s2;
	p2 =	seq.s32 @!p0 s5, $0x0  }
0x1f: {  	s9 =	smul.u32 $0xF7A, s1;
	s8 =	simm.s32 @!p0 $0x1BF5;
	p2 =	por !p2, p0  }
0x20: {  	[sflag:s8] =	ssyncset.s32 @!p0 $0xFFFFF086;
	s6 =	sadd.s32 @!p0 s3, s7;
	s7 =	simm.s32 @!p0 $0x108  }
0x21: {  	s3 =	sadd.s32 s3, s9;
	s6 =	sadd.s32 @!p0 $0x88, s6;
	s7 =	simm.s32 @p2 $0x1082  }
0x22: {  	[simem:s7], [sflag:s8] =	dma.local @!p0 [hbm:s6], $0xF7A  }
0x23: {  	s9 =	sor.u32 $0xD0000000, s2;
	s6 =	simm.s32 $0x108;
	_ =	swait.ge @!p0 [sflag:s8], $0x0  }
0x24: {  	s3 =	sadd.s32 $0x88, s3;
	s6 =	simm.s32 @!p1 $0x1082;
	[sflag:s4] =	ssyncset.s32 $0xFFFFF086  }
0x25: {  	[simem:s6], [sflag:s4] =	dma.local [hbm:s3], $0xF7A  }
0x26: {  	[smem:$0x3F99] =	sst s1;
	(tag) =	ssettag s2;
	_ =	strace s9  }
0x27: {  	s1 =	sld [smem:$0x3FA9]  }
0x28: {  	s2 =	sld [smem:$0x3FAA]  }
0x29: {  	s4 =	sld [smem:$0x3FAC]  }
0x2a: {  	p0 =	seq.s32 s5, $0x0;
	s5 =	sld [smem:$0x3FAD]  }
0x2b: {  	s6 =	sld [smem:$0x3FAE]  }
0x2c: {  	s7 =	sld [smem:$0x3FAF]  }
0x2d: {  	s3 =	simm.s32 $0x108;
	s8 =	sld [smem:$0x3FB0]  }
0x2e: {  	s3 =	simm.s32 @!p0 $0x1082;
	s9 =	sld [smem:$0x3FB1]  }
0x2f: {  	lr =	sadd.s32 s0, s3;
	s0 =	sld [smem:$0x3FA8]  }
0x30: {  	s3 =	sld [smem:$0x3FAB]  }
0x31: {  	[smem:$0x3FB4] =	sst s10  }
0x32: {  	s10 =	sld [smem:$0x3FB2];
	_ =	sdelay $0x3  }
0x33: {  	p0 =	seq.s32 s10, $0x1;
	s10 =	sld [smem:$0x3FB4];
	_ =	sdelay $0x3  }
0x34: {  	[smem:$0x3FB4] =	sst s10  }
0x35: {  	s10 =	sld [smem:$0x3FB3];
	_ =	sdelay $0x3  }
0x36: {  	p1 =	seq.s32 s10, $0x1;
	s10 =	sld [smem:$0x3FB4];
	_ =	sdelay $0x3  }
0x37: {  	[smem:$0x3FB4] =	sst s10  }
0x38: {  	s10 =	sld [smem:$0x3FB5]  }
0x39: {  	_ = 	snop;
	(pc) =	sbr.ind lr, $3  }
0x3a: {  	_ = 	snop  }
0x3b: {  	_ = 	snop  }
0x3c: {  	p2 =	seq.s32 s10, $0x1;
	s10 =	sld [smem:$0x3FB4]  }
0x3d: {  	_ =	shalt  }
0x3e: {  	_ =	shalt  }
0x3f: {  	_ =	shalt  }
0x40: {  	_ =	shalt  }
0x41: {  	_ =	shalt  }
0x42: {  	_ =	shalt  }
0x43: {  	_ =	shalt  }
0x44: {  	_ =	shalt  }
0x45: {  	_ =	shalt  }
0x46: {  	_ =	shalt  }
0x47: {  	_ =	shalt  }
0x48: {  	_ =	shalt  }
0x49: {  	_ =	shalt  }
0x4a: {  	_ =	shalt  }
0x4b: {  	_ =	shalt  }
0x4c: {  	_ =	shalt  }
0x4d: {  	_ =	shalt  }
0x4e: {  	_ =	shalt  }
0x4f: {  	_ =	shalt  }
0x50: {  	_ =	shalt  }
0x51: {  	_ =	shalt  }
0x52: {  	_ =	shalt  }
0x53: {  	_ =	shalt  }
0x54: {  	_ =	shalt  }
0x55: {  	_ =	shalt  }
0x56: {  	_ =	shalt  }
0x57: {  	_ =	shalt  }
0x58: {  	_ =	shalt  }
0x59: {  	_ =	shalt  }
0x5a: {  	_ =	shalt  }
0x5b: {  	_ =	shalt  }
0x5c: {  	_ =	shalt  }
0x5d: {  	_ =	shalt  }
0x5e: {  	_ =	shalt  }
0x5f: {  	_ =	shalt  }
0x60: {  	_ =	shalt  }
0x61: {  	_ =	shalt  }
0x62: {  	_ =	shalt  }
0x63: {  	_ =	shalt  }
0x64: {  	_ =	shalt  }
0x65: {  	_ =	shalt  }
0x66: {  	_ =	shalt  }
0x67: {  	_ =	shalt  }
0x68: {  	_ =	shalt  }
0x69: {  	_ =	shalt  }
0x6a: {  	_ =	shalt  }
0x6b: {  	_ =	shalt  }
0x6c: {  	_ =	shalt  }
0x6d: {  	_ =	shalt  }
0x6e: {  	_ =	shalt  }
0x6f: {  	_ =	shalt  }
0x70: {  	_ =	shalt  }
0x71: {  	_ =	shalt  }
0x72: {  	_ =	shalt  }
0x73: {  	_ =	shalt  }
0x74: {  	_ =	shalt  }
0x75: {  	_ =	shalt  }
0x76: {  	_ =	shalt  }
0x77: {  	_ =	shalt  }
0x78: {  	_ =	shalt  }
0x79: {  	_ =	shalt  }
0x7a: {  	_ =	shalt  }
0x7b: {  	_ =	shalt  }
0x7c: {  	_ =	shalt  }
0x7d: {  	_ =	shalt  }
0x7e: {  	_ =	shalt  }
0x7f: {  	_ =	shalt  }
0x80: {  	_ =	shalt  }
0x81: {  	_ =	shalt  }
0x82: {  	_ =	shalt  }
0x83: {  	_ =	shalt  }
0x84: {  	_ =	shalt  }
0x85: {  	_ =	shalt  }
0x86: {  	_ =	shalt  }
0x87: {  	_ =	shalt  }
.Lfunc_end0:
.L_simem_size_0:
called_computation_lowered:
.L_overlay_start_0:
0x88: {  	s2 =	sld [smem:$0x3FD9]  }
0x89: {  	s3 =	sld [smem:$0x3FFE];
	_ =	sdelay $0x1  }
0x8a: {  	s1 =	srdreg.scid  }
0x8b: {  	s0 =	sand.u32 $0x1, s1  }
0x8c: {  	s14 =	sshll.u32 s0, $0xA;
	s2 =	sadd.s32 s3, s2  }
0x8d: {  	s2 =	sadd.s32 s2, s14  }
0x8e: {  	[smem:$0x3FC0] =	sst s2  }
0x8f: {  	_ = 	snop  }
0x90: {  	s2 =	sld [smem:$0x3FD0];
	_ =	sdelay $0x2  }
0x91: {  	s15 =	simm.s32 $0xA;
	s4 =	simm.s32 $0x10  }
0x92: {  	[smem:s4], [sflag:s15] =	dma.local [hbm:s2], $0x1  }
0x93: {  	_ =	swait.eq [sflag:s15], $0x1  }
0x94: {  	s16 =	sld [smem:$0x10]  }
0x95: {  	s17 =	sld [smem:$0x11];
	[sflag:s15] =	ssyncset.done $0x0  }
0x96: {  	s5 =	sld [smem:$0x12];
	[sflag:s15] =	ssyncadd.s32 $0xFFFFFFFF  }
0x97: {  	s18 =	sld [smem:$0x13];
	(tm) =	ssettm $0x1  }
0x98: {  	s6 =	sld [smem:$0x3FFB];
	_ =	sdelay $0x3  }
0x99: {  	_ =	strace s6  }
0x9a: {  	s6 =	sld [smem:$0x3FFC];
	_ =	sdelay $0x3  }
0x9b: {  	_ =	strace s6  }
0x9c: {  	s6 =	sld [smem:$0x3FFD];
	_ =	sdelay $0x3  }
0x9d: {  	_ =	strace s6  }
0x9e: {  	_ =	strace $0x8FFFFFFF  }
0x9f: {  	s19 =	sld [smem:$0x3FDB];
	_ =	sdelay $0x1  }
0xa0: {  	s7 =	simm.s32 $_scs_section_size  }
0xa1: {  	s8 =	simm.s32 $_size__tile_overlayer_lowered;
	s9 =	simm.s32 $_tile_overlayer_lowered  }
0xa2: {  	s22 =	simm.s32 $0x1BFF;
	s21 =	sshll.u32 s9, $0x1;
	s6 =	sadd.s32 s7, s19  }
0xa3: {  	s10 =	simm.s32 $0x0;
	s20 =	sshll.u32 s8, $0x1;
	s8 =	sadd.s32 s21, s6  }
0xa4: {  	[timem:s10], [sflag:s22] =	dma.local [hbm:s8], s20  }
0xa5: {  	_ =	swait.ge [sflag:s22], s20  }
0xa6: {  	s7 =	ssub.s32 $0x0, s20;
	[sflag:s22] =	ssyncset.done $0x0  }
0xa7: {  	[sflag:s22] =	ssyncadd.s32 s7;
	_ =	sdelay $0x1  }
0xa8: {  	s23 =	simm.s32 $0x1B8B  }
0xa9: {  	_ =	swait.ge [sflag:s23], $0x1  }
0xaa: {  	[sflag:s23] =	ssyncset.done $0x0  }
0xab: {  	s25 =	simm.s32 $0x1B8E;
	s24 =	sld [smem:$0x3FFE];
	[sflag:s23] =	ssyncadd.s32 $0xFFFFFFFF  }
0xac: {  	s26 =	simm.s32 $execute0_lowered;
	[smem:$0x3FD2] =	sst s25  }
0xad: {  	s8 =	sshll.u32 s26, $0x1;
	_ =	strace $0x80000046;
	[dreg:$0x1] =	wrdreg $0xFFFFFFFF  }
0xae: {  	s28 =	simm.s32 $_size_execute0_lowered;
	s6 =	sadd.s32 s6, s8;
	[dreg:$0x0] =	wrdreg $0x0  }
0xaf: {  	s8 =	sshll.u32 s28, $0x1;
	[dreg:$0x2] =	wrdreg s6  }
0xb0: {  	[dreg:$0x3] =	wrdreg s8  }
0xb1: {  	[dreg:$0x4] =	wrdreg $0xC0  }
0xb2: {  	_ =	task [dreg:s10], $0x5FFFF  }
0xb3: {  	[dreg:$0x1] =	wrdreg $0xFFFFFFFF  }
0xb4: {  	[dreg:$0x0] =	wrdreg $0x60  }
0xb5: {  	[dreg:$0x2] =	wrdreg s24  }
0xb6: {  	[dreg:$0x3] =	wrdreg s17  }
0xb7: {  	[dreg:$0x4] =	wrdreg s5  }
0xb8: {  	[dreg:$0x5] =	wrdreg s18  }
0xb9: {  	[dreg:$0x6] =	wrdreg s16  }
0xba: {  	[dreg:$0x7] =	wrdreg $0x5A500  }
0xbb: {  	[dreg:$0x8] =	wrdreg $0x9  }
0xbc: {  	_ =	task.clear_ibuf [dreg:s10], $0x9FFFF;
	_ =	strace $0x90000046  }
0xbd: {  	s29 =	simm.s32 $0x9;
	_ =	strace $0x80000048  }
0xbe: {  	_ =	swait.ge [sflag:s29], $0x1  }
0xbf: {  	[sflag:s29] =	ssyncadd.s32 $0xFFFFFFFF  }
0xc0: {  	_ =	strace $0x90000048  }
0xc1: {  	_ =	sfence  }
0xc2: {  	s30 =	sld [smem:$0x0];
	_ =	sdelay $0x2  }
0xc3: {  	s31 =	sshll.u32 s1, $0xD;
	s1 =	sshrl.u32 s1, $0x2  }
0xc4: {  	s3 =	sand.u32 $0x4000, s31;
	s1 =	sadd.s32 s1, s30  }
0xc5: {  	s0 =	sor.u32 s3, s0;
	s1 =	sshll.u32 s1, $0x11  }
0xc6: {  	s0 =	sor.u32 s1, s0  }
0xc7: {  	s0 =	sadd.s32 $0x8F2B, s0  }
0xc8: {  	[sflag:s0] =	ssyncadd.remote.s32 $0x1  }
0xc9: {  	_ =	sfence.sel $0xFFFF  }
0xca: {  	[dreg:$0x0] =	wrdreg $0xFFFFFFFF;
	(pc) =	sbr.abs _section_cstart, $3  }
0xcb: {  	[dreg:$0x1] =	wrdreg $0xFFFFFFFF  }
0xcc: {  	_ =	task.clear_ibuf [dreg:s10], $0x2FFFF;
	_ =	strace $0x9FFFFFFF  }
0xcd: {  	(tm) =	ssettm $0x7FFFFFFF  }
tec
execute0_lowered:
.L_overlay_start_1:
0x0: {  	(tag) =	ssettag $0x1  }
0x1: {  	s6 =	rddreg [dreg:$0x0]  }
0x2: {  	s0 =	rddreg [dreg:$0x1]  }
0x3: {  	s2 =	rddreg [dreg:$0x2]  }
0x4: {  	s8 =	rddreg [dreg:$0x3]  }
0x5: {  	s9 =	rddreg [dreg:$0x4];
	s3 =	srdreg.scid  }
0x6: {  	s1 =	stileid.u32;
	s4 =	rddreg [dreg:$0x5];
	s18 =	simm.s32 $0x0  }
0x7: {  	s10 =	sand.u32 $0x1, s3;
	s5 =	sshll.u32 s1, $0x1;
	s13 =	smul.u32 $0xFA00, s1  }
0x8: {  	s3 =	rddreg [dreg:$0x6];
	s30 =	smul.u32 $0x3E80, s1;
	p1 =	slt.u32 s1, $0xA  }
0x9: {  	s7 =	sor.u32 s10, s5;
	s5 =	simm.s32 $0x0;
	s11 =	ssub.s32 $0x2, s10  }
0xa: {  	p0 =	seq.s32 s10, $0x0;
	p2 =	seq.s32 s10, $0x1;
	s7 =	smul.u32 $0x280, s7  }
0xb: {  	[smem:$0x7FF] =	sst s5;
	s12 =	sshrl.u32 s11, $0x1;
	s29 =	sshrl.u32 s13, $0x2  }
0xc: {  	p0 =	por !p0, !p1;
	s31 =	sshrl.u32 s30, $0x3;
	p1 =	por !p1, !p2  }
0xd: {  	s17 =	sadd.s32 s30, s4;
	p2 =	sgt.u32 s1, $0x9;
	s13 =	simm.s32 $0x7D  }
0xe: {  	_ =	strace $0x80000047;
	s11 =	ssub.s32 s11, s12;
	p0 =	por !p0, !p0  }
0xf: {  	s8 =	sadd.s32 s8, s31;
	p1 =	por !p1, !p1;
	s9 =	sadd.s32 s9, s31  }
0x10: {  	s12 =	simm.s32 $0x1400;
	s6 =	sadd.s32 s7, s6;
	s7 =	sadd.s32 s29, s4  }
0x11: {  	s10 =	smax.u32 s11, $0x1;
	s11 =	simm.s32 $0x1;
	s14 =	sshll.u32 @p0 s1, $0x6  }
0x12: {  	s15 =	sshrl.u32 @p0 s17, $0x3;
	s16 =	sshll.u32 @p1 s1, $0x6;
	s17 =	sshrl.u32 @p1 s17, $0x3  }
0x13: {  	s6 =	sadd.s32 $0x3000, s6;
	s14 =	sor.u32 @p0 $0x1C01, s14;
	s16 =	sor.u32 @p1 $0x1C01, s16  }
.LBB2_1:
0x14: {  	[tilespmem:s5], [sflag:$0x1] =	stream.linear.gather [hbm4b:s6+s5], $0x1400, $0x38;
	[tilespmem:$0x8160] =	vst v63  }
0x15: {  	_ =	swait.ge [sflag:s11], $0x1400  }
0x16: {  	[sflag:s11] =	ssyncset.done $0x0  }
0x17: {  	[sflag:s11] =	ssyncadd.s32 $0xFFFFEC00  }
0x18: {  	[tilespmem:s12], [sflag:$0x1] =	stream.linear.gather [hbm4b:s0+s5], $0x7D0, $0x38;
	[tilespmem:$0x8160] =	vst v63  }
0x19: {  	_ =	swait.ge [sflag:s11], $0x7D0  }
0x1a: {  	[sflag:s11] =	ssyncset.done $0x0  }
0x1b: {  	s19 =	simm.s32 @!p2 $0x0;
	s20 =	simm.s32 @!p2 $0x1BD0;
	[sflag:s11] =	ssyncadd.s32 $0xFFFFF830  }
0x1c: {  	[tilespmem:s20], [sflag:$0x1] =	stream.linear.gather @!p2 [hbm4b:s2+s19], $0x3E80, $0x38;
	[tilespmem:$0x8160] =	vst v63  }
0x1d: {  	s19 =	simm.s32 @!p2 $0x1  }
0x1e: {  	_ =	swait.ge @!p2 [sflag:s19], $0x3E80  }
0x1f: {  	[sflag:s19] =	ssyncset.done @!p2 $0x0  }
0x20: {  	[sflag:s19] =	ssyncadd.s32 @!p2 $0xFFFFC180  }
0x21: {  	[spmem:s7] =	stream.linear.scatter @!p2 [tilespmem:s20], [sflag:$0x1], $0x3E80, $0x38;
	[tilespmem:$0x8160] =	vst v63  }
0x22: {  	_ =	swait.ge @!p2 [sflag:s19], $0x3E80  }
0x23: {  	[sflag:s19] =	ssyncset.done @!p2 $0x0  }
0x24: {  	[sflag:s19] =	ssyncadd.s32 @!p2 $0xFFFFC180  }
0x25: {  	s31 =	simm.s32 $0x0;
	[bflag:$0x0] =	sbarrier.arrive $0xFFFF  }
0x26: {  	[spmem:s4] =	stream.indirect.scatter.add.f32 [tilespmem:s12], [sflag:$0x1], $0x10, s31, s13, $0xb8;
	[tilespmem:$0x8160] =	vst v63  }
0x27: {  	_ =	swait.ge [sflag:s11], $0x7D0  }
0x28: {  	s19 =	simm.s32 $0x200;
	[sflag:s11] =	ssyncset.done $0x0  }
.LBB2_2:
0x29: {  	s20 =	sshra.s32 s19, $0x2;
	[sflag:s11] =	ssyncadd.s32 $0xFFFFF830;
	p3 =	sne.s32 s19, $0x4E00  }
0x2a: {  	[spmem:s4] =	stream.indirect.scatter.add.f32 [tilespmem:s12], [sflag:$0x1], $0x10, s20, s13, $0xb8;
	[tilespmem:$0x8160] =	vst v63  }
.Ltmp0:
0x2b: {  	_ = 	snop;
	(pc) =	sbr.rel @p3 .LBB2_2-.Ltmp0, $4  }
0x2c: {  	_ = 	snop  }
0x2d: {  	s19 =	sadd.s32 $0x200, s19  }
0x2e: {  	_ =	swait.ge [sflag:s11], $0x7D0  }
0x2f: {  	[sflag:s11] =	ssyncset.done $0x0  }
0x30: {  	[sflag:s11] =	ssyncadd.s32 $0xFFFFF830  }
0x31: {  	s19 =	simm.s32 @p0 $0x1;
	[bflag:$0x0] =	sbarrier.arrive $0xFFFF  }
0x32: {  	[hbm:s8], [sflag:s14] =	dma.local @p0 [spmem:s15], $0x7D0  }
0x33: {  	s18 =	sadd.s32 $0x1, s18;
	_ =	swait.ge @p0 [sflag:s19], $0x7D0  }
0x34: {  	p3 =	sne.s32 s18, s10;
	[sflag:s19] =	ssyncset.done @p0 $0x0  }
.Ltmp1:
0x35: {  	[sflag:s19] =	ssyncadd.s32 @p0 $0xFFFFF830;
	s19 =	simm.s32 @p1 $0x1;
	(pc) =	sbr.rel @p3 .LBB2_1-.Ltmp1, $4  }
0x36: {  	[hbm:s9], [sflag:s16] =	dma.local @p1 [spmem:s17], $0x7D0  }
0x37: {  	_ =	swait.ge @p1 [sflag:s19], $0x7D0  }
0x38: {  	[sflag:s19] =	ssyncset.done @p1 $0x0  }
0x39: {  	[sflag:s19] =	ssyncadd.s32 @p1 $0xFFFFF830  }
0x3a: {  	_ =	sfence.sel $0x180000  }
0x3b: {  	[bflag:$0x0] =	sbarrier.arrive $0xFFFF  }
0x3c: {  	p0 =	sne.s32 s1, $0x0;
	_ =	strace $0x90000047  }
0x3d: {  	s0 =	sadd.s32 @!p0 $0x100000, s3;
	[bflag:$0x2] =	sbarrier.arrive $0xFFFF  }
0x3e: {  	[sflag:s0] =	ssyncadd.tile.s32 @!p0 $0x1;
	_ =	shalt  }
.Lfunc_end2:
_tile_overlayer_lowered:
.L_overlay_start_2:
0x3f: {  	(tag) =	ssettag $0x2  }
0x40: {  	s0 =	rddreg [dreg:$0x0];
	s2 =	stileid.u32  }
0x41: {  	s1 =	rddreg [dreg:$0x1];
	p0 =	sne.s32 s2, $0x0  }
0x42: {  	s3 =	rddreg [dreg:$0x2];
	[bflag:$0x3] =	sbarrier.arrive $0xFFFF;
	s2 =	simm.s32 @!p0 $0x1C01  }
0x43: {  	[timem:s3], [sflag:s2] =	dma.local @!p0 [hbm:s0], s1  }
0x44: {  	s0 =	simm.s32 @!p0 $0x1  }
0x45: {  	_ =	swait.ge @!p0 [sflag:s0], s1  }
0x46: {  	s1 =	ssub.s32 @!p0 $0x0, s1;
	[sflag:s0] =	ssyncset.done @!p0 $0x0  }
0x47: {  	[sflag:s0] =	ssyncadd.s32 @!p0 s1  }
0x48: {  	[bflag:$0x3] =	sbarrier.arrive $0xFFFF  }
0x49: {  	_ =	shalt  }

// kernel: kernel.13.cloned.1.call-start
scs
__scs_entry_jumppad:
0x0: {  	(pc) =	sbr.rel $0x88, $3  }
0x1: {  	(tag) =	ssettag $0x0;
	lr =	simm.s32 $0x1  }
0x2: {  	[smem:$0x3F99] =	sst lr;
	_ =	strace $0xD0000000  }
0x3: {  	_ = 	snop  }
0x4: {  	_ = 	snop  }
0x5: {  	_ = 	snop  }
0x6: {  	_ = 	snop  }
0x7: {  	_ = 	snop  }
__scs_overlays_trampoline_lowered:
0x8: {  	[smem:$0x3FA8] =	sst s0  }
0x9: {  	[smem:$0x3FA9] =	sst s1  }
0xa: {  	[smem:$0x3FAA] =	sst s2  }
0xb: {  	[smem:$0x3FAB] =	sst s3  }
0xc: {  	[smem:$0x3FAC] =	sst s4  }
0xd: {  	[smem:$0x3FAD] =	sst s5  }
0xe: {  	[smem:$0x3FAE] =	sst s6  }
0xf: {  	[smem:$0x3FAF] =	sst s7  }
0x10: {  	[smem:$0x3FB0] =	sst s8  }
0x11: {  	[smem:$0x3FB1] =	sst s9;
	s0 =	simm.s32 @!p0 $0x0  }
0x12: {  	s1 =	sld [smem:$0x3F97];
	s0 =	simm.s32 @p0 $0x1  }
0x13: {  	[smem:$0x3FB2] =	sst s0;
	s0 =	simm.s32 @!p1 $0x0  }
0x14: {  	s2 =	sld [smem:$0x3F96];
	s0 =	simm.s32 @p1 $0x1  }
0x15: {  	[smem:$0x3FB3] =	sst s0;
	s0 =	simm.s32 @!p2 $0x0  }
0x16: {  	s3 =	sld [smem:$0x3FDB];
	s0 =	simm.s32 @p2 $0x1  }
0x17: {  	s4 =	simm.s32 $0x1BF5;
	[smem:$0x3FB5] =	sst s0  }
0x18: {  	s0 =	sld [smem:$0x3F98];
	_ =	swait.ge [sflag:s4], $0x0  }
0x19: {  	s7 =	sld [smem:$0x3F99]  }
0x1a: {  	s8 =	sadd.s32 $0xFFFFE003, lr  }
0x1b: {  	s9 =	sadd.s32 $0xFFFFFEF7, lr;
	s5 =	simm.s32 $0xFFFFFFFF;
	p2 =	slt.u32 s8, $0xFFFFF086  }
0x1c: {  	p1 =	slt.u32 s9, $0xF7A;
	s5 =	simm.s32 @!p2 $0x0  }
0x1d: {  	s5 =	simm.s32 @p1 $0x1;
	p0 =	seq.s32 s7, s2  }
0x1e: {  	s7 =	smul.u32 @!p0 $0xF7A, s2;
	p2 =	seq.s32 @!p0 s5, $0x0  }
0x1f: {  	s9 =	smul.u32 $0xF7A, s1;
	s8 =	simm.s32 @!p0 $0x1BF5;
	p2 =	por !p2, p0  }
0x20: {  	[sflag:s8] =	ssyncset.s32 @!p0 $0xFFFFF086;
	s6 =	sadd.s32 @!p0 s3, s7;
	s7 =	simm.s32 @!p0 $0x108  }
0x21: {  	s3 =	sadd.s32 s3, s9;
	s6 =	sadd.s32 @!p0 $0x88, s6;
	s7 =	simm.s32 @p2 $0x1082  }
0x22: {  	[simem:s7], [sflag:s8] =	dma.local @!p0 [hbm:s6], $0xF7A  }
0x23: {  	s9 =	sor.u32 $0xD0000000, s2;
	s6 =	simm.s32 $0x108;
	_ =	swait.ge @!p0 [sflag:s8], $0x0  }
0x24: {  	s3 =	sadd.s32 $0x88, s3;
	s6 =	simm.s32 @!p1 $0x1082;
	[sflag:s4] =	ssyncset.s32 $0xFFFFF086  }
0x25: {  	[simem:s6], [sflag:s4] =	dma.local [hbm:s3], $0xF7A  }
0x26: {  	[smem:$0x3F99] =	sst s1;
	(tag) =	ssettag s2;
	_ =	strace s9  }
0x27: {  	s1 =	sld [smem:$0x3FA9]  }
0x28: {  	s2 =	sld [smem:$0x3FAA]  }
0x29: {  	s4 =	sld [smem:$0x3FAC]  }
0x2a: {  	p0 =	seq.s32 s5, $0x0;
	s5 =	sld [smem:$0x3FAD]  }
0x2b: {  	s6 =	sld [smem:$0x3FAE]  }
0x2c: {  	s7 =	sld [smem:$0x3FAF]  }
0x2d: {  	s3 =	simm.s32 $0x108;
	s8 =	sld [smem:$0x3FB0]  }
0x2e: {  	s3 =	simm.s32 @!p0 $0x1082;
	s9 =	sld [smem:$0x3FB1]  }
0x2f: {  	lr =	sadd.s32 s0, s3;
	s0 =	sld [smem:$0x3FA8]  }
0x30: {  	s3 =	sld [smem:$0x3FAB]  }
0x31: {  	[smem:$0x3FB4] =	sst s10  }
0x32: {  	s10 =	sld [smem:$0x3FB2];
	_ =	sdelay $0x3  }
0x33: {  	p0 =	seq.s32 s10, $0x1;
	s10 =	sld [smem:$0x3FB4];
	_ =	sdelay $0x3  }
0x34: {  	[smem:$0x3FB4] =	sst s10  }
0x35: {  	s10 =	sld [smem:$0x3FB3];
	_ =	sdelay $0x3  }
0x36: {  	p1 =	seq.s32 s10, $0x1;
	s10 =	sld [smem:$0x3FB4];
	_ =	sdelay $0x3  }
0x37: {  	[smem:$0x3FB4] =	sst s10  }
0x38: {  	s10 =	sld [smem:$0x3FB5]  }
0x39: {  	_ = 	snop;
	(pc) =	sbr.ind lr, $3  }
0x3a: {  	_ = 	snop  }
0x3b: {  	_ = 	snop  }
0x3c: {  	p2 =	seq.s32 s10, $0x1;
	s10 =	sld [smem:$0x3FB4]  }
0x3d: {  	_ =	shalt  }
0x3e: {  	_ =	shalt  }
0x3f: {  	_ =	shalt  }
0x40: {  	_ =	shalt  }
0x41: {  	_ =	shalt  }
0x42: {  	_ =	shalt  }
0x43: {  	_ =	shalt  }
0x44: {  	_ =	shalt  }
0x45: {  	_ =	shalt  }
0x46: {  	_ =	shalt  }
0x47: {  	_ =	shalt  }
0x48: {  	_ =	shalt  }
0x49: {  	_ =	shalt  }
0x4a: {  	_ =	shalt  }
0x4b: {  	_ =	shalt  }
0x4c: {  	_ =	shalt  }
0x4d: {  	_ =	shalt  }
0x4e: {  	_ =	shalt  }
0x4f: {  	_ =	shalt  }
0x50: {  	_ =	shalt  }
0x51: {  	_ =	shalt  }
0x52: {  	_ =	shalt  }
0x53: {  	_ =	shalt  }
0x54: {  	_ =	shalt  }
0x55: {  	_ =	shalt  }
0x56: {  	_ =	shalt  }
0x57: {  	_ =	shalt  }
0x58: {  	_ =	shalt  }
0x59: {  	_ =	shalt  }
0x5a: {  	_ =	shalt  }
0x5b: {  	_ =	shalt  }
0x5c: {  	_ =	shalt  }
0x5d: {  	_ =	shalt  }
0x5e: {  	_ =	shalt  }
0x5f: {  	_ =	shalt  }
0x60: {  	_ =	shalt  }
0x61: {  	_ =	shalt  }
0x62: {  	_ =	shalt  }
0x63: {  	_ =	shalt  }
0x64: {  	_ =	shalt  }
0x65: {  	_ =	shalt  }
0x66: {  	_ =	shalt  }
0x67: {  	_ =	shalt  }
0x68: {  	_ =	shalt  }
0x69: {  	_ =	shalt  }
0x6a: {  	_ =	shalt  }
0x6b: {  	_ =	shalt  }
0x6c: {  	_ =	shalt  }
0x6d: {  	_ =	shalt  }
0x6e: {  	_ =	shalt  }
0x6f: {  	_ =	shalt  }
0x70: {  	_ =	shalt  }
0x71: {  	_ =	shalt  }
0x72: {  	_ =	shalt  }
0x73: {  	_ =	shalt  }
0x74: {  	_ =	shalt  }
0x75: {  	_ =	shalt  }
0x76: {  	_ =	shalt  }
0x77: {  	_ =	shalt  }
0x78: {  	_ =	shalt  }
0x79: {  	_ =	shalt  }
0x7a: {  	_ =	shalt  }
0x7b: {  	_ =	shalt  }
0x7c: {  	_ =	shalt  }
0x7d: {  	_ =	shalt  }
0x7e: {  	_ =	shalt  }
0x7f: {  	_ =	shalt  }
0x80: {  	_ =	shalt  }
0x81: {  	_ =	shalt  }
0x82: {  	_ =	shalt  }
0x83: {  	_ =	shalt  }
0x84: {  	_ =	shalt  }
0x85: {  	_ =	shalt  }
0x86: {  	_ =	shalt  }
0x87: {  	_ =	shalt  }
.Lfunc_end0:
.L_simem_size_0:
called_computation.1_lowered:
.L_overlay_start_0:
0x88: {  	s2 =	sld [smem:$0x3FD9]  }
0x89: {  	s3 =	sld [smem:$0x3FFE];
	_ =	sdelay $0x1  }
0x8a: {  	s1 =	srdreg.scid  }
0x8b: {  	s0 =	sand.u32 $0x1, s1  }
0x8c: {  	s14 =	sshll.u32 s0, $0xA;
	s2 =	sadd.s32 s3, s2  }
0x8d: {  	s2 =	sadd.s32 s2, s14  }
0x8e: {  	[smem:$0x3FC0] =	sst s2  }
0x8f: {  	_ = 	snop  }
0x90: {  	s2 =	sld [smem:$0x3FD0];
	_ =	sdelay $0x2  }
0x91: {  	s15 =	simm.s32 $0xA;
	s4 =	simm.s32 $0x10  }
0x92: {  	[smem:s4], [sflag:s15] =	dma.local [hbm:s2], $0x1  }
0x93: {  	_ =	swait.eq [sflag:s15], $0x1  }
0x94: {  	[sflag:s15] =	ssyncset.done $0x0  }
0x95: {  	s16 =	sld [smem:$0x11];
	[sflag:s15] =	ssyncadd.s32 $0xFFFFFFFF  }
0x96: {  	s17 =	sld [smem:$0x12];
	(tm) =	ssettm $0x1  }
0x97: {  	s18 =	sld [smem:$0x3FFB];
	_ =	sdelay $0x3  }
0x98: {  	_ =	strace s18  }
0x99: {  	s4 =	sld [smem:$0x3FFC];
	_ =	sdelay $0x3  }
0x9a: {  	_ =	strace s4  }
0x9b: {  	s4 =	sld [smem:$0x3FFD];
	_ =	sdelay $0x3  }
0x9c: {  	_ =	strace s4  }
0x9d: {  	_ =	strace $0x8FFFFFFF  }
0x9e: {  	s19 =	sld [smem:$0x3FDB];
	_ =	sdelay $0x1  }
0x9f: {  	s5 =	simm.s32 $_scs_section_size  }
0xa0: {  	s6 =	simm.s32 $_size__tile_overlayer_lowered;
	s7 =	simm.s32 $_tile_overlayer_lowered  }
0xa1: {  	s22 =	simm.s32 $0x1BFF;
	s21 =	sshll.u32 s7, $0x1;
	s4 =	sadd.s32 s5, s19  }
0xa2: {  	s8 =	simm.s32 $0x0;
	s20 =	sshll.u32 s6, $0x1;
	s6 =	sadd.s32 s21, s4  }
0xa3: {  	[timem:s8], [sflag:s22] =	dma.local [hbm:s6], s20  }
0xa4: {  	_ =	swait.ge [sflag:s22], s20  }
0xa5: {  	s5 =	ssub.s32 $0x0, s20;
	[sflag:s22] =	ssyncset.done $0x0  }
0xa6: {  	[sflag:s22] =	ssyncadd.s32 s5;
	_ =	sdelay $0x1  }
0xa7: {  	s23 =	simm.s32 $0x1B8B  }
0xa8: {  	_ =	swait.ge [sflag:s23], $0x1  }
0xa9: {  	[sflag:s23] =	ssyncset.done $0x0  }
0xaa: {  	s25 =	simm.s32 $0x1B8E;
	s24 =	sld [smem:$0x3FFE];
	[sflag:s23] =	ssyncadd.s32 $0xFFFFFFFF  }
0xab: {  	s26 =	simm.s32 $execute0_lowered;
	[smem:$0x3FD2] =	sst s25  }
0xac: {  	s6 =	sshll.u32 s26, $0x1;
	_ =	strace $0x80000049;
	[dreg:$0x1] =	wrdreg $0xFFFFFFFF  }
0xad: {  	s28 =	simm.s32 $_size_execute0_lowered;
	s4 =	sadd.s32 s4, s6;
	[dreg:$0x0] =	wrdreg $0x0  }
0xae: {  	s6 =	sshll.u32 s28, $0x1;
	[dreg:$0x2] =	wrdreg s4  }
0xaf: {  	[dreg:$0x3] =	wrdreg s6  }
0xb0: {  	[dreg:$0x4] =	wrdreg $0xC0  }
0xb1: {  	_ =	task [dreg:s8], $0x5FFFF  }
0xb2: {  	[dreg:$0x1] =	wrdreg $0xFFFFFFFF  }
0xb3: {  	[dreg:$0x0] =	wrdreg $0x60  }
0xb4: {  	[dreg:$0x2] =	wrdreg s17  }
0xb5: {  	[dreg:$0x3] =	wrdreg s16  }
0xb6: {  	[dreg:$0x4] =	wrdreg s24  }
0xb7: {  	[dreg:$0x5] =	wrdreg $0x66800  }
0xb8: {  	[dreg:$0x6] =	wrdreg $0x9  }
0xb9: {  	_ =	task.clear_ibuf [dreg:s8], $0x7FFFF;
	_ =	strace $0x90000049  }
0xba: {  	s29 =	simm.s32 $0x9;
	_ =	strace $0x8000004B  }
0xbb: {  	_ =	swait.ge [sflag:s29], $0x1  }
0xbc: {  	[sflag:s29] =	ssyncadd.s32 $0xFFFFFFFF  }
0xbd: {  	_ =	strace $0x9000004B  }
0xbe: {  	_ =	sfence  }
0xbf: {  	s30 =	sld [smem:$0x0];
	_ =	sdelay $0x2  }
0xc0: {  	s31 =	sshll.u32 s1, $0xD;
	s1 =	sshrl.u32 s1, $0x2  }
0xc1: {  	s3 =	sand.u32 $0x4000, s31;
	s1 =	sadd.s32 s1, s30  }
0xc2: {  	s0 =	sor.u32 s3, s0;
	s1 =	sshll.u32 s1, $0x11  }
0xc3: {  	s0 =	sor.u32 s1, s0  }
0xc4: {  	s0 =	sadd.s32 $0x8F2B, s0  }
0xc5: {  	[sflag:s0] =	ssyncadd.remote.s32 $0x1  }
0xc6: {  	_ =	sfence.sel $0xFFFF  }
0xc7: {  	[dreg:$0x0] =	wrdreg $0xFFFFFFFF;
	(pc) =	sbr.abs _section_cstart, $3  }
0xc8: {  	[dreg:$0x1] =	wrdreg $0xFFFFFFFF  }
0xc9: {  	_ =	task.clear_ibuf [dreg:s8], $0x2FFFF;
	_ =	strace $0x9FFFFFFF  }
0xca: {  	(tm) =	ssettm $0x7FFFFFFF  }
0xcb: {  	_ =	shalt  }
tec
execute0_lowered:
.L_overlay_start_1:
0x0: {  	(tag) =	ssettag $0x1  }
0x1: {  	s1 =	rddreg [dreg:$0x0]  }
0x2: {  	s2 =	rddreg [dreg:$0x1]  }
0x3: {  	s0 =	rddreg [dreg:$0x2]  }
0x4: {  	s4 =	rddreg [dreg:$0x3]  }
0x5: {  	s5 =	simm.s32 $0x0;
	s3 =	stileid.u32;
	s7 =	srdreg.scid  }
0x6: {  	s28 =	simm.s32 $0x80;
	s29 =	simm.s32 $0x4740;
	s30 =	simm.s32 $0x1  }
0x7: {  	s31 =	simm.s32 $0x2;
	[smem:$0x7FF] =	sst s5;
	s6 =	smul.u32 $0x1F400, s3  }
0x8: {  	s8 =	sadd.s32 $0x8400, s0;
	s9 =	smul.u32 $0x3E800, s3;
	s10 =	sadd.s32 $0x3000, s0  }
0x9: {  	s11 =	sadd.s32 $0x8000, s0;
	p2 =	slt.u32 s3, $0xA;
	s15 =	smul.u32 $0x2800, s3  }
0xa: {  	s16 =	smul.u32 $0x500, s3;
	p3 =	sgt.u32 s3, $0x9;
	_ =	strace $0x8000004A  }
0xb: {  	[dreg:$0x5] =	wrdreg s11;
	s11 =	sand.u32 $0x1, s7;
	s21 =	sshrl.u32 s6, $0x4  }
0xc: {  	s12 =	ssub.s32 $0x2, s11;
	s9 =	sshrl.u32 s9, $0x2;
	s17 =	sshrl.u32 s15, $0x3  }
0xd: {  	p0 =	seq.s32 s11, $0x0;
	s15 =	sadd.s32 s8, s16;
	s16 =	sadd.s32 s10, s16  }
0xe: {  	s6 =	sshrl.u32 s6, $0x1;
	p4 =	sne.s32 s11, $0x0;
	s0 =	sadd.s32 s21, s0  }
0xf: {  	s13 =	sshrl.u32 s12, $0x1;
	s7 =	sadd.s32 s9, s4;
	s18 =	sadd.s32 $0x280, s17  }
0x10: {  	p1 =	por !p0, !p2;
	p0 =	seq.s32 s11, $0x1;
	s20 =	sadd.s32 s6, s4  }
0x11: {  	s6 =	simm.s32 $0x3;
	s9 =	ssub.s32 s12, s13;
	s22 =	sadd.s32 $0x1F40, s7  }
0x12: {  	s23 =	sadd.s32 $0x3E80, s7;
	s24 =	sadd.s32 $0x5DC0, s7;
	s25 =	sadd.s32 $0x7D00, s7  }
0x13: {  	s26 =	sadd.s32 $0x9C40, s7;
	s13 =	sadd.s32 $0xBB80, s7;
	s14 =	sadd.s32 $0xDAC0, s7  }
0x14: {  	s17 =	sadd.s32 s8, s18;
	s18 =	sadd.s32 s10, s18;
	[dreg:$0x6] =	wrdreg s22  }
0x15: {  	p1 =	por !p1, !p1;
	s19 =	sadd.s32 $0x34600, s0;
	[dreg:$0x7] =	wrdreg s23  }
.Ltmp0:
0x16: {  	p2 =	por !p2, !p0;
	[dreg:$0x8] =	wrdreg s24;
	(pc) =	sbr.rel .LBB2_1-.Ltmp0, $4  }
0x17: {  	s21 =	sadd.s32 $0x48000, s0;
	s0 =	simm.s32 $0x1480;
	[dreg:$0x9] =	wrdreg s25  }
0x18: {  	s8 =	simm.s32 $0x4;
	[dreg:$0xa] =	wrdreg s26;
	p2 =	por !p2, !p2  }
0x19: {  	s22 =	smax.u32 s9, $0x1;
	s23 =	simm.s32 $0x5;
	s24 =	simm.s32 $0x1400  }
0x1a: {  	s25 =	simm.s32 $0x7D;
	s26 =	simm.s32 $0x2800;
	s9 =	simm.s32 $0x0  }
.LBB2_12:
0x1b: {  	[spmem:s4] =	stream.indirect.scatter.add.bf16 [tilespmem:s29], [sflag:$0x4], $0x40, s11, s25, $0xb8;
	[tilespmem:$0x102C0] =	vst v63  }
0x1c: {  	_ =	swait.ge [sflag:s6], $0x1F40  }
0x1d: {  	[sflag:s6] =	ssyncset.done $0x0  }
0x1e: {  	[sflag:s6] =	ssyncadd.s32 $0xFFFFE0C0  }
0x1f: {  	_ =	swait.ge [sflag:s8], $0x1F40  }
0x20: {  	[sflag:s8] =	ssyncset.done $0x0  }
0x21: {  	[sflag:s8] =	ssyncadd.s32 $0xFFFFE0C0  }
.LBB2_13:
0x22: {  	s10 =	sshll.u32 @p1 s3, $0x6  }
0x23: {  	[bflag:$0x0] =	sbarrier.arrive $0xFFFF;
	s11 =	sshrl.u32 @p1 s20, $0x3;
	s10 =	sor.u32 @p1 $0x1C05, s10  }
0x24: {  	[hbm:s19], [sflag:s10] =	dma.local @p1 [spmem:s11], $0x1F40  }
0x25: {  	s10 =	simm.s32 @p1 $0x5  }
0x26: {  	s9 =	sadd.s32 $0x1, s9;
	_ =	swait.ge @p1 [sflag:s10], $0x1F40  }
0x27: {  	p5 =	sne.s32 s9, s22;
	s11 =	sshll.u32 @p2 s3, $0x6;
	[sflag:s10] =	ssyncset.done @p1 $0x0  }
0x28: {  	[sflag:s10] =	ssyncadd.s32 @p1 $0xFFFFE0C0;
	s10 =	sor.u32 @p2 $0x1C05, s11;
	s11 =	sshrl.u32 @p2 s20, $0x3  }
0x29: {  	[hbm:s21], [sflag:s10] =	dma.local @p2 [spmem:s11], $0x1F40  }
.Ltmp1:
0x2a: {  	_ = 	snop;
	(pc) =	sbr.rel @!p5 .LBB2_14-.Ltmp1, $4  }
0x2b: {  	s10 =	simm.s32 @p2 $0x5  }
0x2c: {  	_ =	swait.ge @p2 [sflag:s10], $0x1F40  }
0x2d: {  	[sflag:s10] =	ssyncset.done @p2 $0x0  }
0x2e: {  	[sflag:s10] =	ssyncadd.s32 @p2 $0xFFFFE0C0  }
.LBB2_1:
0x2f: {  	s10 =	simm.s32 @!p3 $0x0;
	s11 =	simm.s32 @!p3 $0x2800;
	s12 =	rddreg [dreg:$0x5]  }
0x30: {  	[tilespmem:s11], [sflag:$0x5] =	stream.linear.gather @!p3 [hbm4b:s12+s10], $0x1F40, $0x38;
	[tilespmem:$0x102C0] =	vst v63  }
0x31: {  	s10 =	simm.s32 @!p3 $0x5  }
0x32: {  	_ =	swait.ge @!p3 [sflag:s10], $0x1F40  }
0x33: {  	[sflag:s10] =	ssyncset.done @!p3 $0x0  }
0x34: {  	[sflag:s10] =	ssyncadd.s32 @!p3 $0xFFFFE0C0  }
0x35: {  	[spmem:s7] =	stream.linear.scatter @!p3 [tilespmem:s11], [sflag:$0x5], $0x1F40, $0x38;
	[tilespmem:$0x102C0] =	vst v63  }
0x36: {  	_ =	swait.ge @!p3 [sflag:s10], $0x1F40  }
0x37: {  	[sflag:s10] =	ssyncset.done @!p3 $0x0  }
0x38: {  	s12 =	rddreg [dreg:$0x6];
	[sflag:s10] =	ssyncadd.s32 @!p3 $0xFFFFE0C0  }
0x39: {  	[spmem:s12] =	stream.linear.scatter @!p3 [tilespmem:s11], [sflag:$0x5], $0x1F40, $0x38;
	[tilespmem:$0x102C0] =	vst v63  }
0x3a: {  	_ =	swait.ge @!p3 [sflag:s10], $0x1F40  }
0x3b: {  	[sflag:s10] =	ssyncset.done @!p3 $0x0  }
0x3c: {  	s12 =	rddreg [dreg:$0x7];
	[sflag:s10] =	ssyncadd.s32 @!p3 $0xFFFFE0C0  }
0x3d: {  	[spmem:s12] =	stream.linear.scatter @!p3 [tilespmem:s11], [sflag:$0x5], $0x1F40, $0x38;
	[tilespmem:$0x102C0] =	vst v63  }
0x3e: {  	_ =	swait.ge @!p3 [sflag:s10], $0x1F40  }
0x3f: {  	[sflag:s10] =	ssyncset.done @!p3 $0x0  }
0x40: {  	s12 =	rddreg [dreg:$0x8];
	[sflag:s10] =	ssyncadd.s32 @!p3 $0xFFFFE0C0  }
0x41: {  	[spmem:s12] =	stream.linear.scatter @!p3 [tilespmem:s11], [sflag:$0x5], $0x1F40, $0x38;
	[tilespmem:$0x102C0] =	vst v63  }
0x42: {  	_ =	swait.ge @!p3 [sflag:s10], $0x1F40  }
0x43: {  	[sflag:s10] =	ssyncset.done @!p3 $0x0  }
0x44: {  	s12 =	rddreg [dreg:$0x9];
	[sflag:s10] =	ssyncadd.s32 @!p3 $0xFFFFE0C0  }
0x45: {  	[spmem:s12] =	stream.linear.scatter @!p3 [tilespmem:s11], [sflag:$0x5], $0x1F40, $0x38;
	[tilespmem:$0x102C0] =	vst v63  }
0x46: {  	_ =	swait.ge @!p3 [sflag:s10], $0x1F40  }
0x47: {  	[sflag:s10] =	ssyncset.done @!p3 $0x0  }
0x48: {  	s12 =	rddreg [dreg:$0xa];
	[sflag:s10] =	ssyncadd.s32 @!p3 $0xFFFFE0C0  }
0x49: {  	[spmem:s12] =	stream.linear.scatter @!p3 [tilespmem:s11], [sflag:$0x5], $0x1F40, $0x38;
	[tilespmem:$0x102C0] =	vst v63  }
0x4a: {  	_ =	swait.ge @!p3 [sflag:s10], $0x1F40  }
0x4b: {  	[sflag:s10] =	ssyncset.done @!p3 $0x0  }
0x4c: {  	[sflag:s10] =	ssyncadd.s32 @!p3 $0xFFFFE0C0  }
0x4d: {  	[spmem:s13] =	stream.linear.scatter @!p3 [tilespmem:s11], [sflag:$0x5], $0x1F40, $0x38;
	[tilespmem:$0x102C0] =	vst v63  }
0x4e: {  	_ =	swait.ge @!p3 [sflag:s10], $0x1F40  }
0x4f: {  	[sflag:s10] =	ssyncset.done @!p3 $0x0  }
0x50: {  	[sflag:s10] =	ssyncadd.s32 @!p3 $0xFFFFE0C0  }
0x51: {  	[spmem:s14] =	stream.linear.scatter @!p3 [tilespmem:s11], [sflag:$0x5], $0x1F40, $0x38;
	[tilespmem:$0x102C0] =	vst v63  }
.Ltmp2:
0x52: {  	_ =	swait.ge @!p3 [sflag:s10], $0x1F40;
	(pc) =	sbr.rel @p4 .LBB2_7-.Ltmp2, $3  }
0x53: {  	[sflag:s10] =	ssyncset.done @!p3 $0x0  }
0x54: {  	[sflag:s10] =	ssyncadd.s32 @!p3 $0xFFFFE0C0  }
0x55: {  	[bflag:$0x0] =	sbarrier.arrive $0xFFFF;
	_ =	sdelay $0x1  }
0x56: {  	[tilespmem:s5], [sflag:$0x5] =	stream.linear.gather [hbm4b:s15+s5], $0x1400, $0x38;
	[tilespmem:$0x102C0] =	vst v63  }
0x57: {  	_ =	swait.ge [sflag:s23], $0x1400  }
0x58: {  	[sflag:s23] =	ssyncset.done $0x0  }
0x59: {  	[sflag:s23] =	ssyncadd.s32 $0xFFFFEC00  }
0x5a: {  	[tilespmem:s24], [sflag:$0x5] =	stream.linear.gather [hbm4b:s16+s5], $0x1400, $0x38;
	[tilespmem:$0x102C0] =	vst v63  }
0x5b: {  	_ =	swait.ge [sflag:s23], $0x1400  }
0x5c: {  	[sflag:s23] =	ssyncset.done $0x0  }
0x5d: {  	[sflag:s23] =	ssyncadd.s32 $0xFFFFEC00  }
0x5e: {  	[tilespmem:s26], [sflag:$0x1] =	stream.indirect.gather [hbm4b:s1+s25], $0x40, s5, s25, $0xb8;
	[tilespmem:$0x102C0] =	vst v63  }
0x5f: {  	_ = 	snop  }
0x60: {  	[tilespmem:s29], [sflag:$0x2] =	stream.indirect.gather [hbm4b:s1+s25], $0x40, s28, s25, $0xb8;
	[tilespmem:$0x102C0] =	vst v63  }
0x61: {  	_ =	swait.ge [sflag:s30], $0x1F40  }
0x62: {  	[sflag:s30] =	ssyncset.done $0x0  }
0x63: {  	[sflag:s30] =	ssyncadd.s32 $0xFFFFE0C0  }
0x64: {  	[spmem:s4] =	stream.indirect.scatter.add.bf16 [tilespmem:s26], [sflag:$0x3], $0x40, s24, s25, $0xb8;
	[tilespmem:$0x102C0] =	vst v63  }
0x65: {  	_ =	swait.ge [sflag:s31], $0x1F40  }
0x66: {  	[sflag:s31] =	ssyncset.done $0x0  }
0x67: {  	[sflag:s31] =	ssyncadd.s32 $0xFFFFE0C0  }
0x68: {  	[spmem:s4] =	stream.indirect.scatter.add.bf16 [tilespmem:s29], [sflag:$0x4], $0x40, s0, s25, $0xb8;
	[tilespmem:$0x102C0] =	vst v63  }
0x69: {  	_ =	swait.ge [sflag:s6], $0x1F40  }
0x6a: {  	[sflag:s6] =	ssyncset.done $0x0  }
0x6b: {  	s10 =	simm.s32 $0x100;
	[sflag:s6] =	ssyncadd.s32 $0xFFFFE0C0  }
0x6c: {  	[tilespmem:s26], [sflag:$0x1] =	stream.indirect.gather [hbm4b:s1+s25], $0x40, s10, s25, $0xb8;
	[tilespmem:$0x102C0] =	vst v63  }
0x6d: {  	_ =	swait.ge [sflag:s8], $0x1F40  }
0x6e: {  	[sflag:s8] =	ssyncset.done $0x0  }
0x6f: {  	s11 =	simm.s32 $0x180;
	[sflag:s8] =	ssyncadd.s32 $0xFFFFE0C0  }
0x70: {  	[tilespmem:s29], [sflag:$0x2] =	stream.indirect.gather [hbm4b:s1+s25], $0x40, s11, s25, $0xb8;
	[tilespmem:$0x102C0] =	vst v63  }
0x71: {  	_ =	swait.ge [sflag:s30], $0x1F40  }
0x72: {  	[sflag:s30] =	ssyncset.done $0x0  }
0x73: {  	s12 =	simm.s32 $0x1500;
	[sflag:s30] =	ssyncadd.s32 $0xFFFFE0C0  }
0x74: {  	[spmem:s4] =	stream.indirect.scatter.add.bf16 [tilespmem:s26], [sflag:$0x3], $0x40, s12, s25, $0xb8;
	[tilespmem:$0x102C0] =	vst v63  }
0x75: {  	_ =	swait.ge [sflag:s31], $0x1F40  }
0x76: {  	[sflag:s31] =	ssyncset.done $0x0  }
0x77: {  	s10 =	simm.s32 $0xFFFFB800;
	s11 =	simm.s32 $0x1580;
	[sflag:s31] =	ssyncadd.s32 $0xFFFFE0C0  }
.LBB2_3:
0x78: {  	[spmem:s4] =	stream.indirect.scatter.add.bf16 [tilespmem:s29], [sflag:$0x4], $0x40, s11, s25, $0xb8;
	[tilespmem:$0x102C0] =	vst v63  }
0x79: {  	s11 =	smov.u32 s10  }
0x7a: {  	p5 =	sne.s32 s10, $0xFFFFFC00;
	s10 =	sadd.s32 $0x400, s10;
	_ =	swait.ge [sflag:s6], $0x1F40  }
0x7b: {  	s11 =	sshra.s32 s11, $0x2;
	[sflag:s6] =	ssyncset.done $0x0  }
0x7c: {  	s12 =	sadd.s32 $0x1400, s11;
	[sflag:s6] =	ssyncadd.s32 $0xFFFFE0C0  }
0x7d: {  	[tilespmem:s26], [sflag:$0x1] =	stream.indirect.gather [hbm4b:s1+s25], $0x40, s12, s25, $0xb8;
	[tilespmem:$0x102C0] =	vst v63  }
0x7e: {  	_ =	swait.ge [sflag:s8], $0x1F40  }
0x7f: {  	[sflag:s8] =	ssyncset.done $0x0  }
0x80: {  	s12 =	sadd.s32 $0x1480, s11;
	[sflag:s8] =	ssyncadd.s32 $0xFFFFE0C0  }
0x81: {  	[tilespmem:s29], [sflag:$0x2] =	stream.indirect.gather [hbm4b:s1+s25], $0x40, s12, s25, $0xb8;
	[tilespmem:$0x102C0] =	vst v63  }
0x82: {  	_ =	swait.ge [sflag:s30], $0x1F40  }
0x83: {  	[sflag:s30] =	ssyncset.done $0x0  }
.Ltmp3:
0x84: {  	s12 =	sadd.s32 $0x2800, s11;
	[sflag:s30] =	ssyncadd.s32 $0xFFFFE0C0;
	(pc) =	sbr.rel @p5 .LBB2_3-.Ltmp3, $4  }
0x85: {  	[spmem:s4] =	stream.indirect.scatter.add.bf16 [tilespmem:s26], [sflag:$0x3], $0x40, s12, s25, $0xb8;
	[tilespmem:$0x102C0] =	vst v63  }
0x86: {  	_ =	swait.ge [sflag:s31], $0x1F40  }
0x87: {  	[sflag:s31] =	ssyncset.done $0x0  }
0x88: {  	s11 =	sadd.s32 $0x2880, s11;
	[sflag:s31] =	ssyncadd.s32 $0xFFFFE0C0  }
0x89: {  	[spmem:s4] =	stream.indirect.scatter.add.bf16 [tilespmem:s29], [sflag:$0x4], $0x40, s11, s25, $0xb8;
	[tilespmem:$0x102C0] =	vst v63  }
0x8a: {  	_ =	swait.ge [sflag:s6], $0x1F40  }
0x8b: {  	[sflag:s6] =	ssyncset.done $0x0  }
0x8c: {  	[sflag:s6] =	ssyncadd.s32 $0xFFFFE0C0  }
0x8d: {  	_ =	swait.ge [sflag:s8], $0x1F40  }
0x8e: {  	[sflag:s8] =	ssyncset.done $0x0  }
0x8f: {  	[sflag:s8] =	ssyncadd.s32 $0xFFFFE0C0  }
0x90: {  	[tilespmem:s5], [sflag:$0x5] =	stream.linear.gather [hbm4b:s17+s5], $0x1400, $0x38;
	[tilespmem:$0x102C0] =	vst v63  }
0x91: {  	_ =	swait.ge [sflag:s23], $0x1400  }
0x92: {  	[sflag:s23] =	ssyncset.done $0x0  }
0x93: {  	[sflag:s23] =	ssyncadd.s32 $0xFFFFEC00  }
0x94: {  	[tilespmem:s24], [sflag:$0x5] =	stream.linear.gather [hbm4b:s18+s5], $0x1400, $0x38;
	[tilespmem:$0x102C0] =	vst v63  }
0x95: {  	_ =	swait.ge [sflag:s23], $0x1400  }
0x96: {  	[sflag:s23] =	ssyncset.done $0x0  }
0x97: {  	[sflag:s23] =	ssyncadd.s32 $0xFFFFEC00  }
0x98: {  	[tilespmem:s26], [sflag:$0x1] =	stream.indirect.gather [hbm4b:s1+s25], $0x40, s5, s25, $0xb8;
	[tilespmem:$0x102C0] =	vst v63  }
0x99: {  	_ = 	snop  }
0x9a: {  	[tilespmem:s29], [sflag:$0x2] =	stream.indirect.gather [hbm4b:s1+s25], $0x40, s28, s25, $0xb8;
	[tilespmem:$0x102C0] =	vst v63  }
0x9b: {  	_ =	swait.ge [sflag:s30], $0x1F40  }
0x9c: {  	[sflag:s30] =	ssyncset.done $0x0  }
0x9d: {  	[sflag:s30] =	ssyncadd.s32 $0xFFFFE0C0  }
0x9e: {  	[spmem:s4] =	stream.indirect.scatter.add.bf16 [tilespmem:s26], [sflag:$0x3], $0x40, s24, s25, $0xb8;
	[tilespmem:$0x102C0] =	vst v63  }
0x9f: {  	_ =	swait.ge [sflag:s31], $0x1F40  }
0xa0: {  	[sflag:s31] =	ssyncset.done $0x0  }
0xa1: {  	[sflag:s31] =	ssyncadd.s32 $0xFFFFE0C0  }
0xa2: {  	[spmem:s4] =	stream.indirect.scatter.add.bf16 [tilespmem:s29], [sflag:$0x4], $0x40, s0, s25, $0xb8;
	[tilespmem:$0x102C0] =	vst v63  }
0xa3: {  	_ =	swait.ge [sflag:s6], $0x1F40  }
0xa4: {  	[sflag:s6] =	ssyncset.done $0x0  }
0xa5: {  	s10 =	simm.s32 $0x100;
	[sflag:s6] =	ssyncadd.s32 $0xFFFFE0C0  }
0xa6: {  	[tilespmem:s26], [sflag:$0x1] =	stream.indirect.gather [hbm4b:s1+s25], $0x40, s10, s25, $0xb8;
	[tilespmem:$0x102C0] =	vst v63  }
0xa7: {  	_ =	swait.ge [sflag:s8], $0x1F40  }
0xa8: {  	[sflag:s8] =	ssyncset.done $0x0  }
0xa9: {  	s11 =	simm.s32 $0x180;
	[sflag:s8] =	ssyncadd.s32 $0xFFFFE0C0  }
0xaa: {  	[tilespmem:s29], [sflag:$0x2] =	stream.indirect.gather [hbm4b:s1+s25], $0x40, s11, s25, $0xb8;
	[tilespmem:$0x102C0] =	vst v63  }
0xab: {  	_ =	swait.ge [sflag:s30], $0x1F40  }
0xac: {  	[sflag:s30] =	ssyncset.done $0x0  }
0xad: {  	s12 =	simm.s32 $0x1500;
	[sflag:s30] =	ssyncadd.s32 $0xFFFFE0C0  }
0xae: {  	[spmem:s4] =	stream.indirect.scatter.add.bf16 [tilespmem:s26], [sflag:$0x3], $0x40, s12, s25, $0xb8;
	[tilespmem:$0x102C0] =	vst v63  }
0xaf: {  	_ =	swait.ge [sflag:s31], $0x1F40  }
0xb0: {  	[sflag:s31] =	ssyncset.done $0x0  }
0xb1: {  	s10 =	simm.s32 $0xFFFFB800;
	s11 =	simm.s32 $0x1580;
	[sflag:s31] =	ssyncadd.s32 $0xFFFFE0C0  }
.LBB2_5:
0xb2: {  	[spmem:s4] =	stream.indirect.scatter.add.bf16 [tilespmem:s29], [sflag:$0x4], $0x40, s11, s25, $0xb8;
	[tilespmem:$0x102C0] =	vst v63  }
0xb3: {  	s11 =	smov.u32 s10  }
0xb4: {  	p5 =	sne.s32 s10, $0xFFFFFC00;
	s10 =	sadd.s32 $0x400, s10;
	_ =	swait.ge [sflag:s6], $0x1F40  }
0xb5: {  	s11 =	sshra.s32 s11, $0x2;
	[sflag:s6] =	ssyncset.done $0x0  }
0xb6: {  	s12 =	sadd.s32 $0x1400, s11;
	[sflag:s6] =	ssyncadd.s32 $0xFFFFE0C0  }
0xb7: {  	[tilespmem:s26], [sflag:$0x1] =	stream.indirect.gather [hbm4b:s1+s25], $0x40, s12, s25, $0xb8;
	[tilespmem:$0x102C0] =	vst v63  }
0xb8: {  	_ =	swait.ge [sflag:s8], $0x1F40  }
0xb9: {  	[sflag:s8] =	ssyncset.done $0x0  }
0xba: {  	s12 =	sadd.s32 $0x1480, s11;
	[sflag:s8] =	ssyncadd.s32 $0xFFFFE0C0  }
0xbb: {  	[tilespmem:s29], [sflag:$0x2] =	stream.indirect.gather [hbm4b:s1+s25], $0x40, s12, s25, $0xb8;
	[tilespmem:$0x102C0] =	vst v63  }
0xbc: {  	_ =	swait.ge [sflag:s30], $0x1F40  }
0xbd: {  	[sflag:s30] =	ssyncset.done $0x0  }
.Ltmp4:
0xbe: {  	s12 =	sadd.s32 $0x2800, s11;
	[sflag:s30] =	ssyncadd.s32 $0xFFFFE0C0;
	(pc) =	sbr.rel @p5 .LBB2_5-.Ltmp4, $4  }
0xbf: {  	[spmem:s4] =	stream.indirect.scatter.add.bf16 [tilespmem:s26], [sflag:$0x3], $0x40, s12, s25, $0xb8;
	[tilespmem:$0x102C0] =	vst v63  }
0xc0: {  	_ =	swait.ge [sflag:s31], $0x1F40  }
0xc1: {  	[sflag:s31] =	ssyncset.done $0x0  }
0xc2: {  	s11 =	sadd.s32 $0x2880, s11;
	[sflag:s31] =	ssyncadd.s32 $0xFFFFE0C0  }
0xc3: {  	[spmem:s4] =	stream.indirect.scatter.add.bf16 [tilespmem:s29], [sflag:$0x4], $0x40, s11, s25, $0xb8;
	[tilespmem:$0x102C0] =	vst v63  }
0xc4: {  	_ =	swait.ge [sflag:s6], $0x1F40  }
0xc5: {  	[sflag:s6] =	ssyncset.done $0x0  }
0xc6: {  	[sflag:s6] =	ssyncadd.s32 $0xFFFFE0C0  }
0xc7: {  	_ =	swait.ge [sflag:s8], $0x1F40  }
0xc8: {  	[sflag:s8] =	ssyncset.done $0x0  }
0xc9: {  	[sflag:s8] =	ssyncadd.s32 $0xFFFFE0C0  }
.LBB2_7:
.Ltmp5:
0xca: {  	(pc) =	sbr.rel @!p0 .LBB2_13-.Ltmp5, $1  }
0xcb: {  	_ =	sdelay $0x3  }
0xcc: {  	[tilespmem:s5], [sflag:$0x5] =	stream.linear.gather [hbm4b:s15+s5], $0x1400, $0x38;
	[tilespmem:$0x102C0] =	vst v63  }
0xcd: {  	_ =	swait.ge [sflag:s23], $0x1400  }
0xce: {  	[sflag:s23] =	ssyncset.done $0x0  }
0xcf: {  	[sflag:s23] =	ssyncadd.s32 $0xFFFFEC00  }
0xd0: {  	[tilespmem:s24], [sflag:$0x5] =	stream.linear.gather [hbm4b:s16+s5], $0x1400, $0x38;
	[tilespmem:$0x102C0] =	vst v63  }
0xd1: {  	_ =	swait.ge [sflag:s23], $0x1400  }
0xd2: {  	[sflag:s23] =	ssyncset.done $0x0  }
0xd3: {  	[sflag:s23] =	ssyncadd.s32 $0xFFFFEC00  }
0xd4: {  	[tilespmem:s26], [sflag:$0x1] =	stream.indirect.gather [hbm4b:s2+s25], $0x40, s5, s25, $0xb8;
	[tilespmem:$0x102C0] =	vst v63  }
0xd5: {  	_ = 	snop  }
0xd6: {  	[tilespmem:s29], [sflag:$0x2] =	stream.indirect.gather [hbm4b:s2+s25], $0x40, s28, s25, $0xb8;
	[tilespmem:$0x102C0] =	vst v63  }
0xd7: {  	_ =	swait.ge [sflag:s30], $0x1F40  }
0xd8: {  	[sflag:s30] =	ssyncset.done $0x0  }
0xd9: {  	[sflag:s30] =	ssyncadd.s32 $0xFFFFE0C0  }
0xda: {  	[spmem:s4] =	stream.indirect.scatter.add.bf16 [tilespmem:s26], [sflag:$0x3], $0x40, s24, s25, $0xb8;
	[tilespmem:$0x102C0] =	vst v63  }
0xdb: {  	_ =	swait.ge [sflag:s31], $0x1F40  }
0xdc: {  	[sflag:s31] =	ssyncset.done $0x0  }
0xdd: {  	[sflag:s31] =	ssyncadd.s32 $0xFFFFE0C0  }
0xde: {  	[spmem:s4] =	stream.indirect.scatter.add.bf16 [tilespmem:s29], [sflag:$0x4], $0x40, s0, s25, $0xb8;
	[tilespmem:$0x102C0] =	vst v63  }
0xdf: {  	_ =	swait.ge [sflag:s6], $0x1F40  }
0xe0: {  	[sflag:s6] =	ssyncset.done $0x0  }
0xe1: {  	s10 =	simm.s32 $0x100;
	[sflag:s6] =	ssyncadd.s32 $0xFFFFE0C0  }
0xe2: {  	[tilespmem:s26], [sflag:$0x1] =	stream.indirect.gather [hbm4b:s2+s25], $0x40, s10, s25, $0xb8;
	[tilespmem:$0x102C0] =	vst v63  }
0xe3: {  	_ =	swait.ge [sflag:s8], $0x1F40  }
0xe4: {  	[sflag:s8] =	ssyncset.done $0x0  }
0xe5: {  	s11 =	simm.s32 $0x180;
	[sflag:s8] =	ssyncadd.s32 $0xFFFFE0C0  }
0xe6: {  	[tilespmem:s29], [sflag:$0x2] =	stream.indirect.gather [hbm4b:s2+s25], $0x40, s11, s25, $0xb8;
	[tilespmem:$0x102C0] =	vst v63  }
0xe7: {  	_ =	swait.ge [sflag:s30], $0x1F40  }
0xe8: {  	[sflag:s30] =	ssyncset.done $0x0  }
0xe9: {  	s12 =	simm.s32 $0x1500;
	[sflag:s30] =	ssyncadd.s32 $0xFFFFE0C0  }
0xea: {  	[spmem:s4] =	stream.indirect.scatter.add.bf16 [tilespmem:s26], [sflag:$0x3], $0x40, s12, s25, $0xb8;
	[tilespmem:$0x102C0] =	vst v63  }
0xeb: {  	_ =	swait.ge [sflag:s31], $0x1F40  }
0xec: {  	[sflag:s31] =	ssyncset.done $0x0  }
0xed: {  	s10 =	simm.s32 $0xFFFFB800;
	s11 =	simm.s32 $0x1580;
	[sflag:s31] =	ssyncadd.s32 $0xFFFFE0C0  }
.LBB2_9:
0xee: {  	[spmem:s4] =	stream.indirect.scatter.add.bf16 [tilespmem:s29], [sflag:$0x4], $0x40, s11, s25, $0xb8;
	[tilespmem:$0x102C0] =	vst v63  }
0xef: {  	s11 =	smov.u32 s10  }
0xf0: {  	p5 =	sne.s32 s10, $0xFFFFFC00;
	s10 =	sadd.s32 $0x400, s10;
	_ =	swait.ge [sflag:s6], $0x1F40  }
0xf1: {  	s11 =	sshra.s32 s11, $0x2;
	[sflag:s6] =	ssyncset.done $0x0  }
0xf2: {  	s12 =	sadd.s32 $0x1400, s11;
	[sflag:s6] =	ssyncadd.s32 $0xFFFFE0C0  }
0xf3: {  	[tilespmem:s26], [sflag:$0x1] =	stream.indirect.gather [hbm4b:s2+s25], $0x40, s12, s25, $0xb8;
	[tilespmem:$0x102C0] =	vst v63  }
0xf4: {  	_ =	swait.ge [sflag:s8], $0x1F40  }
0xf5: {  	[sflag:s8] =	ssyncset.done $0x0  }
0xf6: {  	s12 =	sadd.s32 $0x1480, s11;
	[sflag:s8] =	ssyncadd.s32 $0xFFFFE0C0  }
0xf7: {  	[tilespmem:s29], [sflag:$0x2] =	stream.indirect.gather [hbm4b:s2+s25], $0x40, s12, s25, $0xb8;
	[tilespmem:$0x102C0] =	vst v63  }
0xf8: {  	_ =	swait.ge [sflag:s30], $0x1F40  }
0xf9: {  	[sflag:s30] =	ssyncset.done $0x0  }
.Ltmp6:
0xfa: {  	s12 =	sadd.s32 $0x2800, s11;
	[sflag:s30] =	ssyncadd.s32 $0xFFFFE0C0;
	(pc) =	sbr.rel @p5 .LBB2_9-.Ltmp6, $4  }
0xfb: {  	[spmem:s4] =	stream.indirect.scatter.add.bf16 [tilespmem:s26], [sflag:$0x3], $0x40, s12, s25, $0xb8;
	[tilespmem:$0x102C0] =	vst v63  }
0xfc: {  	_ =	swait.ge [sflag:s31], $0x1F40  }
0xfd: {  	[sflag:s31] =	ssyncset.done $0x0  }
0xfe: {  	s11 =	sadd.s32 $0x2880, s11;
	[sflag:s31] =	ssyncadd.s32 $0xFFFFE0C0  }
0xff: {  	[spmem:s4] =	stream.indirect.scatter.add.bf16 [tilespmem:s29], [sflag:$0x4], $0x40, s11, s25, $0xb8;
	[tilespmem:$0x102C0] =	vst v63  }
0x100: {  	_ =	swait.ge [sflag:s6], $0x1F40  }
0x101: {  	[sflag:s6] =	ssyncset.done $0x0  }
0x102: {  	[sflag:s6] =	ssyncadd.s32 $0xFFFFE0C0  }
0x103: {  	_ =	swait.ge [sflag:s8], $0x1F40  }
0x104: {  	[sflag:s8] =	ssyncset.done $0x0  }
0x105: {  	[sflag:s8] =	ssyncadd.s32 $0xFFFFE0C0  }
0x106: {  	[tilespmem:s5], [sflag:$0x5] =	stream.linear.gather [hbm4b:s17+s5], $0x1400, $0x38;
	[tilespmem:$0x102C0] =	vst v63  }
0x107: {  	_ =	swait.ge [sflag:s23], $0x1400  }
0x108: {  	[sflag:s23] =	ssyncset.done $0x0  }
0x109: {  	[sflag:s23] =	ssyncadd.s32 $0xFFFFEC00  }
0x10a: {  	[tilespmem:s24], [sflag:$0x5] =	stream.linear.gather [hbm4b:s18+s5], $0x1400, $0x38;
	[tilespmem:$0x102C0] =	vst v63  }
0x10b: {  	_ =	swait.ge [sflag:s23], $0x1400  }
0x10c: {  	[sflag:s23] =	ssyncset.done $0x0  }
0x10d: {  	[sflag:s23] =	ssyncadd.s32 $0xFFFFEC00  }
0x10e: {  	[tilespmem:s26], [sflag:$0x1] =	stream.indirect.gather [hbm4b:s2+s25], $0x40, s5, s25, $0xb8;
	[tilespmem:$0x102C0] =	vst v63  }
0x10f: {  	_ = 	snop  }
0x110: {  	[tilespmem:s29], [sflag:$0x2] =	stream.indirect.gather [hbm4b:s2+s25], $0x40, s28, s25, $0xb8;
	[tilespmem:$0x102C0] =	vst v63  }
0x111: {  	_ =	swait.ge [sflag:s30], $0x1F40  }
0x112: {  	[sflag:s30] =	ssyncset.done $0x0  }
0x113: {  	[sflag:s30] =	ssyncadd.s32 $0xFFFFE0C0  }
0x114: {  	[spmem:s4] =	stream.indirect.scatter.add.bf16 [tilespmem:s26], [sflag:$0x3], $0x40, s24, s25, $0xb8;
	[tilespmem:$0x102C0] =	vst v63  }
0x115: {  	_ =	swait.ge [sflag:s31], $0x1F40  }
0x116: {  	[sflag:s31] =	ssyncset.done $0x0  }
0x117: {  	[sflag:s31] =	ssyncadd.s32 $0xFFFFE0C0  }
0x118: {  	[spmem:s4] =	stream.indirect.scatter.add.bf16 [tilespmem:s29], [sflag:$0x4], $0x40, s0, s25, $0xb8;
	[tilespmem:$0x102C0] =	vst v63  }
0x119: {  	_ =	swait.ge [sflag:s6], $0x1F40  }
0x11a: {  	[sflag:s6] =	ssyncset.done $0x0  }
0x11b: {  	s10 =	simm.s32 $0x100;
	[sflag:s6] =	ssyncadd.s32 $0xFFFFE0C0  }
0x11c: {  	[tilespmem:s26], [sflag:$0x1] =	stream.indirect.gather [hbm4b:s2+s25], $0x40, s10, s25, $0xb8;
	[tilespmem:$0x102C0] =	vst v63  }
0x11d: {  	_ =	swait.ge [sflag:s8], $0x1F40  }
0x11e: {  	[sflag:s8] =	ssyncset.done $0x0  }
0x11f: {  	s11 =	simm.s32 $0x180;
	[sflag:s8] =	ssyncadd.s32 $0xFFFFE0C0  }
0x120: {  	[tilespmem:s29], [sflag:$0x2] =	stream.indirect.gather [hbm4b:s2+s25], $0x40, s11, s25, $0xb8;
	[tilespmem:$0x102C0] =	vst v63  }
0x121: {  	_ =	swait.ge [sflag:s30], $0x1F40  }
0x122: {  	[sflag:s30] =	ssyncset.done $0x0  }
0x123: {  	s12 =	simm.s32 $0x1500;
	[sflag:s30] =	ssyncadd.s32 $0xFFFFE0C0  }
0x124: {  	[spmem:s4] =	stream.indirect.scatter.add.bf16 [tilespmem:s26], [sflag:$0x3], $0x40, s12, s25, $0xb8;
	[tilespmem:$0x102C0] =	vst v63  }
0x125: {  	_ =	swait.ge [sflag:s31], $0x1F40  }
0x126: {  	[sflag:s31] =	ssyncset.done $0x0  }
0x127: {  	s10 =	simm.s32 $0xFFFFB800;
	s11 =	simm.s32 $0x1580;
	[sflag:s31] =	ssyncadd.s32 $0xFFFFE0C0  }
.LBB2_11:
0x128: {  	[spmem:s4] =	stream.indirect.scatter.add.bf16 [tilespmem:s29], [sflag:$0x4], $0x40, s11, s25, $0xb8;
	[tilespmem:$0x102C0] =	vst v63  }
0x129: {  	s11 =	smov.u32 s10  }
0x12a: {  	p5 =	sne.s32 s10, $0xFFFFFC00;
	s10 =	sadd.s32 $0x400, s10;
	_ =	swait.ge [sflag:s6], $0x1F40  }
0x12b: {  	s11 =	sshra.s32 s11, $0x2;
	[sflag:s6] =	ssyncset.done $0x0  }
0x12c: {  	s12 =	sadd.s32 $0x1400, s11;
	[sflag:s6] =	ssyncadd.s32 $0xFFFFE0C0  }
0x12d: {  	[tilespmem:s26], [sflag:$0x1] =	stream.indirect.gather [hbm4b:s2+s25], $0x40, s12, s25, $0xb8;
	[tilespmem:$0x102C0] =	vst v63  }
0x12e: {  	_ =	swait.ge [sflag:s8], $0x1F40  }
0x12f: {  	[sflag:s8] =	ssyncset.done $0x0  }
0x130: {  	s12 =	sadd.s32 $0x1480, s11;
	[sflag:s8] =	ssyncadd.s32 $0xFFFFE0C0  }
0x131: {  	[tilespmem:s29], [sflag:$0x2] =	stream.indirect.gather [hbm4b:s2+s25], $0x40, s12, s25, $0xb8;
	[tilespmem:$0x102C0] =	vst v63  }
0x132: {  	_ =	swait.ge [sflag:s30], $0x1F40  }
0x133: {  	[sflag:s30] =	ssyncset.done $0x0  }
.Ltmp7:
0x134: {  	s12 =	sadd.s32 $0x2800, s11;
	[sflag:s30] =	ssyncadd.s32 $0xFFFFE0C0;
	(pc) =	sbr.rel @p5 .LBB2_11-.Ltmp7, $4  }
0x135: {  	[spmem:s4] =	stream.indirect.scatter.add.bf16 [tilespmem:s26], [sflag:$0x3], $0x40, s12, s25, $0xb8;
	[tilespmem:$0x102C0] =	vst v63  }
0x136: {  	_ =	swait.ge [sflag:s31], $0x1F40  }
0x137: {  	[sflag:s31] =	ssyncset.done $0x0  }
0x138: {  	s11 =	sadd.s32 $0x2880, s11;
	[sflag:s31] =	ssyncadd.s32 $0xFFFFE0C0  }
.Ltmp8:
0x139: {  	_ = 	snop;
	(pc) =	sbr.rel .LBB2_12-.Ltmp8, $1  }
0x13a: {  	_ =	sdelay $0x3  }
.LBB2_14:
0x13b: {  	_ =	sfence.sel $0x180000  }
0x13c: {  	[bflag:$0x0] =	sbarrier.arrive $0xFFFF  }
0x13d: {  	_ =	strace $0x9000004A  }
0x13e: {  	[bflag:$0x2] =	sbarrier.arrive $0xFFFF  }
0x13f: {  	p0 =	sne.s32 s3, $0x0;
	s0 =	rddreg [dreg:$0x4]  }
0x140: {  	s0 =	sadd.s32 @!p0 $0x100000, s0  }
0x141: {  	[sflag:s0] =	ssyncadd.tile.s32 @!p0 $0x1;
	_ =	shalt  }
.Lfunc_end2:
_tile_overlayer_lowered:
.L_overlay_start_2:
0x142: {  	(tag) =	ssettag $0x2  }
0x143: {  	s0 =	rddreg [dreg:$0x0];
	s2 =	stileid.u32  }
0x144: {  	s1 =	rddreg [dreg:$0x1];
	p0 =	sne.s32 s2, $0x0  }
0x145: {  	s3 =	rddreg [dreg:$0x2];
	[bflag:$0x3] =	sbarrier.arrive $0xFFFF;
	s2 =	simm.s32 @!p0 $0x1C05  }
0x146: {  	[timem:s3], [sflag:s2] =	dma.local @!p0 [hbm:s0], s1  }
0x147: {  	s0 =	simm.s32 @!p0 $0x5  }
0x148: {  	_ =	swait.ge @!p0 [sflag:s0], s1  }
0x149: {  	s1 =	ssub.s32 @!p0 $0x0, s1;
	[sflag:s0] =	ssyncset.done @!p0 $0x0  }
0x14a: {  	[sflag:s0] =	ssyncadd.s32 @!p0 s1  }
0x14b: {  	[bflag:$0x3] =	sbarrier.arrive $0xFFFF  }
0x14c: {  	_ =	shalt  }

// kernel: kernel.16.cloned.1.call-start
scs
__scs_entry_jumppad:
0x0: {  	(pc) =	sbr.rel $0x88, $3  }
0x1: {  	(tag) =	ssettag $0x0;
	lr =	simm.s32 $0x1  }
0x2: {  	[smem:$0x3F99] =	sst lr;
	_ =	strace $0xD0000000  }
0x3: {  	_ = 	snop  }
0x4: {  	_ = 	snop  }
0x5: {  	_ = 	snop  }
0x6: {  	_ = 	snop  }
0x7: {  	_ = 	snop  }
__scs_overlays_trampoline_lowered:
0x8: {  	[smem:$0x3FA8] =	sst s0  }
0x9: {  	[smem:$0x3FA9] =	sst s1  }
0xa: {  	[smem:$0x3FAA] =	sst s2  }
0xb: {  	[smem:$0x3FAB] =	sst s3  }
0xc: {  	[smem:$0x3FAC] =	sst s4  }
0xd: {  	[smem:$0x3FAD] =	sst s5  }
0xe: {  	[smem:$0x3FAE] =	sst s6  }
0xf: {  	[smem:$0x3FAF] =	sst s7  }
0x10: {  	[smem:$0x3FB0] =	sst s8  }
0x11: {  	[smem:$0x3FB1] =	sst s9;
	s0 =	simm.s32 @!p0 $0x0  }
0x12: {  	s1 =	sld [smem:$0x3F97];
	s0 =	simm.s32 @p0 $0x1  }
0x13: {  	[smem:$0x3FB2] =	sst s0;
	s0 =	simm.s32 @!p1 $0x0  }
0x14: {  	s2 =	sld [smem:$0x3F96];
	s0 =	simm.s32 @p1 $0x1  }
0x15: {  	[smem:$0x3FB3] =	sst s0;
	s0 =	simm.s32 @!p2 $0x0  }
0x16: {  	s3 =	sld [smem:$0x3FDB];
	s0 =	simm.s32 @p2 $0x1  }
0x17: {  	s4 =	simm.s32 $0x1BF5;
	[smem:$0x3FB5] =	sst s0  }
0x18: {  	s0 =	sld [smem:$0x3F98];
	_ =	swait.ge [sflag:s4], $0x0  }
0x19: {  	s7 =	sld [smem:$0x3F99]  }
0x1a: {  	s8 =	sadd.s32 $0xFFFFE003, lr  }
0x1b: {  	s9 =	sadd.s32 $0xFFFFFEF7, lr;
	s5 =	simm.s32 $0xFFFFFFFF;
	p2 =	slt.u32 s8, $0xFFFFF086  }
0x1c: {  	p1 =	slt.u32 s9, $0xF7A;
	s5 =	simm.s32 @!p2 $0x0  }
0x1d: {  	s5 =	simm.s32 @p1 $0x1;
	p0 =	seq.s32 s7, s2  }
0x1e: {  	s7 =	smul.u32 @!p0 $0xF7A, s2;
	p2 =	seq.s32 @!p0 s5, $0x0  }
0x1f: {  	s9 =	smul.u32 $0xF7A, s1;
	s8 =	simm.s32 @!p0 $0x1BF5;
	p2 =	por !p2, p0  }
0x20: {  	[sflag:s8] =	ssyncset.s32 @!p0 $0xFFFFF086;
	s6 =	sadd.s32 @!p0 s3, s7;
	s7 =	simm.s32 @!p0 $0x108  }
0x21: {  	s3 =	sadd.s32 s3, s9;
	s6 =	sadd.s32 @!p0 $0x88, s6;
	s7 =	simm.s32 @p2 $0x1082  }
0x22: {  	[simem:s7], [sflag:s8] =	dma.local @!p0 [hbm:s6], $0xF7A  }
0x23: {  	s9 =	sor.u32 $0xD0000000, s2;
	s6 =	simm.s32 $0x108;
	_ =	swait.ge @!p0 [sflag:s8], $0x0  }
0x24: {  	s3 =	sadd.s32 $0x88, s3;
	s6 =	simm.s32 @!p1 $0x1082;
	[sflag:s4] =	ssyncset.s32 $0xFFFFF086  }
0x25: {  	[simem:s6], [sflag:s4] =	dma.local [hbm:s3], $0xF7A  }
0x26: {  	[smem:$0x3F99] =	sst s1;
	(tag) =	ssettag s2;
	_ =	strace s9  }
0x27: {  	s1 =	sld [smem:$0x3FA9]  }
0x28: {  	s2 =	sld [smem:$0x3FAA]  }
0x29: {  	s4 =	sld [smem:$0x3FAC]  }
0x2a: {  	p0 =	seq.s32 s5, $0x0;
	s5 =	sld [smem:$0x3FAD]  }
0x2b: {  	s6 =	sld [smem:$0x3FAE]  }
0x2c: {  	s7 =	sld [smem:$0x3FAF]  }
0x2d: {  	s3 =	simm.s32 $0x108;
	s8 =	sld [smem:$0x3FB0]  }
0x2e: {  	s3 =	simm.s32 @!p0 $0x1082;
	s9 =	sld [smem:$0x3FB1]  }
0x2f: {  	lr =	sadd.s32 s0, s3;
	s0 =	sld [smem:$0x3FA8]  }
0x30: {  	s3 =	sld [smem:$0x3FAB]  }
0x31: {  	[smem:$0x3FB4] =	sst s10  }
0x32: {  	s10 =	sld [smem:$0x3FB2];
	_ =	sdelay $0x3  }
0x33: {  	p0 =	seq.s32 s10, $0x1;
	s10 =	sld [smem:$0x3FB4];
	_ =	sdelay $0x3  }
0x34: {  	[smem:$0x3FB4] =	sst s10  }
0x35: {  	s10 =	sld [smem:$0x3FB3];
	_ =	sdelay $0x3  }
0x36: {  	p1 =	seq.s32 s10, $0x1;
	s10 =	sld [smem:$0x3FB4];
	_ =	sdelay $0x3  }
0x37: {  	[smem:$0x3FB4] =	sst s10  }
0x38: {  	s10 =	sld [smem:$0x3FB5]  }
0x39: {  	_ = 	snop;
	(pc) =	sbr.ind lr, $3  }
0x3a: {  	_ = 	snop  }
0x3b: {  	_ = 	snop  }
0x3c: {  	p2 =	seq.s32 s10, $0x1;
	s10 =	sld [smem:$0x3FB4]  }
0x3d: {  	_ =	shalt  }
0x3e: {  	_ =	shalt  }
0x3f: {  	_ =	shalt  }
0x40: {  	_ =	shalt  }
0x41: {  	_ =	shalt  }
0x42: {  	_ =	shalt  }
0x43: {  	_ =	shalt  }
0x44: {  	_ =	shalt  }
0x45: {  	_ =	shalt  }
0x46: {  	_ =	shalt  }
0x47: {  	_ =	shalt  }
0x48: {  	_ =	shalt  }
0x49: {  	_ =	shalt  }
0x4a: {  	_ =	shalt  }
0x4b: {  	_ =	shalt  }
0x4c: {  	_ =	shalt  }
0x4d: {  	_ =	shalt  }
0x4e: {  	_ =	shalt  }
0x4f: {  	_ =	shalt  }
0x50: {  	_ =	shalt  }
0x51: {  	_ =	shalt  }
0x52: {  	_ =	shalt  }
0x53: {  	_ =	shalt  }
0x54: {  	_ =	shalt  }
0x55: {  	_ =	shalt  }
0x56: {  	_ =	shalt  }
0x57: {  	_ =	shalt  }
0x58: {  	_ =	shalt  }
0x59: {  	_ =	shalt  }
0x5a: {  	_ =	shalt  }
0x5b: {  	_ =	shalt  }
0x5c: {  	_ =	shalt  }
0x5d: {  	_ =	shalt  }
0x5e: {  	_ =	shalt  }
0x5f: {  	_ =	shalt  }
0x60: {  	_ =	shalt  }
0x61: {  	_ =	shalt  }
0x62: {  	_ =	shalt  }
0x63: {  	_ =	shalt  }
0x64: {  	_ =	shalt  }
0x65: {  	_ =	shalt  }
0x66: {  	_ =	shalt  }
0x67: {  	_ =	shalt  }
0x68: {  	_ =	shalt  }
0x69: {  	_ =	shalt  }
0x6a: {  	_ =	shalt  }
0x6b: {  	_ =	shalt  }
0x6c: {  	_ =	shalt  }
0x6d: {  	_ =	shalt  }
0x6e: {  	_ =	shalt  }
0x6f: {  	_ =	shalt  }
0x70: {  	_ =	shalt  }
0x71: {  	_ =	shalt  }
0x72: {  	_ =	shalt  }
0x73: {  	_ =	shalt  }
0x74: {  	_ =	shalt  }
0x75: {  	_ =	shalt  }
0x76: {  	_ =	shalt  }
0x77: {  	_ =	shalt  }
0x78: {  	_ =	shalt  }
0x79: {  	_ =	shalt  }
0x7a: {  	_ =	shalt  }
0x7b: {  	_ =	shalt  }
0x7c: {  	_ =	shalt  }
0x7d: {  	_ =	shalt  }
0x7e: {  	_ =	shalt  }
0x7f: {  	_ =	shalt  }
0x80: {  	_ =	shalt  }
0x81: {  	_ =	shalt  }
0x82: {  	_ =	shalt  }
0x83: {  	_ =	shalt  }
0x84: {  	_ =	shalt  }
0x85: {  	_ =	shalt  }
0x86: {  	_ =	shalt  }
0x87: {  	_ =	shalt  }
.Lfunc_end0:
.L_simem_size_0:
called_computation.2_lowered:
.L_overlay_start_0:
0x88: {  	s2 =	sld [smem:$0x3FD9]  }
0x89: {  	s3 =	sld [smem:$0x3FFE];
	_ =	sdelay $0x1  }
0x8a: {  	s1 =	srdreg.scid  }
0x8b: {  	s0 =	sand.u32 $0x1, s1  }
0x8c: {  	s14 =	sshll.u32 s0, $0xA;
	s2 =	sadd.s32 s3, s2  }
0x8d: {  	s2 =	sadd.s32 s2, s14  }
0x8e: {  	[smem:$0x3FC0] =	sst s2  }
0x8f: {  	_ = 	snop  }
0x90: {  	s2 =	sld [smem:$0x3FD0];
	_ =	sdelay $0x2  }
0x91: {  	s15 =	simm.s32 $0xA;
	s4 =	simm.s32 $0x10  }
0x92: {  	[smem:s4], [sflag:s15] =	dma.local [hbm:s2], $0x1  }
0x93: {  	_ =	swait.eq [sflag:s15], $0x1  }
0x94: {  	[sflag:s15] =	ssyncset.done $0x0  }
0x95: {  	[sflag:s15] =	ssyncadd.s32 $0xFFFFFFFF  }
0x96: {  	s16 =	sld [smem:$0x12];
	(tm) =	ssettm $0x1  }
0x97: {  	s17 =	sld [smem:$0x3FFB];
	_ =	sdelay $0x3  }
0x98: {  	_ =	strace s17  }
0x99: {  	s3 =	sld [smem:$0x3FFC];
	_ =	sdelay $0x3  }
0x9a: {  	_ =	strace s3  }
0x9b: {  	s3 =	sld [smem:$0x3FFD];
	_ =	sdelay $0x3  }
0x9c: {  	_ =	strace s3  }
0x9d: {  	_ =	strace $0x8FFFFFFF  }
0x9e: {  	s18 =	sld [smem:$0x3FDB];
	_ =	sdelay $0x1  }
0x9f: {  	s19 =	simm.s32 $_scs_section_size  }
0xa0: {  	s5 =	simm.s32 $_size__tile_overlayer_lowered;
	s6 =	simm.s32 $_tile_overlayer_lowered  }
0xa1: {  	s22 =	simm.s32 $0x1BFF;
	s21 =	sshll.u32 s6, $0x1;
	s3 =	sadd.s32 s19, s18  }
0xa2: {  	s7 =	simm.s32 $0x0;
	s20 =	sshll.u32 s5, $0x1;
	s5 =	sadd.s32 s21, s3  }
0xa3: {  	[timem:s7], [sflag:s22] =	dma.local [hbm:s5], s20  }
0xa4: {  	_ =	swait.ge [sflag:s22], s20  }
0xa5: {  	s4 =	ssub.s32 $0x0, s20;
	[sflag:s22] =	ssyncset.done $0x0  }
0xa6: {  	[sflag:s22] =	ssyncadd.s32 s4;
	_ =	sdelay $0x1  }
0xa7: {  	s23 =	simm.s32 $0x1B8B  }
0xa8: {  	_ =	swait.ge [sflag:s23], $0x1  }
0xa9: {  	[sflag:s23] =	ssyncset.done $0x0  }
0xaa: {  	s25 =	simm.s32 $0x1B8E;
	s24 =	sld [smem:$0x3FFE];
	[sflag:s23] =	ssyncadd.s32 $0xFFFFFFFF  }
0xab: {  	s26 =	simm.s32 $execute0_lowered;
	[smem:$0x3FD2] =	sst s25  }
0xac: {  	s5 =	sshll.u32 s26, $0x1;
	_ =	strace $0x8000004C;
	[dreg:$0x1] =	wrdreg $0xFFFFFFFF  }
0xad: {  	s28 =	simm.s32 $_size_execute0_lowered;
	s3 =	sadd.s32 s3, s5;
	[dreg:$0x0] =	wrdreg $0x0  }
0xae: {  	s5 =	sshll.u32 s28, $0x1;
	[dreg:$0x2] =	wrdreg s3  }
0xaf: {  	[dreg:$0x3] =	wrdreg s5  }
0xb0: {  	[dreg:$0x4] =	wrdreg $0xC0  }
0xb1: {  	_ =	task [dreg:s7], $0x5FFFF  }
0xb2: {  	[dreg:$0x1] =	wrdreg $0xFFFFFFFF  }
0xb3: {  	[dreg:$0x0] =	wrdreg $0x60  }
0xb4: {  	[dreg:$0x2] =	wrdreg s16  }
0xb5: {  	[dreg:$0x3] =	wrdreg s24  }
0xb6: {  	[dreg:$0x4] =	wrdreg $0x66800  }
0xb7: {  	[dreg:$0x5] =	wrdreg $0x9  }
0xb8: {  	_ =	task.clear_ibuf [dreg:s7], $0x6FFFF;
	_ =	strace $0x9000004C  }
0xb9: {  	s29 =	simm.s32 $0x9;
	_ =	strace $0x8000004E  }
0xba: {  	_ =	swait.ge [sflag:s29], $0x1  }
0xbb: {  	[sflag:s29] =	ssyncadd.s32 $0xFFFFFFFF  }
0xbc: {  	_ =	strace $0x9000004E  }
0xbd: {  	_ =	sfence  }
0xbe: {  	s30 =	sld [smem:$0x0];
	_ =	sdelay $0x2  }
0xbf: {  	s31 =	sshll.u32 s1, $0xD;
	s1 =	sshrl.u32 s1, $0x2  }
0xc0: {  	s3 =	sand.u32 $0x4000, s31;
	s1 =	sadd.s32 s1, s30  }
0xc1: {  	s0 =	sor.u32 s3, s0;
	s1 =	sshll.u32 s1, $0x11  }
0xc2: {  	s0 =	sor.u32 s1, s0  }
0xc3: {  	s0 =	sadd.s32 $0x8F2B, s0  }
0xc4: {  	[sflag:s0] =	ssyncadd.remote.s32 $0x1  }
0xc5: {  	_ =	sfence.sel $0xFFFF  }
0xc6: {  	[dreg:$0x0] =	wrdreg $0xFFFFFFFF;
	(pc) =	sbr.abs _section_cstart, $3  }
0xc7: {  	[dreg:$0x1] =	wrdreg $0xFFFFFFFF  }
0xc8: {  	_ =	task.clear_ibuf [dreg:s7], $0x2FFFF;
	_ =	strace $0x9FFFFFFF  }
0xc9: {  	(tm) =	ssettm $0x7FFFFFFF  }
tec
execute0_lowered:
.L_overlay_start_1:
0x0: {  	(tag) =	ssettag $0x1  }
0x1: {  	s1 =	rddreg [dreg:$0x0]  }
0x2: {  	s0 =	rddreg [dreg:$0x1]  }
0x3: {  	s3 =	rddreg [dreg:$0x2];
	s4 =	simm.s32 $0x0  }
0x4: {  	s2 =	stileid.u32;
	s7 =	srdreg.scid;
	s28 =	simm.s32 $0x80  }
0x5: {  	s29 =	simm.s32 $0x4740;
	s30 =	simm.s32 $0x1;
	s31 =	simm.s32 $0x2  }
0x6: {  	[smem:$0x7FF] =	sst s4;
	s5 =	sadd.s32 $0x34600, s0;
	s6 =	smul.u32 $0x1F400, s2  }
0x7: {  	s8 =	sadd.s32 $0x8400, s0;
	s9 =	smul.u32 $0x3E800, s2;
	s10 =	sadd.s32 $0x3000, s0  }
0x8: {  	s11 =	sadd.s32 $0x8000, s0;
	p2 =	slt.u32 s2, $0xA;
	s15 =	smul.u32 $0x2800, s2  }
0x9: {  	s16 =	smul.u32 $0x500, s2;
	p3 =	sgt.u32 s2, $0x9;
	_ =	strace $0x8000004D  }
0xa: {  	[dreg:$0x4] =	wrdreg s11;
	s11 =	sand.u32 $0x1, s7;
	s21 =	sshrl.u32 s6, $0x4  }
0xb: {  	s12 =	ssub.s32 $0x2, s11;
	s9 =	sshrl.u32 s9, $0x2;
	s17 =	sshrl.u32 s15, $0x3  }
0xc: {  	p0 =	seq.s32 s11, $0x0;
	s15 =	sadd.s32 s8, s16;
	s16 =	sadd.s32 s10, s16  }
0xd: {  	s6 =	sshrl.u32 s6, $0x1;
	p4 =	sne.s32 s11, $0x0;
	s0 =	sadd.s32 s21, s0  }
0xe: {  	s13 =	sshrl.u32 s12, $0x1;
	s7 =	sadd.s32 s9, s3;
	s18 =	sadd.s32 $0x280, s17  }
0xf: {  	p1 =	por !p0, !p2;
	p0 =	seq.s32 s11, $0x1;
	s20 =	sadd.s32 s6, s3  }
0x10: {  	s6 =	simm.s32 $0x3;
	s9 =	ssub.s32 s12, s13;
	s22 =	sadd.s32 $0x1F40, s7  }
0x11: {  	s23 =	sadd.s32 $0x3E80, s7;
	s24 =	sadd.s32 $0x5DC0, s7;
	s25 =	sadd.s32 $0x7D00, s7  }
0x12: {  	s26 =	sadd.s32 $0x9C40, s7;
	s13 =	sadd.s32 $0xBB80, s7;
	s14 =	sadd.s32 $0xDAC0, s7  }
0x13: {  	s17 =	sadd.s32 s8, s18;
	s18 =	sadd.s32 s10, s18;
	[dreg:$0x5] =	wrdreg s22  }
0x14: {  	p1 =	por !p1, !p1;
	s19 =	sadd.s32 $0x48000, s0;
	[dreg:$0x6] =	wrdreg s23  }
.Ltmp0:
0x15: {  	p2 =	por !p2, !p0;
	[dreg:$0x7] =	wrdreg s24;
	(pc) =	sbr.rel .LBB2_1-.Ltmp0, $4  }
0x16: {  	s21 =	sadd.s32 $0x5BA00, s0;
	s0 =	simm.s32 $0x1480;
	[dreg:$0x8] =	wrdreg s25  }
0x17: {  	s8 =	simm.s32 $0x4;
	[dreg:$0x9] =	wrdreg s26;
	p2 =	por !p2, !p2  }
0x18: {  	s22 =	smax.u32 s9, $0x1;
	s23 =	simm.s32 $0x5;
	s24 =	simm.s32 $0x1400  }
0x19: {  	s25 =	simm.s32 $0x7D;
	s26 =	simm.s32 $0x2800;
	s9 =	simm.s32 $0x0  }
.LBB2_12:
0x1a: {  	[spmem:s3] =	stream.indirect.scatter.add.bf16 [tilespmem:s29], [sflag:$0x4], $0x40, s11, s25, $0xb8;
	[tilespmem:$0x102C0] =	vst v63  }
0x1b: {  	_ =	swait.ge [sflag:s6], $0x1F40  }
0x1c: {  	[sflag:s6] =	ssyncset.done $0x0  }
0x1d: {  	[sflag:s6] =	ssyncadd.s32 $0xFFFFE0C0  }
0x1e: {  	_ =	swait.ge [sflag:s8], $0x1F40  }
0x1f: {  	[sflag:s8] =	ssyncset.done $0x0  }
0x20: {  	[sflag:s8] =	ssyncadd.s32 $0xFFFFE0C0  }
.LBB2_13:
0x21: {  	s10 =	sshll.u32 @p1 s2, $0x6  }
0x22: {  	[bflag:$0x0] =	sbarrier.arrive $0xFFFF;
	s11 =	sshrl.u32 @p1 s20, $0x3;
	s10 =	sor.u32 @p1 $0x1C05, s10  }
0x23: {  	[hbm:s19], [sflag:s10] =	dma.local @p1 [spmem:s11], $0x1F40  }
0x24: {  	s10 =	simm.s32 @p1 $0x5  }
0x25: {  	s9 =	sadd.s32 $0x1, s9;
	_ =	swait.ge @p1 [sflag:s10], $0x1F40  }
0x26: {  	p5 =	sne.s32 s9, s22;
	s11 =	sshll.u32 @p2 s2, $0x6;
	[sflag:s10] =	ssyncset.done @p1 $0x0  }
0x27: {  	[sflag:s10] =	ssyncadd.s32 @p1 $0xFFFFE0C0;
	s10 =	sor.u32 @p2 $0x1C05, s11;
	s11 =	sshrl.u32 @p2 s20, $0x3  }
0x28: {  	[hbm:s21], [sflag:s10] =	dma.local @p2 [spmem:s11], $0x1F40  }
.Ltmp1:
0x29: {  	_ = 	snop;
	(pc) =	sbr.rel @!p5 .LBB2_14-.Ltmp1, $4  }
0x2a: {  	s10 =	simm.s32 @p2 $0x5  }
0x2b: {  	_ =	swait.ge @p2 [sflag:s10], $0x1F40  }
0x2c: {  	[sflag:s10] =	ssyncset.done @p2 $0x0  }
0x2d: {  	[sflag:s10] =	ssyncadd.s32 @p2 $0xFFFFE0C0  }
.LBB2_1:
0x2e: {  	s10 =	simm.s32 @!p3 $0x0;
	s11 =	simm.s32 @!p3 $0x2800;
	s12 =	rddreg [dreg:$0x4]  }
0x2f: {  	[tilespmem:s11], [sflag:$0x5] =	stream.linear.gather @!p3 [hbm4b:s12+s10], $0x1F40, $0x38;
	[tilespmem:$0x102C0] =	vst v63  }
0x30: {  	s10 =	simm.s32 @!p3 $0x5  }
0x31: {  	_ =	swait.ge @!p3 [sflag:s10], $0x1F40  }
0x32: {  	[sflag:s10] =	ssyncset.done @!p3 $0x0  }
0x33: {  	[sflag:s10] =	ssyncadd.s32 @!p3 $0xFFFFE0C0  }
0x34: {  	[spmem:s7] =	stream.linear.scatter @!p3 [tilespmem:s11], [sflag:$0x5], $0x1F40, $0x38;
	[tilespmem:$0x102C0] =	vst v63  }
0x35: {  	_ =	swait.ge @!p3 [sflag:s10], $0x1F40  }
0x36: {  	[sflag:s10] =	ssyncset.done @!p3 $0x0  }
0x37: {  	s12 =	rddreg [dreg:$0x5];
	[sflag:s10] =	ssyncadd.s32 @!p3 $0xFFFFE0C0  }
0x38: {  	[spmem:s12] =	stream.linear.scatter @!p3 [tilespmem:s11], [sflag:$0x5], $0x1F40, $0x38;
	[tilespmem:$0x102C0] =	vst v63  }
0x39: {  	_ =	swait.ge @!p3 [sflag:s10], $0x1F40  }
0x3a: {  	[sflag:s10] =	ssyncset.done @!p3 $0x0  }
0x3b: {  	s12 =	rddreg [dreg:$0x6];
	[sflag:s10] =	ssyncadd.s32 @!p3 $0xFFFFE0C0  }
0x3c: {  	[spmem:s12] =	stream.linear.scatter @!p3 [tilespmem:s11], [sflag:$0x5], $0x1F40, $0x38;
	[tilespmem:$0x102C0] =	vst v63  }
0x3d: {  	_ =	swait.ge @!p3 [sflag:s10], $0x1F40  }
0x3e: {  	[sflag:s10] =	ssyncset.done @!p3 $0x0  }
0x3f: {  	s12 =	rddreg [dreg:$0x7];
	[sflag:s10] =	ssyncadd.s32 @!p3 $0xFFFFE0C0  }
0x40: {  	[spmem:s12] =	stream.linear.scatter @!p3 [tilespmem:s11], [sflag:$0x5], $0x1F40, $0x38;
	[tilespmem:$0x102C0] =	vst v63  }
0x41: {  	_ =	swait.ge @!p3 [sflag:s10], $0x1F40  }
0x42: {  	[sflag:s10] =	ssyncset.done @!p3 $0x0  }
0x43: {  	s12 =	rddreg [dreg:$0x8];
	[sflag:s10] =	ssyncadd.s32 @!p3 $0xFFFFE0C0  }
0x44: {  	[spmem:s12] =	stream.linear.scatter @!p3 [tilespmem:s11], [sflag:$0x5], $0x1F40, $0x38;
	[tilespmem:$0x102C0] =	vst v63  }
0x45: {  	_ =	swait.ge @!p3 [sflag:s10], $0x1F40  }
0x46: {  	[sflag:s10] =	ssyncset.done @!p3 $0x0  }
0x47: {  	s12 =	rddreg [dreg:$0x9];
	[sflag:s10] =	ssyncadd.s32 @!p3 $0xFFFFE0C0  }
0x48: {  	[spmem:s12] =	stream.linear.scatter @!p3 [tilespmem:s11], [sflag:$0x5], $0x1F40, $0x38;
	[tilespmem:$0x102C0] =	vst v63  }
0x49: {  	_ =	swait.ge @!p3 [sflag:s10], $0x1F40  }
0x4a: {  	[sflag:s10] =	ssyncset.done @!p3 $0x0  }
0x4b: {  	[sflag:s10] =	ssyncadd.s32 @!p3 $0xFFFFE0C0  }
0x4c: {  	[spmem:s13] =	stream.linear.scatter @!p3 [tilespmem:s11], [sflag:$0x5], $0x1F40, $0x38;
	[tilespmem:$0x102C0] =	vst v63  }
0x4d: {  	_ =	swait.ge @!p3 [sflag:s10], $0x1F40  }
0x4e: {  	[sflag:s10] =	ssyncset.done @!p3 $0x0  }
0x4f: {  	[sflag:s10] =	ssyncadd.s32 @!p3 $0xFFFFE0C0  }
0x50: {  	[spmem:s14] =	stream.linear.scatter @!p3 [tilespmem:s11], [sflag:$0x5], $0x1F40, $0x38;
	[tilespmem:$0x102C0] =	vst v63  }
.Ltmp2:
0x51: {  	_ =	swait.ge @!p3 [sflag:s10], $0x1F40;
	(pc) =	sbr.rel @p4 .LBB2_7-.Ltmp2, $3  }
0x52: {  	[sflag:s10] =	ssyncset.done @!p3 $0x0  }
0x53: {  	[sflag:s10] =	ssyncadd.s32 @!p3 $0xFFFFE0C0  }
0x54: {  	[bflag:$0x0] =	sbarrier.arrive $0xFFFF;
	_ =	sdelay $0x1  }
0x55: {  	[tilespmem:s4], [sflag:$0x5] =	stream.linear.gather [hbm4b:s15+s4], $0x1400, $0x38;
	[tilespmem:$0x102C0] =	vst v63  }
0x56: {  	_ =	swait.ge [sflag:s23], $0x1400  }
0x57: {  	[sflag:s23] =	ssyncset.done $0x0  }
0x58: {  	[sflag:s23] =	ssyncadd.s32 $0xFFFFEC00  }
0x59: {  	[tilespmem:s24], [sflag:$0x5] =	stream.linear.gather [hbm4b:s16+s4], $0x1400, $0x38;
	[tilespmem:$0x102C0] =	vst v63  }
0x5a: {  	_ =	swait.ge [sflag:s23], $0x1400  }
0x5b: {  	[sflag:s23] =	ssyncset.done $0x0  }
0x5c: {  	[sflag:s23] =	ssyncadd.s32 $0xFFFFEC00  }
0x5d: {  	[tilespmem:s26], [sflag:$0x1] =	stream.indirect.gather [hbm4b:s1+s25], $0x40, s4, s25, $0xb8;
	[tilespmem:$0x102C0] =	vst v63  }
0x5e: {  	_ = 	snop  }
0x5f: {  	[tilespmem:s29], [sflag:$0x2] =	stream.indirect.gather [hbm4b:s1+s25], $0x40, s28, s25, $0xb8;
	[tilespmem:$0x102C0] =	vst v63  }
0x60: {  	_ =	swait.ge [sflag:s30], $0x1F40  }
0x61: {  	[sflag:s30] =	ssyncset.done $0x0  }
0x62: {  	[sflag:s30] =	ssyncadd.s32 $0xFFFFE0C0  }
0x63: {  	[spmem:s3] =	stream.indirect.scatter.add.bf16 [tilespmem:s26], [sflag:$0x3], $0x40, s24, s25, $0xb8;
	[tilespmem:$0x102C0] =	vst v63  }
0x64: {  	_ =	swait.ge [sflag:s31], $0x1F40  }
0x65: {  	[sflag:s31] =	ssyncset.done $0x0  }
0x66: {  	[sflag:s31] =	ssyncadd.s32 $0xFFFFE0C0  }
0x67: {  	[spmem:s3] =	stream.indirect.scatter.add.bf16 [tilespmem:s29], [sflag:$0x4], $0x40, s0, s25, $0xb8;
	[tilespmem:$0x102C0] =	vst v63  }
0x68: {  	_ =	swait.ge [sflag:s6], $0x1F40  }
0x69: {  	[sflag:s6] =	ssyncset.done $0x0  }
0x6a: {  	s10 =	simm.s32 $0x100;
	[sflag:s6] =	ssyncadd.s32 $0xFFFFE0C0  }
0x6b: {  	[tilespmem:s26], [sflag:$0x1] =	stream.indirect.gather [hbm4b:s1+s25], $0x40, s10, s25, $0xb8;
	[tilespmem:$0x102C0] =	vst v63  }
0x6c: {  	_ =	swait.ge [sflag:s8], $0x1F40  }
0x6d: {  	[sflag:s8] =	ssyncset.done $0x0  }
0x6e: {  	s11 =	simm.s32 $0x180;
	[sflag:s8] =	ssyncadd.s32 $0xFFFFE0C0  }
0x6f: {  	[tilespmem:s29], [sflag:$0x2] =	stream.indirect.gather [hbm4b:s1+s25], $0x40, s11, s25, $0xb8;
	[tilespmem:$0x102C0] =	vst v63  }
0x70: {  	_ =	swait.ge [sflag:s30], $0x1F40  }
0x71: {  	[sflag:s30] =	ssyncset.done $0x0  }
0x72: {  	s12 =	simm.s32 $0x1500;
	[sflag:s30] =	ssyncadd.s32 $0xFFFFE0C0  }
0x73: {  	[spmem:s3] =	stream.indirect.scatter.add.bf16 [tilespmem:s26], [sflag:$0x3], $0x40, s12, s25, $0xb8;
	[tilespmem:$0x102C0] =	vst v63  }
0x74: {  	_ =	swait.ge [sflag:s31], $0x1F40  }
0x75: {  	[sflag:s31] =	ssyncset.done $0x0  }
0x76: {  	s10 =	simm.s32 $0xFFFFB800;
	s11 =	simm.s32 $0x1580;
	[sflag:s31] =	ssyncadd.s32 $0xFFFFE0C0  }
.LBB2_3:
0x77: {  	[spmem:s3] =	stream.indirect.scatter.add.bf16 [tilespmem:s29], [sflag:$0x4], $0x40, s11, s25, $0xb8;
	[tilespmem:$0x102C0] =	vst v63  }
0x78: {  	s11 =	smov.u32 s10  }
0x79: {  	p5 =	sne.s32 s10, $0xFFFFFC00;
	s10 =	sadd.s32 $0x400, s10;
	_ =	swait.ge [sflag:s6], $0x1F40  }
0x7a: {  	s11 =	sshra.s32 s11, $0x2;
	[sflag:s6] =	ssyncset.done $0x0  }
0x7b: {  	s12 =	sadd.s32 $0x1400, s11;
	[sflag:s6] =	ssyncadd.s32 $0xFFFFE0C0  }
0x7c: {  	[tilespmem:s26], [sflag:$0x1] =	stream.indirect.gather [hbm4b:s1+s25], $0x40, s12, s25, $0xb8;
	[tilespmem:$0x102C0] =	vst v63  }
0x7d: {  	_ =	swait.ge [sflag:s8], $0x1F40  }
0x7e: {  	[sflag:s8] =	ssyncset.done $0x0  }
0x7f: {  	s12 =	sadd.s32 $0x1480, s11;
	[sflag:s8] =	ssyncadd.s32 $0xFFFFE0C0  }
0x80: {  	[tilespmem:s29], [sflag:$0x2] =	stream.indirect.gather [hbm4b:s1+s25], $0x40, s12, s25, $0xb8;
	[tilespmem:$0x102C0] =	vst v63  }
0x81: {  	_ =	swait.ge [sflag:s30], $0x1F40  }
0x82: {  	[sflag:s30] =	ssyncset.done $0x0  }
.Ltmp3:
0x83: {  	s12 =	sadd.s32 $0x2800, s11;
	[sflag:s30] =	ssyncadd.s32 $0xFFFFE0C0;
	(pc) =	sbr.rel @p5 .LBB2_3-.Ltmp3, $4  }
0x84: {  	[spmem:s3] =	stream.indirect.scatter.add.bf16 [tilespmem:s26], [sflag:$0x3], $0x40, s12, s25, $0xb8;
	[tilespmem:$0x102C0] =	vst v63  }
0x85: {  	_ =	swait.ge [sflag:s31], $0x1F40  }
0x86: {  	[sflag:s31] =	ssyncset.done $0x0  }
0x87: {  	s11 =	sadd.s32 $0x2880, s11;
	[sflag:s31] =	ssyncadd.s32 $0xFFFFE0C0  }
0x88: {  	[spmem:s3] =	stream.indirect.scatter.add.bf16 [tilespmem:s29], [sflag:$0x4], $0x40, s11, s25, $0xb8;
	[tilespmem:$0x102C0] =	vst v63  }
0x89: {  	_ =	swait.ge [sflag:s6], $0x1F40  }
0x8a: {  	[sflag:s6] =	ssyncset.done $0x0  }
0x8b: {  	[sflag:s6] =	ssyncadd.s32 $0xFFFFE0C0  }
0x8c: {  	_ =	swait.ge [sflag:s8], $0x1F40  }
0x8d: {  	[sflag:s8] =	ssyncset.done $0x0  }
0x8e: {  	[sflag:s8] =	ssyncadd.s32 $0xFFFFE0C0  }
0x8f: {  	[tilespmem:s4], [sflag:$0x5] =	stream.linear.gather [hbm4b:s17+s4], $0x1400, $0x38;
	[tilespmem:$0x102C0] =	vst v63  }
0x90: {  	_ =	swait.ge [sflag:s23], $0x1400  }
0x91: {  	[sflag:s23] =	ssyncset.done $0x0  }
0x92: {  	[sflag:s23] =	ssyncadd.s32 $0xFFFFEC00  }
0x93: {  	[tilespmem:s24], [sflag:$0x5] =	stream.linear.gather [hbm4b:s18+s4], $0x1400, $0x38;
	[tilespmem:$0x102C0] =	vst v63  }
0x94: {  	_ =	swait.ge [sflag:s23], $0x1400  }
0x95: {  	[sflag:s23] =	ssyncset.done $0x0  }
0x96: {  	[sflag:s23] =	ssyncadd.s32 $0xFFFFEC00  }
0x97: {  	[tilespmem:s26], [sflag:$0x1] =	stream.indirect.gather [hbm4b:s1+s25], $0x40, s4, s25, $0xb8;
	[tilespmem:$0x102C0] =	vst v63  }
0x98: {  	_ = 	snop  }
0x99: {  	[tilespmem:s29], [sflag:$0x2] =	stream.indirect.gather [hbm4b:s1+s25], $0x40, s28, s25, $0xb8;
	[tilespmem:$0x102C0] =	vst v63  }
0x9a: {  	_ =	swait.ge [sflag:s30], $0x1F40  }
0x9b: {  	[sflag:s30] =	ssyncset.done $0x0  }
0x9c: {  	[sflag:s30] =	ssyncadd.s32 $0xFFFFE0C0  }
0x9d: {  	[spmem:s3] =	stream.indirect.scatter.add.bf16 [tilespmem:s26], [sflag:$0x3], $0x40, s24, s25, $0xb8;
	[tilespmem:$0x102C0] =	vst v63  }
0x9e: {  	_ =	swait.ge [sflag:s31], $0x1F40  }
0x9f: {  	[sflag:s31] =	ssyncset.done $0x0  }
0xa0: {  	[sflag:s31] =	ssyncadd.s32 $0xFFFFE0C0  }
0xa1: {  	[spmem:s3] =	stream.indirect.scatter.add.bf16 [tilespmem:s29], [sflag:$0x4], $0x40, s0, s25, $0xb8;
	[tilespmem:$0x102C0] =	vst v63  }
0xa2: {  	_ =	swait.ge [sflag:s6], $0x1F40  }
0xa3: {  	[sflag:s6] =	ssyncset.done $0x0  }
0xa4: {  	s10 =	simm.s32 $0x100;
	[sflag:s6] =	ssyncadd.s32 $0xFFFFE0C0  }
0xa5: {  	[tilespmem:s26], [sflag:$0x1] =	stream.indirect.gather [hbm4b:s1+s25], $0x40, s10, s25, $0xb8;
	[tilespmem:$0x102C0] =	vst v63  }
0xa6: {  	_ =	swait.ge [sflag:s8], $0x1F40  }
0xa7: {  	[sflag:s8] =	ssyncset.done $0x0  }
0xa8: {  	s11 =	simm.s32 $0x180;
	[sflag:s8] =	ssyncadd.s32 $0xFFFFE0C0  }
0xa9: {  	[tilespmem:s29], [sflag:$0x2] =	stream.indirect.gather [hbm4b:s1+s25], $0x40, s11, s25, $0xb8;
	[tilespmem:$0x102C0] =	vst v63  }
0xaa: {  	_ =	swait.ge [sflag:s30], $0x1F40  }
0xab: {  	[sflag:s30] =	ssyncset.done $0x0  }
0xac: {  	s12 =	simm.s32 $0x1500;
	[sflag:s30] =	ssyncadd.s32 $0xFFFFE0C0  }
0xad: {  	[spmem:s3] =	stream.indirect.scatter.add.bf16 [tilespmem:s26], [sflag:$0x3], $0x40, s12, s25, $0xb8;
	[tilespmem:$0x102C0] =	vst v63  }
0xae: {  	_ =	swait.ge [sflag:s31], $0x1F40  }
0xaf: {  	[sflag:s31] =	ssyncset.done $0x0  }
0xb0: {  	s10 =	simm.s32 $0xFFFFB800;
	s11 =	simm.s32 $0x1580;
	[sflag:s31] =	ssyncadd.s32 $0xFFFFE0C0  }
.LBB2_5:
0xb1: {  	[spmem:s3] =	stream.indirect.scatter.add.bf16 [tilespmem:s29], [sflag:$0x4], $0x40, s11, s25, $0xb8;
	[tilespmem:$0x102C0] =	vst v63  }
0xb2: {  	s11 =	smov.u32 s10  }
0xb3: {  	p5 =	sne.s32 s10, $0xFFFFFC00;
	s10 =	sadd.s32 $0x400, s10;
	_ =	swait.ge [sflag:s6], $0x1F40  }
0xb4: {  	s11 =	sshra.s32 s11, $0x2;
	[sflag:s6] =	ssyncset.done $0x0  }
0xb5: {  	s12 =	sadd.s32 $0x1400, s11;
	[sflag:s6] =	ssyncadd.s32 $0xFFFFE0C0  }
0xb6: {  	[tilespmem:s26], [sflag:$0x1] =	stream.indirect.gather [hbm4b:s1+s25], $0x40, s12, s25, $0xb8;
	[tilespmem:$0x102C0] =	vst v63  }
0xb7: {  	_ =	swait.ge [sflag:s8], $0x1F40  }
0xb8: {  	[sflag:s8] =	ssyncset.done $0x0  }
0xb9: {  	s12 =	sadd.s32 $0x1480, s11;
	[sflag:s8] =	ssyncadd.s32 $0xFFFFE0C0  }
0xba: {  	[tilespmem:s29], [sflag:$0x2] =	stream.indirect.gather [hbm4b:s1+s25], $0x40, s12, s25, $0xb8;
	[tilespmem:$0x102C0] =	vst v63  }
0xbb: {  	_ =	swait.ge [sflag:s30], $0x1F40  }
0xbc: {  	[sflag:s30] =	ssyncset.done $0x0  }
.Ltmp4:
0xbd: {  	s12 =	sadd.s32 $0x2800, s11;
	[sflag:s30] =	ssyncadd.s32 $0xFFFFE0C0;
	(pc) =	sbr.rel @p5 .LBB2_5-.Ltmp4, $4  }
0xbe: {  	[spmem:s3] =	stream.indirect.scatter.add.bf16 [tilespmem:s26], [sflag:$0x3], $0x40, s12, s25, $0xb8;
	[tilespmem:$0x102C0] =	vst v63  }
0xbf: {  	_ =	swait.ge [sflag:s31], $0x1F40  }
0xc0: {  	[sflag:s31] =	ssyncset.done $0x0  }
0xc1: {  	s11 =	sadd.s32 $0x2880, s11;
	[sflag:s31] =	ssyncadd.s32 $0xFFFFE0C0  }
0xc2: {  	[spmem:s3] =	stream.indirect.scatter.add.bf16 [tilespmem:s29], [sflag:$0x4], $0x40, s11, s25, $0xb8;
	[tilespmem:$0x102C0] =	vst v63  }
0xc3: {  	_ =	swait.ge [sflag:s6], $0x1F40  }
0xc4: {  	[sflag:s6] =	ssyncset.done $0x0  }
0xc5: {  	[sflag:s6] =	ssyncadd.s32 $0xFFFFE0C0  }
0xc6: {  	_ =	swait.ge [sflag:s8], $0x1F40  }
0xc7: {  	[sflag:s8] =	ssyncset.done $0x0  }
0xc8: {  	[sflag:s8] =	ssyncadd.s32 $0xFFFFE0C0  }
.LBB2_7:
.Ltmp5:
0xc9: {  	(pc) =	sbr.rel @!p0 .LBB2_13-.Ltmp5, $1  }
0xca: {  	_ =	sdelay $0x3  }
0xcb: {  	[tilespmem:s4], [sflag:$0x5] =	stream.linear.gather [hbm4b:s15+s4], $0x1400, $0x38;
	[tilespmem:$0x102C0] =	vst v63  }
0xcc: {  	_ =	swait.ge [sflag:s23], $0x1400  }
0xcd: {  	[sflag:s23] =	ssyncset.done $0x0  }
0xce: {  	[sflag:s23] =	ssyncadd.s32 $0xFFFFEC00  }
0xcf: {  	[tilespmem:s24], [sflag:$0x5] =	stream.linear.gather [hbm4b:s16+s4], $0x1400, $0x38;
	[tilespmem:$0x102C0] =	vst v63  }
0xd0: {  	_ =	swait.ge [sflag:s23], $0x1400  }
0xd1: {  	[sflag:s23] =	ssyncset.done $0x0  }
0xd2: {  	[sflag:s23] =	ssyncadd.s32 $0xFFFFEC00  }
0xd3: {  	[tilespmem:s26], [sflag:$0x1] =	stream.indirect.gather [hbm4b:s5+s25], $0x40, s4, s25, $0xb8;
	[tilespmem:$0x102C0] =	vst v63  }
0xd4: {  	_ = 	snop  }
0xd5: {  	[tilespmem:s29], [sflag:$0x2] =	stream.indirect.gather [hbm4b:s5+s25], $0x40, s28, s25, $0xb8;
	[tilespmem:$0x102C0] =	vst v63  }
0xd6: {  	_ =	swait.ge [sflag:s30], $0x1F40  }
0xd7: {  	[sflag:s30] =	ssyncset.done $0x0  }
0xd8: {  	[sflag:s30] =	ssyncadd.s32 $0xFFFFE0C0  }
0xd9: {  	[spmem:s3] =	stream.indirect.scatter.add.bf16 [tilespmem:s26], [sflag:$0x3], $0x40, s24, s25, $0xb8;
	[tilespmem:$0x102C0] =	vst v63  }
0xda: {  	_ =	swait.ge [sflag:s31], $0x1F40  }
0xdb: {  	[sflag:s31] =	ssyncset.done $0x0  }
0xdc: {  	[sflag:s31] =	ssyncadd.s32 $0xFFFFE0C0  }
0xdd: {  	[spmem:s3] =	stream.indirect.scatter.add.bf16 [tilespmem:s29], [sflag:$0x4], $0x40, s0, s25, $0xb8;
	[tilespmem:$0x102C0] =	vst v63  }
0xde: {  	_ =	swait.ge [sflag:s6], $0x1F40  }
0xdf: {  	[sflag:s6] =	ssyncset.done $0x0  }
0xe0: {  	s10 =	simm.s32 $0x100;
	[sflag:s6] =	ssyncadd.s32 $0xFFFFE0C0  }
0xe1: {  	[tilespmem:s26], [sflag:$0x1] =	stream.indirect.gather [hbm4b:s5+s25], $0x40, s10, s25, $0xb8;
	[tilespmem:$0x102C0] =	vst v63  }
0xe2: {  	_ =	swait.ge [sflag:s8], $0x1F40  }
0xe3: {  	[sflag:s8] =	ssyncset.done $0x0  }
0xe4: {  	s11 =	simm.s32 $0x180;
	[sflag:s8] =	ssyncadd.s32 $0xFFFFE0C0  }
0xe5: {  	[tilespmem:s29], [sflag:$0x2] =	stream.indirect.gather [hbm4b:s5+s25], $0x40, s11, s25, $0xb8;
	[tilespmem:$0x102C0] =	vst v63  }
0xe6: {  	_ =	swait.ge [sflag:s30], $0x1F40  }
0xe7: {  	[sflag:s30] =	ssyncset.done $0x0  }
0xe8: {  	s12 =	simm.s32 $0x1500;
	[sflag:s30] =	ssyncadd.s32 $0xFFFFE0C0  }
0xe9: {  	[spmem:s3] =	stream.indirect.scatter.add.bf16 [tilespmem:s26], [sflag:$0x3], $0x40, s12, s25, $0xb8;
	[tilespmem:$0x102C0] =	vst v63  }
0xea: {  	_ =	swait.ge [sflag:s31], $0x1F40  }
0xeb: {  	[sflag:s31] =	ssyncset.done $0x0  }
0xec: {  	s10 =	simm.s32 $0xFFFFB800;
	s11 =	simm.s32 $0x1580;
	[sflag:s31] =	ssyncadd.s32 $0xFFFFE0C0  }
.LBB2_9:
0xed: {  	[spmem:s3] =	stream.indirect.scatter.add.bf16 [tilespmem:s29], [sflag:$0x4], $0x40, s11, s25, $0xb8;
	[tilespmem:$0x102C0] =	vst v63  }
0xee: {  	s11 =	smov.u32 s10  }
0xef: {  	p5 =	sne.s32 s10, $0xFFFFFC00;
	s10 =	sadd.s32 $0x400, s10;
	_ =	swait.ge [sflag:s6], $0x1F40  }
0xf0: {  	s11 =	sshra.s32 s11, $0x2;
	[sflag:s6] =	ssyncset.done $0x0  }
0xf1: {  	s12 =	sadd.s32 $0x1400, s11;
	[sflag:s6] =	ssyncadd.s32 $0xFFFFE0C0  }
0xf2: {  	[tilespmem:s26], [sflag:$0x1] =	stream.indirect.gather [hbm4b:s5+s25], $0x40, s12, s25, $0xb8;
	[tilespmem:$0x102C0] =	vst v63  }
0xf3: {  	_ =	swait.ge [sflag:s8], $0x1F40  }
0xf4: {  	[sflag:s8] =	ssyncset.done $0x0  }
0xf5: {  	s12 =	sadd.s32 $0x1480, s11;
	[sflag:s8] =	ssyncadd.s32 $0xFFFFE0C0  }
0xf6: {  	[tilespmem:s29], [sflag:$0x2] =	stream.indirect.gather [hbm4b:s5+s25], $0x40, s12, s25, $0xb8;
	[tilespmem:$0x102C0] =	vst v63  }
0xf7: {  	_ =	swait.ge [sflag:s30], $0x1F40  }
0xf8: {  	[sflag:s30] =	ssyncset.done $0x0  }
.Ltmp6:
0xf9: {  	s12 =	sadd.s32 $0x2800, s11;
	[sflag:s30] =	ssyncadd.s32 $0xFFFFE0C0;
	(pc) =	sbr.rel @p5 .LBB2_9-.Ltmp6, $4  }
0xfa: {  	[spmem:s3] =	stream.indirect.scatter.add.bf16 [tilespmem:s26], [sflag:$0x3], $0x40, s12, s25, $0xb8;
	[tilespmem:$0x102C0] =	vst v63  }
0xfb: {  	_ =	swait.ge [sflag:s31], $0x1F40  }
0xfc: {  	[sflag:s31] =	ssyncset.done $0x0  }
0xfd: {  	s11 =	sadd.s32 $0x2880, s11;
	[sflag:s31] =	ssyncadd.s32 $0xFFFFE0C0  }
0xfe: {  	[spmem:s3] =	stream.indirect.scatter.add.bf16 [tilespmem:s29], [sflag:$0x4], $0x40, s11, s25, $0xb8;
	[tilespmem:$0x102C0] =	vst v63  }
0xff: {  	_ =	swait.ge [sflag:s6], $0x1F40  }
0x100: {  	[sflag:s6] =	ssyncset.done $0x0  }
0x101: {  	[sflag:s6] =	ssyncadd.s32 $0xFFFFE0C0  }
0x102: {  	_ =	swait.ge [sflag:s8], $0x1F40  }
0x103: {  	[sflag:s8] =	ssyncset.done $0x0  }
0x104: {  	[sflag:s8] =	ssyncadd.s32 $0xFFFFE0C0  }
0x105: {  	[tilespmem:s4], [sflag:$0x5] =	stream.linear.gather [hbm4b:s17+s4], $0x1400, $0x38;
	[tilespmem:$0x102C0] =	vst v63  }
0x106: {  	_ =	swait.ge [sflag:s23], $0x1400  }
0x107: {  	[sflag:s23] =	ssyncset.done $0x0  }
0x108: {  	[sflag:s23] =	ssyncadd.s32 $0xFFFFEC00  }
0x109: {  	[tilespmem:s24], [sflag:$0x5] =	stream.linear.gather [hbm4b:s18+s4], $0x1400, $0x38;
	[tilespmem:$0x102C0] =	vst v63  }
0x10a: {  	_ =	swait.ge [sflag:s23], $0x1400  }
0x10b: {  	[sflag:s23] =	ssyncset.done $0x0  }
0x10c: {  	[sflag:s23] =	ssyncadd.s32 $0xFFFFEC00  }
0x10d: {  	[tilespmem:s26], [sflag:$0x1] =	stream.indirect.gather [hbm4b:s5+s25], $0x40, s4, s25, $0xb8;
	[tilespmem:$0x102C0] =	vst v63  }
0x10e: {  	_ = 	snop  }
0x10f: {  	[tilespmem:s29], [sflag:$0x2] =	stream.indirect.gather [hbm4b:s5+s25], $0x40, s28, s25, $0xb8;
	[tilespmem:$0x102C0] =	vst v63  }
0x110: {  	_ =	swait.ge [sflag:s30], $0x1F40  }
0x111: {  	[sflag:s30] =	ssyncset.done $0x0  }
0x112: {  	[sflag:s30] =	ssyncadd.s32 $0xFFFFE0C0  }
0x113: {  	[spmem:s3] =	stream.indirect.scatter.add.bf16 [tilespmem:s26], [sflag:$0x3], $0x40, s24, s25, $0xb8;
	[tilespmem:$0x102C0] =	vst v63  }
0x114: {  	_ =	swait.ge [sflag:s31], $0x1F40  }
0x115: {  	[sflag:s31] =	ssyncset.done $0x0  }
0x116: {  	[sflag:s31] =	ssyncadd.s32 $0xFFFFE0C0  }
0x117: {  	[spmem:s3] =	stream.indirect.scatter.add.bf16 [tilespmem:s29], [sflag:$0x4], $0x40, s0, s25, $0xb8;
	[tilespmem:$0x102C0] =	vst v63  }
0x118: {  	_ =	swait.ge [sflag:s6], $0x1F40  }
0x119: {  	[sflag:s6] =	ssyncset.done $0x0  }
0x11a: {  	s10 =	simm.s32 $0x100;
	[sflag:s6] =	ssyncadd.s32 $0xFFFFE0C0  }
0x11b: {  	[tilespmem:s26], [sflag:$0x1] =	stream.indirect.gather [hbm4b:s5+s25], $0x40, s10, s25, $0xb8;
	[tilespmem:$0x102C0] =	vst v63  }
0x11c: {  	_ =	swait.ge [sflag:s8], $0x1F40  }
0x11d: {  	[sflag:s8] =	ssyncset.done $0x0  }
0x11e: {  	s11 =	simm.s32 $0x180;
	[sflag:s8] =	ssyncadd.s32 $0xFFFFE0C0  }
0x11f: {  	[tilespmem:s29], [sflag:$0x2] =	stream.indirect.gather [hbm4b:s5+s25], $0x40, s11, s25, $0xb8;
	[tilespmem:$0x102C0] =	vst v63  }
0x120: {  	_ =	swait.ge [sflag:s30], $0x1F40  }
0x121: {  	[sflag:s30] =	ssyncset.done $0x0  }
0x122: {  	s12 =	simm.s32 $0x1500;
	[sflag:s30] =	ssyncadd.s32 $0xFFFFE0C0  }
0x123: {  	[spmem:s3] =	stream.indirect.scatter.add.bf16 [tilespmem:s26], [sflag:$0x3], $0x40, s12, s25, $0xb8;
	[tilespmem:$0x102C0] =	vst v63  }
0x124: {  	_ =	swait.ge [sflag:s31], $0x1F40  }
0x125: {  	[sflag:s31] =	ssyncset.done $0x0  }
0x126: {  	s10 =	simm.s32 $0xFFFFB800;
	s11 =	simm.s32 $0x1580;
	[sflag:s31] =	ssyncadd.s32 $0xFFFFE0C0  }
.LBB2_11:
0x127: {  	[spmem:s3] =	stream.indirect.scatter.add.bf16 [tilespmem:s29], [sflag:$0x4], $0x40, s11, s25, $0xb8;
	[tilespmem:$0x102C0] =	vst v63  }
0x128: {  	s11 =	smov.u32 s10  }
0x129: {  	p5 =	sne.s32 s10, $0xFFFFFC00;
	s10 =	sadd.s32 $0x400, s10;
	_ =	swait.ge [sflag:s6], $0x1F40  }
0x12a: {  	s11 =	sshra.s32 s11, $0x2;
	[sflag:s6] =	ssyncset.done $0x0  }
0x12b: {  	s12 =	sadd.s32 $0x1400, s11;
	[sflag:s6] =	ssyncadd.s32 $0xFFFFE0C0  }
0x12c: {  	[tilespmem:s26], [sflag:$0x1] =	stream.indirect.gather [hbm4b:s5+s25], $0x40, s12, s25, $0xb8;
	[tilespmem:$0x102C0] =	vst v63  }
0x12d: {  	_ =	swait.ge [sflag:s8], $0x1F40  }
0x12e: {  	[sflag:s8] =	ssyncset.done $0x0  }
0x12f: {  	s12 =	sadd.s32 $0x1480, s11;
	[sflag:s8] =	ssyncadd.s32 $0xFFFFE0C0  }
0x130: {  	[tilespmem:s29], [sflag:$0x2] =	stream.indirect.gather [hbm4b:s5+s25], $0x40, s12, s25, $0xb8;
	[tilespmem:$0x102C0] =	vst v63  }
0x131: {  	_ =	swait.ge [sflag:s30], $0x1F40  }
0x132: {  	[sflag:s30] =	ssyncset.done $0x0  }
.Ltmp7:
0x133: {  	s12 =	sadd.s32 $0x2800, s11;
	[sflag:s30] =	ssyncadd.s32 $0xFFFFE0C0;
	(pc) =	sbr.rel @p5 .LBB2_11-.Ltmp7, $4  }
0x134: {  	[spmem:s3] =	stream.indirect.scatter.add.bf16 [tilespmem:s26], [sflag:$0x3], $0x40, s12, s25, $0xb8;
	[tilespmem:$0x102C0] =	vst v63  }
0x135: {  	_ =	swait.ge [sflag:s31], $0x1F40  }
0x136: {  	[sflag:s31] =	ssyncset.done $0x0  }
0x137: {  	s11 =	sadd.s32 $0x2880, s11;
	[sflag:s31] =	ssyncadd.s32 $0xFFFFE0C0  }
.Ltmp8:
0x138: {  	_ = 	snop;
	(pc) =	sbr.rel .LBB2_12-.Ltmp8, $1  }
0x139: {  	_ =	sdelay $0x3  }
.LBB2_14:
0x13a: {  	_ =	sfence.sel $0x180000  }
0x13b: {  	[bflag:$0x0] =	sbarrier.arrive $0xFFFF  }
0x13c: {  	_ =	strace $0x9000004D  }
0x13d: {  	[bflag:$0x2] =	sbarrier.arrive $0xFFFF  }
0x13e: {  	p0 =	sne.s32 s2, $0x0;
	s0 =	rddreg [dreg:$0x3]  }
0x13f: {  	s0 =	sadd.s32 @!p0 $0x100000, s0  }
0x140: {  	[sflag:s0] =	ssyncadd.tile.s32 @!p0 $0x1;
	_ =	shalt  }
.Lfunc_end2:
_tile_overlayer_lowered:
.L_overlay_start_2:
0x141: {  	(tag) =	ssettag $0x2  }
0x142: {  	s0 =	rddreg [dreg:$0x0];
	s2 =	stileid.u32  }
0x143: {  	s1 =	rddreg [dreg:$0x1];
	p0 =	sne.s32 s2, $0x0  }
0x144: {  	s3 =	rddreg [dreg:$0x2];
	[bflag:$0x3] =	sbarrier.arrive $0xFFFF;
	s2 =	simm.s32 @!p0 $0x1C05  }
0x145: {  	[timem:s3], [sflag:s2] =	dma.local @!p0 [hbm:s0], s1  }
0x146: {  	s0 =	simm.s32 @!p0 $0x5  }
0x147: {  	_ =	swait.ge @!p0 [sflag:s0], s1  }
0x148: {  	s1 =	ssub.s32 @!p0 $0x0, s1;
	[sflag:s0] =	ssyncset.done @!p0 $0x0  }
0x149: {  	[sflag:s0] =	ssyncadd.s32 @!p0 s1  }
0x14a: {  	[bflag:$0x3] =	sbarrier.arrive $0xFFFF  }
0x14b: {  	_ =	shalt  }

// kernel: kernel.19.cloned.1.call-start
scs
__scs_entry_jumppad:
0x0: {  	(pc) =	sbr.rel $0x88, $3  }
0x1: {  	(tag) =	ssettag $0x0;
	lr =	simm.s32 $0x1  }
0x2: {  	[smem:$0x3F99] =	sst lr;
	_ =	strace $0xD0000000  }
0x3: {  	_ = 	snop  }
0x4: {  	_ = 	snop  }
0x5: {  	_ = 	snop  }
0x6: {  	_ = 	snop  }
0x7: {  	_ = 	snop  }
__scs_overlays_trampoline_lowered:
0x8: {  	[smem:$0x3FA8] =	sst s0  }
0x9: {  	[smem:$0x3FA9] =	sst s1  }
0xa: {  	[smem:$0x3FAA] =	sst s2  }
0xb: {  	[smem:$0x3FAB] =	sst s3  }
0xc: {  	[smem:$0x3FAC] =	sst s4  }
0xd: {  	[smem:$0x3FAD] =	sst s5  }
0xe: {  	[smem:$0x3FAE] =	sst s6  }
0xf: {  	[smem:$0x3FAF] =	sst s7  }
0x10: {  	[smem:$0x3FB0] =	sst s8  }
0x11: {  	[smem:$0x3FB1] =	sst s9;
	s0 =	simm.s32 @!p0 $0x0  }
0x12: {  	s1 =	sld [smem:$0x3F97];
	s0 =	simm.s32 @p0 $0x1  }
0x13: {  	[smem:$0x3FB2] =	sst s0;
	s0 =	simm.s32 @!p1 $0x0  }
0x14: {  	s2 =	sld [smem:$0x3F96];
	s0 =	simm.s32 @p1 $0x1  }
0x15: {  	[smem:$0x3FB3] =	sst s0;
	s0 =	simm.s32 @!p2 $0x0  }
0x16: {  	s3 =	sld [smem:$0x3FDB];
	s0 =	simm.s32 @p2 $0x1  }
0x17: {  	s4 =	simm.s32 $0x1BF5;
	[smem:$0x3FB5] =	sst s0  }
0x18: {  	s0 =	sld [smem:$0x3F98];
	_ =	swait.ge [sflag:s4], $0x0  }
0x19: {  	s7 =	sld [smem:$0x3F99]  }
0x1a: {  	s8 =	sadd.s32 $0xFFFFE003, lr  }
0x1b: {  	s9 =	sadd.s32 $0xFFFFFEF7, lr;
	s5 =	simm.s32 $0xFFFFFFFF;
	p2 =	slt.u32 s8, $0xFFFFF086  }
0x1c: {  	p1 =	slt.u32 s9, $0xF7A;
	s5 =	simm.s32 @!p2 $0x0  }
0x1d: {  	s5 =	simm.s32 @p1 $0x1;
	p0 =	seq.s32 s7, s2  }
0x1e: {  	s7 =	smul.u32 @!p0 $0xF7A, s2;
	p2 =	seq.s32 @!p0 s5, $0x0  }
0x1f: {  	s9 =	smul.u32 $0xF7A, s1;
	s8 =	simm.s32 @!p0 $0x1BF5;
	p2 =	por !p2, p0  }
0x20: {  	[sflag:s8] =	ssyncset.s32 @!p0 $0xFFFFF086;
	s6 =	sadd.s32 @!p0 s3, s7;
	s7 =	simm.s32 @!p0 $0x108  }
0x21: {  	s3 =	sadd.s32 s3, s9;
	s6 =	sadd.s32 @!p0 $0x88, s6;
	s7 =	simm.s32 @p2 $0x1082  }
0x22: {  	[simem:s7], [sflag:s8] =	dma.local @!p0 [hbm:s6], $0xF7A  }
0x23: {  	s9 =	sor.u32 $0xD0000000, s2;
	s6 =	simm.s32 $0x108;
	_ =	swait.ge @!p0 [sflag:s8], $0x0  }
0x24: {  	s3 =	sadd.s32 $0x88, s3;
	s6 =	simm.s32 @!p1 $0x1082;
	[sflag:s4] =	ssyncset.s32 $0xFFFFF086  }
0x25: {  	[simem:s6], [sflag:s4] =	dma.local [hbm:s3], $0xF7A  }
0x26: {  	[smem:$0x3F99] =	sst s1;
	(tag) =	ssettag s2;
	_ =	strace s9  }
0x27: {  	s1 =	sld [smem:$0x3FA9]  }
0x28: {  	s2 =	sld [smem:$0x3FAA]  }
0x29: {  	s4 =	sld [smem:$0x3FAC]  }
0x2a: {  	p0 =	seq.s32 s5, $0x0;
	s5 =	sld [smem:$0x3FAD]  }
0x2b: {  	s6 =	sld [smem:$0x3FAE]  }
0x2c: {  	s7 =	sld [smem:$0x3FAF]  }
0x2d: {  	s3 =	simm.s32 $0x108;
	s8 =	sld [smem:$0x3FB0]  }
0x2e: {  	s3 =	simm.s32 @!p0 $0x1082;
	s9 =	sld [smem:$0x3FB1]  }
0x2f: {  	lr =	sadd.s32 s0, s3;
	s0 =	sld [smem:$0x3FA8]  }
0x30: {  	s3 =	sld [smem:$0x3FAB]  }
0x31: {  	[smem:$0x3FB4] =	sst s10  }
0x32: {  	s10 =	sld [smem:$0x3FB2];
	_ =	sdelay $0x3  }
0x33: {  	p0 =	seq.s32 s10, $0x1;
	s10 =	sld [smem:$0x3FB4];
	_ =	sdelay $0x3  }
0x34: {  	[smem:$0x3FB4] =	sst s10  }
0x35: {  	s10 =	sld [smem:$0x3FB3];
	_ =	sdelay $0x3  }
0x36: {  	p1 =	seq.s32 s10, $0x1;
	s10 =	sld [smem:$0x3FB4];
	_ =	sdelay $0x3  }
0x37: {  	[smem:$0x3FB4] =	sst s10  }
0x38: {  	s10 =	sld [smem:$0x3FB5]  }
0x39: {  	_ = 	snop;
	(pc) =	sbr.ind lr, $3  }
0x3a: {  	_ = 	snop  }
0x3b: {  	_ = 	snop  }
0x3c: {  	p2 =	seq.s32 s10, $0x1;
	s10 =	sld [smem:$0x3FB4]  }
0x3d: {  	_ =	shalt  }
0x3e: {  	_ =	shalt  }
0x3f: {  	_ =	shalt  }
0x40: {  	_ =	shalt  }
0x41: {  	_ =	shalt  }
0x42: {  	_ =	shalt  }
0x43: {  	_ =	shalt  }
0x44: {  	_ =	shalt  }
0x45: {  	_ =	shalt  }
0x46: {  	_ =	shalt  }
0x47: {  	_ =	shalt  }
0x48: {  	_ =	shalt  }
0x49: {  	_ =	shalt  }
0x4a: {  	_ =	shalt  }
0x4b: {  	_ =	shalt  }
0x4c: {  	_ =	shalt  }
0x4d: {  	_ =	shalt  }
0x4e: {  	_ =	shalt  }
0x4f: {  	_ =	shalt  }
0x50: {  	_ =	shalt  }
0x51: {  	_ =	shalt  }
0x52: {  	_ =	shalt  }
0x53: {  	_ =	shalt  }
0x54: {  	_ =	shalt  }
0x55: {  	_ =	shalt  }
0x56: {  	_ =	shalt  }
0x57: {  	_ =	shalt  }
0x58: {  	_ =	shalt  }
0x59: {  	_ =	shalt  }
0x5a: {  	_ =	shalt  }
0x5b: {  	_ =	shalt  }
0x5c: {  	_ =	shalt  }
0x5d: {  	_ =	shalt  }
0x5e: {  	_ =	shalt  }
0x5f: {  	_ =	shalt  }
0x60: {  	_ =	shalt  }
0x61: {  	_ =	shalt  }
0x62: {  	_ =	shalt  }
0x63: {  	_ =	shalt  }
0x64: {  	_ =	shalt  }
0x65: {  	_ =	shalt  }
0x66: {  	_ =	shalt  }
0x67: {  	_ =	shalt  }
0x68: {  	_ =	shalt  }
0x69: {  	_ =	shalt  }
0x6a: {  	_ =	shalt  }
0x6b: {  	_ =	shalt  }
0x6c: {  	_ =	shalt  }
0x6d: {  	_ =	shalt  }
0x6e: {  	_ =	shalt  }
0x6f: {  	_ =	shalt  }
0x70: {  	_ =	shalt  }
0x71: {  	_ =	shalt  }
0x72: {  	_ =	shalt  }
0x73: {  	_ =	shalt  }
0x74: {  	_ =	shalt  }
0x75: {  	_ =	shalt  }
0x76: {  	_ =	shalt  }
0x77: {  	_ =	shalt  }
0x78: {  	_ =	shalt  }
0x79: {  	_ =	shalt  }
0x7a: {  	_ =	shalt  }
0x7b: {  	_ =	shalt  }
0x7c: {  	_ =	shalt  }
0x7d: {  	_ =	shalt  }
0x7e: {  	_ =	shalt  }
0x7f: {  	_ =	shalt  }
0x80: {  	_ =	shalt  }
0x81: {  	_ =	shalt  }
0x82: {  	_ =	shalt  }
0x83: {  	_ =	shalt  }
0x84: {  	_ =	shalt  }
0x85: {  	_ =	shalt  }
0x86: {  	_ =	shalt  }
0x87: {  	_ =	shalt  }
.Lfunc_end0:
.L_simem_size_0:
called_computation.3_lowered:
.L_overlay_start_0:
0x88: {  	s2 =	sld [smem:$0x3FD9]  }
0x89: {  	s3 =	sld [smem:$0x3FFE];
	_ =	sdelay $0x1  }
0x8a: {  	s1 =	srdreg.scid  }
0x8b: {  	s0 =	sand.u32 $0x1, s1  }
0x8c: {  	s14 =	sshll.u32 s0, $0xA;
	s2 =	sadd.s32 s3, s2  }
0x8d: {  	s2 =	sadd.s32 s2, s14  }
0x8e: {  	[smem:$0x3FC0] =	sst s2  }
0x8f: {  	_ = 	snop  }
0x90: {  	s2 =	sld [smem:$0x3FD0];
	_ =	sdelay $0x2  }
0x91: {  	s15 =	simm.s32 $0xA;
	s4 =	simm.s32 $0x10  }
0x92: {  	[smem:s4], [sflag:s15] =	dma.local [hbm:s2], $0x1  }
0x93: {  	_ =	swait.eq [sflag:s15], $0x1  }
0x94: {  	[sflag:s15] =	ssyncset.done $0x0  }
0x95: {  	s16 =	sld [smem:$0x10];
	[sflag:s15] =	ssyncadd.s32 $0xFFFFFFFF  }
0x96: {  	s17 =	sld [smem:$0x13];
	(tm) =	ssettm $0x1  }
0x97: {  	s18 =	sld [smem:$0x3FFB];
	_ =	sdelay $0x3  }
0x98: {  	_ =	strace s18  }
0x99: {  	s4 =	sld [smem:$0x3FFC];
	_ =	sdelay $0x3  }
0x9a: {  	_ =	strace s4  }
0x9b: {  	s4 =	sld [smem:$0x3FFD];
	_ =	sdelay $0x3  }
0x9c: {  	_ =	strace s4  }
0x9d: {  	_ =	strace $0x8FFFFFFF  }
0x9e: {  	s19 =	sld [smem:$0x3FDB];
	_ =	sdelay $0x1  }
0x9f: {  	s5 =	simm.s32 $_scs_section_size  }
0xa0: {  	s6 =	simm.s32 $_size__tile_overlayer_lowered;
	s7 =	simm.s32 $_tile_overlayer_lowered  }
0xa1: {  	s22 =	simm.s32 $0x1BFF;
	s21 =	sshll.u32 s7, $0x1;
	s4 =	sadd.s32 s5, s19  }
0xa2: {  	s8 =	simm.s32 $0x0;
	s20 =	sshll.u32 s6, $0x1;
	s6 =	sadd.s32 s21, s4  }
0xa3: {  	[timem:s8], [sflag:s22] =	dma.local [hbm:s6], s20  }
0xa4: {  	_ =	swait.ge [sflag:s22], s20  }
0xa5: {  	s5 =	ssub.s32 $0x0, s20;
	[sflag:s22] =	ssyncset.done $0x0  }
0xa6: {  	[sflag:s22] =	ssyncadd.s32 s5;
	_ =	sdelay $0x1  }
0xa7: {  	s23 =	simm.s32 $0x1B8B  }
0xa8: {  	_ =	swait.ge [sflag:s23], $0x1  }
0xa9: {  	[sflag:s23] =	ssyncset.done $0x0  }
0xaa: {  	s25 =	simm.s32 $0x1B8E;
	s24 =	sld [smem:$0x3FFE];
	[sflag:s23] =	ssyncadd.s32 $0xFFFFFFFF  }
0xab: {  	s26 =	simm.s32 $execute0_lowered;
	[smem:$0x3FD2] =	sst s25  }
0xac: {  	s6 =	sshll.u32 s26, $0x1;
	_ =	strace $0x8000004F;
	[dreg:$0x1] =	wrdreg $0xFFFFFFFF  }
0xad: {  	s28 =	simm.s32 $_size_execute0_lowered;
	s4 =	sadd.s32 s4, s6;
	[dreg:$0x0] =	wrdreg $0x0  }
0xae: {  	s6 =	sshll.u32 s28, $0x1;
	[dreg:$0x2] =	wrdreg s4  }
0xaf: {  	[dreg:$0x3] =	wrdreg s6  }
0xb0: {  	[dreg:$0x4] =	wrdreg $0xC0  }
0xb1: {  	_ =	task [dreg:s8], $0x5FFFF  }
0xb2: {  	[dreg:$0x1] =	wrdreg $0xFFFFFFFF  }
0xb3: {  	[dreg:$0x0] =	wrdreg $0x60  }
0xb4: {  	[dreg:$0x2] =	wrdreg s17  }
0xb5: {  	[dreg:$0x3] =	wrdreg s24  }
0xb6: {  	[dreg:$0x4] =	wrdreg s16  }
0xb7: {  	[dreg:$0x5] =	wrdreg $0x47400  }
0xb8: {  	[dreg:$0x6] =	wrdreg $0x9  }
0xb9: {  	_ =	task.clear_ibuf [dreg:s8], $0x7FFFF;
	_ =	strace $0x9000004F  }
0xba: {  	s29 =	simm.s32 $0x9;
	_ =	strace $0x80000051  }
0xbb: {  	_ =	swait.ge [sflag:s29], $0x1  }
0xbc: {  	[sflag:s29] =	ssyncadd.s32 $0xFFFFFFFF  }
0xbd: {  	_ =	strace $0x90000051  }
0xbe: {  	_ =	sfence  }
0xbf: {  	s30 =	sld [smem:$0x0];
	_ =	sdelay $0x2  }
0xc0: {  	s31 =	sshll.u32 s1, $0xD;
	s1 =	sshrl.u32 s1, $0x2  }
0xc1: {  	s3 =	sand.u32 $0x4000, s31;
	s1 =	sadd.s32 s1, s30  }
0xc2: {  	s0 =	sor.u32 s3, s0;
	s1 =	sshll.u32 s1, $0x11  }
0xc3: {  	s0 =	sor.u32 s1, s0  }
0xc4: {  	s0 =	sadd.s32 $0x8F2B, s0  }
0xc5: {  	[sflag:s0] =	ssyncadd.remote.s32 $0x1  }
0xc6: {  	_ =	sfence.sel $0xFFFF  }
0xc7: {  	[dreg:$0x0] =	wrdreg $0xFFFFFFFF;
	(pc) =	sbr.abs _section_cstart, $3  }
0xc8: {  	[dreg:$0x1] =	wrdreg $0xFFFFFFFF  }
0xc9: {  	_ =	task.clear_ibuf [dreg:s8], $0x2FFFF;
	_ =	strace $0x9FFFFFFF  }
0xca: {  	(tm) =	ssettm $0x7FFFFFFF  }
0xcb: {  	_ =	shalt  }
tec
execute0_lowered:
.L_overlay_start_1:
0x0: {  	(tag) =	ssettag $0x1  }
0x1: {  	s1 =	rddreg [dreg:$0x0]  }
0x2: {  	s2 =	rddreg [dreg:$0x1]  }
0x3: {  	s3 =	srdreg.scid;
	s0 =	stileid.u32  }
0x4: {  	s16 =	rddreg [dreg:$0x2];
	s21 =	simm.s32 $0x1400;
	s22 =	simm.s32 $0x7D  }
0x5: {  	s23 =	simm.s32 $0x2800;
	s25 =	simm.s32 $0x37A0;
	s28 =	simm.s32 $0x2  }
0x6: {  	s30 =	simm.s32 $0x3;
	s31 =	simm.s32 $0x4;
	s17 =	sand.u32 $0x1, s3  }
0x7: {  	s4 =	sshll.u32 s0, $0x1;
	s3 =	rddreg [dreg:$0x3];
	s18 =	smul.u32 $0xFA00, s0  }
0x8: {  	s6 =	smul.u32 $0x1F400, s0;
	s26 =	sadd.s32 $0x6F400, s2;
	p1 =	slt.u32 s0, $0xA  }
0x9: {  	s5 =	sor.u32 s17, s4;
	s4 =	simm.s32 $0x0;
	s7 =	ssub.s32 $0x2, s17  }
0xa: {  	p0 =	seq.s32 s17, $0x0;
	p2 =	seq.s32 s17, $0x1;
	s5 =	smul.u32 $0x280, s5  }
0xb: {  	[smem:$0x7FF] =	sst s4;
	s19 =	sshrl.u32 s18, $0x4;
	s9 =	sshrl.u32 s7, $0x1  }
0xc: {  	s10 =	sshrl.u32 s6, $0x2;
	p0 =	por !p0, !p1;
	s29 =	sshrl.u32 s18, $0x1  }
0xd: {  	p1 =	por !p1, !p2;
	p2 =	sgt.u32 s0, $0x9;
	_ =	strace $0x80000050  }
0xe: {  	[dreg:$0x5] =	wrdreg s26;
	s20 =	ssub.s32 s7, s9;
	s7 =	sadd.s32 s10, s3  }
0xf: {  	p0 =	por !p0, !p0;
	s16 =	sadd.s32 s16, s19;
	s17 =	sadd.s32 s29, s3  }
0x10: {  	p1 =	por !p1, !p1;
	s26 =	simm.s32 $0x1;
	s8 =	sadd.s32 s5, s2  }
0x11: {  	s2 =	sadd.s32 s19, s2;
	s9 =	sadd.s32 $0xFA0, s7;
	s10 =	sadd.s32 $0x1F40, s7  }
0x12: {  	s11 =	sadd.s32 $0x2EE0, s7;
	s12 =	sadd.s32 $0x3E80, s7;
	s13 =	sadd.s32 $0x4E20, s7  }
0x13: {  	s14 =	sadd.s32 $0x5DC0, s7;
	s15 =	sadd.s32 $0x6D60, s7;
	s19 =	smax.u32 s20, $0x1  }
0x14: {  	s20 =	simm.s32 $0x5;
	s5 =	stileid.u32;
	s6 =	sadd.s32 $0x8400, s8  }
0x15: {  	s8 =	sadd.s32 $0x3000, s8;
	s18 =	sadd.s32 $0x34600, s2;
	s2 =	simm.s32 $0x0  }
.LBB2_1:
0x16: {  	[tilespmem:s4], [sflag:$0x5] =	stream.linear.gather [hbm4b:s6+s4], $0x1400, $0x38;
	[tilespmem:$0x9560] =	vst v63  }
0x17: {  	_ =	swait.ge [sflag:s20], $0x1400  }
0x18: {  	[sflag:s20] =	ssyncset.done $0x0  }
0x19: {  	[sflag:s20] =	ssyncadd.s32 $0xFFFFEC00  }
0x1a: {  	[tilespmem:s21], [sflag:$0x5] =	stream.linear.gather [hbm4b:s8+s4], $0x1400, $0x38;
	[tilespmem:$0x9560] =	vst v63  }
0x1b: {  	_ =	swait.ge [sflag:s20], $0x1400  }
0x1c: {  	s24 =	simm.s32 @!p2 $0x0;
	[sflag:s20] =	ssyncset.done $0x0  }
0x1d: {  	s29 =	simm.s32 @!p2 $0x2800;
	s0 =	rddreg [dreg:$0x5];
	[sflag:s20] =	ssyncadd.s32 $0xFFFFEC00  }
0x1e: {  	[tilespmem:s29], [sflag:$0x5] =	stream.linear.gather @!p2 [hbm4b:s0+s24], $0xFA0, $0x38;
	[tilespmem:$0x9560] =	vst v63  }
0x1f: {  	s24 =	simm.s32 @!p2 $0x5  }
0x20: {  	_ =	swait.ge @!p2 [sflag:s24], $0xFA0  }
0x21: {  	[sflag:s24] =	ssyncset.done @!p2 $0x0  }
0x22: {  	[sflag:s24] =	ssyncadd.s32 @!p2 $0xFFFFF060  }
0x23: {  	[spmem:s7] =	stream.linear.scatter @!p2 [tilespmem:s29], [sflag:$0x5], $0xFA0, $0x38;
	[tilespmem:$0x9560] =	vst v63  }
0x24: {  	_ =	swait.ge @!p2 [sflag:s24], $0xFA0  }
0x25: {  	[sflag:s24] =	ssyncset.done @!p2 $0x0  }
0x26: {  	[sflag:s24] =	ssyncadd.s32 @!p2 $0xFFFFF060  }
0x27: {  	[spmem:s9] =	stream.linear.scatter @!p2 [tilespmem:s29], [sflag:$0x5], $0xFA0, $0x38;
	[tilespmem:$0x9560] =	vst v63  }
0x28: {  	_ =	swait.ge @!p2 [sflag:s24], $0xFA0  }
0x29: {  	[sflag:s24] =	ssyncset.done @!p2 $0x0  }
0x2a: {  	[sflag:s24] =	ssyncadd.s32 @!p2 $0xFFFFF060  }
0x2b: {  	[spmem:s10] =	stream.linear.scatter @!p2 [tilespmem:s29], [sflag:$0x5], $0xFA0, $0x38;
	[tilespmem:$0x9560] =	vst v63  }
0x2c: {  	_ =	swait.ge @!p2 [sflag:s24], $0xFA0  }
0x2d: {  	[sflag:s24] =	ssyncset.done @!p2 $0x0  }
0x2e: {  	[sflag:s24] =	ssyncadd.s32 @!p2 $0xFFFFF060  }
0x2f: {  	[spmem:s11] =	stream.linear.scatter @!p2 [tilespmem:s29], [sflag:$0x5], $0xFA0, $0x38;
	[tilespmem:$0x9560] =	vst v63  }
0x30: {  	_ =	swait.ge @!p2 [sflag:s24], $0xFA0  }
0x31: {  	[sflag:s24] =	ssyncset.done @!p2 $0x0  }
0x32: {  	[sflag:s24] =	ssyncadd.s32 @!p2 $0xFFFFF060  }
0x33: {  	[spmem:s12] =	stream.linear.scatter @!p2 [tilespmem:s29], [sflag:$0x5], $0xFA0, $0x38;
	[tilespmem:$0x9560] =	vst v63  }
0x34: {  	_ =	swait.ge @!p2 [sflag:s24], $0xFA0  }
0x35: {  	[sflag:s24] =	ssyncset.done @!p2 $0x0  }
0x36: {  	[sflag:s24] =	ssyncadd.s32 @!p2 $0xFFFFF060  }
0x37: {  	[spmem:s13] =	stream.linear.scatter @!p2 [tilespmem:s29], [sflag:$0x5], $0xFA0, $0x38;
	[tilespmem:$0x9560] =	vst v63  }
0x38: {  	_ =	swait.ge @!p2 [sflag:s24], $0xFA0  }
0x39: {  	[sflag:s24] =	ssyncset.done @!p2 $0x0  }
0x3a: {  	[sflag:s24] =	ssyncadd.s32 @!p2 $0xFFFFF060  }
0x3b: {  	[spmem:s14] =	stream.linear.scatter @!p2 [tilespmem:s29], [sflag:$0x5], $0xFA0, $0x38;
	[tilespmem:$0x9560] =	vst v63  }
0x3c: {  	_ =	swait.ge @!p2 [sflag:s24], $0xFA0  }
0x3d: {  	[sflag:s24] =	ssyncset.done @!p2 $0x0  }
0x3e: {  	[sflag:s24] =	ssyncadd.s32 @!p2 $0xFFFFF060  }
0x3f: {  	[spmem:s15] =	stream.linear.scatter @!p2 [tilespmem:s29], [sflag:$0x5], $0xFA0, $0x38;
	[tilespmem:$0x9560] =	vst v63  }
0x40: {  	_ =	swait.ge @!p2 [sflag:s24], $0xFA0  }
0x41: {  	[sflag:s24] =	ssyncset.done @!p2 $0x0  }
0x42: {  	[sflag:s24] =	ssyncadd.s32 @!p2 $0xFFFFF060  }
0x43: {  	[bflag:$0x0] =	sbarrier.arrive $0xFFFF  }
0x44: {  	[tilespmem:s23], [sflag:$0x1] =	stream.indirect.gather [hbm4b:s1+s22], $0x20, s4, s22, $0xb8;
	[tilespmem:$0x9560] =	vst v63  }
0x45: {  	s24 =	simm.s32 $0x80  }
0x46: {  	[tilespmem:s25], [sflag:$0x2] =	stream.indirect.gather [hbm4b:s1+s22], $0x20, s24, s22, $0xb8;
	[tilespmem:$0x9560] =	vst v63  }
0x47: {  	_ =	swait.ge [sflag:s26], $0xFA0  }
0x48: {  	[sflag:s26] =	ssyncset.done $0x0  }
0x49: {  	[sflag:s26] =	ssyncadd.s32 $0xFFFFF060  }
0x4a: {  	[spmem:s3] =	stream.indirect.scatter.add.bf16 [tilespmem:s23], [sflag:$0x3], $0x20, s21, s22, $0xb8;
	[tilespmem:$0x9560] =	vst v63  }
0x4b: {  	_ =	swait.ge [sflag:s28], $0xFA0  }
0x4c: {  	[sflag:s28] =	ssyncset.done $0x0  }
0x4d: {  	s24 =	simm.s32 $0x1480;
	[sflag:s28] =	ssyncadd.s32 $0xFFFFF060  }
0x4e: {  	[spmem:s3] =	stream.indirect.scatter.add.bf16 [tilespmem:s25], [sflag:$0x4], $0x20, s24, s22, $0xb8;
	[tilespmem:$0x9560] =	vst v63  }
0x4f: {  	_ =	swait.ge [sflag:s30], $0xFA0  }
0x50: {  	[sflag:s30] =	ssyncset.done $0x0  }
0x51: {  	s0 =	simm.s32 $0x100;
	[sflag:s30] =	ssyncadd.s32 $0xFFFFF060  }
0x52: {  	[tilespmem:s23], [sflag:$0x1] =	stream.indirect.gather [hbm4b:s1+s22], $0x20, s0, s22, $0xb8;
	[tilespmem:$0x9560] =	vst v63  }
0x53: {  	_ =	swait.ge [sflag:s31], $0xFA0  }
0x54: {  	[sflag:s31] =	ssyncset.done $0x0  }
0x55: {  	s0 =	simm.s32 $0x180;
	[sflag:s31] =	ssyncadd.s32 $0xFFFFF060  }
0x56: {  	[tilespmem:s25], [sflag:$0x2] =	stream.indirect.gather [hbm4b:s1+s22], $0x20, s0, s22, $0xb8;
	[tilespmem:$0x9560] =	vst v63  }
0x57: {  	_ =	swait.ge [sflag:s26], $0xFA0  }
0x58: {  	[sflag:s26] =	ssyncset.done $0x0  }
0x59: {  	s0 =	simm.s32 $0x1500;
	[sflag:s26] =	ssyncadd.s32 $0xFFFFF060  }
0x5a: {  	[spmem:s3] =	stream.indirect.scatter.add.bf16 [tilespmem:s23], [sflag:$0x3], $0x20, s0, s22, $0xb8;
	[tilespmem:$0x9560] =	vst v63  }
0x5b: {  	_ =	swait.ge [sflag:s28], $0xFA0  }
0x5c: {  	[sflag:s28] =	ssyncset.done $0x0  }
0x5d: {  	s29 =	simm.s32 $0x1580;
	s24 =	simm.s32 $0xFFFFB800;
	[sflag:s28] =	ssyncadd.s32 $0xFFFFF060  }
.LBB2_2:
0x5e: {  	[spmem:s3] =	stream.indirect.scatter.add.bf16 [tilespmem:s25], [sflag:$0x4], $0x20, s29, s22, $0xb8;
	[tilespmem:$0x9560] =	vst v63  }
0x5f: {  	s29 =	smov.u32 s24  }
0x60: {  	p3 =	sne.s32 s24, $0xFFFFFC00;
	s24 =	sadd.s32 $0x400, s24;
	_ =	swait.ge [sflag:s30], $0xFA0  }
0x61: {  	s29 =	sshra.s32 s29, $0x2;
	[sflag:s30] =	ssyncset.done $0x0  }
0x62: {  	s0 =	sadd.s32 $0x1400, s29;
	[sflag:s30] =	ssyncadd.s32 $0xFFFFF060  }
0x63: {  	[tilespmem:s23], [sflag:$0x1] =	stream.indirect.gather [hbm4b:s1+s22], $0x20, s0, s22, $0xb8;
	[tilespmem:$0x9560] =	vst v63  }
0x64: {  	_ =	swait.ge [sflag:s31], $0xFA0  }
0x65: {  	[sflag:s31] =	ssyncset.done $0x0  }
0x66: {  	s0 =	sadd.s32 $0x1480, s29;
	[sflag:s31] =	ssyncadd.s32 $0xFFFFF060  }
0x67: {  	[tilespmem:s25], [sflag:$0x2] =	stream.indirect.gather [hbm4b:s1+s22], $0x20, s0, s22, $0xb8;
	[tilespmem:$0x9560] =	vst v63  }
0x68: {  	_ =	swait.ge [sflag:s26], $0xFA0  }
0x69: {  	[sflag:s26] =	ssyncset.done $0x0  }
.Ltmp0:
0x6a: {  	s0 =	sadd.s32 $0x2800, s29;
	[sflag:s26] =	ssyncadd.s32 $0xFFFFF060;
	(pc) =	sbr.rel @p3 .LBB2_2-.Ltmp0, $4  }
0x6b: {  	[spmem:s3] =	stream.indirect.scatter.add.bf16 [tilespmem:s23], [sflag:$0x3], $0x20, s0, s22, $0xb8;
	[tilespmem:$0x9560] =	vst v63  }
0x6c: {  	_ =	swait.ge [sflag:s28], $0xFA0  }
0x6d: {  	[sflag:s28] =	ssyncset.done $0x0  }
0x6e: {  	s29 =	sadd.s32 $0x2880, s29;
	[sflag:s28] =	ssyncadd.s32 $0xFFFFF060  }
0x6f: {  	[spmem:s3] =	stream.indirect.scatter.add.bf16 [tilespmem:s25], [sflag:$0x4], $0x20, s29, s22, $0xb8;
	[tilespmem:$0x9560] =	vst v63  }
0x70: {  	_ =	swait.ge [sflag:s30], $0xFA0  }
0x71: {  	[sflag:s30] =	ssyncset.done $0x0  }
0x72: {  	[sflag:s30] =	ssyncadd.s32 $0xFFFFF060  }
0x73: {  	_ =	swait.ge [sflag:s31], $0xFA0  }
0x74: {  	[sflag:s31] =	ssyncset.done $0x0  }
0x75: {  	s0 =	sshll.u32 @p0 s5, $0x6;
	[sflag:s31] =	ssyncadd.s32 $0xFFFFF060  }
0x76: {  	s24 =	sshrl.u32 @p0 s17, $0x3;
	s0 =	sor.u32 @p0 $0x1C05, s0;
	[bflag:$0x0] =	sbarrier.arrive $0xFFFF  }
0x77: {  	[hbm:s16], [sflag:s0] =	dma.local @p0 [spmem:s24], $0xFA0  }
0x78: {  	s0 =	simm.s32 @p0 $0x5  }
0x79: {  	s2 =	sadd.s32 $0x1, s2;
	_ =	swait.ge @p0 [sflag:s0], $0xFA0  }
0x7a: {  	p3 =	sne.s32 s2, s19;
	s24 =	sshll.u32 @p1 s5, $0x6;
	[sflag:s0] =	ssyncset.done @p0 $0x0  }
0x7b: {  	[sflag:s0] =	ssyncadd.s32 @p0 $0xFFFFF060;
	s0 =	sor.u32 @p1 $0x1C05, s24;
	s24 =	sshrl.u32 @p1 s17, $0x3  }
0x7c: {  	[hbm:s18], [sflag:s0] =	dma.local @p1 [spmem:s24], $0xFA0  }
.Ltmp1:
0x7d: {  	_ = 	snop;
	(pc) =	sbr.rel @p3 .LBB2_1-.Ltmp1, $4  }
0x7e: {  	s0 =	simm.s32 @p1 $0x5  }
0x7f: {  	_ =	swait.ge @p1 [sflag:s0], $0xFA0  }
0x80: {  	[sflag:s0] =	ssyncset.done @p1 $0x0  }
0x81: {  	s29 =	stileid.u32;
	[sflag:s0] =	ssyncadd.s32 @p1 $0xFFFFF060  }
0x82: {  	_ =	sfence.sel $0x180000  }
0x83: {  	[bflag:$0x0] =	sbarrier.arrive $0xFFFF  }
0x84: {  	_ =	strace $0x90000050  }
0x85: {  	[bflag:$0x2] =	sbarrier.arrive $0xFFFF  }
0x86: {  	p0 =	sne.s32 s29, $0x0;
	s0 =	rddreg [dreg:$0x4]  }
0x87: {  	s0 =	sadd.s32 @!p0 $0x100000, s0  }
0x88: {  	[sflag:s0] =	ssyncadd.tile.s32 @!p0 $0x1;
	_ =	shalt  }
.Lfunc_end2:
_tile_overlayer_lowered:
.L_overlay_start_2:
0x89: {  	(tag) =	ssettag $0x2  }
0x8a: {  	s0 =	rddreg [dreg:$0x0];
	s2 =	stileid.u32  }
0x8b: {  	s1 =	rddreg [dreg:$0x1];
	p0 =	sne.s32 s2, $0x0  }
0x8c: {  	s3 =	rddreg [dreg:$0x2];
	[bflag:$0x3] =	sbarrier.arrive $0xFFFF;
	s2 =	simm.s32 @!p0 $0x1C05  }
0x8d: {  	[timem:s3], [sflag:s2] =	dma.local @!p0 [hbm:s0], s1  }
0x8e: {  	s0 =	simm.s32 @!p0 $0x5  }
0x8f: {  	_ =	swait.ge @!p0 [sflag:s0], s1  }
0x90: {  	s1 =	ssub.s32 @!p0 $0x0, s1;
	[sflag:s0] =	ssyncset.done @!p0 $0x0  }
0x91: {  	[sflag:s0] =	ssyncadd.s32 @!p0 s1  }
0x92: {  	[bflag:$0x3] =	sbarrier.arrive $0xFFFF  }
0x93: {  	_ =	shalt  }

</sc_bundles>
